<compile_context>
chip_gen: v7x
topology: tpu7x:2x2x1
jax: 0.10.2.dev20260603
libtpu: 0.0.44.dev20260713+nightly
codegen_flags: <defaults>
</compile_context>

<pallas_src>
import functools

import jax
import jax.numpy as jnp
from jax import lax
from jax.experimental import pallas as pl
from jax.experimental.pallas import tpu as pltpu
from jax.experimental.pallas import tpu_sc as plsc

N = 100000
NP = 100096
E = 6400000
OUT = 4
NC, NS, L = 2, 16, 16
NW = NC * NS
ROWS_PER_TILE = NP // NS
SUB = 128
WIN_ROWS = 16
WIN_E = WIN_ROWS * SUB
EROWS = E // SUB
N_WIN = E // WIN_E
WINS_PER_WORKER = (N_WIN + NW - 1) // NW


BL = NP // 2


def _tc_prep_body(xt_ref, wm_ref, bm_ref, wr_ref, gt_ref, baset_ref):
    xt = xt_ref[...]
    wm = wm_ref[...]
    b = bm_ref[...]
    gt_ref[...] = (
        wm[0:1, :].T * xt[0:1, :]
        + wm[1:2, :].T * xt[1:2, :]
        + wm[2:3, :].T * xt[2:3, :]
        + b
    )
    wr = wr_ref[...]
    baset_ref[...] = (
        wr[0:1, :].T * xt[0:1, :]
        + wr[1:2, :].T * xt[1:2, :]
        + wr[2:3, :].T * xt[2:3, :]
    )


def _tc_combine_body(p_ref, baset_ref, out_ref):
    out_ref[...] = p_ref[0] + p_ref[1] + baset_ref[...]


def _sc_edges_body(
    gt_hbm, src_hbm, dst_hbm, e_hbm, we_hbm, z_hbm, out_hbm,
    g0, g1, g2, g3, a0, a1, a2, a3,
    stage, srcv, dstv, ev, c0, c1, c2, c3, wbuf, gsem, ssem,
):
    gs = [g0, g1, g2, g3]
    accs = [a0, a1, a2, a3]
    cols = [c0, c1, c2, c3]
    cid = lax.axis_index("c")
    sid = lax.axis_index("s")
    wid = sid * NC + cid

    r0 = sid * ROWS_PER_TILE
    for d in range(OUT):
        pltpu.sync_copy(gt_hbm.at[pl.ds(d * NP + r0, ROWS_PER_TILE)], stage)
        pltpu.sync_copy(stage, gs[d].at[pl.ds(r0, ROWS_PER_TILE)])
    pltpu.sync_copy(z_hbm.at[pl.ds(r0, ROWS_PER_TILE)], stage)
    for d in range(OUT):
        pltpu.sync_copy(stage, accs[d].at[pl.ds(r0, ROWS_PER_TILE)])
    pltpu.sync_copy(we_hbm, wbuf)
    w_b = [wbuf[d] for d in range(OUT)]
    plsc.subcore_barrier()

    def do_window(t):
        ro = t * WIN_ROWS
        eo = t * WIN_E
        pltpu.sync_copy(src_hbm.at[pl.ds(ro, WIN_ROWS), :], srcv)
        pltpu.sync_copy(dst_hbm.at[pl.ds(ro, WIN_ROWS), :], dstv)
        pltpu.sync_copy(e_hbm.at[pl.ds(eo, WIN_E)], ev)
        descs = []
        for j in range(WIN_ROWS):
            for d in range(OUT):
                descs.append(
                    pltpu.async_copy(
                        gs[d].at[srcv.at[j]],
                        cols[d].at[pl.ds(j * SUB, SUB)],
                        gsem,
                    )
                )
        for dsc in descs:
            dsc.wait()

        def cbody(i, _):
            sl = pl.ds(i * L, L)
            eb = ev[sl]
            for d in range(OUT):
                cols[d][sl] = jnp.maximum(cols[d][sl] + eb * w_b[d], 0.0)
            return 0

        lax.fori_loop(0, WIN_E // L, cbody, 0)

        descs = []
        for j in range(WIN_ROWS):
            for d in range(OUT):
                descs.append(
                    pltpu.async_copy(
                        cols[d].at[pl.ds(j * SUB, SUB)],
                        accs[d].at[dstv.at[j]],
                        ssem,
                        add=True,
                    )
                )
        for dsc in descs:
            dsc.wait()

    def wbody(i, _):
        t = wid + i * NW

        @pl.when(t < N_WIN)
        def _():
            do_window(t)

        return 0

    lax.fori_loop(0, WINS_PER_WORKER, wbody, 0)

    plsc.subcore_barrier()
    for d in range(OUT):
        pltpu.sync_copy(accs[d].at[pl.ds(r0, ROWS_PER_TILE)], stage)
        pltpu.sync_copy(stage, out_hbm.at[pl.ds((cid * OUT + d) * NP + r0, ROWS_PER_TILE)])


_sc_edges = functools.partial(
    pl.kernel,
    out_type=jax.ShapeDtypeStruct((NC * OUT * NP,), jnp.float32),
    mesh=plsc.VectorSubcoreMesh(
        core_axis_name="c", subcore_axis_name="s", num_cores=NC, num_subcores=NS
    ),
    scratch_types=(
        [pltpu.VMEM_SHARED((NP,), jnp.float32) for _ in range(OUT)]
        + [pltpu.VMEM_SHARED((NP,), jnp.float32) for _ in range(OUT)]
        + [
            pltpu.VMEM((ROWS_PER_TILE,), jnp.float32),
            pltpu.VMEM((WIN_ROWS, SUB), jnp.int32),
            pltpu.VMEM((WIN_ROWS, SUB), jnp.int32),
            pltpu.VMEM((WIN_E,), jnp.float32),
        ]
        + [pltpu.VMEM((WIN_E,), jnp.float32) for _ in range(OUT)]
        + [
            pltpu.VMEM((OUT, L), jnp.float32),
            pltpu.SemaphoreType.DMA,
            pltpu.SemaphoreType.DMA,
        ]
    ),
)(_sc_edges_body)


@jax.jit
def kernel(x, edge_index, edge_attr, W_msg, b_msg, W_root):
    src = edge_index[0].astype(jnp.int32).reshape(EROWS, SUB)
    dst = edge_index[1].astype(jnp.int32).reshape(EROWS, SUB)
    e = edge_attr.reshape(E)
    we = jnp.tile(W_msg[3].reshape(OUT, 1), (1, L))
    zeros = jnp.zeros((NP,), jnp.float32)
    xp = jnp.pad(x.T, ((0, 0), (0, NP - N)))

    gt, baset = pl.pallas_call(
        _tc_prep_body,
        grid=(NP // BL,),
        in_specs=[
            pl.BlockSpec((3, BL), lambda i: (0, i)),
            pl.BlockSpec((OUT, OUT), lambda i: (0, 0)),
            pl.BlockSpec((OUT, 1), lambda i: (0, 0)),
            pl.BlockSpec((3, OUT), lambda i: (0, 0)),
        ],
        out_specs=(
            pl.BlockSpec((OUT, BL), lambda i: (0, i)),
            pl.BlockSpec((OUT, BL), lambda i: (0, i)),
        ),
        out_shape=(
            jax.ShapeDtypeStruct((OUT, NP), jnp.float32),
            jax.ShapeDtypeStruct((OUT, NP), jnp.float32),
        ),
    )(xp, W_msg, b_msg.reshape(OUT, 1), W_root)

    p = _sc_edges(gt.reshape(OUT * NP), src, dst, e, we, zeros)
    p = p.reshape(NC, OUT, NP)

    outt = pl.pallas_call(
        _tc_combine_body,
        grid=(NP // BL,),
        in_specs=[
            pl.BlockSpec((NC, OUT, BL), lambda i: (0, 0, i)),
            pl.BlockSpec((OUT, BL), lambda i: (0, i)),
        ],
        out_specs=pl.BlockSpec((OUT, BL), lambda i: (0, i)),
        out_shape=jax.ShapeDtypeStruct((OUT, NP), jnp.float32),
    )(p, baset)
    return outt.T[:N]

# --- scband reference (transcript-rebuilt; emitter-appended) ---
"""Pipeline reference for scband-intr-gnn-68332929679869 (READ-ONLY COPY).

The authoritative reference and input builder live on the scoring server;
editing this copy changes nothing except your own understanding.
"""

import jax, jax.numpy as jnp
import numpy as np

N_NODES = 100000
N_EDGES = 6400000
NODE_DIM = 3
EDGE_DIM = 1
OUT_DIM = 4


def setup_inputs(seed: int = 0) -> dict:
    key = jax.random.key(seed)
    k1, k2, k3, k4, k5, k6 = jax.random.split(key, 6)
    x = jax.random.normal(k1, (N_NODES, NODE_DIM), dtype=jnp.float32)
    edge_index = jax.random.randint(k2, (2, N_EDGES), 0, N_NODES, dtype=jnp.int64)
    edge_attr = jax.random.normal(k3, (N_EDGES, EDGE_DIM), dtype=jnp.float32)
    # Learned params of IntrGConv(node_dim=3, edge_dim=1, out_dim=4):
    # message MLP over [x_src, edge_attr] plus a root/self transform.
    lim_msg = 1.0 / np.sqrt(NODE_DIM + EDGE_DIM)
    W_msg = jax.random.uniform(k4, (NODE_DIM + EDGE_DIM, OUT_DIM), dtype=jnp.float32, minval=-lim_msg, maxval=lim_msg)
    b_msg = jax.random.uniform(k5, (OUT_DIM,), dtype=jnp.float32, minval=-lim_msg, maxval=lim_msg)
    lim_root = 1.0 / np.sqrt(NODE_DIM)
    W_root = jax.random.uniform(k6, (NODE_DIM, OUT_DIM), dtype=jnp.float32, minval=-lim_root, maxval=lim_root)
    return {"x": x, "edge_index": edge_index, "edge_attr": edge_attr, "W_msg": W_msg, "b_msg": b_msg, "W_root": W_root}


def reference(x, edge_index, edge_attr, W_msg, b_msg, W_root):
    src = edge_index[0]
    dst = edge_index[1]
    # gather source-node features per edge (SparseCore gather)
    x_src = jnp.take(x, src, axis=0)  # [E, node_dim]
    msg_in = jnp.concatenate([x_src, edge_attr], axis=1)  # [E, node_dim+edge_dim]
    msg = jax.nn.relu(msg_in @ W_msg + b_msg)  # [E, out_dim]
    # scatter-add aggregation into destination nodes (SparseCore scatter)
    agg = jax.ops.segment_sum(msg, dst, num_segments=x.shape[0])  # [N, out_dim]
    out = agg + x @ W_root  # root/self connection
    return out

if __name__ == "__main__":
    import jax
    _d = setup_inputs()
    print(jax.jit(kernel)(*tuple(_d.values())))

</pallas_src>

<mosaic_0001>
#map = affine_map<(d0, d1) -> (0)>
#map1 = affine_map<(d0, d1) -> (0, 0)>
module attributes {stable_mosaic.version = 14 : i64} {
  func.func @_sc_edges_body(%arg0: i32, %arg1: i32, %arg2: memref<400384xf32, #tpu.memory_space<hbm>>, %arg3: memref<50000x128xi32, #tpu.memory_space<hbm>>, %arg4: memref<50000x128xi32, #tpu.memory_space<hbm>>, %arg5: memref<6400000xf32, #tpu.memory_space<hbm>>, %arg6: memref<4x16xf32, #tpu.memory_space<hbm>>, %arg7: memref<100096xf32, #tpu.memory_space<hbm>>, %arg8: memref<800768xf32, #tpu.memory_space<hbm>>, %arg9: memref<100096xf32, #tpu.memory_space<vmem_shared>>, %arg10: memref<100096xf32, #tpu.memory_space<vmem_shared>>, %arg11: memref<100096xf32, #tpu.memory_space<vmem_shared>>, %arg12: memref<100096xf32, #tpu.memory_space<vmem_shared>>, %arg13: memref<100096xf32, #tpu.memory_space<vmem_shared>>, %arg14: memref<100096xf32, #tpu.memory_space<vmem_shared>>, %arg15: memref<100096xf32, #tpu.memory_space<vmem_shared>>, %arg16: memref<100096xf32, #tpu.memory_space<vmem_shared>>, %arg17: memref<6256xf32, #tpu.memory_space<vmem>>, %arg18: memref<16x128xi32, #tpu.memory_space<vmem>>, %arg19: memref<16x128xi32, #tpu.memory_space<vmem>>, %arg20: memref<2048xf32, #tpu.memory_space<vmem>>, %arg21: memref<2048xf32, #tpu.memory_space<vmem>>, %arg22: memref<2048xf32, #tpu.memory_space<vmem>>, %arg23: memref<2048xf32, #tpu.memory_space<vmem>>, %arg24: memref<2048xf32, #tpu.memory_space<vmem>>, %arg25: memref<4x16xf32, #tpu.memory_space<vmem>>, %arg26: memref<!tpu.dma_semaphore, #tpu.memory_space<semaphore_mem>>, %arg27: memref<!tpu.dma_semaphore, #tpu.memory_space<semaphore_mem>>) attributes {dimension_semantics = [#tpu.dimension_semantics<core_parallel>, #tpu.dimension_semantics<subcore_parallel>], iteration_bounds = array<i64: 2, 16>, scalar_prefetch = 0 : i64, scratch_operands = 19 : i64, tpu.core_type = #tpu.core_type<sc_vector_subcore>, window_params = [{transform_indices = #map}, {transform_indices = #map1}, {transform_indices = #map1}, {transform_indices = #map}, {transform_indices = #map1}, {transform_indices = #map}, {transform_indices = #map}]} {
    %mul3A = arith.constant 2 : i32
    %mul3A_0 = arith.muli %arg1, %mul3A : i32
    %add3A = arith.addi %mul3A_0, %arg0 : i32
    %mul3A_1 = arith.constant 6256 : i32
    %mul3A_2 = arith.muli %arg1, %mul3A_1 : i32
    %add3A_3 = arith.constant 0 : i32
    %add3A_4 = arith.addi %add3A_3, %mul3A_2 : i32
    "tpu.region"() ({
      %run_scoped3A = tpu.sem_alloc : memref<!tpu.dma_semaphore, #tpu.memory_space<semaphore_mem>>
      %dma_start3A = tpu.memref_slice %arg2[%add3A_4] : memref<400384xf32, #tpu.memory_space<hbm>> -> memref<6256xf32, #tpu.memory_space<hbm>>
      %dma_start3A_65 = tpu.memref_slice %arg2[%add3A_4] : memref<400384xf32, #tpu.memory_space<hbm>> -> memref<6256xf32, #tpu.memory_space<hbm>>
      tpu.enqueue_dma source(%dma_start3A_65 : memref<6256xf32, #tpu.memory_space<hbm>>) target(%arg17 : memref<6256xf32, #tpu.memory_space<vmem>>) target_semaphore(%run_scoped3A : memref<!tpu.dma_semaphore, #tpu.memory_space<semaphore_mem>>)
      %dma_wait3A = tpu.memref_slice %arg2[%add3A_4] : memref<400384xf32, #tpu.memory_space<hbm>> -> memref<6256xf32, #tpu.memory_space<hbm>>
      %dma_wait3A_66 = tpu.memref_slice %arg2[%add3A_4] : memref<400384xf32, #tpu.memory_space<hbm>> -> memref<6256xf32, #tpu.memory_space<hbm>>
      tpu.wait_dma2 semaphore(%run_scoped3A : memref<!tpu.dma_semaphore, #tpu.memory_space<semaphore_mem>>) src(%dma_wait3A_66 : memref<6256xf32, #tpu.memory_space<hbm>>) dst(%arg17 : memref<6256xf32, #tpu.memory_space<vmem>>)
      tpu.yield
    }) : () -> ()
    "tpu.region"() ({
      %run_scoped3A = tpu.sem_alloc : memref<!tpu.dma_semaphore, #tpu.memory_space<semaphore_mem>>
      %dma_start3A = tpu.memref_slice %arg9[%mul3A_2] : memref<100096xf32, #tpu.memory_space<vmem_shared>> -> memref<6256xf32, #tpu.memory_space<vmem_shared>>
      %dma_start3A_65 = tpu.memref_slice %arg9[%mul3A_2] : memref<100096xf32, #tpu.memory_space<vmem_shared>> -> memref<6256xf32, #tpu.memory_space<vmem_shared>>
      tpu.enqueue_dma source(%arg17 : memref<6256xf32, #tpu.memory_space<vmem>>) target(%dma_start3A_65 : memref<6256xf32, #tpu.memory_space<vmem_shared>>) target_semaphore(%run_scoped3A : memref<!tpu.dma_semaphore, #tpu.memory_space<semaphore_mem>>)
      %dma_wait3A = tpu.memref_slice %arg9[%mul3A_2] : memref<100096xf32, #tpu.memory_space<vmem_shared>> -> memref<6256xf32, #tpu.memory_space<vmem_shared>>
      %dma_wait3A_66 = tpu.memref_slice %arg9[%mul3A_2] : memref<100096xf32, #tpu.memory_space<vmem_shared>> -> memref<6256xf32, #tpu.memory_space<vmem_shared>>
      tpu.wait_dma2 semaphore(%run_scoped3A : memref<!tpu.dma_semaphore, #tpu.memory_space<semaphore_mem>>) src(%arg17 : memref<6256xf32, #tpu.memory_space<vmem>>) dst(%dma_wait3A_66 : memref<6256xf32, #tpu.memory_space<vmem_shared>>)
      tpu.yield
    }) : () -> ()
    %add3A_5 = arith.constant 100096 : i32
    %add3A_6 = arith.addi %add3A_5, %mul3A_2 : i32
    "tpu.region"() ({
      %run_scoped3A = tpu.sem_alloc : memref<!tpu.dma_semaphore, #tpu.memory_space<semaphore_mem>>
      %dma_start3A = tpu.memref_slice %arg2[%add3A_6] : memref<400384xf32, #tpu.memory_space<hbm>> -> memref<6256xf32, #tpu.memory_space<hbm>>
      %dma_start3A_65 = tpu.memref_slice %arg2[%add3A_6] : memref<400384xf32, #tpu.memory_space<hbm>> -> memref<6256xf32, #tpu.memory_space<hbm>>
      tpu.enqueue_dma source(%dma_start3A_65 : memref<6256xf32, #tpu.memory_space<hbm>>) target(%arg17 : memref<6256xf32, #tpu.memory_space<vmem>>) target_semaphore(%run_scoped3A : memref<!tpu.dma_semaphore, #tpu.memory_space<semaphore_mem>>)
      %dma_wait3A = tpu.memref_slice %arg2[%add3A_6] : memref<400384xf32, #tpu.memory_space<hbm>> -> memref<6256xf32, #tpu.memory_space<hbm>>
      %dma_wait3A_66 = tpu.memref_slice %arg2[%add3A_6] : memref<400384xf32, #tpu.memory_space<hbm>> -> memref<6256xf32, #tpu.memory_space<hbm>>
      tpu.wait_dma2 semaphore(%run_scoped3A : memref<!tpu.dma_semaphore, #tpu.memory_space<semaphore_mem>>) src(%dma_wait3A_66 : memref<6256xf32, #tpu.memory_space<hbm>>) dst(%arg17 : memref<6256xf32, #tpu.memory_space<vmem>>)
      tpu.yield
    }) : () -> ()
    "tpu.region"() ({
      %run_scoped3A = tpu.sem_alloc : memref<!tpu.dma_semaphore, #tpu.memory_space<semaphore_mem>>
      %dma_start3A = tpu.memref_slice %arg10[%mul3A_2] : memref<100096xf32, #tpu.memory_space<vmem_shared>> -> memref<6256xf32, #tpu.memory_space<vmem_shared>>
      %dma_start3A_65 = tpu.memref_slice %arg10[%mul3A_2] : memref<100096xf32, #tpu.memory_space<vmem_shared>> -> memref<6256xf32, #tpu.memory_space<vmem_shared>>
      tpu.enqueue_dma source(%arg17 : memref<6256xf32, #tpu.memory_space<vmem>>) target(%dma_start3A_65 : memref<6256xf32, #tpu.memory_space<vmem_shared>>) target_semaphore(%run_scoped3A : memref<!tpu.dma_semaphore, #tpu.memory_space<semaphore_mem>>)
      %dma_wait3A = tpu.memref_slice %arg10[%mul3A_2] : memref<100096xf32, #tpu.memory_space<vmem_shared>> -> memref<6256xf32, #tpu.memory_space<vmem_shared>>
      %dma_wait3A_66 = tpu.memref_slice %arg10[%mul3A_2] : memref<100096xf32, #tpu.memory_space<vmem_shared>> -> memref<6256xf32, #tpu.memory_space<vmem_shared>>
      tpu.wait_dma2 semaphore(%run_scoped3A : memref<!tpu.dma_semaphore, #tpu.memory_space<semaphore_mem>>) src(%arg17 : memref<6256xf32, #tpu.memory_space<vmem>>) dst(%dma_wait3A_66 : memref<6256xf32, #tpu.memory_space<vmem_shared>>)
      tpu.yield
    }) : () -> ()
    %add3A_7 = arith.constant 200192 : i32
    %add3A_8 = arith.addi %add3A_7, %mul3A_2 : i32
    "tpu.region"() ({
      %run_scoped3A = tpu.sem_alloc : memref<!tpu.dma_semaphore, #tpu.memory_space<semaphore_mem>>
      %dma_start3A = tpu.memref_slice %arg2[%add3A_8] : memref<400384xf32, #tpu.memory_space<hbm>> -> memref<6256xf32, #tpu.memory_space<hbm>>
      %dma_start3A_65 = tpu.memref_slice %arg2[%add3A_8] : memref<400384xf32, #tpu.memory_space<hbm>> -> memref<6256xf32, #tpu.memory_space<hbm>>
      tpu.enqueue_dma source(%dma_start3A_65 : memref<6256xf32, #tpu.memory_space<hbm>>) target(%arg17 : memref<6256xf32, #tpu.memory_space<vmem>>) target_semaphore(%run_scoped3A : memref<!tpu.dma_semaphore, #tpu.memory_space<semaphore_mem>>)
      %dma_wait3A = tpu.memref_slice %arg2[%add3A_8] : memref<400384xf32, #tpu.memory_space<hbm>> -> memref<6256xf32, #tpu.memory_space<hbm>>
      %dma_wait3A_66 = tpu.memref_slice %arg2[%add3A_8] : memref<400384xf32, #tpu.memory_space<hbm>> -> memref<6256xf32, #tpu.memory_space<hbm>>
      tpu.wait_dma2 semaphore(%run_scoped3A : memref<!tpu.dma_semaphore, #tpu.memory_space<semaphore_mem>>) src(%dma_wait3A_66 : memref<6256xf32, #tpu.memory_space<hbm>>) dst(%arg17 : memref<6256xf32, #tpu.memory_space<vmem>>)
      tpu.yield
    }) : () -> ()
    "tpu.region"() ({
      %run_scoped3A = tpu.sem_alloc : memref<!tpu.dma_semaphore, #tpu.memory_space<semaphore_mem>>
      %dma_start3A = tpu.memref_slice %arg11[%mul3A_2] : memref<100096xf32, #tpu.memory_space<vmem_shared>> -> memref<6256xf32, #tpu.memory_space<vmem_shared>>
      %dma_start3A_65 = tpu.memref_slice %arg11[%mul3A_2] : memref<100096xf32, #tpu.memory_space<vmem_shared>> -> memref<6256xf32, #tpu.memory_space<vmem_shared>>
      tpu.enqueue_dma source(%arg17 : memref<6256xf32, #tpu.memory_space<vmem>>) target(%dma_start3A_65 : memref<6256xf32, #tpu.memory_space<vmem_shared>>) target_semaphore(%run_scoped3A : memref<!tpu.dma_semaphore, #tpu.memory_space<semaphore_mem>>)
      %dma_wait3A = tpu.memref_slice %arg11[%mul3A_2] : memref<100096xf32, #tpu.memory_space<vmem_shared>> -> memref<6256xf32, #tpu.memory_space<vmem_shared>>
      %dma_wait3A_66 = tpu.memref_slice %arg11[%mul3A_2] : memref<100096xf32, #tpu.memory_space<vmem_shared>> -> memref<6256xf32, #tpu.memory_space<vmem_shared>>
      tpu.wait_dma2 semaphore(%run_scoped3A : memref<!tpu.dma_semaphore, #tpu.memory_space<semaphore_mem>>) src(%arg17 : memref<6256xf32, #tpu.memory_space<vmem>>) dst(%dma_wait3A_66 : memref<6256xf32, #tpu.memory_space<vmem_shared>>)
      tpu.yield
    }) : () -> ()
    %add3A_9 = arith.constant 300288 : i32
    %add3A_10 = arith.addi %add3A_9, %mul3A_2 : i32
    "tpu.region"() ({
      %run_scoped3A = tpu.sem_alloc : memref<!tpu.dma_semaphore, #tpu.memory_space<semaphore_mem>>
      %dma_start3A = tpu.memref_slice %arg2[%add3A_10] : memref<400384xf32, #tpu.memory_space<hbm>> -> memref<6256xf32, #tpu.memory_space<hbm>>
      %dma_start3A_65 = tpu.memref_slice %arg2[%add3A_10] : memref<400384xf32, #tpu.memory_space<hbm>> -> memref<6256xf32, #tpu.memory_space<hbm>>
      tpu.enqueue_dma source(%dma_start3A_65 : memref<6256xf32, #tpu.memory_space<hbm>>) target(%arg17 : memref<6256xf32, #tpu.memory_space<vmem>>) target_semaphore(%run_scoped3A : memref<!tpu.dma_semaphore, #tpu.memory_space<semaphore_mem>>)
      %dma_wait3A = tpu.memref_slice %arg2[%add3A_10] : memref<400384xf32, #tpu.memory_space<hbm>> -> memref<6256xf32, #tpu.memory_space<hbm>>
      %dma_wait3A_66 = tpu.memref_slice %arg2[%add3A_10] : memref<400384xf32, #tpu.memory_space<hbm>> -> memref<6256xf32, #tpu.memory_space<hbm>>
      tpu.wait_dma2 semaphore(%run_scoped3A : memref<!tpu.dma_semaphore, #tpu.memory_space<semaphore_mem>>) src(%dma_wait3A_66 : memref<6256xf32, #tpu.memory_space<hbm>>) dst(%arg17 : memref<6256xf32, #tpu.memory_space<vmem>>)
      tpu.yield
    }) : () -> ()
    "tpu.region"() ({
      %run_scoped3A = tpu.sem_alloc : memref<!tpu.dma_semaphore, #tpu.memory_space<semaphore_mem>>
      %dma_start3A = tpu.memref_slice %arg12[%mul3A_2] : memref<100096xf32, #tpu.memory_space<vmem_shared>> -> memref<6256xf32, #tpu.memory_space<vmem_shared>>
      %dma_start3A_65 = tpu.memref_slice %arg12[%mul3A_2] : memref<100096xf32, #tpu.memory_space<vmem_shared>> -> memref<6256xf32, #tpu.memory_space<vmem_shared>>
      tpu.enqueue_dma source(%arg17 : memref<6256xf32, #tpu.memory_space<vmem>>) target(%dma_start3A_65 : memref<6256xf32, #tpu.memory_space<vmem_shared>>) target_semaphore(%run_scoped3A : memref<!tpu.dma_semaphore, #tpu.memory_space<semaphore_mem>>)
      %dma_wait3A = tpu.memref_slice %arg12[%mul3A_2] : memref<100096xf32, #tpu.memory_space<vmem_shared>> -> memref<6256xf32, #tpu.memory_space<vmem_shared>>
      %dma_wait3A_66 = tpu.memref_slice %arg12[%mul3A_2] : memref<100096xf32, #tpu.memory_space<vmem_shared>> -> memref<6256xf32, #tpu.memory_space<vmem_shared>>
      tpu.wait_dma2 semaphore(%run_scoped3A : memref<!tpu.dma_semaphore, #tpu.memory_space<semaphore_mem>>) src(%arg17 : memref<6256xf32, #tpu.memory_space<vmem>>) dst(%dma_wait3A_66 : memref<6256xf32, #tpu.memory_space<vmem_shared>>)
      tpu.yield
    }) : () -> ()
    "tpu.region"() ({
      %run_scoped3A = tpu.sem_alloc : memref<!tpu.dma_semaphore, #tpu.memory_space<semaphore_mem>>
      %dma_start3A = tpu.memref_slice %arg7[%mul3A_2] : memref<100096xf32, #tpu.memory_space<hbm>> -> memref<6256xf32, #tpu.memory_space<hbm>>
      %dma_start3A_65 = tpu.memref_slice %arg7[%mul3A_2] : memref<100096xf32, #tpu.memory_space<hbm>> -> memref<6256xf32, #tpu.memory_space<hbm>>
      tpu.enqueue_dma source(%dma_start3A_65 : memref<6256xf32, #tpu.memory_space<hbm>>) target(%arg17 : memref<6256xf32, #tpu.memory_space<vmem>>) target_semaphore(%run_scoped3A : memref<!tpu.dma_semaphore, #tpu.memory_space<semaphore_mem>>)
      %dma_wait3A = tpu.memref_slice %arg7[%mul3A_2] : memref<100096xf32, #tpu.memory_space<hbm>> -> memref<6256xf32, #tpu.memory_space<hbm>>
      %dma_wait3A_66 = tpu.memref_slice %arg7[%mul3A_2] : memref<100096xf32, #tpu.memory_space<hbm>> -> memref<6256xf32, #tpu.memory_space<hbm>>
      tpu.wait_dma2 semaphore(%run_scoped3A : memref<!tpu.dma_semaphore, #tpu.memory_space<semaphore_mem>>) src(%dma_wait3A_66 : memref<6256xf32, #tpu.memory_space<hbm>>) dst(%arg17 : memref<6256xf32, #tpu.memory_space<vmem>>)
      tpu.yield
    }) : () -> ()
    "tpu.region"() ({
      %run_scoped3A = tpu.sem_alloc : memref<!tpu.dma_semaphore, #tpu.memory_space<semaphore_mem>>
      %dma_start3A = tpu.memref_slice %arg13[%mul3A_2] : memref<100096xf32, #tpu.memory_space<vmem_shared>> -> memref<6256xf32, #tpu.memory_space<vmem_shared>>
      %dma_start3A_65 = tpu.memref_slice %arg13[%mul3A_2] : memref<100096xf32, #tpu.memory_space<vmem_shared>> -> memref<6256xf32, #tpu.memory_space<vmem_shared>>
      tpu.enqueue_dma source(%arg17 : memref<6256xf32, #tpu.memory_space<vmem>>) target(%dma_start3A_65 : memref<6256xf32, #tpu.memory_space<vmem_shared>>) target_semaphore(%run_scoped3A : memref<!tpu.dma_semaphore, #tpu.memory_space<semaphore_mem>>)
      %dma_wait3A = tpu.memref_slice %arg13[%mul3A_2] : memref<100096xf32, #tpu.memory_space<vmem_shared>> -> memref<6256xf32, #tpu.memory_space<vmem_shared>>
      %dma_wait3A_66 = tpu.memref_slice %arg13[%mul3A_2] : memref<100096xf32, #tpu.memory_space<vmem_shared>> -> memref<6256xf32, #tpu.memory_space<vmem_shared>>
      tpu.wait_dma2 semaphore(%run_scoped3A : memref<!tpu.dma_semaphore, #tpu.memory_space<semaphore_mem>>) src(%arg17 : memref<6256xf32, #tpu.memory_space<vmem>>) dst(%dma_wait3A_66 : memref<6256xf32, #tpu.memory_space<vmem_shared>>)
      tpu.yield
    }) : () -> ()
    "tpu.region"() ({
      %run_scoped3A = tpu.sem_alloc : memref<!tpu.dma_semaphore, #tpu.memory_space<semaphore_mem>>
      %dma_start3A = tpu.memref_slice %arg14[%mul3A_2] : memref<100096xf32, #tpu.memory_space<vmem_shared>> -> memref<6256xf32, #tpu.memory_space<vmem_shared>>
      %dma_start3A_65 = tpu.memref_slice %arg14[%mul3A_2] : memref<100096xf32, #tpu.memory_space<vmem_shared>> -> memref<6256xf32, #tpu.memory_space<vmem_shared>>
      tpu.enqueue_dma source(%arg17 : memref<6256xf32, #tpu.memory_space<vmem>>) target(%dma_start3A_65 : memref<6256xf32, #tpu.memory_space<vmem_shared>>) target_semaphore(%run_scoped3A : memref<!tpu.dma_semaphore, #tpu.memory_space<semaphore_mem>>)
      %dma_wait3A = tpu.memref_slice %arg14[%mul3A_2] : memref<100096xf32, #tpu.memory_space<vmem_shared>> -> memref<6256xf32, #tpu.memory_space<vmem_shared>>
      %dma_wait3A_66 = tpu.memref_slice %arg14[%mul3A_2] : memref<100096xf32, #tpu.memory_space<vmem_shared>> -> memref<6256xf32, #tpu.memory_space<vmem_shared>>
      tpu.wait_dma2 semaphore(%run_scoped3A : memref<!tpu.dma_semaphore, #tpu.memory_space<semaphore_mem>>) src(%arg17 : memref<6256xf32, #tpu.memory_space<vmem>>) dst(%dma_wait3A_66 : memref<6256xf32, #tpu.memory_space<vmem_shared>>)
      tpu.yield
    }) : () -> ()
    "tpu.region"() ({
      %run_scoped3A = tpu.sem_alloc : memref<!tpu.dma_semaphore, #tpu.memory_space<semaphore_mem>>
      %dma_start3A = tpu.memref_slice %arg15[%mul3A_2] : memref<100096xf32, #tpu.memory_space<vmem_shared>> -> memref<6256xf32, #tpu.memory_space<vmem_shared>>
      %dma_start3A_65 = tpu.memref_slice %arg15[%mul3A_2] : memref<100096xf32, #tpu.memory_space<vmem_shared>> -> memref<6256xf32, #tpu.memory_space<vmem_shared>>
      tpu.enqueue_dma source(%arg17 : memref<6256xf32, #tpu.memory_space<vmem>>) target(%dma_start3A_65 : memref<6256xf32, #tpu.memory_space<vmem_shared>>) target_semaphore(%run_scoped3A : memref<!tpu.dma_semaphore, #tpu.memory_space<semaphore_mem>>)
      %dma_wait3A = tpu.memref_slice %arg15[%mul3A_2] : memref<100096xf32, #tpu.memory_space<vmem_shared>> -> memref<6256xf32, #tpu.memory_space<vmem_shared>>
      %dma_wait3A_66 = tpu.memref_slice %arg15[%mul3A_2] : memref<100096xf32, #tpu.memory_space<vmem_shared>> -> memref<6256xf32, #tpu.memory_space<vmem_shared>>
      tpu.wait_dma2 semaphore(%run_scoped3A : memref<!tpu.dma_semaphore, #tpu.memory_space<semaphore_mem>>) src(%arg17 : memref<6256xf32, #tpu.memory_space<vmem>>) dst(%dma_wait3A_66 : memref<6256xf32, #tpu.memory_space<vmem_shared>>)
      tpu.yield
    }) : () -> ()
    "tpu.region"() ({
      %run_scoped3A = tpu.sem_alloc : memref<!tpu.dma_semaphore, #tpu.memory_space<semaphore_mem>>
      %dma_start3A = tpu.memref_slice %arg16[%mul3A_2] : memref<100096xf32, #tpu.memory_space<vmem_shared>> -> memref<6256xf32, #tpu.memory_space<vmem_shared>>
      %dma_start3A_65 = tpu.memref_slice %arg16[%mul3A_2] : memref<100096xf32, #tpu.memory_space<vmem_shared>> -> memref<6256xf32, #tpu.memory_space<vmem_shared>>
      tpu.enqueue_dma source(%arg17 : memref<6256xf32, #tpu.memory_space<vmem>>) target(%dma_start3A_65 : memref<6256xf32, #tpu.memory_space<vmem_shared>>) target_semaphore(%run_scoped3A : memref<!tpu.dma_semaphore, #tpu.memory_space<semaphore_mem>>)
      %dma_wait3A = tpu.memref_slice %arg16[%mul3A_2] : memref<100096xf32, #tpu.memory_space<vmem_shared>> -> memref<6256xf32, #tpu.memory_space<vmem_shared>>
      %dma_wait3A_66 = tpu.memref_slice %arg16[%mul3A_2] : memref<100096xf32, #tpu.memory_space<vmem_shared>> -> memref<6256xf32, #tpu.memory_space<vmem_shared>>
      tpu.wait_dma2 semaphore(%run_scoped3A : memref<!tpu.dma_semaphore, #tpu.memory_space<semaphore_mem>>) src(%arg17 : memref<6256xf32, #tpu.memory_space<vmem>>) dst(%dma_wait3A_66 : memref<6256xf32, #tpu.memory_space<vmem_shared>>)
      tpu.yield
    }) : () -> ()
    "tpu.region"() ({
      %run_scoped3A = tpu.sem_alloc : memref<!tpu.dma_semaphore, #tpu.memory_space<semaphore_mem>>
      tpu.enqueue_dma source(%arg6 : memref<4x16xf32, #tpu.memory_space<hbm>>) target(%arg25 : memref<4x16xf32, #tpu.memory_space<vmem>>) target_semaphore(%run_scoped3A : memref<!tpu.dma_semaphore, #tpu.memory_space<semaphore_mem>>)
      tpu.wait_dma2 semaphore(%run_scoped3A : memref<!tpu.dma_semaphore, #tpu.memory_space<semaphore_mem>>) src(%arg6 : memref<4x16xf32, #tpu.memory_space<hbm>>) dst(%arg25 : memref<4x16xf32, #tpu.memory_space<vmem>>)
      tpu.yield
    }) : () -> ()
    %get3A = arith.constant 0 : i32
    %get3A_11 = arith.index_cast %get3A : i32 to index
    %get3A_12 = arith.constant 0 : index
    %get3A_13 = tpu.vector_load %arg25[%get3A_11, %get3A_12] {strides = array<i32>} : memref<4x16xf32, #tpu.memory_space<vmem>>, vector<1x16xf32>,
    %get3A_14 = vector.shape_cast %get3A_13 : vector<1x16xf32> to vector<16xf32>
    %get3A_15 = arith.constant 1 : i32
    %get3A_16 = arith.index_cast %get3A_15 : i32 to index
    %get3A_17 = arith.constant 0 : index
    %get3A_18 = tpu.vector_load %arg25[%get3A_16, %get3A_17] {strides = array<i32>} : memref<4x16xf32, #tpu.memory_space<vmem>>, vector<1x16xf32>,
    %get3A_19 = vector.shape_cast %get3A_18 : vector<1x16xf32> to vector<16xf32>
    %get3A_20 = arith.constant 2 : i32
    %get3A_21 = arith.index_cast %get3A_20 : i32 to index
    %get3A_22 = arith.constant 0 : index
    %get3A_23 = tpu.vector_load %arg25[%get3A_21, %get3A_22] {strides = array<i32>} : memref<4x16xf32, #tpu.memory_space<vmem>>, vector<1x16xf32>,
    %get3A_24 = vector.shape_cast %get3A_23 : vector<1x16xf32> to vector<16xf32>
    %get3A_25 = arith.constant 3 : i32
    %get3A_26 = arith.index_cast %get3A_25 : i32 to index
    %get3A_27 = arith.constant 0 : index
    %get3A_28 = tpu.vector_load %arg25[%get3A_26, %get3A_27] {strides = array<i32>} : memref<4x16xf32, #tpu.memory_space<vmem>>, vector<1x16xf32>,
    %get3A_29 = vector.shape_cast %get3A_28 : vector<1x16xf32> to vector<16xf32>
    %barrier3A = arith.constant 0 : index
    tpu.barrier barrier_id(%barrier3A)
    %scan3A = arith.constant 0 : i32
    %scan3A_30 = arith.constant 0 : i32
    %scan3A_31 = arith.constant 98 : i32
    %scan3A_32 = arith.addi %scan3A_30, %scan3A_31 : i32
    %scan3A_33 = arith.constant 1 : i32
    %scan3A_34 = scf.for %scan3A_65 = %scan3A_30 to %scan3A_32 step %scan3A_33 iter_args(%scan3A_66 = %scan3A) -> (i32)  : i32 {
      %mul3A_67 = arith.constant 32 : i32
      %mul3A_68 = arith.muli %scan3A_65, %mul3A_67 : i32
      %add3A_69 = arith.addi %add3A, %mul3A_68 : i32
      %lt3A = arith.constant 3125 : i32
      %lt3A_70 = arith.cmpi slt, %add3A_69, %lt3A : i32
      %convert_element_type3A = arith.extui %lt3A_70 : i1 to i32
      %cond3A = arith.constant 0 : i32
      %cond3A_71 = arith.cmpi ne, %convert_element_type3A, %cond3A : i32
      scf.if %cond3A_71 {
        %mul3A_73 = arith.constant 16 : i32
        %mul3A_74 = arith.muli %add3A_69, %mul3A_73 : i32
        %mul3A_75 = arith.constant 2048 : i32
        %mul3A_76 = arith.muli %add3A_69, %mul3A_75 : i32
        "tpu.region"() ({
          %run_scoped3A = tpu.sem_alloc : memref<!tpu.dma_semaphore, #tpu.memory_space<semaphore_mem>>
          %dma_start3A_2130 = arith.constant 0 : i32
          %dma_start3A_2131 = tpu.memref_slice %arg3[%mul3A_74, %dma_start3A_2130] : memref<50000x128xi32, #tpu.memory_space<hbm>> -> memref<16x128xi32, #tpu.memory_space<hbm>>
          %dma_start3A_2132 = arith.constant 0 : i32
          %dma_start3A_2133 = tpu.memref_slice %arg3[%mul3A_74, %dma_start3A_2132] : memref<50000x128xi32, #tpu.memory_space<hbm>> -> memref<16x128xi32, #tpu.memory_space<hbm>>
          tpu.enqueue_dma source(%dma_start3A_2133 : memref<16x128xi32, #tpu.memory_space<hbm>>) target(%arg18 : memref<16x128xi32, #tpu.memory_space<vmem>>) target_semaphore(%run_scoped3A : memref<!tpu.dma_semaphore, #tpu.memory_space<semaphore_mem>>)
          %dma_wait3A_2134 = arith.constant 0 : i32
          %dma_wait3A_2135 = tpu.memref_slice %arg3[%mul3A_74, %dma_wait3A_2134] : memref<50000x128xi32, #tpu.memory_space<hbm>> -> memref<16x128xi32, #tpu.memory_space<hbm>>
          %dma_wait3A_2136 = arith.constant 0 : i32
          %dma_wait3A_2137 = tpu.memref_slice %arg3[%mul3A_74, %dma_wait3A_2136] : memref<50000x128xi32, #tpu.memory_space<hbm>> -> memref<16x128xi32, #tpu.memory_space<hbm>>
          tpu.wait_dma2 semaphore(%run_scoped3A : memref<!tpu.dma_semaphore, #tpu.memory_space<semaphore_mem>>) src(%dma_wait3A_2137 : memref<16x128xi32, #tpu.memory_space<hbm>>) dst(%arg18 : memref<16x128xi32, #tpu.memory_space<vmem>>)
          tpu.yield
        }) : () -> ()
        "tpu.region"() ({
          %run_scoped3A = tpu.sem_alloc : memref<!tpu.dma_semaphore, #tpu.memory_space<semaphore_mem>>
          %dma_start3A_2130 = arith.constant 0 : i32
          %dma_start3A_2131 = tpu.memref_slice %arg4[%mul3A_74, %dma_start3A_2130] : memref<50000x128xi32, #tpu.memory_space<hbm>> -> memref<16x128xi32, #tpu.memory_space<hbm>>
          %dma_start3A_2132 = arith.constant 0 : i32
          %dma_start3A_2133 = tpu.memref_slice %arg4[%mul3A_74, %dma_start3A_2132] : memref<50000x128xi32, #tpu.memory_space<hbm>> -> memref<16x128xi32, #tpu.memory_space<hbm>>
          tpu.enqueue_dma source(%dma_start3A_2133 : memref<16x128xi32, #tpu.memory_space<hbm>>) target(%arg19 : memref<16x128xi32, #tpu.memory_space<vmem>>) target_semaphore(%run_scoped3A : memref<!tpu.dma_semaphore, #tpu.memory_space<semaphore_mem>>)
          %dma_wait3A_2134 = arith.constant 0 : i32
          %dma_wait3A_2135 = tpu.memref_slice %arg4[%mul3A_74, %dma_wait3A_2134] : memref<50000x128xi32, #tpu.memory_space<hbm>> -> memref<16x128xi32, #tpu.memory_space<hbm>>
          %dma_wait3A_2136 = arith.constant 0 : i32
          %dma_wait3A_2137 = tpu.memref_slice %arg4[%mul3A_74, %dma_wait3A_2136] : memref<50000x128xi32, #tpu.memory_space<hbm>> -> memref<16x128xi32, #tpu.memory_space<hbm>>
          tpu.wait_dma2 semaphore(%run_scoped3A : memref<!tpu.dma_semaphore, #tpu.memory_space<semaphore_mem>>) src(%dma_wait3A_2137 : memref<16x128xi32, #tpu.memory_space<hbm>>) dst(%arg19 : memref<16x128xi32, #tpu.memory_space<vmem>>)
          tpu.yield
        }) : () -> ()
        "tpu.region"() ({
          %run_scoped3A = tpu.sem_alloc : memref<!tpu.dma_semaphore, #tpu.memory_space<semaphore_mem>>
          %dma_start3A_2130 = tpu.memref_slice %arg5[%mul3A_76] : memref<6400000xf32, #tpu.memory_space<hbm>> -> memref<2048xf32, #tpu.memory_space<hbm>>
          %dma_start3A_2131 = tpu.memref_slice %arg5[%mul3A_76] : memref<6400000xf32, #tpu.memory_space<hbm>> -> memref<2048xf32, #tpu.memory_space<hbm>>
          tpu.enqueue_dma source(%dma_start3A_2131 : memref<2048xf32, #tpu.memory_space<hbm>>) target(%arg20 : memref<2048xf32, #tpu.memory_space<vmem>>) target_semaphore(%run_scoped3A : memref<!tpu.dma_semaphore, #tpu.memory_space<semaphore_mem>>)
          %dma_wait3A_2132 = tpu.memref_slice %arg5[%mul3A_76] : memref<6400000xf32, #tpu.memory_space<hbm>> -> memref<2048xf32, #tpu.memory_space<hbm>>
          %dma_wait3A_2133 = tpu.memref_slice %arg5[%mul3A_76] : memref<6400000xf32, #tpu.memory_space<hbm>> -> memref<2048xf32, #tpu.memory_space<hbm>>
          tpu.wait_dma2 semaphore(%run_scoped3A : memref<!tpu.dma_semaphore, #tpu.memory_space<semaphore_mem>>) src(%dma_wait3A_2133 : memref<2048xf32, #tpu.memory_space<hbm>>) dst(%arg20 : memref<2048xf32, #tpu.memory_space<vmem>>)
          tpu.yield
        }) : () -> ()
        %dma_start3A = arith.constant 0 : i32
        %dma_start3A_77 = arith.constant 0 : i32
        %dma_start3A_78 = tpu.memref_slice %arg21[%dma_start3A_77] : memref<2048xf32, #tpu.memory_space<vmem>> -> memref<128xf32, #tpu.memory_space<vmem>>
        %dma_start3A_79 = arith.constant 0 : i32
        %dma_start3A_80 = tpu.memref_slice %arg18[%dma_start3A, %dma_start3A_79] : memref<16x128xi32, #tpu.memory_space<vmem>> -> memref<1x128xi32, #tpu.memory_space<vmem>>
        %dma_start3A_81 = tpu.memref_squeeze %dma_start3A_80 : memref<1x128xi32, #tpu.memory_space<vmem>> -> memref<128xi32, #tpu.memory_space<vmem>>
        %dma_start3A_82 = arith.constant 0 : i32
        %dma_start3A_83 = tpu.memref_slice %arg9[%dma_start3A_82] : memref<100096xf32, #tpu.memory_space<vmem_shared>> -> memref<100096xf32, #tpu.memory_space<vmem_shared>>
        tpu.enqueue_indirect_dma source(%dma_start3A_83 : memref<100096xf32, #tpu.memory_space<vmem_shared>>) target(%dma_start3A_78 : memref<128xf32, #tpu.memory_space<vmem>>) offsets(%dma_start3A_81 : memref<128xi32, #tpu.memory_space<vmem>>) semaphore(%arg26 : memref<!tpu.dma_semaphore, #tpu.memory_space<semaphore_mem>>)
        %dma_start3A_84 = arith.constant 0 : i32
        %dma_start3A_85 = arith.constant 0 : i32
        %dma_start3A_86 = tpu.memref_slice %arg22[%dma_start3A_85] : memref<2048xf32, #tpu.memory_space<vmem>> -> memref<128xf32, #tpu.memory_space<vmem>>
        %dma_start3A_87 = arith.constant 0 : i32
        %dma_start3A_88 = tpu.memref_slice %arg18[%dma_start3A_84, %dma_start3A_87] : memref<16x128xi32, #tpu.memory_space<vmem>> -> memref<1x128xi32, #tpu.memory_space<vmem>>
        %dma_start3A_89 = tpu.memref_squeeze %dma_start3A_88 : memref<1x128xi32, #tpu.memory_space<vmem>> -> memref<128xi32, #tpu.memory_space<vmem>>
        %dma_start3A_90 = arith.constant 0 : i32
        %dma_start3A_91 = tpu.memref_slice %arg10[%dma_start3A_90] : memref<100096xf32, #tpu.memory_space<vmem_shared>> -> memref<100096xf32, #tpu.memory_space<vmem_shared>>
        tpu.enqueue_indirect_dma source(%dma_start3A_91 : memref<100096xf32, #tpu.memory_space<vmem_shared>>) target(%dma_start3A_86 : memref<128xf32, #tpu.memory_space<vmem>>) offsets(%dma_start3A_89 : memref<128xi32, #tpu.memory_space<vmem>>) semaphore(%arg26 : memref<!tpu.dma_semaphore, #tpu.memory_space<semaphore_mem>>)
        %dma_start3A_92 = arith.constant 0 : i32
        %dma_start3A_93 = arith.constant 0 : i32
        %dma_start3A_94 = tpu.memref_slice %arg23[%dma_start3A_93] : memref<2048xf32, #tpu.memory_space<vmem>> -> memref<128xf32, #tpu.memory_space<vmem>>
        %dma_start3A_95 = arith.constant 0 : i32
        %dma_start3A_96 = tpu.memref_slice %arg18[%dma_start3A_92, %dma_start3A_95] : memref<16x128xi32, #tpu.memory_space<vmem>> -> memref<1x128xi32, #tpu.memory_space<vmem>>
        %dma_start3A_97 = tpu.memref_squeeze %dma_start3A_96 : memref<1x128xi32, #tpu.memory_space<vmem>> -> memref<128xi32, #tpu.memory_space<vmem>>
        %dma_start3A_98 = arith.constant 0 : i32
        %dma_start3A_99 = tpu.memref_slice %arg11[%dma_start3A_98] : memref<100096xf32, #tpu.memory_space<vmem_shared>> -> memref<100096xf32, #tpu.memory_space<vmem_shared>>
        tpu.enqueue_indirect_dma source(%dma_start3A_99 : memref<100096xf32, #tpu.memory_space<vmem_shared>>) target(%dma_start3A_94 : memref<128xf32, #tpu.memory_space<vmem>>) offsets(%dma_start3A_97 : memref<128xi32, #tpu.memory_space<vmem>>) semaphore(%arg26 : memref<!tpu.dma_semaphore, #tpu.memory_space<semaphore_mem>>)
        %dma_start3A_100 = arith.constant 0 : i32
        %dma_start3A_101 = arith.constant 0 : i32
        %dma_start3A_102 = tpu.memref_slice %arg24[%dma_start3A_101] : memref<2048xf32, #tpu.memory_space<vmem>> -> memref<128xf32, #tpu.memory_space<vmem>>
        %dma_start3A_103 = arith.constant 0 : i32
        %dma_start3A_104 = tpu.memref_slice %arg18[%dma_start3A_100, %dma_start3A_103] : memref<16x128xi32, #tpu.memory_space<vmem>> -> memref<1x128xi32, #tpu.memory_space<vmem>>
        %dma_start3A_105 = tpu.memref_squeeze %dma_start3A_104 : memref<1x128xi32, #tpu.memory_space<vmem>> -> memref<128xi32, #tpu.memory_space<vmem>>
        %dma_start3A_106 = arith.constant 0 : i32
        %dma_start3A_107 = tpu.memref_slice %arg12[%dma_start3A_106] : memref<100096xf32, #tpu.memory_space<vmem_shared>> -> memref<100096xf32, #tpu.memory_space<vmem_shared>>
        tpu.enqueue_indirect_dma source(%dma_start3A_107 : memref<100096xf32, #tpu.memory_space<vmem_shared>>) target(%dma_start3A_102 : memref<128xf32, #tpu.memory_space<vmem>>) offsets(%dma_start3A_105 : memref<128xi32, #tpu.memory_space<vmem>>) semaphore(%arg26 : memref<!tpu.dma_semaphore, #tpu.memory_space<semaphore_mem>>)
        %dma_start3A_108 = arith.constant 1 : i32
        %dma_start3A_109 = arith.constant 128 : i32
        %dma_start3A_110 = tpu.memref_slice %arg21[%dma_start3A_109] : memref<2048xf32, #tpu.memory_space<vmem>> -> memref<128xf32, #tpu.memory_space<vmem>>
        %dma_start3A_111 = arith.constant 0 : i32
        %dma_start3A_112 = tpu.memref_slice %arg18[%dma_start3A_108, %dma_start3A_111] : memref<16x128xi32, #tpu.memory_space<vmem>> -> memref<1x128xi32, #tpu.memory_space<vmem>>
        %dma_start3A_113 = tpu.memref_squeeze %dma_start3A_112 : memref<1x128xi32, #tpu.memory_space<vmem>> -> memref<128xi32, #tpu.memory_space<vmem>>
        %dma_start3A_114 = arith.constant 0 : i32
        %dma_start3A_115 = tpu.memref_slice %arg9[%dma_start3A_114] : memref<100096xf32, #tpu.memory_space<vmem_shared>> -> memref<100096xf32, #tpu.memory_space<vmem_shared>>
        tpu.enqueue_indirect_dma source(%dma_start3A_115 : memref<100096xf32, #tpu.memory_space<vmem_shared>>) target(%dma_start3A_110 : memref<128xf32, #tpu.memory_space<vmem>>) offsets(%dma_start3A_113 : memref<128xi32, #tpu.memory_space<vmem>>) semaphore(%arg26 : memref<!tpu.dma_semaphore, #tpu.memory_space<semaphore_mem>>)
        %dma_start3A_116 = arith.constant 1 : i32
        %dma_start3A_117 = arith.constant 128 : i32
        %dma_start3A_118 = tpu.memref_slice %arg22[%dma_start3A_117] : memref<2048xf32, #tpu.memory_space<vmem>> -> memref<128xf32, #tpu.memory_space<vmem>>
        %dma_start3A_119 = arith.constant 0 : i32
        %dma_start3A_120 = tpu.memref_slice %arg18[%dma_start3A_116, %dma_start3A_119] : memref<16x128xi32, #tpu.memory_space<vmem>> -> memref<1x128xi32, #tpu.memory_space<vmem>>
        %dma_start3A_121 = tpu.memref_squeeze %dma_start3A_120 : memref<1x128xi32, #tpu.memory_space<vmem>> -> memref<128xi32, #tpu.memory_space<vmem>>
        %dma_start3A_122 = arith.constant 0 : i32
        %dma_start3A_123 = tpu.memref_slice %arg10[%dma_start3A_122] : memref<100096xf32, #tpu.memory_space<vmem_shared>> -> memref<100096xf32, #tpu.memory_space<vmem_shared>>
        tpu.enqueue_indirect_dma source(%dma_start3A_123 : memref<100096xf32, #tpu.memory_space<vmem_shared>>) target(%dma_start3A_118 : memref<128xf32, #tpu.memory_space<vmem>>) offsets(%dma_start3A_121 : memref<128xi32, #tpu.memory_space<vmem>>) semaphore(%arg26 : memref<!tpu.dma_semaphore, #tpu.memory_space<semaphore_mem>>)
        %dma_start3A_124 = arith.constant 1 : i32
        %dma_start3A_125 = arith.constant 128 : i32
        %dma_start3A_126 = tpu.memref_slice %arg23[%dma_start3A_125] : memref<2048xf32, #tpu.memory_space<vmem>> -> memref<128xf32, #tpu.memory_space<vmem>>
        %dma_start3A_127 = arith.constant 0 : i32
        %dma_start3A_128 = tpu.memref_slice %arg18[%dma_start3A_124, %dma_start3A_127] : memref<16x128xi32, #tpu.memory_space<vmem>> -> memref<1x128xi32, #tpu.memory_space<vmem>>
        %dma_start3A_129 = tpu.memref_squeeze %dma_start3A_128 : memref<1x128xi32, #tpu.memory_space<vmem>> -> memref<128xi32, #tpu.memory_space<vmem>>
        %dma_start3A_130 = arith.constant 0 : i32
        %dma_start3A_131 = tpu.memref_slice %arg11[%dma_start3A_130] : memref<100096xf32, #tpu.memory_space<vmem_shared>> -> memref<100096xf32, #tpu.memory_space<vmem_shared>>
        tpu.enqueue_indirect_dma source(%dma_start3A_131 : memref<100096xf32, #tpu.memory_space<vmem_shared>>) target(%dma_start3A_126 : memref<128xf32, #tpu.memory_space<vmem>>) offsets(%dma_start3A_129 : memref<128xi32, #tpu.memory_space<vmem>>) semaphore(%arg26 : memref<!tpu.dma_semaphore, #tpu.memory_space<semaphore_mem>>)
        %dma_start3A_132 = arith.constant 1 : i32
        %dma_start3A_133 = arith.constant 128 : i32
        %dma_start3A_134 = tpu.memref_slice %arg24[%dma_start3A_133] : memref<2048xf32, #tpu.memory_space<vmem>> -> memref<128xf32, #tpu.memory_space<vmem>>
        %dma_start3A_135 = arith.constant 0 : i32
        %dma_start3A_136 = tpu.memref_slice %arg18[%dma_start3A_132, %dma_start3A_135] : memref<16x128xi32, #tpu.memory_space<vmem>> -> memref<1x128xi32, #tpu.memory_space<vmem>>
        %dma_start3A_137 = tpu.memref_squeeze %dma_start3A_136 : memref<1x128xi32, #tpu.memory_space<vmem>> -> memref<128xi32, #tpu.memory_space<vmem>>
        %dma_start3A_138 = arith.constant 0 : i32
        %dma_start3A_139 = tpu.memref_slice %arg12[%dma_start3A_138] : memref<100096xf32, #tpu.memory_space<vmem_shared>> -> memref<100096xf32, #tpu.memory_space<vmem_shared>>
        tpu.enqueue_indirect_dma source(%dma_start3A_139 : memref<100096xf32, #tpu.memory_space<vmem_shared>>) target(%dma_start3A_134 : memref<128xf32, #tpu.memory_space<vmem>>) offsets(%dma_start3A_137 : memref<128xi32, #tpu.memory_space<vmem>>) semaphore(%arg26 : memref<!tpu.dma_semaphore, #tpu.memory_space<semaphore_mem>>)
        %dma_start3A_140 = arith.constant 2 : i32
        %dma_start3A_141 = arith.constant 256 : i32
        %dma_start3A_142 = tpu.memref_slice %arg21[%dma_start3A_141] : memref<2048xf32, #tpu.memory_space<vmem>> -> memref<128xf32, #tpu.memory_space<vmem>>
        %dma_start3A_143 = arith.constant 0 : i32
        %dma_start3A_144 = tpu.memref_slice %arg18[%dma_start3A_140, %dma_start3A_143] : memref<16x128xi32, #tpu.memory_space<vmem>> -> memref<1x128xi32, #tpu.memory_space<vmem>>
        %dma_start3A_145 = tpu.memref_squeeze %dma_start3A_144 : memref<1x128xi32, #tpu.memory_space<vmem>> -> memref<128xi32, #tpu.memory_space<vmem>>
        %dma_start3A_146 = arith.constant 0 : i32
        %dma_start3A_147 = tpu.memref_slice %arg9[%dma_start3A_146] : memref<100096xf32, #tpu.memory_space<vmem_shared>> -> memref<100096xf32, #tpu.memory_space<vmem_shared>>
        tpu.enqueue_indirect_dma source(%dma_start3A_147 : memref<100096xf32, #tpu.memory_space<vmem_shared>>) target(%dma_start3A_142 : memref<128xf32, #tpu.memory_space<vmem>>) offsets(%dma_start3A_145 : memref<128xi32, #tpu.memory_space<vmem>>) semaphore(%arg26 : memref<!tpu.dma_semaphore, #tpu.memory_space<semaphore_mem>>)
        %dma_start3A_148 = arith.constant 2 : i32
        %dma_start3A_149 = arith.constant 256 : i32
        %dma_start3A_150 = tpu.memref_slice %arg22[%dma_start3A_149] : memref<2048xf32, #tpu.memory_space<vmem>> -> memref<128xf32, #tpu.memory_space<vmem>>
        %dma_start3A_151 = arith.constant 0 : i32
        %dma_start3A_152 = tpu.memref_slice %arg18[%dma_start3A_148, %dma_start3A_151] : memref<16x128xi32, #tpu.memory_space<vmem>> -> memref<1x128xi32, #tpu.memory_space<vmem>>
        %dma_start3A_153 = tpu.memref_squeeze %dma_start3A_152 : memref<1x128xi32, #tpu.memory_space<vmem>> -> memref<128xi32, #tpu.memory_space<vmem>>
        %dma_start3A_154 = arith.constant 0 : i32
        %dma_start3A_155 = tpu.memref_slice %arg10[%dma_start3A_154] : memref<100096xf32, #tpu.memory_space<vmem_shared>> -> memref<100096xf32, #tpu.memory_space<vmem_shared>>
        tpu.enqueue_indirect_dma source(%dma_start3A_155 : memref<100096xf32, #tpu.memory_space<vmem_shared>>) target(%dma_start3A_150 : memref<128xf32, #tpu.memory_space<vmem>>) offsets(%dma_start3A_153 : memref<128xi32, #tpu.memory_space<vmem>>) semaphore(%arg26 : memref<!tpu.dma_semaphore, #tpu.memory_space<semaphore_mem>>)
        %dma_start3A_156 = arith.constant 2 : i32
        %dma_start3A_157 = arith.constant 256 : i32
        %dma_start3A_158 = tpu.memref_slice %arg23[%dma_start3A_157] : memref<2048xf32, #tpu.memory_space<vmem>> -> memref<128xf32, #tpu.memory_space<vmem>>
        %dma_start3A_159 = arith.constant 0 : i32
        %dma_start3A_160 = tpu.memref_slice %arg18[%dma_start3A_156, %dma_start3A_159] : memref<16x128xi32, #tpu.memory_space<vmem>> -> memref<1x128xi32, #tpu.memory_space<vmem>>
        %dma_start3A_161 = tpu.memref_squeeze %dma_start3A_160 : memref<1x128xi32, #tpu.memory_space<vmem>> -> memref<128xi32, #tpu.memory_space<vmem>>
        %dma_start3A_162 = arith.constant 0 : i32
        %dma_start3A_163 = tpu.memref_slice %arg11[%dma_start3A_162] : memref<100096xf32, #tpu.memory_space<vmem_shared>> -> memref<100096xf32, #tpu.memory_space<vmem_shared>>
        tpu.enqueue_indirect_dma source(%dma_start3A_163 : memref<100096xf32, #tpu.memory_space<vmem_shared>>) target(%dma_start3A_158 : memref<128xf32, #tpu.memory_space<vmem>>) offsets(%dma_start3A_161 : memref<128xi32, #tpu.memory_space<vmem>>) semaphore(%arg26 : memref<!tpu.dma_semaphore, #tpu.memory_space<semaphore_mem>>)
        %dma_start3A_164 = arith.constant 2 : i32
        %dma_start3A_165 = arith.constant 256 : i32
        %dma_start3A_166 = tpu.memref_slice %arg24[%dma_start3A_165] : memref<2048xf32, #tpu.memory_space<vmem>> -> memref<128xf32, #tpu.memory_space<vmem>>
        %dma_start3A_167 = arith.constant 0 : i32
        %dma_start3A_168 = tpu.memref_slice %arg18[%dma_start3A_164, %dma_start3A_167] : memref<16x128xi32, #tpu.memory_space<vmem>> -> memref<1x128xi32, #tpu.memory_space<vmem>>
        %dma_start3A_169 = tpu.memref_squeeze %dma_start3A_168 : memref<1x128xi32, #tpu.memory_space<vmem>> -> memref<128xi32, #tpu.memory_space<vmem>>
        %dma_start3A_170 = arith.constant 0 : i32
        %dma_start3A_171 = tpu.memref_slice %arg12[%dma_start3A_170] : memref<100096xf32, #tpu.memory_space<vmem_shared>> -> memref<100096xf32, #tpu.memory_space<vmem_shared>>
        tpu.enqueue_indirect_dma source(%dma_start3A_171 : memref<100096xf32, #tpu.memory_space<vmem_shared>>) target(%dma_start3A_166 : memref<128xf32, #tpu.memory_space<vmem>>) offsets(%dma_start3A_169 : memref<128xi32, #tpu.memory_space<vmem>>) semaphore(%arg26 : memref<!tpu.dma_semaphore, #tpu.memory_space<semaphore_mem>>)
        %dma_start3A_172 = arith.constant 3 : i32
        %dma_start3A_173 = arith.constant 384 : i32
        %dma_start3A_174 = tpu.memref_slice %arg21[%dma_start3A_173] : memref<2048xf32, #tpu.memory_space<vmem>> -> memref<128xf32, #tpu.memory_space<vmem>>
        %dma_start3A_175 = arith.constant 0 : i32
        %dma_start3A_176 = tpu.memref_slice %arg18[%dma_start3A_172, %dma_start3A_175] : memref<16x128xi32, #tpu.memory_space<vmem>> -> memref<1x128xi32, #tpu.memory_space<vmem>>
        %dma_start3A_177 = tpu.memref_squeeze %dma_start3A_176 : memref<1x128xi32, #tpu.memory_space<vmem>> -> memref<128xi32, #tpu.memory_space<vmem>>
        %dma_start3A_178 = arith.constant 0 : i32
        %dma_start3A_179 = tpu.memref_slice %arg9[%dma_start3A_178] : memref<100096xf32, #tpu.memory_space<vmem_shared>> -> memref<100096xf32, #tpu.memory_space<vmem_shared>>
        tpu.enqueue_indirect_dma source(%dma_start3A_179 : memref<100096xf32, #tpu.memory_space<vmem_shared>>) target(%dma_start3A_174 : memref<128xf32, #tpu.memory_space<vmem>>) offsets(%dma_start3A_177 : memref<128xi32, #tpu.memory_space<vmem>>) semaphore(%arg26 : memref<!tpu.dma_semaphore, #tpu.memory_space<semaphore_mem>>)
        %dma_start3A_180 = arith.constant 3 : i32
        %dma_start3A_181 = arith.constant 384 : i32
        %dma_start3A_182 = tpu.memref_slice %arg22[%dma_start3A_181] : memref<2048xf32, #tpu.memory_space<vmem>> -> memref<128xf32, #tpu.memory_space<vmem>>
        %dma_start3A_183 = arith.constant 0 : i32
        %dma_start3A_184 = tpu.memref_slice %arg18[%dma_start3A_180, %dma_start3A_183] : memref<16x128xi32, #tpu.memory_space<vmem>> -> memref<1x128xi32, #tpu.memory_space<vmem>>
        %dma_start3A_185 = tpu.memref_squeeze %dma_start3A_184 : memref<1x128xi32, #tpu.memory_space<vmem>> -> memref<128xi32, #tpu.memory_space<vmem>>
        %dma_start3A_186 = arith.constant 0 : i32
        %dma_start3A_187 = tpu.memref_slice %arg10[%dma_start3A_186] : memref<100096xf32, #tpu.memory_space<vmem_shared>> -> memref<100096xf32, #tpu.memory_space<vmem_shared>>
        tpu.enqueue_indirect_dma source(%dma_start3A_187 : memref<100096xf32, #tpu.memory_space<vmem_shared>>) target(%dma_start3A_182 : memref<128xf32, #tpu.memory_space<vmem>>) offsets(%dma_start3A_185 : memref<128xi32, #tpu.memory_space<vmem>>) semaphore(%arg26 : memref<!tpu.dma_semaphore, #tpu.memory_space<semaphore_mem>>)
        %dma_start3A_188 = arith.constant 3 : i32
        %dma_start3A_189 = arith.constant 384 : i32
        %dma_start3A_190 = tpu.memref_slice %arg23[%dma_start3A_189] : memref<2048xf32, #tpu.memory_space<vmem>> -> memref<128xf32, #tpu.memory_space<vmem>>
        %dma_start3A_191 = arith.constant 0 : i32
        %dma_start3A_192 = tpu.memref_slice %arg18[%dma_start3A_188, %dma_start3A_191] : memref<16x128xi32, #tpu.memory_space<vmem>> -> memref<1x128xi32, #tpu.memory_space<vmem>>
        %dma_start3A_193 = tpu.memref_squeeze %dma_start3A_192 : memref<1x128xi32, #tpu.memory_space<vmem>> -> memref<128xi32, #tpu.memory_space<vmem>>
        %dma_start3A_194 = arith.constant 0 : i32
        %dma_start3A_195 = tpu.memref_slice %arg11[%dma_start3A_194] : memref<100096xf32, #tpu.memory_space<vmem_shared>> -> memref<100096xf32, #tpu.memory_space<vmem_shared>>
        tpu.enqueue_indirect_dma source(%dma_start3A_195 : memref<100096xf32, #tpu.memory_space<vmem_shared>>) target(%dma_start3A_190 : memref<128xf32, #tpu.memory_space<vmem>>) offsets(%dma_start3A_193 : memref<128xi32, #tpu.memory_space<vmem>>) semaphore(%arg26 : memref<!tpu.dma_semaphore, #tpu.memory_space<semaphore_mem>>)
        %dma_start3A_196 = arith.constant 3 : i32
        %dma_start3A_197 = arith.constant 384 : i32
        %dma_start3A_198 = tpu.memref_slice %arg24[%dma_start3A_197] : memref<2048xf32, #tpu.memory_space<vmem>> -> memref<128xf32, #tpu.memory_space<vmem>>
        %dma_start3A_199 = arith.constant 0 : i32
        %dma_start3A_200 = tpu.memref_slice %arg18[%dma_start3A_196, %dma_start3A_199] : memref<16x128xi32, #tpu.memory_space<vmem>> -> memref<1x128xi32, #tpu.memory_space<vmem>>
        %dma_start3A_201 = tpu.memref_squeeze %dma_start3A_200 : memref<1x128xi32, #tpu.memory_space<vmem>> -> memref<128xi32, #tpu.memory_space<vmem>>
        %dma_start3A_202 = arith.constant 0 : i32
        %dma_start3A_203 = tpu.memref_slice %arg12[%dma_start3A_202] : memref<100096xf32, #tpu.memory_space<vmem_shared>> -> memref<100096xf32, #tpu.memory_space<vmem_shared>>
        tpu.enqueue_indirect_dma source(%dma_start3A_203 : memref<100096xf32, #tpu.memory_space<vmem_shared>>) target(%dma_start3A_198 : memref<128xf32, #tpu.memory_space<vmem>>) offsets(%dma_start3A_201 : memref<128xi32, #tpu.memory_space<vmem>>) semaphore(%arg26 : memref<!tpu.dma_semaphore, #tpu.memory_space<semaphore_mem>>)
        %dma_start3A_204 = arith.constant 4 : i32
        %dma_start3A_205 = arith.constant 512 : i32
        %dma_start3A_206 = tpu.memref_slice %arg21[%dma_start3A_205] : memref<2048xf32, #tpu.memory_space<vmem>> -> memref<128xf32, #tpu.memory_space<vmem>>
        %dma_start3A_207 = arith.constant 0 : i32
        %dma_start3A_208 = tpu.memref_slice %arg18[%dma_start3A_204, %dma_start3A_207] : memref<16x128xi32, #tpu.memory_space<vmem>> -> memref<1x128xi32, #tpu.memory_space<vmem>>
        %dma_start3A_209 = tpu.memref_squeeze %dma_start3A_208 : memref<1x128xi32, #tpu.memory_space<vmem>> -> memref<128xi32, #tpu.memory_space<vmem>>
        %dma_start3A_210 = arith.constant 0 : i32
        %dma_start3A_211 = tpu.memref_slice %arg9[%dma_start3A_210] : memref<100096xf32, #tpu.memory_space<vmem_shared>> -> memref<100096xf32, #tpu.memory_space<vmem_shared>>
        tpu.enqueue_indirect_dma source(%dma_start3A_211 : memref<100096xf32, #tpu.memory_space<vmem_shared>>) target(%dma_start3A_206 : memref<128xf32, #tpu.memory_space<vmem>>) offsets(%dma_start3A_209 : memref<128xi32, #tpu.memory_space<vmem>>) semaphore(%arg26 : memref<!tpu.dma_semaphore, #tpu.memory_space<semaphore_mem>>)
        %dma_start3A_212 = arith.constant 4 : i32
        %dma_start3A_213 = arith.constant 512 : i32
        %dma_start3A_214 = tpu.memref_slice %arg22[%dma_start3A_213] : memref<2048xf32, #tpu.memory_space<vmem>> -> memref<128xf32, #tpu.memory_space<vmem>>
        %dma_start3A_215 = arith.constant 0 : i32
        %dma_start3A_216 = tpu.memref_slice %arg18[%dma_start3A_212, %dma_start3A_215] : memref<16x128xi32, #tpu.memory_space<vmem>> -> memref<1x128xi32, #tpu.memory_space<vmem>>
        %dma_start3A_217 = tpu.memref_squeeze %dma_start3A_216 : memref<1x128xi32, #tpu.memory_space<vmem>> -> memref<128xi32, #tpu.memory_space<vmem>>
        %dma_start3A_218 = arith.constant 0 : i32
        %dma_start3A_219 = tpu.memref_slice %arg10[%dma_start3A_218] : memref<100096xf32, #tpu.memory_space<vmem_shared>> -> memref<100096xf32, #tpu.memory_space<vmem_shared>>
        tpu.enqueue_indirect_dma source(%dma_start3A_219 : memref<100096xf32, #tpu.memory_space<vmem_shared>>) target(%dma_start3A_214 : memref<128xf32, #tpu.memory_space<vmem>>) offsets(%dma_start3A_217 : memref<128xi32, #tpu.memory_space<vmem>>) semaphore(%arg26 : memref<!tpu.dma_semaphore, #tpu.memory_space<semaphore_mem>>)
        %dma_start3A_220 = arith.constant 4 : i32
        %dma_start3A_221 = arith.constant 512 : i32
        %dma_start3A_222 = tpu.memref_slice %arg23[%dma_start3A_221] : memref<2048xf32, #tpu.memory_space<vmem>> -> memref<128xf32, #tpu.memory_space<vmem>>
        %dma_start3A_223 = arith.constant 0 : i32
        %dma_start3A_224 = tpu.memref_slice %arg18[%dma_start3A_220, %dma_start3A_223] : memref<16x128xi32, #tpu.memory_space<vmem>> -> memref<1x128xi32, #tpu.memory_space<vmem>>
        %dma_start3A_225 = tpu.memref_squeeze %dma_start3A_224 : memref<1x128xi32, #tpu.memory_space<vmem>> -> memref<128xi32, #tpu.memory_space<vmem>>
        %dma_start3A_226 = arith.constant 0 : i32
        %dma_start3A_227 = tpu.memref_slice %arg11[%dma_start3A_226] : memref<100096xf32, #tpu.memory_space<vmem_shared>> -> memref<100096xf32, #tpu.memory_space<vmem_shared>>
        tpu.enqueue_indirect_dma source(%dma_start3A_227 : memref<100096xf32, #tpu.memory_space<vmem_shared>>) target(%dma_start3A_222 : memref<128xf32, #tpu.memory_space<vmem>>) offsets(%dma_start3A_225 : memref<128xi32, #tpu.memory_space<vmem>>) semaphore(%arg26 : memref<!tpu.dma_semaphore, #tpu.memory_space<semaphore_mem>>)
        %dma_start3A_228 = arith.constant 4 : i32
        %dma_start3A_229 = arith.constant 512 : i32
        %dma_start3A_230 = tpu.memref_slice %arg24[%dma_start3A_229] : memref<2048xf32, #tpu.memory_space<vmem>> -> memref<128xf32, #tpu.memory_space<vmem>>
        %dma_start3A_231 = arith.constant 0 : i32
        %dma_start3A_232 = tpu.memref_slice %arg18[%dma_start3A_228, %dma_start3A_231] : memref<16x128xi32, #tpu.memory_space<vmem>> -> memref<1x128xi32, #tpu.memory_space<vmem>>
        %dma_start3A_233 = tpu.memref_squeeze %dma_start3A_232 : memref<1x128xi32, #tpu.memory_space<vmem>> -> memref<128xi32, #tpu.memory_space<vmem>>
        %dma_start3A_234 = arith.constant 0 : i32
        %dma_start3A_235 = tpu.memref_slice %arg12[%dma_start3A_234] : memref<100096xf32, #tpu.memory_space<vmem_shared>> -> memref<100096xf32, #tpu.memory_space<vmem_shared>>
        tpu.enqueue_indirect_dma source(%dma_start3A_235 : memref<100096xf32, #tpu.memory_space<vmem_shared>>) target(%dma_start3A_230 : memref<128xf32, #tpu.memory_space<vmem>>) offsets(%dma_start3A_233 : memref<128xi32, #tpu.memory_space<vmem>>) semaphore(%arg26 : memref<!tpu.dma_semaphore, #tpu.memory_space<semaphore_mem>>)
        %dma_start3A_236 = arith.constant 5 : i32
        %dma_start3A_237 = arith.constant 640 : i32
        %dma_start3A_238 = tpu.memref_slice %arg21[%dma_start3A_237] : memref<2048xf32, #tpu.memory_space<vmem>> -> memref<128xf32, #tpu.memory_space<vmem>>
        %dma_start3A_239 = arith.constant 0 : i32
        %dma_start3A_240 = tpu.memref_slice %arg18[%dma_start3A_236, %dma_start3A_239] : memref<16x128xi32, #tpu.memory_space<vmem>> -> memref<1x128xi32, #tpu.memory_space<vmem>>
        %dma_start3A_241 = tpu.memref_squeeze %dma_start3A_240 : memref<1x128xi32, #tpu.memory_space<vmem>> -> memref<128xi32, #tpu.memory_space<vmem>>
        %dma_start3A_242 = arith.constant 0 : i32
        %dma_start3A_243 = tpu.memref_slice %arg9[%dma_start3A_242] : memref<100096xf32, #tpu.memory_space<vmem_shared>> -> memref<100096xf32, #tpu.memory_space<vmem_shared>>
        tpu.enqueue_indirect_dma source(%dma_start3A_243 : memref<100096xf32, #tpu.memory_space<vmem_shared>>) target(%dma_start3A_238 : memref<128xf32, #tpu.memory_space<vmem>>) offsets(%dma_start3A_241 : memref<128xi32, #tpu.memory_space<vmem>>) semaphore(%arg26 : memref<!tpu.dma_semaphore, #tpu.memory_space<semaphore_mem>>)
        %dma_start3A_244 = arith.constant 5 : i32
        %dma_start3A_245 = arith.constant 640 : i32
        %dma_start3A_246 = tpu.memref_slice %arg22[%dma_start3A_245] : memref<2048xf32, #tpu.memory_space<vmem>> -> memref<128xf32, #tpu.memory_space<vmem>>
        %dma_start3A_247 = arith.constant 0 : i32
        %dma_start3A_248 = tpu.memref_slice %arg18[%dma_start3A_244, %dma_start3A_247] : memref<16x128xi32, #tpu.memory_space<vmem>> -> memref<1x128xi32, #tpu.memory_space<vmem>>
        %dma_start3A_249 = tpu.memref_squeeze %dma_start3A_248 : memref<1x128xi32, #tpu.memory_space<vmem>> -> memref<128xi32, #tpu.memory_space<vmem>>
        %dma_start3A_250 = arith.constant 0 : i32
        %dma_start3A_251 = tpu.memref_slice %arg10[%dma_start3A_250] : memref<100096xf32, #tpu.memory_space<vmem_shared>> -> memref<100096xf32, #tpu.memory_space<vmem_shared>>
        tpu.enqueue_indirect_dma source(%dma_start3A_251 : memref<100096xf32, #tpu.memory_space<vmem_shared>>) target(%dma_start3A_246 : memref<128xf32, #tpu.memory_space<vmem>>) offsets(%dma_start3A_249 : memref<128xi32, #tpu.memory_space<vmem>>) semaphore(%arg26 : memref<!tpu.dma_semaphore, #tpu.memory_space<semaphore_mem>>)
        %dma_start3A_252 = arith.constant 5 : i32
        %dma_start3A_253 = arith.constant 640 : i32
        %dma_start3A_254 = tpu.memref_slice %arg23[%dma_start3A_253] : memref<2048xf32, #tpu.memory_space<vmem>> -> memref<128xf32, #tpu.memory_space<vmem>>
        %dma_start3A_255 = arith.constant 0 : i32
        %dma_start3A_256 = tpu.memref_slice %arg18[%dma_start3A_252, %dma_start3A_255] : memref<16x128xi32, #tpu.memory_space<vmem>> -> memref<1x128xi32, #tpu.memory_space<vmem>>
        %dma_start3A_257 = tpu.memref_squeeze %dma_start3A_256 : memref<1x128xi32, #tpu.memory_space<vmem>> -> memref<128xi32, #tpu.memory_space<vmem>>
        %dma_start3A_258 = arith.constant 0 : i32
        %dma_start3A_259 = tpu.memref_slice %arg11[%dma_start3A_258] : memref<100096xf32, #tpu.memory_space<vmem_shared>> -> memref<100096xf32, #tpu.memory_space<vmem_shared>>
        tpu.enqueue_indirect_dma source(%dma_start3A_259 : memref<100096xf32, #tpu.memory_space<vmem_shared>>) target(%dma_start3A_254 : memref<128xf32, #tpu.memory_space<vmem>>) offsets(%dma_start3A_257 : memref<128xi32, #tpu.memory_space<vmem>>) semaphore(%arg26 : memref<!tpu.dma_semaphore, #tpu.memory_space<semaphore_mem>>)
        %dma_start3A_260 = arith.constant 5 : i32
        %dma_start3A_261 = arith.constant 640 : i32
        %dma_start3A_262 = tpu.memref_slice %arg24[%dma_start3A_261] : memref<2048xf32, #tpu.memory_space<vmem>> -> memref<128xf32, #tpu.memory_space<vmem>>
        %dma_start3A_263 = arith.constant 0 : i32
        %dma_start3A_264 = tpu.memref_slice %arg18[%dma_start3A_260, %dma_start3A_263] : memref<16x128xi32, #tpu.memory_space<vmem>> -> memref<1x128xi32, #tpu.memory_space<vmem>>
        %dma_start3A_265 = tpu.memref_squeeze %dma_start3A_264 : memref<1x128xi32, #tpu.memory_space<vmem>> -> memref<128xi32, #tpu.memory_space<vmem>>
        %dma_start3A_266 = arith.constant 0 : i32
        %dma_start3A_267 = tpu.memref_slice %arg12[%dma_start3A_266] : memref<100096xf32, #tpu.memory_space<vmem_shared>> -> memref<100096xf32, #tpu.memory_space<vmem_shared>>
        tpu.enqueue_indirect_dma source(%dma_start3A_267 : memref<100096xf32, #tpu.memory_space<vmem_shared>>) target(%dma_start3A_262 : memref<128xf32, #tpu.memory_space<vmem>>) offsets(%dma_start3A_265 : memref<128xi32, #tpu.memory_space<vmem>>) semaphore(%arg26 : memref<!tpu.dma_semaphore, #tpu.memory_space<semaphore_mem>>)
        %dma_start3A_268 = arith.constant 6 : i32
        %dma_start3A_269 = arith.constant 768 : i32
        %dma_start3A_270 = tpu.memref_slice %arg21[%dma_start3A_269] : memref<2048xf32, #tpu.memory_space<vmem>> -> memref<128xf32, #tpu.memory_space<vmem>>
        %dma_start3A_271 = arith.constant 0 : i32
        %dma_start3A_272 = tpu.memref_slice %arg18[%dma_start3A_268, %dma_start3A_271] : memref<16x128xi32, #tpu.memory_space<vmem>> -> memref<1x128xi32, #tpu.memory_space<vmem>>
        %dma_start3A_273 = tpu.memref_squeeze %dma_start3A_272 : memref<1x128xi32, #tpu.memory_space<vmem>> -> memref<128xi32, #tpu.memory_space<vmem>>
        %dma_start3A_274 = arith.constant 0 : i32
        %dma_start3A_275 = tpu.memref_slice %arg9[%dma_start3A_274] : memref<100096xf32, #tpu.memory_space<vmem_shared>> -> memref<100096xf32, #tpu.memory_space<vmem_shared>>
        tpu.enqueue_indirect_dma source(%dma_start3A_275 : memref<100096xf32, #tpu.memory_space<vmem_shared>>) target(%dma_start3A_270 : memref<128xf32, #tpu.memory_space<vmem>>) offsets(%dma_start3A_273 : memref<128xi32, #tpu.memory_space<vmem>>) semaphore(%arg26 : memref<!tpu.dma_semaphore, #tpu.memory_space<semaphore_mem>>)
        %dma_start3A_276 = arith.constant 6 : i32
        %dma_start3A_277 = arith.constant 768 : i32
        %dma_start3A_278 = tpu.memref_slice %arg22[%dma_start3A_277] : memref<2048xf32, #tpu.memory_space<vmem>> -> memref<128xf32, #tpu.memory_space<vmem>>
        %dma_start3A_279 = arith.constant 0 : i32
        %dma_start3A_280 = tpu.memref_slice %arg18[%dma_start3A_276, %dma_start3A_279] : memref<16x128xi32, #tpu.memory_space<vmem>> -> memref<1x128xi32, #tpu.memory_space<vmem>>
        %dma_start3A_281 = tpu.memref_squeeze %dma_start3A_280 : memref<1x128xi32, #tpu.memory_space<vmem>> -> memref<128xi32, #tpu.memory_space<vmem>>
        %dma_start3A_282 = arith.constant 0 : i32
        %dma_start3A_283 = tpu.memref_slice %arg10[%dma_start3A_282] : memref<100096xf32, #tpu.memory_space<vmem_shared>> -> memref<100096xf32, #tpu.memory_space<vmem_shared>>
        tpu.enqueue_indirect_dma source(%dma_start3A_283 : memref<100096xf32, #tpu.memory_space<vmem_shared>>) target(%dma_start3A_278 : memref<128xf32, #tpu.memory_space<vmem>>) offsets(%dma_start3A_281 : memref<128xi32, #tpu.memory_space<vmem>>) semaphore(%arg26 : memref<!tpu.dma_semaphore, #tpu.memory_space<semaphore_mem>>)
        %dma_start3A_284 = arith.constant 6 : i32
        %dma_start3A_285 = arith.constant 768 : i32
        %dma_start3A_286 = tpu.memref_slice %arg23[%dma_start3A_285] : memref<2048xf32, #tpu.memory_space<vmem>> -> memref<128xf32, #tpu.memory_space<vmem>>
        %dma_start3A_287 = arith.constant 0 : i32
        %dma_start3A_288 = tpu.memref_slice %arg18[%dma_start3A_284, %dma_start3A_287] : memref<16x128xi32, #tpu.memory_space<vmem>> -> memref<1x128xi32, #tpu.memory_space<vmem>>
        %dma_start3A_289 = tpu.memref_squeeze %dma_start3A_288 : memref<1x128xi32, #tpu.memory_space<vmem>> -> memref<128xi32, #tpu.memory_space<vmem>>
        %dma_start3A_290 = arith.constant 0 : i32
        %dma_start3A_291 = tpu.memref_slice %arg11[%dma_start3A_290] : memref<100096xf32, #tpu.memory_space<vmem_shared>> -> memref<100096xf32, #tpu.memory_space<vmem_shared>>
        tpu.enqueue_indirect_dma source(%dma_start3A_291 : memref<100096xf32, #tpu.memory_space<vmem_shared>>) target(%dma_start3A_286 : memref<128xf32, #tpu.memory_space<vmem>>) offsets(%dma_start3A_289 : memref<128xi32, #tpu.memory_space<vmem>>) semaphore(%arg26 : memref<!tpu.dma_semaphore, #tpu.memory_space<semaphore_mem>>)
        %dma_start3A_292 = arith.constant 6 : i32
        %dma_start3A_293 = arith.constant 768 : i32
        %dma_start3A_294 = tpu.memref_slice %arg24[%dma_start3A_293] : memref<2048xf32, #tpu.memory_space<vmem>> -> memref<128xf32, #tpu.memory_space<vmem>>
        %dma_start3A_295 = arith.constant 0 : i32
        %dma_start3A_296 = tpu.memref_slice %arg18[%dma_start3A_292, %dma_start3A_295] : memref<16x128xi32, #tpu.memory_space<vmem>> -> memref<1x128xi32, #tpu.memory_space<vmem>>
        %dma_start3A_297 = tpu.memref_squeeze %dma_start3A_296 : memref<1x128xi32, #tpu.memory_space<vmem>> -> memref<128xi32, #tpu.memory_space<vmem>>
        %dma_start3A_298 = arith.constant 0 : i32
        %dma_start3A_299 = tpu.memref_slice %arg12[%dma_start3A_298] : memref<100096xf32, #tpu.memory_space<vmem_shared>> -> memref<100096xf32, #tpu.memory_space<vmem_shared>>
        tpu.enqueue_indirect_dma source(%dma_start3A_299 : memref<100096xf32, #tpu.memory_space<vmem_shared>>) target(%dma_start3A_294 : memref<128xf32, #tpu.memory_space<vmem>>) offsets(%dma_start3A_297 : memref<128xi32, #tpu.memory_space<vmem>>) semaphore(%arg26 : memref<!tpu.dma_semaphore, #tpu.memory_space<semaphore_mem>>)
        %dma_start3A_300 = arith.constant 7 : i32
        %dma_start3A_301 = arith.constant 896 : i32
        %dma_start3A_302 = tpu.memref_slice %arg21[%dma_start3A_301] : memref<2048xf32, #tpu.memory_space<vmem>> -> memref<128xf32, #tpu.memory_space<vmem>>
        %dma_start3A_303 = arith.constant 0 : i32
        %dma_start3A_304 = tpu.memref_slice %arg18[%dma_start3A_300, %dma_start3A_303] : memref<16x128xi32, #tpu.memory_space<vmem>> -> memref<1x128xi32, #tpu.memory_space<vmem>>
        %dma_start3A_305 = tpu.memref_squeeze %dma_start3A_304 : memref<1x128xi32, #tpu.memory_space<vmem>> -> memref<128xi32, #tpu.memory_space<vmem>>
        %dma_start3A_306 = arith.constant 0 : i32
        %dma_start3A_307 = tpu.memref_slice %arg9[%dma_start3A_306] : memref<100096xf32, #tpu.memory_space<vmem_shared>> -> memref<100096xf32, #tpu.memory_space<vmem_shared>>
        tpu.enqueue_indirect_dma source(%dma_start3A_307 : memref<100096xf32, #tpu.memory_space<vmem_shared>>) target(%dma_start3A_302 : memref<128xf32, #tpu.memory_space<vmem>>) offsets(%dma_start3A_305 : memref<128xi32, #tpu.memory_space<vmem>>) semaphore(%arg26 : memref<!tpu.dma_semaphore, #tpu.memory_space<semaphore_mem>>)
        %dma_start3A_308 = arith.constant 7 : i32
        %dma_start3A_309 = arith.constant 896 : i32
        %dma_start3A_310 = tpu.memref_slice %arg22[%dma_start3A_309] : memref<2048xf32, #tpu.memory_space<vmem>> -> memref<128xf32, #tpu.memory_space<vmem>>
        %dma_start3A_311 = arith.constant 0 : i32
        %dma_start3A_312 = tpu.memref_slice %arg18[%dma_start3A_308, %dma_start3A_311] : memref<16x128xi32, #tpu.memory_space<vmem>> -> memref<1x128xi32, #tpu.memory_space<vmem>>
        %dma_start3A_313 = tpu.memref_squeeze %dma_start3A_312 : memref<1x128xi32, #tpu.memory_space<vmem>> -> memref<128xi32, #tpu.memory_space<vmem>>
        %dma_start3A_314 = arith.constant 0 : i32
        %dma_start3A_315 = tpu.memref_slice %arg10[%dma_start3A_314] : memref<100096xf32, #tpu.memory_space<vmem_shared>> -> memref<100096xf32, #tpu.memory_space<vmem_shared>>
        tpu.enqueue_indirect_dma source(%dma_start3A_315 : memref<100096xf32, #tpu.memory_space<vmem_shared>>) target(%dma_start3A_310 : memref<128xf32, #tpu.memory_space<vmem>>) offsets(%dma_start3A_313 : memref<128xi32, #tpu.memory_space<vmem>>) semaphore(%arg26 : memref<!tpu.dma_semaphore, #tpu.memory_space<semaphore_mem>>)
        %dma_start3A_316 = arith.constant 7 : i32
        %dma_start3A_317 = arith.constant 896 : i32
        %dma_start3A_318 = tpu.memref_slice %arg23[%dma_start3A_317] : memref<2048xf32, #tpu.memory_space<vmem>> -> memref<128xf32, #tpu.memory_space<vmem>>
        %dma_start3A_319 = arith.constant 0 : i32
        %dma_start3A_320 = tpu.memref_slice %arg18[%dma_start3A_316, %dma_start3A_319] : memref<16x128xi32, #tpu.memory_space<vmem>> -> memref<1x128xi32, #tpu.memory_space<vmem>>
        %dma_start3A_321 = tpu.memref_squeeze %dma_start3A_320 : memref<1x128xi32, #tpu.memory_space<vmem>> -> memref<128xi32, #tpu.memory_space<vmem>>
        %dma_start3A_322 = arith.constant 0 : i32
        %dma_start3A_323 = tpu.memref_slice %arg11[%dma_start3A_322] : memref<100096xf32, #tpu.memory_space<vmem_shared>> -> memref<100096xf32, #tpu.memory_space<vmem_shared>>
        tpu.enqueue_indirect_dma source(%dma_start3A_323 : memref<100096xf32, #tpu.memory_space<vmem_shared>>) target(%dma_start3A_318 : memref<128xf32, #tpu.memory_space<vmem>>) offsets(%dma_start3A_321 : memref<128xi32, #tpu.memory_space<vmem>>) semaphore(%arg26 : memref<!tpu.dma_semaphore, #tpu.memory_space<semaphore_mem>>)
        %dma_start3A_324 = arith.constant 7 : i32
        %dma_start3A_325 = arith.constant 896 : i32
        %dma_start3A_326 = tpu.memref_slice %arg24[%dma_start3A_325] : memref<2048xf32, #tpu.memory_space<vmem>> -> memref<128xf32, #tpu.memory_space<vmem>>
        %dma_start3A_327 = arith.constant 0 : i32
        %dma_start3A_328 = tpu.memref_slice %arg18[%dma_start3A_324, %dma_start3A_327] : memref<16x128xi32, #tpu.memory_space<vmem>> -> memref<1x128xi32, #tpu.memory_space<vmem>>
        %dma_start3A_329 = tpu.memref_squeeze %dma_start3A_328 : memref<1x128xi32, #tpu.memory_space<vmem>> -> memref<128xi32, #tpu.memory_space<vmem>>
        %dma_start3A_330 = arith.constant 0 : i32
        %dma_start3A_331 = tpu.memref_slice %arg12[%dma_start3A_330] : memref<100096xf32, #tpu.memory_space<vmem_shared>> -> memref<100096xf32, #tpu.memory_space<vmem_shared>>
        tpu.enqueue_indirect_dma source(%dma_start3A_331 : memref<100096xf32, #tpu.memory_space<vmem_shared>>) target(%dma_start3A_326 : memref<128xf32, #tpu.memory_space<vmem>>) offsets(%dma_start3A_329 : memref<128xi32, #tpu.memory_space<vmem>>) semaphore(%arg26 : memref<!tpu.dma_semaphore, #tpu.memory_space<semaphore_mem>>)
        %dma_start3A_332 = arith.constant 8 : i32
        %dma_start3A_333 = arith.constant 1024 : i32
        %dma_start3A_334 = tpu.memref_slice %arg21[%dma_start3A_333] : memref<2048xf32, #tpu.memory_space<vmem>> -> memref<128xf32, #tpu.memory_space<vmem>>
        %dma_start3A_335 = arith.constant 0 : i32
        %dma_start3A_336 = tpu.memref_slice %arg18[%dma_start3A_332, %dma_start3A_335] : memref<16x128xi32, #tpu.memory_space<vmem>> -> memref<1x128xi32, #tpu.memory_space<vmem>>
        %dma_start3A_337 = tpu.memref_squeeze %dma_start3A_336 : memref<1x128xi32, #tpu.memory_space<vmem>> -> memref<128xi32, #tpu.memory_space<vmem>>
        %dma_start3A_338 = arith.constant 0 : i32
        %dma_start3A_339 = tpu.memref_slice %arg9[%dma_start3A_338] : memref<100096xf32, #tpu.memory_space<vmem_shared>> -> memref<100096xf32, #tpu.memory_space<vmem_shared>>
        tpu.enqueue_indirect_dma source(%dma_start3A_339 : memref<100096xf32, #tpu.memory_space<vmem_shared>>) target(%dma_start3A_334 : memref<128xf32, #tpu.memory_space<vmem>>) offsets(%dma_start3A_337 : memref<128xi32, #tpu.memory_space<vmem>>) semaphore(%arg26 : memref<!tpu.dma_semaphore, #tpu.memory_space<semaphore_mem>>)
        %dma_start3A_340 = arith.constant 8 : i32
        %dma_start3A_341 = arith.constant 1024 : i32
        %dma_start3A_342 = tpu.memref_slice %arg22[%dma_start3A_341] : memref<2048xf32, #tpu.memory_space<vmem>> -> memref<128xf32, #tpu.memory_space<vmem>>
        %dma_start3A_343 = arith.constant 0 : i32
        %dma_start3A_344 = tpu.memref_slice %arg18[%dma_start3A_340, %dma_start3A_343] : memref<16x128xi32, #tpu.memory_space<vmem>> -> memref<1x128xi32, #tpu.memory_space<vmem>>
        %dma_start3A_345 = tpu.memref_squeeze %dma_start3A_344 : memref<1x128xi32, #tpu.memory_space<vmem>> -> memref<128xi32, #tpu.memory_space<vmem>>
        %dma_start3A_346 = arith.constant 0 : i32
        %dma_start3A_347 = tpu.memref_slice %arg10[%dma_start3A_346] : memref<100096xf32, #tpu.memory_space<vmem_shared>> -> memref<100096xf32, #tpu.memory_space<vmem_shared>>
        tpu.enqueue_indirect_dma source(%dma_start3A_347 : memref<100096xf32, #tpu.memory_space<vmem_shared>>) target(%dma_start3A_342 : memref<128xf32, #tpu.memory_space<vmem>>) offsets(%dma_start3A_345 : memref<128xi32, #tpu.memory_space<vmem>>) semaphore(%arg26 : memref<!tpu.dma_semaphore, #tpu.memory_space<semaphore_mem>>)
        %dma_start3A_348 = arith.constant 8 : i32
        %dma_start3A_349 = arith.constant 1024 : i32
        %dma_start3A_350 = tpu.memref_slice %arg23[%dma_start3A_349] : memref<2048xf32, #tpu.memory_space<vmem>> -> memref<128xf32, #tpu.memory_space<vmem>>
        %dma_start3A_351 = arith.constant 0 : i32
        %dma_start3A_352 = tpu.memref_slice %arg18[%dma_start3A_348, %dma_start3A_351] : memref<16x128xi32, #tpu.memory_space<vmem>> -> memref<1x128xi32, #tpu.memory_space<vmem>>
        %dma_start3A_353 = tpu.memref_squeeze %dma_start3A_352 : memref<1x128xi32, #tpu.memory_space<vmem>> -> memref<128xi32, #tpu.memory_space<vmem>>
        %dma_start3A_354 = arith.constant 0 : i32
        %dma_start3A_355 = tpu.memref_slice %arg11[%dma_start3A_354] : memref<100096xf32, #tpu.memory_space<vmem_shared>> -> memref<100096xf32, #tpu.memory_space<vmem_shared>>
        tpu.enqueue_indirect_dma source(%dma_start3A_355 : memref<100096xf32, #tpu.memory_space<vmem_shared>>) target(%dma_start3A_350 : memref<128xf32, #tpu.memory_space<vmem>>) offsets(%dma_start3A_353 : memref<128xi32, #tpu.memory_space<vmem>>) semaphore(%arg26 : memref<!tpu.dma_semaphore, #tpu.memory_space<semaphore_mem>>)
        %dma_start3A_356 = arith.constant 8 : i32
        %dma_start3A_357 = arith.constant 1024 : i32
        %dma_start3A_358 = tpu.memref_slice %arg24[%dma_start3A_357] : memref<2048xf32, #tpu.memory_space<vmem>> -> memref<128xf32, #tpu.memory_space<vmem>>
        %dma_start3A_359 = arith.constant 0 : i32
        %dma_start3A_360 = tpu.memref_slice %arg18[%dma_start3A_356, %dma_start3A_359] : memref<16x128xi32, #tpu.memory_space<vmem>> -> memref<1x128xi32, #tpu.memory_space<vmem>>
        %dma_start3A_361 = tpu.memref_squeeze %dma_start3A_360 : memref<1x128xi32, #tpu.memory_space<vmem>> -> memref<128xi32, #tpu.memory_space<vmem>>
        %dma_start3A_362 = arith.constant 0 : i32
        %dma_start3A_363 = tpu.memref_slice %arg12[%dma_start3A_362] : memref<100096xf32, #tpu.memory_space<vmem_shared>> -> memref<100096xf32, #tpu.memory_space<vmem_shared>>
        tpu.enqueue_indirect_dma source(%dma_start3A_363 : memref<100096xf32, #tpu.memory_space<vmem_shared>>) target(%dma_start3A_358 : memref<128xf32, #tpu.memory_space<vmem>>) offsets(%dma_start3A_361 : memref<128xi32, #tpu.memory_space<vmem>>) semaphore(%arg26 : memref<!tpu.dma_semaphore, #tpu.memory_space<semaphore_mem>>)
        %dma_start3A_364 = arith.constant 9 : i32
        %dma_start3A_365 = arith.constant 1152 : i32
        %dma_start3A_366 = tpu.memref_slice %arg21[%dma_start3A_365] : memref<2048xf32, #tpu.memory_space<vmem>> -> memref<128xf32, #tpu.memory_space<vmem>>
        %dma_start3A_367 = arith.constant 0 : i32
        %dma_start3A_368 = tpu.memref_slice %arg18[%dma_start3A_364, %dma_start3A_367] : memref<16x128xi32, #tpu.memory_space<vmem>> -> memref<1x128xi32, #tpu.memory_space<vmem>>
        %dma_start3A_369 = tpu.memref_squeeze %dma_start3A_368 : memref<1x128xi32, #tpu.memory_space<vmem>> -> memref<128xi32, #tpu.memory_space<vmem>>
        %dma_start3A_370 = arith.constant 0 : i32
        %dma_start3A_371 = tpu.memref_slice %arg9[%dma_start3A_370] : memref<100096xf32, #tpu.memory_space<vmem_shared>> -> memref<100096xf32, #tpu.memory_space<vmem_shared>>
        tpu.enqueue_indirect_dma source(%dma_start3A_371 : memref<100096xf32, #tpu.memory_space<vmem_shared>>) target(%dma_start3A_366 : memref<128xf32, #tpu.memory_space<vmem>>) offsets(%dma_start3A_369 : memref<128xi32, #tpu.memory_space<vmem>>) semaphore(%arg26 : memref<!tpu.dma_semaphore, #tpu.memory_space<semaphore_mem>>)
        %dma_start3A_372 = arith.constant 9 : i32
        %dma_start3A_373 = arith.constant 1152 : i32
        %dma_start3A_374 = tpu.memref_slice %arg22[%dma_start3A_373] : memref<2048xf32, #tpu.memory_space<vmem>> -> memref<128xf32, #tpu.memory_space<vmem>>
        %dma_start3A_375 = arith.constant 0 : i32
        %dma_start3A_376 = tpu.memref_slice %arg18[%dma_start3A_372, %dma_start3A_375] : memref<16x128xi32, #tpu.memory_space<vmem>> -> memref<1x128xi32, #tpu.memory_space<vmem>>
        %dma_start3A_377 = tpu.memref_squeeze %dma_start3A_376 : memref<1x128xi32, #tpu.memory_space<vmem>> -> memref<128xi32, #tpu.memory_space<vmem>>
        %dma_start3A_378 = arith.constant 0 : i32
        %dma_start3A_379 = tpu.memref_slice %arg10[%dma_start3A_378] : memref<100096xf32, #tpu.memory_space<vmem_shared>> -> memref<100096xf32, #tpu.memory_space<vmem_shared>>
        tpu.enqueue_indirect_dma source(%dma_start3A_379 : memref<100096xf32, #tpu.memory_space<vmem_shared>>) target(%dma_start3A_374 : memref<128xf32, #tpu.memory_space<vmem>>) offsets(%dma_start3A_377 : memref<128xi32, #tpu.memory_space<vmem>>) semaphore(%arg26 : memref<!tpu.dma_semaphore, #tpu.memory_space<semaphore_mem>>)
        %dma_start3A_380 = arith.constant 9 : i32
        %dma_start3A_381 = arith.constant 1152 : i32
        %dma_start3A_382 = tpu.memref_slice %arg23[%dma_start3A_381] : memref<2048xf32, #tpu.memory_space<vmem>> -> memref<128xf32, #tpu.memory_space<vmem>>
        %dma_start3A_383 = arith.constant 0 : i32
        %dma_start3A_384 = tpu.memref_slice %arg18[%dma_start3A_380, %dma_start3A_383] : memref<16x128xi32, #tpu.memory_space<vmem>> -> memref<1x128xi32, #tpu.memory_space<vmem>>
        %dma_start3A_385 = tpu.memref_squeeze %dma_start3A_384 : memref<1x128xi32, #tpu.memory_space<vmem>> -> memref<128xi32, #tpu.memory_space<vmem>>
        %dma_start3A_386 = arith.constant 0 : i32
        %dma_start3A_387 = tpu.memref_slice %arg11[%dma_start3A_386] : memref<100096xf32, #tpu.memory_space<vmem_shared>> -> memref<100096xf32, #tpu.memory_space<vmem_shared>>
        tpu.enqueue_indirect_dma source(%dma_start3A_387 : memref<100096xf32, #tpu.memory_space<vmem_shared>>) target(%dma_start3A_382 : memref<128xf32, #tpu.memory_space<vmem>>) offsets(%dma_start3A_385 : memref<128xi32, #tpu.memory_space<vmem>>) semaphore(%arg26 : memref<!tpu.dma_semaphore, #tpu.memory_space<semaphore_mem>>)
        %dma_start3A_388 = arith.constant 9 : i32
        %dma_start3A_389 = arith.constant 1152 : i32
        %dma_start3A_390 = tpu.memref_slice %arg24[%dma_start3A_389] : memref<2048xf32, #tpu.memory_space<vmem>> -> memref<128xf32, #tpu.memory_space<vmem>>
        %dma_start3A_391 = arith.constant 0 : i32
        %dma_start3A_392 = tpu.memref_slice %arg18[%dma_start3A_388, %dma_start3A_391] : memref<16x128xi32, #tpu.memory_space<vmem>> -> memref<1x128xi32, #tpu.memory_space<vmem>>
        %dma_start3A_393 = tpu.memref_squeeze %dma_start3A_392 : memref<1x128xi32, #tpu.memory_space<vmem>> -> memref<128xi32, #tpu.memory_space<vmem>>
        %dma_start3A_394 = arith.constant 0 : i32
        %dma_start3A_395 = tpu.memref_slice %arg12[%dma_start3A_394] : memref<100096xf32, #tpu.memory_space<vmem_shared>> -> memref<100096xf32, #tpu.memory_space<vmem_shared>>
        tpu.enqueue_indirect_dma source(%dma_start3A_395 : memref<100096xf32, #tpu.memory_space<vmem_shared>>) target(%dma_start3A_390 : memref<128xf32, #tpu.memory_space<vmem>>) offsets(%dma_start3A_393 : memref<128xi32, #tpu.memory_space<vmem>>) semaphore(%arg26 : memref<!tpu.dma_semaphore, #tpu.memory_space<semaphore_mem>>)
        %dma_start3A_396 = arith.constant 10 : i32
        %dma_start3A_397 = arith.constant 1280 : i32
        %dma_start3A_398 = tpu.memref_slice %arg21[%dma_start3A_397] : memref<2048xf32, #tpu.memory_space<vmem>> -> memref<128xf32, #tpu.memory_space<vmem>>
        %dma_start3A_399 = arith.constant 0 : i32
        %dma_start3A_400 = tpu.memref_slice %arg18[%dma_start3A_396, %dma_start3A_399] : memref<16x128xi32, #tpu.memory_space<vmem>> -> memref<1x128xi32, #tpu.memory_space<vmem>>
        %dma_start3A_401 = tpu.memref_squeeze %dma_start3A_400 : memref<1x128xi32, #tpu.memory_space<vmem>> -> memref<128xi32, #tpu.memory_space<vmem>>
        %dma_start3A_402 = arith.constant 0 : i32
        %dma_start3A_403 = tpu.memref_slice %arg9[%dma_start3A_402] : memref<100096xf32, #tpu.memory_space<vmem_shared>> -> memref<100096xf32, #tpu.memory_space<vmem_shared>>
        tpu.enqueue_indirect_dma source(%dma_start3A_403 : memref<100096xf32, #tpu.memory_space<vmem_shared>>) target(%dma_start3A_398 : memref<128xf32, #tpu.memory_space<vmem>>) offsets(%dma_start3A_401 : memref<128xi32, #tpu.memory_space<vmem>>) semaphore(%arg26 : memref<!tpu.dma_semaphore, #tpu.memory_space<semaphore_mem>>)
        %dma_start3A_404 = arith.constant 10 : i32
        %dma_start3A_405 = arith.constant 1280 : i32
        %dma_start3A_406 = tpu.memref_slice %arg22[%dma_start3A_405] : memref<2048xf32, #tpu.memory_space<vmem>> -> memref<128xf32, #tpu.memory_space<vmem>>
        %dma_start3A_407 = arith.constant 0 : i32
        %dma_start3A_408 = tpu.memref_slice %arg18[%dma_start3A_404, %dma_start3A_407] : memref<16x128xi32, #tpu.memory_space<vmem>> -> memref<1x128xi32, #tpu.memory_space<vmem>>
        %dma_start3A_409 = tpu.memref_squeeze %dma_start3A_408 : memref<1x128xi32, #tpu.memory_space<vmem>> -> memref<128xi32, #tpu.memory_space<vmem>>
        %dma_start3A_410 = arith.constant 0 : i32
        %dma_start3A_411 = tpu.memref_slice %arg10[%dma_start3A_410] : memref<100096xf32, #tpu.memory_space<vmem_shared>> -> memref<100096xf32, #tpu.memory_space<vmem_shared>>
        tpu.enqueue_indirect_dma source(%dma_start3A_411 : memref<100096xf32, #tpu.memory_space<vmem_shared>>) target(%dma_start3A_406 : memref<128xf32, #tpu.memory_space<vmem>>) offsets(%dma_start3A_409 : memref<128xi32, #tpu.memory_space<vmem>>) semaphore(%arg26 : memref<!tpu.dma_semaphore, #tpu.memory_space<semaphore_mem>>)
        %dma_start3A_412 = arith.constant 10 : i32
        %dma_start3A_413 = arith.constant 1280 : i32
        %dma_start3A_414 = tpu.memref_slice %arg23[%dma_start3A_413] : memref<2048xf32, #tpu.memory_space<vmem>> -> memref<128xf32, #tpu.memory_space<vmem>>
        %dma_start3A_415 = arith.constant 0 : i32
        %dma_start3A_416 = tpu.memref_slice %arg18[%dma_start3A_412, %dma_start3A_415] : memref<16x128xi32, #tpu.memory_space<vmem>> -> memref<1x128xi32, #tpu.memory_space<vmem>>
        %dma_start3A_417 = tpu.memref_squeeze %dma_start3A_416 : memref<1x128xi32, #tpu.memory_space<vmem>> -> memref<128xi32, #tpu.memory_space<vmem>>
        %dma_start3A_418 = arith.constant 0 : i32
        %dma_start3A_419 = tpu.memref_slice %arg11[%dma_start3A_418] : memref<100096xf32, #tpu.memory_space<vmem_shared>> -> memref<100096xf32, #tpu.memory_space<vmem_shared>>
        tpu.enqueue_indirect_dma source(%dma_start3A_419 : memref<100096xf32, #tpu.memory_space<vmem_shared>>) target(%dma_start3A_414 : memref<128xf32, #tpu.memory_space<vmem>>) offsets(%dma_start3A_417 : memref<128xi32, #tpu.memory_space<vmem>>) semaphore(%arg26 : memref<!tpu.dma_semaphore, #tpu.memory_space<semaphore_mem>>)
        %dma_start3A_420 = arith.constant 10 : i32
        %dma_start3A_421 = arith.constant 1280 : i32
        %dma_start3A_422 = tpu.memref_slice %arg24[%dma_start3A_421] : memref<2048xf32, #tpu.memory_space<vmem>> -> memref<128xf32, #tpu.memory_space<vmem>>
        %dma_start3A_423 = arith.constant 0 : i32
        %dma_start3A_424 = tpu.memref_slice %arg18[%dma_start3A_420, %dma_start3A_423] : memref<16x128xi32, #tpu.memory_space<vmem>> -> memref<1x128xi32, #tpu.memory_space<vmem>>
        %dma_start3A_425 = tpu.memref_squeeze %dma_start3A_424 : memref<1x128xi32, #tpu.memory_space<vmem>> -> memref<128xi32, #tpu.memory_space<vmem>>
        %dma_start3A_426 = arith.constant 0 : i32
        %dma_start3A_427 = tpu.memref_slice %arg12[%dma_start3A_426] : memref<100096xf32, #tpu.memory_space<vmem_shared>> -> memref<100096xf32, #tpu.memory_space<vmem_shared>>
        tpu.enqueue_indirect_dma source(%dma_start3A_427 : memref<100096xf32, #tpu.memory_space<vmem_shared>>) target(%dma_start3A_422 : memref<128xf32, #tpu.memory_space<vmem>>) offsets(%dma_start3A_425 : memref<128xi32, #tpu.memory_space<vmem>>) semaphore(%arg26 : memref<!tpu.dma_semaphore, #tpu.memory_space<semaphore_mem>>)
        %dma_start3A_428 = arith.constant 11 : i32
        %dma_start3A_429 = arith.constant 1408 : i32
        %dma_start3A_430 = tpu.memref_slice %arg21[%dma_start3A_429] : memref<2048xf32, #tpu.memory_space<vmem>> -> memref<128xf32, #tpu.memory_space<vmem>>
        %dma_start3A_431 = arith.constant 0 : i32
        %dma_start3A_432 = tpu.memref_slice %arg18[%dma_start3A_428, %dma_start3A_431] : memref<16x128xi32, #tpu.memory_space<vmem>> -> memref<1x128xi32, #tpu.memory_space<vmem>>
        %dma_start3A_433 = tpu.memref_squeeze %dma_start3A_432 : memref<1x128xi32, #tpu.memory_space<vmem>> -> memref<128xi32, #tpu.memory_space<vmem>>
        %dma_start3A_434 = arith.constant 0 : i32
        %dma_start3A_435 = tpu.memref_slice %arg9[%dma_start3A_434] : memref<100096xf32, #tpu.memory_space<vmem_shared>> -> memref<100096xf32, #tpu.memory_space<vmem_shared>>
        tpu.enqueue_indirect_dma source(%dma_start3A_435 : memref<100096xf32, #tpu.memory_space<vmem_shared>>) target(%dma_start3A_430 : memref<128xf32, #tpu.memory_space<vmem>>) offsets(%dma_start3A_433 : memref<128xi32, #tpu.memory_space<vmem>>) semaphore(%arg26 : memref<!tpu.dma_semaphore, #tpu.memory_space<semaphore_mem>>)
        %dma_start3A_436 = arith.constant 11 : i32
        %dma_start3A_437 = arith.constant 1408 : i32
        %dma_start3A_438 = tpu.memref_slice %arg22[%dma_start3A_437] : memref<2048xf32, #tpu.memory_space<vmem>> -> memref<128xf32, #tpu.memory_space<vmem>>
        %dma_start3A_439 = arith.constant 0 : i32
        %dma_start3A_440 = tpu.memref_slice %arg18[%dma_start3A_436, %dma_start3A_439] : memref<16x128xi32, #tpu.memory_space<vmem>> -> memref<1x128xi32, #tpu.memory_space<vmem>>
        %dma_start3A_441 = tpu.memref_squeeze %dma_start3A_440 : memref<1x128xi32, #tpu.memory_space<vmem>> -> memref<128xi32, #tpu.memory_space<vmem>>
        %dma_start3A_442 = arith.constant 0 : i32
        %dma_start3A_443 = tpu.memref_slice %arg10[%dma_start3A_442] : memref<100096xf32, #tpu.memory_space<vmem_shared>> -> memref<100096xf32, #tpu.memory_space<vmem_shared>>
        tpu.enqueue_indirect_dma source(%dma_start3A_443 : memref<100096xf32, #tpu.memory_space<vmem_shared>>) target(%dma_start3A_438 : memref<128xf32, #tpu.memory_space<vmem>>) offsets(%dma_start3A_441 : memref<128xi32, #tpu.memory_space<vmem>>) semaphore(%arg26 : memref<!tpu.dma_semaphore, #tpu.memory_space<semaphore_mem>>)
        %dma_start3A_444 = arith.constant 11 : i32
        %dma_start3A_445 = arith.constant 1408 : i32
        %dma_start3A_446 = tpu.memref_slice %arg23[%dma_start3A_445] : memref<2048xf32, #tpu.memory_space<vmem>> -> memref<128xf32, #tpu.memory_space<vmem>>
        %dma_start3A_447 = arith.constant 0 : i32
        %dma_start3A_448 = tpu.memref_slice %arg18[%dma_start3A_444, %dma_start3A_447] : memref<16x128xi32, #tpu.memory_space<vmem>> -> memref<1x128xi32, #tpu.memory_space<vmem>>
        %dma_start3A_449 = tpu.memref_squeeze %dma_start3A_448 : memref<1x128xi32, #tpu.memory_space<vmem>> -> memref<128xi32, #tpu.memory_space<vmem>>
        %dma_start3A_450 = arith.constant 0 : i32
        %dma_start3A_451 = tpu.memref_slice %arg11[%dma_start3A_450] : memref<100096xf32, #tpu.memory_space<vmem_shared>> -> memref<100096xf32, #tpu.memory_space<vmem_shared>>
        tpu.enqueue_indirect_dma source(%dma_start3A_451 : memref<100096xf32, #tpu.memory_space<vmem_shared>>) target(%dma_start3A_446 : memref<128xf32, #tpu.memory_space<vmem>>) offsets(%dma_start3A_449 : memref<128xi32, #tpu.memory_space<vmem>>) semaphore(%arg26 : memref<!tpu.dma_semaphore, #tpu.memory_space<semaphore_mem>>)
        %dma_start3A_452 = arith.constant 11 : i32
        %dma_start3A_453 = arith.constant 1408 : i32
        %dma_start3A_454 = tpu.memref_slice %arg24[%dma_start3A_453] : memref<2048xf32, #tpu.memory_space<vmem>> -> memref<128xf32, #tpu.memory_space<vmem>>
        %dma_start3A_455 = arith.constant 0 : i32
        %dma_start3A_456 = tpu.memref_slice %arg18[%dma_start3A_452, %dma_start3A_455] : memref<16x128xi32, #tpu.memory_space<vmem>> -> memref<1x128xi32, #tpu.memory_space<vmem>>
        %dma_start3A_457 = tpu.memref_squeeze %dma_start3A_456 : memref<1x128xi32, #tpu.memory_space<vmem>> -> memref<128xi32, #tpu.memory_space<vmem>>
        %dma_start3A_458 = arith.constant 0 : i32
        %dma_start3A_459 = tpu.memref_slice %arg12[%dma_start3A_458] : memref<100096xf32, #tpu.memory_space<vmem_shared>> -> memref<100096xf32, #tpu.memory_space<vmem_shared>>
        tpu.enqueue_indirect_dma source(%dma_start3A_459 : memref<100096xf32, #tpu.memory_space<vmem_shared>>) target(%dma_start3A_454 : memref<128xf32, #tpu.memory_space<vmem>>) offsets(%dma_start3A_457 : memref<128xi32, #tpu.memory_space<vmem>>) semaphore(%arg26 : memref<!tpu.dma_semaphore, #tpu.memory_space<semaphore_mem>>)
        %dma_start3A_460 = arith.constant 12 : i32
        %dma_start3A_461 = arith.constant 1536 : i32
        %dma_start3A_462 = tpu.memref_slice %arg21[%dma_start3A_461] : memref<2048xf32, #tpu.memory_space<vmem>> -> memref<128xf32, #tpu.memory_space<vmem>>
        %dma_start3A_463 = arith.constant 0 : i32
        %dma_start3A_464 = tpu.memref_slice %arg18[%dma_start3A_460, %dma_start3A_463] : memref<16x128xi32, #tpu.memory_space<vmem>> -> memref<1x128xi32, #tpu.memory_space<vmem>>
        %dma_start3A_465 = tpu.memref_squeeze %dma_start3A_464 : memref<1x128xi32, #tpu.memory_space<vmem>> -> memref<128xi32, #tpu.memory_space<vmem>>
        %dma_start3A_466 = arith.constant 0 : i32
        %dma_start3A_467 = tpu.memref_slice %arg9[%dma_start3A_466] : memref<100096xf32, #tpu.memory_space<vmem_shared>> -> memref<100096xf32, #tpu.memory_space<vmem_shared>>
        tpu.enqueue_indirect_dma source(%dma_start3A_467 : memref<100096xf32, #tpu.memory_space<vmem_shared>>) target(%dma_start3A_462 : memref<128xf32, #tpu.memory_space<vmem>>) offsets(%dma_start3A_465 : memref<128xi32, #tpu.memory_space<vmem>>) semaphore(%arg26 : memref<!tpu.dma_semaphore, #tpu.memory_space<semaphore_mem>>)
        %dma_start3A_468 = arith.constant 12 : i32
        %dma_start3A_469 = arith.constant 1536 : i32
        %dma_start3A_470 = tpu.memref_slice %arg22[%dma_start3A_469] : memref<2048xf32, #tpu.memory_space<vmem>> -> memref<128xf32, #tpu.memory_space<vmem>>
        %dma_start3A_471 = arith.constant 0 : i32
        %dma_start3A_472 = tpu.memref_slice %arg18[%dma_start3A_468, %dma_start3A_471] : memref<16x128xi32, #tpu.memory_space<vmem>> -> memref<1x128xi32, #tpu.memory_space<vmem>>
        %dma_start3A_473 = tpu.memref_squeeze %dma_start3A_472 : memref<1x128xi32, #tpu.memory_space<vmem>> -> memref<128xi32, #tpu.memory_space<vmem>>
        %dma_start3A_474 = arith.constant 0 : i32
        %dma_start3A_475 = tpu.memref_slice %arg10[%dma_start3A_474] : memref<100096xf32, #tpu.memory_space<vmem_shared>> -> memref<100096xf32, #tpu.memory_space<vmem_shared>>
        tpu.enqueue_indirect_dma source(%dma_start3A_475 : memref<100096xf32, #tpu.memory_space<vmem_shared>>) target(%dma_start3A_470 : memref<128xf32, #tpu.memory_space<vmem>>) offsets(%dma_start3A_473 : memref<128xi32, #tpu.memory_space<vmem>>) semaphore(%arg26 : memref<!tpu.dma_semaphore, #tpu.memory_space<semaphore_mem>>)
        %dma_start3A_476 = arith.constant 12 : i32
        %dma_start3A_477 = arith.constant 1536 : i32
        %dma_start3A_478 = tpu.memref_slice %arg23[%dma_start3A_477] : memref<2048xf32, #tpu.memory_space<vmem>> -> memref<128xf32, #tpu.memory_space<vmem>>
        %dma_start3A_479 = arith.constant 0 : i32
        %dma_start3A_480 = tpu.memref_slice %arg18[%dma_start3A_476, %dma_start3A_479] : memref<16x128xi32, #tpu.memory_space<vmem>> -> memref<1x128xi32, #tpu.memory_space<vmem>>
        %dma_start3A_481 = tpu.memref_squeeze %dma_start3A_480 : memref<1x128xi32, #tpu.memory_space<vmem>> -> memref<128xi32, #tpu.memory_space<vmem>>
        %dma_start3A_482 = arith.constant 0 : i32
        %dma_start3A_483 = tpu.memref_slice %arg11[%dma_start3A_482] : memref<100096xf32, #tpu.memory_space<vmem_shared>> -> memref<100096xf32, #tpu.memory_space<vmem_shared>>
        tpu.enqueue_indirect_dma source(%dma_start3A_483 : memref<100096xf32, #tpu.memory_space<vmem_shared>>) target(%dma_start3A_478 : memref<128xf32, #tpu.memory_space<vmem>>) offsets(%dma_start3A_481 : memref<128xi32, #tpu.memory_space<vmem>>) semaphore(%arg26 : memref<!tpu.dma_semaphore, #tpu.memory_space<semaphore_mem>>)
        %dma_start3A_484 = arith.constant 12 : i32
        %dma_start3A_485 = arith.constant 1536 : i32
        %dma_start3A_486 = tpu.memref_slice %arg24[%dma_start3A_485] : memref<2048xf32, #tpu.memory_space<vmem>> -> memref<128xf32, #tpu.memory_space<vmem>>
        %dma_start3A_487 = arith.constant 0 : i32
        %dma_start3A_488 = tpu.memref_slice %arg18[%dma_start3A_484, %dma_start3A_487] : memref<16x128xi32, #tpu.memory_space<vmem>> -> memref<1x128xi32, #tpu.memory_space<vmem>>
        %dma_start3A_489 = tpu.memref_squeeze %dma_start3A_488 : memref<1x128xi32, #tpu.memory_space<vmem>> -> memref<128xi32, #tpu.memory_space<vmem>>
        %dma_start3A_490 = arith.constant 0 : i32
        %dma_start3A_491 = tpu.memref_slice %arg12[%dma_start3A_490] : memref<100096xf32, #tpu.memory_space<vmem_shared>> -> memref<100096xf32, #tpu.memory_space<vmem_shared>>
        tpu.enqueue_indirect_dma source(%dma_start3A_491 : memref<100096xf32, #tpu.memory_space<vmem_shared>>) target(%dma_start3A_486 : memref<128xf32, #tpu.memory_space<vmem>>) offsets(%dma_start3A_489 : memref<128xi32, #tpu.memory_space<vmem>>) semaphore(%arg26 : memref<!tpu.dma_semaphore, #tpu.memory_space<semaphore_mem>>)
        %dma_start3A_492 = arith.constant 13 : i32
        %dma_start3A_493 = arith.constant 1664 : i32
        %dma_start3A_494 = tpu.memref_slice %arg21[%dma_start3A_493] : memref<2048xf32, #tpu.memory_space<vmem>> -> memref<128xf32, #tpu.memory_space<vmem>>
        %dma_start3A_495 = arith.constant 0 : i32
        %dma_start3A_496 = tpu.memref_slice %arg18[%dma_start3A_492, %dma_start3A_495] : memref<16x128xi32, #tpu.memory_space<vmem>> -> memref<1x128xi32, #tpu.memory_space<vmem>>
        %dma_start3A_497 = tpu.memref_squeeze %dma_start3A_496 : memref<1x128xi32, #tpu.memory_space<vmem>> -> memref<128xi32, #tpu.memory_space<vmem>>
        %dma_start3A_498 = arith.constant 0 : i32
        %dma_start3A_499 = tpu.memref_slice %arg9[%dma_start3A_498] : memref<100096xf32, #tpu.memory_space<vmem_shared>> -> memref<100096xf32, #tpu.memory_space<vmem_shared>>
        tpu.enqueue_indirect_dma source(%dma_start3A_499 : memref<100096xf32, #tpu.memory_space<vmem_shared>>) target(%dma_start3A_494 : memref<128xf32, #tpu.memory_space<vmem>>) offsets(%dma_start3A_497 : memref<128xi32, #tpu.memory_space<vmem>>) semaphore(%arg26 : memref<!tpu.dma_semaphore, #tpu.memory_space<semaphore_mem>>)
        %dma_start3A_500 = arith.constant 13 : i32
        %dma_start3A_501 = arith.constant 1664 : i32
        %dma_start3A_502 = tpu.memref_slice %arg22[%dma_start3A_501] : memref<2048xf32, #tpu.memory_space<vmem>> -> memref<128xf32, #tpu.memory_space<vmem>>
        %dma_start3A_503 = arith.constant 0 : i32
        %dma_start3A_504 = tpu.memref_slice %arg18[%dma_start3A_500, %dma_start3A_503] : memref<16x128xi32, #tpu.memory_space<vmem>> -> memref<1x128xi32, #tpu.memory_space<vmem>>
        %dma_start3A_505 = tpu.memref_squeeze %dma_start3A_504 : memref<1x128xi32, #tpu.memory_space<vmem>> -> memref<128xi32, #tpu.memory_space<vmem>>
        %dma_start3A_506 = arith.constant 0 : i32
        %dma_start3A_507 = tpu.memref_slice %arg10[%dma_start3A_506] : memref<100096xf32, #tpu.memory_space<vmem_shared>> -> memref<100096xf32, #tpu.memory_space<vmem_shared>>
        tpu.enqueue_indirect_dma source(%dma_start3A_507 : memref<100096xf32, #tpu.memory_space<vmem_shared>>) target(%dma_start3A_502 : memref<128xf32, #tpu.memory_space<vmem>>) offsets(%dma_start3A_505 : memref<128xi32, #tpu.memory_space<vmem>>) semaphore(%arg26 : memref<!tpu.dma_semaphore, #tpu.memory_space<semaphore_mem>>)
        %dma_start3A_508 = arith.constant 13 : i32
        %dma_start3A_509 = arith.constant 1664 : i32
        %dma_start3A_510 = tpu.memref_slice %arg23[%dma_start3A_509] : memref<2048xf32, #tpu.memory_space<vmem>> -> memref<128xf32, #tpu.memory_space<vmem>>
        %dma_start3A_511 = arith.constant 0 : i32
        %dma_start3A_512 = tpu.memref_slice %arg18[%dma_start3A_508, %dma_start3A_511] : memref<16x128xi32, #tpu.memory_space<vmem>> -> memref<1x128xi32, #tpu.memory_space<vmem>>
        %dma_start3A_513 = tpu.memref_squeeze %dma_start3A_512 : memref<1x128xi32, #tpu.memory_space<vmem>> -> memref<128xi32, #tpu.memory_space<vmem>>
        %dma_start3A_514 = arith.constant 0 : i32
        %dma_start3A_515 = tpu.memref_slice %arg11[%dma_start3A_514] : memref<100096xf32, #tpu.memory_space<vmem_shared>> -> memref<100096xf32, #tpu.memory_space<vmem_shared>>
        tpu.enqueue_indirect_dma source(%dma_start3A_515 : memref<100096xf32, #tpu.memory_space<vmem_shared>>) target(%dma_start3A_510 : memref<128xf32, #tpu.memory_space<vmem>>) offsets(%dma_start3A_513 : memref<128xi32, #tpu.memory_space<vmem>>) semaphore(%arg26 : memref<!tpu.dma_semaphore, #tpu.memory_space<semaphore_mem>>)
        %dma_start3A_516 = arith.constant 13 : i32
        %dma_start3A_517 = arith.constant 1664 : i32
        %dma_start3A_518 = tpu.memref_slice %arg24[%dma_start3A_517] : memref<2048xf32, #tpu.memory_space<vmem>> -> memref<128xf32, #tpu.memory_space<vmem>>
        %dma_start3A_519 = arith.constant 0 : i32
        %dma_start3A_520 = tpu.memref_slice %arg18[%dma_start3A_516, %dma_start3A_519] : memref<16x128xi32, #tpu.memory_space<vmem>> -> memref<1x128xi32, #tpu.memory_space<vmem>>
        %dma_start3A_521 = tpu.memref_squeeze %dma_start3A_520 : memref<1x128xi32, #tpu.memory_space<vmem>> -> memref<128xi32, #tpu.memory_space<vmem>>
        %dma_start3A_522 = arith.constant 0 : i32
        %dma_start3A_523 = tpu.memref_slice %arg12[%dma_start3A_522] : memref<100096xf32, #tpu.memory_space<vmem_shared>> -> memref<100096xf32, #tpu.memory_space<vmem_shared>>
        tpu.enqueue_indirect_dma source(%dma_start3A_523 : memref<100096xf32, #tpu.memory_space<vmem_shared>>) target(%dma_start3A_518 : memref<128xf32, #tpu.memory_space<vmem>>) offsets(%dma_start3A_521 : memref<128xi32, #tpu.memory_space<vmem>>) semaphore(%arg26 : memref<!tpu.dma_semaphore, #tpu.memory_space<semaphore_mem>>)
        %dma_start3A_524 = arith.constant 14 : i32
        %dma_start3A_525 = arith.constant 1792 : i32
        %dma_start3A_526 = tpu.memref_slice %arg21[%dma_start3A_525] : memref<2048xf32, #tpu.memory_space<vmem>> -> memref<128xf32, #tpu.memory_space<vmem>>
        %dma_start3A_527 = arith.constant 0 : i32
        %dma_start3A_528 = tpu.memref_slice %arg18[%dma_start3A_524, %dma_start3A_527] : memref<16x128xi32, #tpu.memory_space<vmem>> -> memref<1x128xi32, #tpu.memory_space<vmem>>
        %dma_start3A_529 = tpu.memref_squeeze %dma_start3A_528 : memref<1x128xi32, #tpu.memory_space<vmem>> -> memref<128xi32, #tpu.memory_space<vmem>>
        %dma_start3A_530 = arith.constant 0 : i32
        %dma_start3A_531 = tpu.memref_slice %arg9[%dma_start3A_530] : memref<100096xf32, #tpu.memory_space<vmem_shared>> -> memref<100096xf32, #tpu.memory_space<vmem_shared>>
        tpu.enqueue_indirect_dma source(%dma_start3A_531 : memref<100096xf32, #tpu.memory_space<vmem_shared>>) target(%dma_start3A_526 : memref<128xf32, #tpu.memory_space<vmem>>) offsets(%dma_start3A_529 : memref<128xi32, #tpu.memory_space<vmem>>) semaphore(%arg26 : memref<!tpu.dma_semaphore, #tpu.memory_space<semaphore_mem>>)
        %dma_start3A_532 = arith.constant 14 : i32
        %dma_start3A_533 = arith.constant 1792 : i32
        %dma_start3A_534 = tpu.memref_slice %arg22[%dma_start3A_533] : memref<2048xf32, #tpu.memory_space<vmem>> -> memref<128xf32, #tpu.memory_space<vmem>>
        %dma_start3A_535 = arith.constant 0 : i32
        %dma_start3A_536 = tpu.memref_slice %arg18[%dma_start3A_532, %dma_start3A_535] : memref<16x128xi32, #tpu.memory_space<vmem>> -> memref<1x128xi32, #tpu.memory_space<vmem>>
        %dma_start3A_537 = tpu.memref_squeeze %dma_start3A_536 : memref<1x128xi32, #tpu.memory_space<vmem>> -> memref<128xi32, #tpu.memory_space<vmem>>
        %dma_start3A_538 = arith.constant 0 : i32
        %dma_start3A_539 = tpu.memref_slice %arg10[%dma_start3A_538] : memref<100096xf32, #tpu.memory_space<vmem_shared>> -> memref<100096xf32, #tpu.memory_space<vmem_shared>>
        tpu.enqueue_indirect_dma source(%dma_start3A_539 : memref<100096xf32, #tpu.memory_space<vmem_shared>>) target(%dma_start3A_534 : memref<128xf32, #tpu.memory_space<vmem>>) offsets(%dma_start3A_537 : memref<128xi32, #tpu.memory_space<vmem>>) semaphore(%arg26 : memref<!tpu.dma_semaphore, #tpu.memory_space<semaphore_mem>>)
        %dma_start3A_540 = arith.constant 14 : i32
        %dma_start3A_541 = arith.constant 1792 : i32
        %dma_start3A_542 = tpu.memref_slice %arg23[%dma_start3A_541] : memref<2048xf32, #tpu.memory_space<vmem>> -> memref<128xf32, #tpu.memory_space<vmem>>
        %dma_start3A_543 = arith.constant 0 : i32
        %dma_start3A_544 = tpu.memref_slice %arg18[%dma_start3A_540, %dma_start3A_543] : memref<16x128xi32, #tpu.memory_space<vmem>> -> memref<1x128xi32, #tpu.memory_space<vmem>>
        %dma_start3A_545 = tpu.memref_squeeze %dma_start3A_544 : memref<1x128xi32, #tpu.memory_space<vmem>> -> memref<128xi32, #tpu.memory_space<vmem>>
        %dma_start3A_546 = arith.constant 0 : i32
        %dma_start3A_547 = tpu.memref_slice %arg11[%dma_start3A_546] : memref<100096xf32, #tpu.memory_space<vmem_shared>> -> memref<100096xf32, #tpu.memory_space<vmem_shared>>
        tpu.enqueue_indirect_dma source(%dma_start3A_547 : memref<100096xf32, #tpu.memory_space<vmem_shared>>) target(%dma_start3A_542 : memref<128xf32, #tpu.memory_space<vmem>>) offsets(%dma_start3A_545 : memref<128xi32, #tpu.memory_space<vmem>>) semaphore(%arg26 : memref<!tpu.dma_semaphore, #tpu.memory_space<semaphore_mem>>)
        %dma_start3A_548 = arith.constant 14 : i32
        %dma_start3A_549 = arith.constant 1792 : i32
        %dma_start3A_550 = tpu.memref_slice %arg24[%dma_start3A_549] : memref<2048xf32, #tpu.memory_space<vmem>> -> memref<128xf32, #tpu.memory_space<vmem>>
        %dma_start3A_551 = arith.constant 0 : i32
        %dma_start3A_552 = tpu.memref_slice %arg18[%dma_start3A_548, %dma_start3A_551] : memref<16x128xi32, #tpu.memory_space<vmem>> -> memref<1x128xi32, #tpu.memory_space<vmem>>
        %dma_start3A_553 = tpu.memref_squeeze %dma_start3A_552 : memref<1x128xi32, #tpu.memory_space<vmem>> -> memref<128xi32, #tpu.memory_space<vmem>>
        %dma_start3A_554 = arith.constant 0 : i32
        %dma_start3A_555 = tpu.memref_slice %arg12[%dma_start3A_554] : memref<100096xf32, #tpu.memory_space<vmem_shared>> -> memref<100096xf32, #tpu.memory_space<vmem_shared>>
        tpu.enqueue_indirect_dma source(%dma_start3A_555 : memref<100096xf32, #tpu.memory_space<vmem_shared>>) target(%dma_start3A_550 : memref<128xf32, #tpu.memory_space<vmem>>) offsets(%dma_start3A_553 : memref<128xi32, #tpu.memory_space<vmem>>) semaphore(%arg26 : memref<!tpu.dma_semaphore, #tpu.memory_space<semaphore_mem>>)
        %dma_start3A_556 = arith.constant 15 : i32
        %dma_start3A_557 = arith.constant 1920 : i32
        %dma_start3A_558 = tpu.memref_slice %arg21[%dma_start3A_557] : memref<2048xf32, #tpu.memory_space<vmem>> -> memref<128xf32, #tpu.memory_space<vmem>>
        %dma_start3A_559 = arith.constant 0 : i32
        %dma_start3A_560 = tpu.memref_slice %arg18[%dma_start3A_556, %dma_start3A_559] : memref<16x128xi32, #tpu.memory_space<vmem>> -> memref<1x128xi32, #tpu.memory_space<vmem>>
        %dma_start3A_561 = tpu.memref_squeeze %dma_start3A_560 : memref<1x128xi32, #tpu.memory_space<vmem>> -> memref<128xi32, #tpu.memory_space<vmem>>
        %dma_start3A_562 = arith.constant 0 : i32
        %dma_start3A_563 = tpu.memref_slice %arg9[%dma_start3A_562] : memref<100096xf32, #tpu.memory_space<vmem_shared>> -> memref<100096xf32, #tpu.memory_space<vmem_shared>>
        tpu.enqueue_indirect_dma source(%dma_start3A_563 : memref<100096xf32, #tpu.memory_space<vmem_shared>>) target(%dma_start3A_558 : memref<128xf32, #tpu.memory_space<vmem>>) offsets(%dma_start3A_561 : memref<128xi32, #tpu.memory_space<vmem>>) semaphore(%arg26 : memref<!tpu.dma_semaphore, #tpu.memory_space<semaphore_mem>>)
        %dma_start3A_564 = arith.constant 15 : i32
        %dma_start3A_565 = arith.constant 1920 : i32
        %dma_start3A_566 = tpu.memref_slice %arg22[%dma_start3A_565] : memref<2048xf32, #tpu.memory_space<vmem>> -> memref<128xf32, #tpu.memory_space<vmem>>
        %dma_start3A_567 = arith.constant 0 : i32
        %dma_start3A_568 = tpu.memref_slice %arg18[%dma_start3A_564, %dma_start3A_567] : memref<16x128xi32, #tpu.memory_space<vmem>> -> memref<1x128xi32, #tpu.memory_space<vmem>>
        %dma_start3A_569 = tpu.memref_squeeze %dma_start3A_568 : memref<1x128xi32, #tpu.memory_space<vmem>> -> memref<128xi32, #tpu.memory_space<vmem>>
        %dma_start3A_570 = arith.constant 0 : i32
        %dma_start3A_571 = tpu.memref_slice %arg10[%dma_start3A_570] : memref<100096xf32, #tpu.memory_space<vmem_shared>> -> memref<100096xf32, #tpu.memory_space<vmem_shared>>
        tpu.enqueue_indirect_dma source(%dma_start3A_571 : memref<100096xf32, #tpu.memory_space<vmem_shared>>) target(%dma_start3A_566 : memref<128xf32, #tpu.memory_space<vmem>>) offsets(%dma_start3A_569 : memref<128xi32, #tpu.memory_space<vmem>>) semaphore(%arg26 : memref<!tpu.dma_semaphore, #tpu.memory_space<semaphore_mem>>)
        %dma_start3A_572 = arith.constant 15 : i32
        %dma_start3A_573 = arith.constant 1920 : i32
        %dma_start3A_574 = tpu.memref_slice %arg23[%dma_start3A_573] : memref<2048xf32, #tpu.memory_space<vmem>> -> memref<128xf32, #tpu.memory_space<vmem>>
        %dma_start3A_575 = arith.constant 0 : i32
        %dma_start3A_576 = tpu.memref_slice %arg18[%dma_start3A_572, %dma_start3A_575] : memref<16x128xi32, #tpu.memory_space<vmem>> -> memref<1x128xi32, #tpu.memory_space<vmem>>
        %dma_start3A_577 = tpu.memref_squeeze %dma_start3A_576 : memref<1x128xi32, #tpu.memory_space<vmem>> -> memref<128xi32, #tpu.memory_space<vmem>>
        %dma_start3A_578 = arith.constant 0 : i32
        %dma_start3A_579 = tpu.memref_slice %arg11[%dma_start3A_578] : memref<100096xf32, #tpu.memory_space<vmem_shared>> -> memref<100096xf32, #tpu.memory_space<vmem_shared>>
        tpu.enqueue_indirect_dma source(%dma_start3A_579 : memref<100096xf32, #tpu.memory_space<vmem_shared>>) target(%dma_start3A_574 : memref<128xf32, #tpu.memory_space<vmem>>) offsets(%dma_start3A_577 : memref<128xi32, #tpu.memory_space<vmem>>) semaphore(%arg26 : memref<!tpu.dma_semaphore, #tpu.memory_space<semaphore_mem>>)
        %dma_start3A_580 = arith.constant 15 : i32
        %dma_start3A_581 = arith.constant 1920 : i32
        %dma_start3A_582 = tpu.memref_slice %arg24[%dma_start3A_581] : memref<2048xf32, #tpu.memory_space<vmem>> -> memref<128xf32, #tpu.memory_space<vmem>>
        %dma_start3A_583 = arith.constant 0 : i32
        %dma_start3A_584 = tpu.memref_slice %arg18[%dma_start3A_580, %dma_start3A_583] : memref<16x128xi32, #tpu.memory_space<vmem>> -> memref<1x128xi32, #tpu.memory_space<vmem>>
        %dma_start3A_585 = tpu.memref_squeeze %dma_start3A_584 : memref<1x128xi32, #tpu.memory_space<vmem>> -> memref<128xi32, #tpu.memory_space<vmem>>
        %dma_start3A_586 = arith.constant 0 : i32
        %dma_start3A_587 = tpu.memref_slice %arg12[%dma_start3A_586] : memref<100096xf32, #tpu.memory_space<vmem_shared>> -> memref<100096xf32, #tpu.memory_space<vmem_shared>>
        tpu.enqueue_indirect_dma source(%dma_start3A_587 : memref<100096xf32, #tpu.memory_space<vmem_shared>>) target(%dma_start3A_582 : memref<128xf32, #tpu.memory_space<vmem>>) offsets(%dma_start3A_585 : memref<128xi32, #tpu.memory_space<vmem>>) semaphore(%arg26 : memref<!tpu.dma_semaphore, #tpu.memory_space<semaphore_mem>>)
        %dma_wait3A = arith.constant 0 : i32
        %dma_wait3A_588 = arith.constant 0 : i32
        %dma_wait3A_589 = tpu.memref_slice %arg21[%dma_wait3A_588] : memref<2048xf32, #tpu.memory_space<vmem>> -> memref<128xf32, #tpu.memory_space<vmem>>
        %dma_wait3A_590 = arith.constant 0 : i32
        %dma_wait3A_591 = tpu.memref_slice %arg18[%dma_wait3A, %dma_wait3A_590] : memref<16x128xi32, #tpu.memory_space<vmem>> -> memref<1x128xi32, #tpu.memory_space<vmem>>
        %dma_wait3A_592 = tpu.memref_squeeze %dma_wait3A_591 : memref<1x128xi32, #tpu.memory_space<vmem>> -> memref<128xi32, #tpu.memory_space<vmem>>
        %dma_wait3A_593 = arith.constant 0 : i32
        %dma_wait3A_594 = tpu.memref_slice %arg9[%dma_wait3A_593] : memref<100096xf32, #tpu.memory_space<vmem_shared>> -> memref<100096xf32, #tpu.memory_space<vmem_shared>>
        tpu.wait_indirect_dma semaphore(%arg26 : memref<!tpu.dma_semaphore, #tpu.memory_space<semaphore_mem>>) src(%dma_wait3A_594 : memref<100096xf32, #tpu.memory_space<vmem_shared>>) dst(%dma_wait3A_589 : memref<128xf32, #tpu.memory_space<vmem>>)
        %dma_wait3A_595 = arith.constant 0 : i32
        %dma_wait3A_596 = arith.constant 0 : i32
        %dma_wait3A_597 = tpu.memref_slice %arg22[%dma_wait3A_596] : memref<2048xf32, #tpu.memory_space<vmem>> -> memref<128xf32, #tpu.memory_space<vmem>>
        %dma_wait3A_598 = arith.constant 0 : i32
        %dma_wait3A_599 = tpu.memref_slice %arg18[%dma_wait3A_595, %dma_wait3A_598] : memref<16x128xi32, #tpu.memory_space<vmem>> -> memref<1x128xi32, #tpu.memory_space<vmem>>
        %dma_wait3A_600 = tpu.memref_squeeze %dma_wait3A_599 : memref<1x128xi32, #tpu.memory_space<vmem>> -> memref<128xi32, #tpu.memory_space<vmem>>
        %dma_wait3A_601 = arith.constant 0 : i32
        %dma_wait3A_602 = tpu.memref_slice %arg10[%dma_wait3A_601] : memref<100096xf32, #tpu.memory_space<vmem_shared>> -> memref<100096xf32, #tpu.memory_space<vmem_shared>>
        tpu.wait_indirect_dma semaphore(%arg26 : memref<!tpu.dma_semaphore, #tpu.memory_space<semaphore_mem>>) src(%dma_wait3A_602 : memref<100096xf32, #tpu.memory_space<vmem_shared>>) dst(%dma_wait3A_597 : memref<128xf32, #tpu.memory_space<vmem>>)
        %dma_wait3A_603 = arith.constant 0 : i32
        %dma_wait3A_604 = arith.constant 0 : i32
        %dma_wait3A_605 = tpu.memref_slice %arg23[%dma_wait3A_604] : memref<2048xf32, #tpu.memory_space<vmem>> -> memref<128xf32, #tpu.memory_space<vmem>>
        %dma_wait3A_606 = arith.constant 0 : i32
        %dma_wait3A_607 = tpu.memref_slice %arg18[%dma_wait3A_603, %dma_wait3A_606] : memref<16x128xi32, #tpu.memory_space<vmem>> -> memref<1x128xi32, #tpu.memory_space<vmem>>
        %dma_wait3A_608 = tpu.memref_squeeze %dma_wait3A_607 : memref<1x128xi32, #tpu.memory_space<vmem>> -> memref<128xi32, #tpu.memory_space<vmem>>
        %dma_wait3A_609 = arith.constant 0 : i32
        %dma_wait3A_610 = tpu.memref_slice %arg11[%dma_wait3A_609] : memref<100096xf32, #tpu.memory_space<vmem_shared>> -> memref<100096xf32, #tpu.memory_space<vmem_shared>>
        tpu.wait_indirect_dma semaphore(%arg26 : memref<!tpu.dma_semaphore, #tpu.memory_space<semaphore_mem>>) src(%dma_wait3A_610 : memref<100096xf32, #tpu.memory_space<vmem_shared>>) dst(%dma_wait3A_605 : memref<128xf32, #tpu.memory_space<vmem>>)
        %dma_wait3A_611 = arith.constant 0 : i32
        %dma_wait3A_612 = arith.constant 0 : i32
        %dma_wait3A_613 = tpu.memref_slice %arg24[%dma_wait3A_612] : memref<2048xf32, #tpu.memory_space<vmem>> -> memref<128xf32, #tpu.memory_space<vmem>>
        %dma_wait3A_614 = arith.constant 0 : i32
        %dma_wait3A_615 = tpu.memref_slice %arg18[%dma_wait3A_611, %dma_wait3A_614] : memref<16x128xi32, #tpu.memory_space<vmem>> -> memref<1x128xi32, #tpu.memory_space<vmem>>
        %dma_wait3A_616 = tpu.memref_squeeze %dma_wait3A_615 : memref<1x128xi32, #tpu.memory_space<vmem>> -> memref<128xi32, #tpu.memory_space<vmem>>
        %dma_wait3A_617 = arith.constant 0 : i32
        %dma_wait3A_618 = tpu.memref_slice %arg12[%dma_wait3A_617] : memref<100096xf32, #tpu.memory_space<vmem_shared>> -> memref<100096xf32, #tpu.memory_space<vmem_shared>>
        tpu.wait_indirect_dma semaphore(%arg26 : memref<!tpu.dma_semaphore, #tpu.memory_space<semaphore_mem>>) src(%dma_wait3A_618 : memref<100096xf32, #tpu.memory_space<vmem_shared>>) dst(%dma_wait3A_613 : memref<128xf32, #tpu.memory_space<vmem>>)
        %dma_wait3A_619 = arith.constant 1 : i32
        %dma_wait3A_620 = arith.constant 128 : i32
        %dma_wait3A_621 = tpu.memref_slice %arg21[%dma_wait3A_620] : memref<2048xf32, #tpu.memory_space<vmem>> -> memref<128xf32, #tpu.memory_space<vmem>>
        %dma_wait3A_622 = arith.constant 0 : i32
        %dma_wait3A_623 = tpu.memref_slice %arg18[%dma_wait3A_619, %dma_wait3A_622] : memref<16x128xi32, #tpu.memory_space<vmem>> -> memref<1x128xi32, #tpu.memory_space<vmem>>
        %dma_wait3A_624 = tpu.memref_squeeze %dma_wait3A_623 : memref<1x128xi32, #tpu.memory_space<vmem>> -> memref<128xi32, #tpu.memory_space<vmem>>
        %dma_wait3A_625 = arith.constant 0 : i32
        %dma_wait3A_626 = tpu.memref_slice %arg9[%dma_wait3A_625] : memref<100096xf32, #tpu.memory_space<vmem_shared>> -> memref<100096xf32, #tpu.memory_space<vmem_shared>>
        tpu.wait_indirect_dma semaphore(%arg26 : memref<!tpu.dma_semaphore, #tpu.memory_space<semaphore_mem>>) src(%dma_wait3A_626 : memref<100096xf32, #tpu.memory_space<vmem_shared>>) dst(%dma_wait3A_621 : memref<128xf32, #tpu.memory_space<vmem>>)
        %dma_wait3A_627 = arith.constant 1 : i32
        %dma_wait3A_628 = arith.constant 128 : i32
        %dma_wait3A_629 = tpu.memref_slice %arg22[%dma_wait3A_628] : memref<2048xf32, #tpu.memory_space<vmem>> -> memref<128xf32, #tpu.memory_space<vmem>>
        %dma_wait3A_630 = arith.constant 0 : i32
        %dma_wait3A_631 = tpu.memref_slice %arg18[%dma_wait3A_627, %dma_wait3A_630] : memref<16x128xi32, #tpu.memory_space<vmem>> -> memref<1x128xi32, #tpu.memory_space<vmem>>
        %dma_wait3A_632 = tpu.memref_squeeze %dma_wait3A_631 : memref<1x128xi32, #tpu.memory_space<vmem>> -> memref<128xi32, #tpu.memory_space<vmem>>
        %dma_wait3A_633 = arith.constant 0 : i32
        %dma_wait3A_634 = tpu.memref_slice %arg10[%dma_wait3A_633] : memref<100096xf32, #tpu.memory_space<vmem_shared>> -> memref<100096xf32, #tpu.memory_space<vmem_shared>>
        tpu.wait_indirect_dma semaphore(%arg26 : memref<!tpu.dma_semaphore, #tpu.memory_space<semaphore_mem>>) src(%dma_wait3A_634 : memref<100096xf32, #tpu.memory_space<vmem_shared>>) dst(%dma_wait3A_629 : memref<128xf32, #tpu.memory_space<vmem>>)
        %dma_wait3A_635 = arith.constant 1 : i32
        %dma_wait3A_636 = arith.constant 128 : i32
        %dma_wait3A_637 = tpu.memref_slice %arg23[%dma_wait3A_636] : memref<2048xf32, #tpu.memory_space<vmem>> -> memref<128xf32, #tpu.memory_space<vmem>>
        %dma_wait3A_638 = arith.constant 0 : i32
        %dma_wait3A_639 = tpu.memref_slice %arg18[%dma_wait3A_635, %dma_wait3A_638] : memref<16x128xi32, #tpu.memory_space<vmem>> -> memref<1x128xi32, #tpu.memory_space<vmem>>
        %dma_wait3A_640 = tpu.memref_squeeze %dma_wait3A_639 : memref<1x128xi32, #tpu.memory_space<vmem>> -> memref<128xi32, #tpu.memory_space<vmem>>
        %dma_wait3A_641 = arith.constant 0 : i32
        %dma_wait3A_642 = tpu.memref_slice %arg11[%dma_wait3A_641] : memref<100096xf32, #tpu.memory_space<vmem_shared>> -> memref<100096xf32, #tpu.memory_space<vmem_shared>>
        tpu.wait_indirect_dma semaphore(%arg26 : memref<!tpu.dma_semaphore, #tpu.memory_space<semaphore_mem>>) src(%dma_wait3A_642 : memref<100096xf32, #tpu.memory_space<vmem_shared>>) dst(%dma_wait3A_637 : memref<128xf32, #tpu.memory_space<vmem>>)
        %dma_wait3A_643 = arith.constant 1 : i32
        %dma_wait3A_644 = arith.constant 128 : i32
        %dma_wait3A_645 = tpu.memref_slice %arg24[%dma_wait3A_644] : memref<2048xf32, #tpu.memory_space<vmem>> -> memref<128xf32, #tpu.memory_space<vmem>>
        %dma_wait3A_646 = arith.constant 0 : i32
        %dma_wait3A_647 = tpu.memref_slice %arg18[%dma_wait3A_643, %dma_wait3A_646] : memref<16x128xi32, #tpu.memory_space<vmem>> -> memref<1x128xi32, #tpu.memory_space<vmem>>
        %dma_wait3A_648 = tpu.memref_squeeze %dma_wait3A_647 : memref<1x128xi32, #tpu.memory_space<vmem>> -> memref<128xi32, #tpu.memory_space<vmem>>
        %dma_wait3A_649 = arith.constant 0 : i32
        %dma_wait3A_650 = tpu.memref_slice %arg12[%dma_wait3A_649] : memref<100096xf32, #tpu.memory_space<vmem_shared>> -> memref<100096xf32, #tpu.memory_space<vmem_shared>>
        tpu.wait_indirect_dma semaphore(%arg26 : memref<!tpu.dma_semaphore, #tpu.memory_space<semaphore_mem>>) src(%dma_wait3A_650 : memref<100096xf32, #tpu.memory_space<vmem_shared>>) dst(%dma_wait3A_645 : memref<128xf32, #tpu.memory_space<vmem>>)
        %dma_wait3A_651 = arith.constant 2 : i32
        %dma_wait3A_652 = arith.constant 256 : i32
        %dma_wait3A_653 = tpu.memref_slice %arg21[%dma_wait3A_652] : memref<2048xf32, #tpu.memory_space<vmem>> -> memref<128xf32, #tpu.memory_space<vmem>>
        %dma_wait3A_654 = arith.constant 0 : i32
        %dma_wait3A_655 = tpu.memref_slice %arg18[%dma_wait3A_651, %dma_wait3A_654] : memref<16x128xi32, #tpu.memory_space<vmem>> -> memref<1x128xi32, #tpu.memory_space<vmem>>
        %dma_wait3A_656 = tpu.memref_squeeze %dma_wait3A_655 : memref<1x128xi32, #tpu.memory_space<vmem>> -> memref<128xi32, #tpu.memory_space<vmem>>
        %dma_wait3A_657 = arith.constant 0 : i32
        %dma_wait3A_658 = tpu.memref_slice %arg9[%dma_wait3A_657] : memref<100096xf32, #tpu.memory_space<vmem_shared>> -> memref<100096xf32, #tpu.memory_space<vmem_shared>>
        tpu.wait_indirect_dma semaphore(%arg26 : memref<!tpu.dma_semaphore, #tpu.memory_space<semaphore_mem>>) src(%dma_wait3A_658 : memref<100096xf32, #tpu.memory_space<vmem_shared>>) dst(%dma_wait3A_653 : memref<128xf32, #tpu.memory_space<vmem>>)
        %dma_wait3A_659 = arith.constant 2 : i32
        %dma_wait3A_660 = arith.constant 256 : i32
        %dma_wait3A_661 = tpu.memref_slice %arg22[%dma_wait3A_660] : memref<2048xf32, #tpu.memory_space<vmem>> -> memref<128xf32, #tpu.memory_space<vmem>>
        %dma_wait3A_662 = arith.constant 0 : i32
        %dma_wait3A_663 = tpu.memref_slice %arg18[%dma_wait3A_659, %dma_wait3A_662] : memref<16x128xi32, #tpu.memory_space<vmem>> -> memref<1x128xi32, #tpu.memory_space<vmem>>
        %dma_wait3A_664 = tpu.memref_squeeze %dma_wait3A_663 : memref<1x128xi32, #tpu.memory_space<vmem>> -> memref<128xi32, #tpu.memory_space<vmem>>
        %dma_wait3A_665 = arith.constant 0 : i32
        %dma_wait3A_666 = tpu.memref_slice %arg10[%dma_wait3A_665] : memref<100096xf32, #tpu.memory_space<vmem_shared>> -> memref<100096xf32, #tpu.memory_space<vmem_shared>>
        tpu.wait_indirect_dma semaphore(%arg26 : memref<!tpu.dma_semaphore, #tpu.memory_space<semaphore_mem>>) src(%dma_wait3A_666 : memref<100096xf32, #tpu.memory_space<vmem_shared>>) dst(%dma_wait3A_661 : memref<128xf32, #tpu.memory_space<vmem>>)
        %dma_wait3A_667 = arith.constant 2 : i32
        %dma_wait3A_668 = arith.constant 256 : i32
        %dma_wait3A_669 = tpu.memref_slice %arg23[%dma_wait3A_668] : memref<2048xf32, #tpu.memory_space<vmem>> -> memref<128xf32, #tpu.memory_space<vmem>>
        %dma_wait3A_670 = arith.constant 0 : i32
        %dma_wait3A_671 = tpu.memref_slice %arg18[%dma_wait3A_667, %dma_wait3A_670] : memref<16x128xi32, #tpu.memory_space<vmem>> -> memref<1x128xi32, #tpu.memory_space<vmem>>
        %dma_wait3A_672 = tpu.memref_squeeze %dma_wait3A_671 : memref<1x128xi32, #tpu.memory_space<vmem>> -> memref<128xi32, #tpu.memory_space<vmem>>
        %dma_wait3A_673 = arith.constant 0 : i32
        %dma_wait3A_674 = tpu.memref_slice %arg11[%dma_wait3A_673] : memref<100096xf32, #tpu.memory_space<vmem_shared>> -> memref<100096xf32, #tpu.memory_space<vmem_shared>>
        tpu.wait_indirect_dma semaphore(%arg26 : memref<!tpu.dma_semaphore, #tpu.memory_space<semaphore_mem>>) src(%dma_wait3A_674 : memref<100096xf32, #tpu.memory_space<vmem_shared>>) dst(%dma_wait3A_669 : memref<128xf32, #tpu.memory_space<vmem>>)
        %dma_wait3A_675 = arith.constant 2 : i32
        %dma_wait3A_676 = arith.constant 256 : i32
        %dma_wait3A_677 = tpu.memref_slice %arg24[%dma_wait3A_676] : memref<2048xf32, #tpu.memory_space<vmem>> -> memref<128xf32, #tpu.memory_space<vmem>>
        %dma_wait3A_678 = arith.constant 0 : i32
        %dma_wait3A_679 = tpu.memref_slice %arg18[%dma_wait3A_675, %dma_wait3A_678] : memref<16x128xi32, #tpu.memory_space<vmem>> -> memref<1x128xi32, #tpu.memory_space<vmem>>
        %dma_wait3A_680 = tpu.memref_squeeze %dma_wait3A_679 : memref<1x128xi32, #tpu.memory_space<vmem>> -> memref<128xi32, #tpu.memory_space<vmem>>
        %dma_wait3A_681 = arith.constant 0 : i32
        %dma_wait3A_682 = tpu.memref_slice %arg12[%dma_wait3A_681] : memref<100096xf32, #tpu.memory_space<vmem_shared>> -> memref<100096xf32, #tpu.memory_space<vmem_shared>>
        tpu.wait_indirect_dma semaphore(%arg26 : memref<!tpu.dma_semaphore, #tpu.memory_space<semaphore_mem>>) src(%dma_wait3A_682 : memref<100096xf32, #tpu.memory_space<vmem_shared>>) dst(%dma_wait3A_677 : memref<128xf32, #tpu.memory_space<vmem>>)
        %dma_wait3A_683 = arith.constant 3 : i32
        %dma_wait3A_684 = arith.constant 384 : i32
        %dma_wait3A_685 = tpu.memref_slice %arg21[%dma_wait3A_684] : memref<2048xf32, #tpu.memory_space<vmem>> -> memref<128xf32, #tpu.memory_space<vmem>>
        %dma_wait3A_686 = arith.constant 0 : i32
        %dma_wait3A_687 = tpu.memref_slice %arg18[%dma_wait3A_683, %dma_wait3A_686] : memref<16x128xi32, #tpu.memory_space<vmem>> -> memref<1x128xi32, #tpu.memory_space<vmem>>
        %dma_wait3A_688 = tpu.memref_squeeze %dma_wait3A_687 : memref<1x128xi32, #tpu.memory_space<vmem>> -> memref<128xi32, #tpu.memory_space<vmem>>
        %dma_wait3A_689 = arith.constant 0 : i32
        %dma_wait3A_690 = tpu.memref_slice %arg9[%dma_wait3A_689] : memref<100096xf32, #tpu.memory_space<vmem_shared>> -> memref<100096xf32, #tpu.memory_space<vmem_shared>>
        tpu.wait_indirect_dma semaphore(%arg26 : memref<!tpu.dma_semaphore, #tpu.memory_space<semaphore_mem>>) src(%dma_wait3A_690 : memref<100096xf32, #tpu.memory_space<vmem_shared>>) dst(%dma_wait3A_685 : memref<128xf32, #tpu.memory_space<vmem>>)
        %dma_wait3A_691 = arith.constant 3 : i32
        %dma_wait3A_692 = arith.constant 384 : i32
        %dma_wait3A_693 = tpu.memref_slice %arg22[%dma_wait3A_692] : memref<2048xf32, #tpu.memory_space<vmem>> -> memref<128xf32, #tpu.memory_space<vmem>>
        %dma_wait3A_694 = arith.constant 0 : i32
        %dma_wait3A_695 = tpu.memref_slice %arg18[%dma_wait3A_691, %dma_wait3A_694] : memref<16x128xi32, #tpu.memory_space<vmem>> -> memref<1x128xi32, #tpu.memory_space<vmem>>
        %dma_wait3A_696 = tpu.memref_squeeze %dma_wait3A_695 : memref<1x128xi32, #tpu.memory_space<vmem>> -> memref<128xi32, #tpu.memory_space<vmem>>
        %dma_wait3A_697 = arith.constant 0 : i32
        %dma_wait3A_698 = tpu.memref_slice %arg10[%dma_wait3A_697] : memref<100096xf32, #tpu.memory_space<vmem_shared>> -> memref<100096xf32, #tpu.memory_space<vmem_shared>>
        tpu.wait_indirect_dma semaphore(%arg26 : memref<!tpu.dma_semaphore, #tpu.memory_space<semaphore_mem>>) src(%dma_wait3A_698 : memref<100096xf32, #tpu.memory_space<vmem_shared>>) dst(%dma_wait3A_693 : memref<128xf32, #tpu.memory_space<vmem>>)
        %dma_wait3A_699 = arith.constant 3 : i32
        %dma_wait3A_700 = arith.constant 384 : i32
        %dma_wait3A_701 = tpu.memref_slice %arg23[%dma_wait3A_700] : memref<2048xf32, #tpu.memory_space<vmem>> -> memref<128xf32, #tpu.memory_space<vmem>>
        %dma_wait3A_702 = arith.constant 0 : i32
        %dma_wait3A_703 = tpu.memref_slice %arg18[%dma_wait3A_699, %dma_wait3A_702] : memref<16x128xi32, #tpu.memory_space<vmem>> -> memref<1x128xi32, #tpu.memory_space<vmem>>
        %dma_wait3A_704 = tpu.memref_squeeze %dma_wait3A_703 : memref<1x128xi32, #tpu.memory_space<vmem>> -> memref<128xi32, #tpu.memory_space<vmem>>
        %dma_wait3A_705 = arith.constant 0 : i32
        %dma_wait3A_706 = tpu.memref_slice %arg11[%dma_wait3A_705] : memref<100096xf32, #tpu.memory_space<vmem_shared>> -> memref<100096xf32, #tpu.memory_space<vmem_shared>>
        tpu.wait_indirect_dma semaphore(%arg26 : memref<!tpu.dma_semaphore, #tpu.memory_space<semaphore_mem>>) src(%dma_wait3A_706 : memref<100096xf32, #tpu.memory_space<vmem_shared>>) dst(%dma_wait3A_701 : memref<128xf32, #tpu.memory_space<vmem>>)
        %dma_wait3A_707 = arith.constant 3 : i32
        %dma_wait3A_708 = arith.constant 384 : i32
        %dma_wait3A_709 = tpu.memref_slice %arg24[%dma_wait3A_708] : memref<2048xf32, #tpu.memory_space<vmem>> -> memref<128xf32, #tpu.memory_space<vmem>>
        %dma_wait3A_710 = arith.constant 0 : i32
        %dma_wait3A_711 = tpu.memref_slice %arg18[%dma_wait3A_707, %dma_wait3A_710] : memref<16x128xi32, #tpu.memory_space<vmem>> -> memref<1x128xi32, #tpu.memory_space<vmem>>
        %dma_wait3A_712 = tpu.memref_squeeze %dma_wait3A_711 : memref<1x128xi32, #tpu.memory_space<vmem>> -> memref<128xi32, #tpu.memory_space<vmem>>
        %dma_wait3A_713 = arith.constant 0 : i32
        %dma_wait3A_714 = tpu.memref_slice %arg12[%dma_wait3A_713] : memref<100096xf32, #tpu.memory_space<vmem_shared>> -> memref<100096xf32, #tpu.memory_space<vmem_shared>>
        tpu.wait_indirect_dma semaphore(%arg26 : memref<!tpu.dma_semaphore, #tpu.memory_space<semaphore_mem>>) src(%dma_wait3A_714 : memref<100096xf32, #tpu.memory_space<vmem_shared>>) dst(%dma_wait3A_709 : memref<128xf32, #tpu.memory_space<vmem>>)
        %dma_wait3A_715 = arith.constant 4 : i32
        %dma_wait3A_716 = arith.constant 512 : i32
        %dma_wait3A_717 = tpu.memref_slice %arg21[%dma_wait3A_716] : memref<2048xf32, #tpu.memory_space<vmem>> -> memref<128xf32, #tpu.memory_space<vmem>>
        %dma_wait3A_718 = arith.constant 0 : i32
        %dma_wait3A_719 = tpu.memref_slice %arg18[%dma_wait3A_715, %dma_wait3A_718] : memref<16x128xi32, #tpu.memory_space<vmem>> -> memref<1x128xi32, #tpu.memory_space<vmem>>
        %dma_wait3A_720 = tpu.memref_squeeze %dma_wait3A_719 : memref<1x128xi32, #tpu.memory_space<vmem>> -> memref<128xi32, #tpu.memory_space<vmem>>
        %dma_wait3A_721 = arith.constant 0 : i32
        %dma_wait3A_722 = tpu.memref_slice %arg9[%dma_wait3A_721] : memref<100096xf32, #tpu.memory_space<vmem_shared>> -> memref<100096xf32, #tpu.memory_space<vmem_shared>>
        tpu.wait_indirect_dma semaphore(%arg26 : memref<!tpu.dma_semaphore, #tpu.memory_space<semaphore_mem>>) src(%dma_wait3A_722 : memref<100096xf32, #tpu.memory_space<vmem_shared>>) dst(%dma_wait3A_717 : memref<128xf32, #tpu.memory_space<vmem>>)
        %dma_wait3A_723 = arith.constant 4 : i32
        %dma_wait3A_724 = arith.constant 512 : i32
        %dma_wait3A_725 = tpu.memref_slice %arg22[%dma_wait3A_724] : memref<2048xf32, #tpu.memory_space<vmem>> -> memref<128xf32, #tpu.memory_space<vmem>>
        %dma_wait3A_726 = arith.constant 0 : i32
        %dma_wait3A_727 = tpu.memref_slice %arg18[%dma_wait3A_723, %dma_wait3A_726] : memref<16x128xi32, #tpu.memory_space<vmem>> -> memref<1x128xi32, #tpu.memory_space<vmem>>
        %dma_wait3A_728 = tpu.memref_squeeze %dma_wait3A_727 : memref<1x128xi32, #tpu.memory_space<vmem>> -> memref<128xi32, #tpu.memory_space<vmem>>
        %dma_wait3A_729 = arith.constant 0 : i32
        %dma_wait3A_730 = tpu.memref_slice %arg10[%dma_wait3A_729] : memref<100096xf32, #tpu.memory_space<vmem_shared>> -> memref<100096xf32, #tpu.memory_space<vmem_shared>>
        tpu.wait_indirect_dma semaphore(%arg26 : memref<!tpu.dma_semaphore, #tpu.memory_space<semaphore_mem>>) src(%dma_wait3A_730 : memref<100096xf32, #tpu.memory_space<vmem_shared>>) dst(%dma_wait3A_725 : memref<128xf32, #tpu.memory_space<vmem>>)
        %dma_wait3A_731 = arith.constant 4 : i32
        %dma_wait3A_732 = arith.constant 512 : i32
        %dma_wait3A_733 = tpu.memref_slice %arg23[%dma_wait3A_732] : memref<2048xf32, #tpu.memory_space<vmem>> -> memref<128xf32, #tpu.memory_space<vmem>>
        %dma_wait3A_734 = arith.constant 0 : i32
        %dma_wait3A_735 = tpu.memref_slice %arg18[%dma_wait3A_731, %dma_wait3A_734] : memref<16x128xi32, #tpu.memory_space<vmem>> -> memref<1x128xi32, #tpu.memory_space<vmem>>
        %dma_wait3A_736 = tpu.memref_squeeze %dma_wait3A_735 : memref<1x128xi32, #tpu.memory_space<vmem>> -> memref<128xi32, #tpu.memory_space<vmem>>
        %dma_wait3A_737 = arith.constant 0 : i32
        %dma_wait3A_738 = tpu.memref_slice %arg11[%dma_wait3A_737] : memref<100096xf32, #tpu.memory_space<vmem_shared>> -> memref<100096xf32, #tpu.memory_space<vmem_shared>>
        tpu.wait_indirect_dma semaphore(%arg26 : memref<!tpu.dma_semaphore, #tpu.memory_space<semaphore_mem>>) src(%dma_wait3A_738 : memref<100096xf32, #tpu.memory_space<vmem_shared>>) dst(%dma_wait3A_733 : memref<128xf32, #tpu.memory_space<vmem>>)
        %dma_wait3A_739 = arith.constant 4 : i32
        %dma_wait3A_740 = arith.constant 512 : i32
        %dma_wait3A_741 = tpu.memref_slice %arg24[%dma_wait3A_740] : memref<2048xf32, #tpu.memory_space<vmem>> -> memref<128xf32, #tpu.memory_space<vmem>>
        %dma_wait3A_742 = arith.constant 0 : i32
        %dma_wait3A_743 = tpu.memref_slice %arg18[%dma_wait3A_739, %dma_wait3A_742] : memref<16x128xi32, #tpu.memory_space<vmem>> -> memref<1x128xi32, #tpu.memory_space<vmem>>
        %dma_wait3A_744 = tpu.memref_squeeze %dma_wait3A_743 : memref<1x128xi32, #tpu.memory_space<vmem>> -> memref<128xi32, #tpu.memory_space<vmem>>
        %dma_wait3A_745 = arith.constant 0 : i32
        %dma_wait3A_746 = tpu.memref_slice %arg12[%dma_wait3A_745] : memref<100096xf32, #tpu.memory_space<vmem_shared>> -> memref<100096xf32, #tpu.memory_space<vmem_shared>>
        tpu.wait_indirect_dma semaphore(%arg26 : memref<!tpu.dma_semaphore, #tpu.memory_space<semaphore_mem>>) src(%dma_wait3A_746 : memref<100096xf32, #tpu.memory_space<vmem_shared>>) dst(%dma_wait3A_741 : memref<128xf32, #tpu.memory_space<vmem>>)
        %dma_wait3A_747 = arith.constant 5 : i32
        %dma_wait3A_748 = arith.constant 640 : i32
        %dma_wait3A_749 = tpu.memref_slice %arg21[%dma_wait3A_748] : memref<2048xf32, #tpu.memory_space<vmem>> -> memref<128xf32, #tpu.memory_space<vmem>>
        %dma_wait3A_750 = arith.constant 0 : i32
        %dma_wait3A_751 = tpu.memref_slice %arg18[%dma_wait3A_747, %dma_wait3A_750] : memref<16x128xi32, #tpu.memory_space<vmem>> -> memref<1x128xi32, #tpu.memory_space<vmem>>
        %dma_wait3A_752 = tpu.memref_squeeze %dma_wait3A_751 : memref<1x128xi32, #tpu.memory_space<vmem>> -> memref<128xi32, #tpu.memory_space<vmem>>
        %dma_wait3A_753 = arith.constant 0 : i32
        %dma_wait3A_754 = tpu.memref_slice %arg9[%dma_wait3A_753] : memref<100096xf32, #tpu.memory_space<vmem_shared>> -> memref<100096xf32, #tpu.memory_space<vmem_shared>>
        tpu.wait_indirect_dma semaphore(%arg26 : memref<!tpu.dma_semaphore, #tpu.memory_space<semaphore_mem>>) src(%dma_wait3A_754 : memref<100096xf32, #tpu.memory_space<vmem_shared>>) dst(%dma_wait3A_749 : memref<128xf32, #tpu.memory_space<vmem>>)
        %dma_wait3A_755 = arith.constant 5 : i32
        %dma_wait3A_756 = arith.constant 640 : i32
        %dma_wait3A_757 = tpu.memref_slice %arg22[%dma_wait3A_756] : memref<2048xf32, #tpu.memory_space<vmem>> -> memref<128xf32, #tpu.memory_space<vmem>>
        %dma_wait3A_758 = arith.constant 0 : i32
        %dma_wait3A_759 = tpu.memref_slice %arg18[%dma_wait3A_755, %dma_wait3A_758] : memref<16x128xi32, #tpu.memory_space<vmem>> -> memref<1x128xi32, #tpu.memory_space<vmem>>
        %dma_wait3A_760 = tpu.memref_squeeze %dma_wait3A_759 : memref<1x128xi32, #tpu.memory_space<vmem>> -> memref<128xi32, #tpu.memory_space<vmem>>
        %dma_wait3A_761 = arith.constant 0 : i32
        %dma_wait3A_762 = tpu.memref_slice %arg10[%dma_wait3A_761] : memref<100096xf32, #tpu.memory_space<vmem_shared>> -> memref<100096xf32, #tpu.memory_space<vmem_shared>>
        tpu.wait_indirect_dma semaphore(%arg26 : memref<!tpu.dma_semaphore, #tpu.memory_space<semaphore_mem>>) src(%dma_wait3A_762 : memref<100096xf32, #tpu.memory_space<vmem_shared>>) dst(%dma_wait3A_757 : memref<128xf32, #tpu.memory_space<vmem>>)
        %dma_wait3A_763 = arith.constant 5 : i32
        %dma_wait3A_764 = arith.constant 640 : i32
        %dma_wait3A_765 = tpu.memref_slice %arg23[%dma_wait3A_764] : memref<2048xf32, #tpu.memory_space<vmem>> -> memref<128xf32, #tpu.memory_space<vmem>>
        %dma_wait3A_766 = arith.constant 0 : i32
        %dma_wait3A_767 = tpu.memref_slice %arg18[%dma_wait3A_763, %dma_wait3A_766] : memref<16x128xi32, #tpu.memory_space<vmem>> -> memref<1x128xi32, #tpu.memory_space<vmem>>
        %dma_wait3A_768 = tpu.memref_squeeze %dma_wait3A_767 : memref<1x128xi32, #tpu.memory_space<vmem>> -> memref<128xi32, #tpu.memory_space<vmem>>
        %dma_wait3A_769 = arith.constant 0 : i32
        %dma_wait3A_770 = tpu.memref_slice %arg11[%dma_wait3A_769] : memref<100096xf32, #tpu.memory_space<vmem_shared>> -> memref<100096xf32, #tpu.memory_space<vmem_shared>>
        tpu.wait_indirect_dma semaphore(%arg26 : memref<!tpu.dma_semaphore, #tpu.memory_space<semaphore_mem>>) src(%dma_wait3A_770 : memref<100096xf32, #tpu.memory_space<vmem_shared>>) dst(%dma_wait3A_765 : memref<128xf32, #tpu.memory_space<vmem>>)
        %dma_wait3A_771 = arith.constant 5 : i32
        %dma_wait3A_772 = arith.constant 640 : i32
        %dma_wait3A_773 = tpu.memref_slice %arg24[%dma_wait3A_772] : memref<2048xf32, #tpu.memory_space<vmem>> -> memref<128xf32, #tpu.memory_space<vmem>>
        %dma_wait3A_774 = arith.constant 0 : i32
        %dma_wait3A_775 = tpu.memref_slice %arg18[%dma_wait3A_771, %dma_wait3A_774] : memref<16x128xi32, #tpu.memory_space<vmem>> -> memref<1x128xi32, #tpu.memory_space<vmem>>
        %dma_wait3A_776 = tpu.memref_squeeze %dma_wait3A_775 : memref<1x128xi32, #tpu.memory_space<vmem>> -> memref<128xi32, #tpu.memory_space<vmem>>
        %dma_wait3A_777 = arith.constant 0 : i32
        %dma_wait3A_778 = tpu.memref_slice %arg12[%dma_wait3A_777] : memref<100096xf32, #tpu.memory_space<vmem_shared>> -> memref<100096xf32, #tpu.memory_space<vmem_shared>>
        tpu.wait_indirect_dma semaphore(%arg26 : memref<!tpu.dma_semaphore, #tpu.memory_space<semaphore_mem>>) src(%dma_wait3A_778 : memref<100096xf32, #tpu.memory_space<vmem_shared>>) dst(%dma_wait3A_773 : memref<128xf32, #tpu.memory_space<vmem>>)
        %dma_wait3A_779 = arith.constant 6 : i32
        %dma_wait3A_780 = arith.constant 768 : i32
        %dma_wait3A_781 = tpu.memref_slice %arg21[%dma_wait3A_780] : memref<2048xf32, #tpu.memory_space<vmem>> -> memref<128xf32, #tpu.memory_space<vmem>>
        %dma_wait3A_782 = arith.constant 0 : i32
        %dma_wait3A_783 = tpu.memref_slice %arg18[%dma_wait3A_779, %dma_wait3A_782] : memref<16x128xi32, #tpu.memory_space<vmem>> -> memref<1x128xi32, #tpu.memory_space<vmem>>
        %dma_wait3A_784 = tpu.memref_squeeze %dma_wait3A_783 : memref<1x128xi32, #tpu.memory_space<vmem>> -> memref<128xi32, #tpu.memory_space<vmem>>
        %dma_wait3A_785 = arith.constant 0 : i32
        %dma_wait3A_786 = tpu.memref_slice %arg9[%dma_wait3A_785] : memref<100096xf32, #tpu.memory_space<vmem_shared>> -> memref<100096xf32, #tpu.memory_space<vmem_shared>>
        tpu.wait_indirect_dma semaphore(%arg26 : memref<!tpu.dma_semaphore, #tpu.memory_space<semaphore_mem>>) src(%dma_wait3A_786 : memref<100096xf32, #tpu.memory_space<vmem_shared>>) dst(%dma_wait3A_781 : memref<128xf32, #tpu.memory_space<vmem>>)
        %dma_wait3A_787 = arith.constant 6 : i32
        %dma_wait3A_788 = arith.constant 768 : i32
        %dma_wait3A_789 = tpu.memref_slice %arg22[%dma_wait3A_788] : memref<2048xf32, #tpu.memory_space<vmem>> -> memref<128xf32, #tpu.memory_space<vmem>>
        %dma_wait3A_790 = arith.constant 0 : i32
        %dma_wait3A_791 = tpu.memref_slice %arg18[%dma_wait3A_787, %dma_wait3A_790] : memref<16x128xi32, #tpu.memory_space<vmem>> -> memref<1x128xi32, #tpu.memory_space<vmem>>
        %dma_wait3A_792 = tpu.memref_squeeze %dma_wait3A_791 : memref<1x128xi32, #tpu.memory_space<vmem>> -> memref<128xi32, #tpu.memory_space<vmem>>
        %dma_wait3A_793 = arith.constant 0 : i32
        %dma_wait3A_794 = tpu.memref_slice %arg10[%dma_wait3A_793] : memref<100096xf32, #tpu.memory_space<vmem_shared>> -> memref<100096xf32, #tpu.memory_space<vmem_shared>>
        tpu.wait_indirect_dma semaphore(%arg26 : memref<!tpu.dma_semaphore, #tpu.memory_space<semaphore_mem>>) src(%dma_wait3A_794 : memref<100096xf32, #tpu.memory_space<vmem_shared>>) dst(%dma_wait3A_789 : memref<128xf32, #tpu.memory_space<vmem>>)
        %dma_wait3A_795 = arith.constant 6 : i32
        %dma_wait3A_796 = arith.constant 768 : i32
        %dma_wait3A_797 = tpu.memref_slice %arg23[%dma_wait3A_796] : memref<2048xf32, #tpu.memory_space<vmem>> -> memref<128xf32, #tpu.memory_space<vmem>>
        %dma_wait3A_798 = arith.constant 0 : i32
        %dma_wait3A_799 = tpu.memref_slice %arg18[%dma_wait3A_795, %dma_wait3A_798] : memref<16x128xi32, #tpu.memory_space<vmem>> -> memref<1x128xi32, #tpu.memory_space<vmem>>
        %dma_wait3A_800 = tpu.memref_squeeze %dma_wait3A_799 : memref<1x128xi32, #tpu.memory_space<vmem>> -> memref<128xi32, #tpu.memory_space<vmem>>
        %dma_wait3A_801 = arith.constant 0 : i32
        %dma_wait3A_802 = tpu.memref_slice %arg11[%dma_wait3A_801] : memref<100096xf32, #tpu.memory_space<vmem_shared>> -> memref<100096xf32, #tpu.memory_space<vmem_shared>>
        tpu.wait_indirect_dma semaphore(%arg26 : memref<!tpu.dma_semaphore, #tpu.memory_space<semaphore_mem>>) src(%dma_wait3A_802 : memref<100096xf32, #tpu.memory_space<vmem_shared>>) dst(%dma_wait3A_797 : memref<128xf32, #tpu.memory_space<vmem>>)
        %dma_wait3A_803 = arith.constant 6 : i32
        %dma_wait3A_804 = arith.constant 768 : i32
        %dma_wait3A_805 = tpu.memref_slice %arg24[%dma_wait3A_804] : memref<2048xf32, #tpu.memory_space<vmem>> -> memref<128xf32, #tpu.memory_space<vmem>>
        %dma_wait3A_806 = arith.constant 0 : i32
        %dma_wait3A_807 = tpu.memref_slice %arg18[%dma_wait3A_803, %dma_wait3A_806] : memref<16x128xi32, #tpu.memory_space<vmem>> -> memref<1x128xi32, #tpu.memory_space<vmem>>
        %dma_wait3A_808 = tpu.memref_squeeze %dma_wait3A_807 : memref<1x128xi32, #tpu.memory_space<vmem>> -> memref<128xi32, #tpu.memory_space<vmem>>
        %dma_wait3A_809 = arith.constant 0 : i32
        %dma_wait3A_810 = tpu.memref_slice %arg12[%dma_wait3A_809] : memref<100096xf32, #tpu.memory_space<vmem_shared>> -> memref<100096xf32, #tpu.memory_space<vmem_shared>>
        tpu.wait_indirect_dma semaphore(%arg26 : memref<!tpu.dma_semaphore, #tpu.memory_space<semaphore_mem>>) src(%dma_wait3A_810 : memref<100096xf32, #tpu.memory_space<vmem_shared>>) dst(%dma_wait3A_805 : memref<128xf32, #tpu.memory_space<vmem>>)
        %dma_wait3A_811 = arith.constant 7 : i32
        %dma_wait3A_812 = arith.constant 896 : i32
        %dma_wait3A_813 = tpu.memref_slice %arg21[%dma_wait3A_812] : memref<2048xf32, #tpu.memory_space<vmem>> -> memref<128xf32, #tpu.memory_space<vmem>>
        %dma_wait3A_814 = arith.constant 0 : i32
        %dma_wait3A_815 = tpu.memref_slice %arg18[%dma_wait3A_811, %dma_wait3A_814] : memref<16x128xi32, #tpu.memory_space<vmem>> -> memref<1x128xi32, #tpu.memory_space<vmem>>
        %dma_wait3A_816 = tpu.memref_squeeze %dma_wait3A_815 : memref<1x128xi32, #tpu.memory_space<vmem>> -> memref<128xi32, #tpu.memory_space<vmem>>
        %dma_wait3A_817 = arith.constant 0 : i32
        %dma_wait3A_818 = tpu.memref_slice %arg9[%dma_wait3A_817] : memref<100096xf32, #tpu.memory_space<vmem_shared>> -> memref<100096xf32, #tpu.memory_space<vmem_shared>>
        tpu.wait_indirect_dma semaphore(%arg26 : memref<!tpu.dma_semaphore, #tpu.memory_space<semaphore_mem>>) src(%dma_wait3A_818 : memref<100096xf32, #tpu.memory_space<vmem_shared>>) dst(%dma_wait3A_813 : memref<128xf32, #tpu.memory_space<vmem>>)
        %dma_wait3A_819 = arith.constant 7 : i32
        %dma_wait3A_820 = arith.constant 896 : i32
        %dma_wait3A_821 = tpu.memref_slice %arg22[%dma_wait3A_820] : memref<2048xf32, #tpu.memory_space<vmem>> -> memref<128xf32, #tpu.memory_space<vmem>>
        %dma_wait3A_822 = arith.constant 0 : i32
        %dma_wait3A_823 = tpu.memref_slice %arg18[%dma_wait3A_819, %dma_wait3A_822] : memref<16x128xi32, #tpu.memory_space<vmem>> -> memref<1x128xi32, #tpu.memory_space<vmem>>
        %dma_wait3A_824 = tpu.memref_squeeze %dma_wait3A_823 : memref<1x128xi32, #tpu.memory_space<vmem>> -> memref<128xi32, #tpu.memory_space<vmem>>
        %dma_wait3A_825 = arith.constant 0 : i32
        %dma_wait3A_826 = tpu.memref_slice %arg10[%dma_wait3A_825] : memref<100096xf32, #tpu.memory_space<vmem_shared>> -> memref<100096xf32, #tpu.memory_space<vmem_shared>>
        tpu.wait_indirect_dma semaphore(%arg26 : memref<!tpu.dma_semaphore, #tpu.memory_space<semaphore_mem>>) src(%dma_wait3A_826 : memref<100096xf32, #tpu.memory_space<vmem_shared>>) dst(%dma_wait3A_821 : memref<128xf32, #tpu.memory_space<vmem>>)
        %dma_wait3A_827 = arith.constant 7 : i32
        %dma_wait3A_828 = arith.constant 896 : i32
        %dma_wait3A_829 = tpu.memref_slice %arg23[%dma_wait3A_828] : memref<2048xf32, #tpu.memory_space<vmem>> -> memref<128xf32, #tpu.memory_space<vmem>>
        %dma_wait3A_830 = arith.constant 0 : i32
        %dma_wait3A_831 = tpu.memref_slice %arg18[%dma_wait3A_827, %dma_wait3A_830] : memref<16x128xi32, #tpu.memory_space<vmem>> -> memref<1x128xi32, #tpu.memory_space<vmem>>
        %dma_wait3A_832 = tpu.memref_squeeze %dma_wait3A_831 : memref<1x128xi32, #tpu.memory_space<vmem>> -> memref<128xi32, #tpu.memory_space<vmem>>
        %dma_wait3A_833 = arith.constant 0 : i32
        %dma_wait3A_834 = tpu.memref_slice %arg11[%dma_wait3A_833] : memref<100096xf32, #tpu.memory_space<vmem_shared>> -> memref<100096xf32, #tpu.memory_space<vmem_shared>>
        tpu.wait_indirect_dma semaphore(%arg26 : memref<!tpu.dma_semaphore, #tpu.memory_space<semaphore_mem>>) src(%dma_wait3A_834 : memref<100096xf32, #tpu.memory_space<vmem_shared>>) dst(%dma_wait3A_829 : memref<128xf32, #tpu.memory_space<vmem>>)
        %dma_wait3A_835 = arith.constant 7 : i32
        %dma_wait3A_836 = arith.constant 896 : i32
        %dma_wait3A_837 = tpu.memref_slice %arg24[%dma_wait3A_836] : memref<2048xf32, #tpu.memory_space<vmem>> -> memref<128xf32, #tpu.memory_space<vmem>>
        %dma_wait3A_838 = arith.constant 0 : i32
        %dma_wait3A_839 = tpu.memref_slice %arg18[%dma_wait3A_835, %dma_wait3A_838] : memref<16x128xi32, #tpu.memory_space<vmem>> -> memref<1x128xi32, #tpu.memory_space<vmem>>
        %dma_wait3A_840 = tpu.memref_squeeze %dma_wait3A_839 : memref<1x128xi32, #tpu.memory_space<vmem>> -> memref<128xi32, #tpu.memory_space<vmem>>
        %dma_wait3A_841 = arith.constant 0 : i32
        %dma_wait3A_842 = tpu.memref_slice %arg12[%dma_wait3A_841] : memref<100096xf32, #tpu.memory_space<vmem_shared>> -> memref<100096xf32, #tpu.memory_space<vmem_shared>>
        tpu.wait_indirect_dma semaphore(%arg26 : memref<!tpu.dma_semaphore, #tpu.memory_space<semaphore_mem>>) src(%dma_wait3A_842 : memref<100096xf32, #tpu.memory_space<vmem_shared>>) dst(%dma_wait3A_837 : memref<128xf32, #tpu.memory_space<vmem>>)
        %dma_wait3A_843 = arith.constant 8 : i32
        %dma_wait3A_844 = arith.constant 1024 : i32
        %dma_wait3A_845 = tpu.memref_slice %arg21[%dma_wait3A_844] : memref<2048xf32, #tpu.memory_space<vmem>> -> memref<128xf32, #tpu.memory_space<vmem>>
        %dma_wait3A_846 = arith.constant 0 : i32
        %dma_wait3A_847 = tpu.memref_slice %arg18[%dma_wait3A_843, %dma_wait3A_846] : memref<16x128xi32, #tpu.memory_space<vmem>> -> memref<1x128xi32, #tpu.memory_space<vmem>>
        %dma_wait3A_848 = tpu.memref_squeeze %dma_wait3A_847 : memref<1x128xi32, #tpu.memory_space<vmem>> -> memref<128xi32, #tpu.memory_space<vmem>>
        %dma_wait3A_849 = arith.constant 0 : i32
        %dma_wait3A_850 = tpu.memref_slice %arg9[%dma_wait3A_849] : memref<100096xf32, #tpu.memory_space<vmem_shared>> -> memref<100096xf32, #tpu.memory_space<vmem_shared>>
        tpu.wait_indirect_dma semaphore(%arg26 : memref<!tpu.dma_semaphore, #tpu.memory_space<semaphore_mem>>) src(%dma_wait3A_850 : memref<100096xf32, #tpu.memory_space<vmem_shared>>) dst(%dma_wait3A_845 : memref<128xf32, #tpu.memory_space<vmem>>)
        %dma_wait3A_851 = arith.constant 8 : i32
        %dma_wait3A_852 = arith.constant 1024 : i32
        %dma_wait3A_853 = tpu.memref_slice %arg22[%dma_wait3A_852] : memref<2048xf32, #tpu.memory_space<vmem>> -> memref<128xf32, #tpu.memory_space<vmem>>
        %dma_wait3A_854 = arith.constant 0 : i32
        %dma_wait3A_855 = tpu.memref_slice %arg18[%dma_wait3A_851, %dma_wait3A_854] : memref<16x128xi32, #tpu.memory_space<vmem>> -> memref<1x128xi32, #tpu.memory_space<vmem>>
        %dma_wait3A_856 = tpu.memref_squeeze %dma_wait3A_855 : memref<1x128xi32, #tpu.memory_space<vmem>> -> memref<128xi32, #tpu.memory_space<vmem>>
        %dma_wait3A_857 = arith.constant 0 : i32
        %dma_wait3A_858 = tpu.memref_slice %arg10[%dma_wait3A_857] : memref<100096xf32, #tpu.memory_space<vmem_shared>> -> memref<100096xf32, #tpu.memory_space<vmem_shared>>
        tpu.wait_indirect_dma semaphore(%arg26 : memref<!tpu.dma_semaphore, #tpu.memory_space<semaphore_mem>>) src(%dma_wait3A_858 : memref<100096xf32, #tpu.memory_space<vmem_shared>>) dst(%dma_wait3A_853 : memref<128xf32, #tpu.memory_space<vmem>>)
        %dma_wait3A_859 = arith.constant 8 : i32
        %dma_wait3A_860 = arith.constant 1024 : i32
        %dma_wait3A_861 = tpu.memref_slice %arg23[%dma_wait3A_860] : memref<2048xf32, #tpu.memory_space<vmem>> -> memref<128xf32, #tpu.memory_space<vmem>>
        %dma_wait3A_862 = arith.constant 0 : i32
        %dma_wait3A_863 = tpu.memref_slice %arg18[%dma_wait3A_859, %dma_wait3A_862] : memref<16x128xi32, #tpu.memory_space<vmem>> -> memref<1x128xi32, #tpu.memory_space<vmem>>
        %dma_wait3A_864 = tpu.memref_squeeze %dma_wait3A_863 : memref<1x128xi32, #tpu.memory_space<vmem>> -> memref<128xi32, #tpu.memory_space<vmem>>
        %dma_wait3A_865 = arith.constant 0 : i32
        %dma_wait3A_866 = tpu.memref_slice %arg11[%dma_wait3A_865] : memref<100096xf32, #tpu.memory_space<vmem_shared>> -> memref<100096xf32, #tpu.memory_space<vmem_shared>>
        tpu.wait_indirect_dma semaphore(%arg26 : memref<!tpu.dma_semaphore, #tpu.memory_space<semaphore_mem>>) src(%dma_wait3A_866 : memref<100096xf32, #tpu.memory_space<vmem_shared>>) dst(%dma_wait3A_861 : memref<128xf32, #tpu.memory_space<vmem>>)
        %dma_wait3A_867 = arith.constant 8 : i32
        %dma_wait3A_868 = arith.constant 1024 : i32
        %dma_wait3A_869 = tpu.memref_slice %arg24[%dma_wait3A_868] : memref<2048xf32, #tpu.memory_space<vmem>> -> memref<128xf32, #tpu.memory_space<vmem>>
        %dma_wait3A_870 = arith.constant 0 : i32
        %dma_wait3A_871 = tpu.memref_slice %arg18[%dma_wait3A_867, %dma_wait3A_870] : memref<16x128xi32, #tpu.memory_space<vmem>> -> memref<1x128xi32, #tpu.memory_space<vmem>>
        %dma_wait3A_872 = tpu.memref_squeeze %dma_wait3A_871 : memref<1x128xi32, #tpu.memory_space<vmem>> -> memref<128xi32, #tpu.memory_space<vmem>>
        %dma_wait3A_873 = arith.constant 0 : i32
        %dma_wait3A_874 = tpu.memref_slice %arg12[%dma_wait3A_873] : memref<100096xf32, #tpu.memory_space<vmem_shared>> -> memref<100096xf32, #tpu.memory_space<vmem_shared>>
        tpu.wait_indirect_dma semaphore(%arg26 : memref<!tpu.dma_semaphore, #tpu.memory_space<semaphore_mem>>) src(%dma_wait3A_874 : memref<100096xf32, #tpu.memory_space<vmem_shared>>) dst(%dma_wait3A_869 : memref<128xf32, #tpu.memory_space<vmem>>)
        %dma_wait3A_875 = arith.constant 9 : i32
        %dma_wait3A_876 = arith.constant 1152 : i32
        %dma_wait3A_877 = tpu.memref_slice %arg21[%dma_wait3A_876] : memref<2048xf32, #tpu.memory_space<vmem>> -> memref<128xf32, #tpu.memory_space<vmem>>
        %dma_wait3A_878 = arith.constant 0 : i32
        %dma_wait3A_879 = tpu.memref_slice %arg18[%dma_wait3A_875, %dma_wait3A_878] : memref<16x128xi32, #tpu.memory_space<vmem>> -> memref<1x128xi32, #tpu.memory_space<vmem>>
        %dma_wait3A_880 = tpu.memref_squeeze %dma_wait3A_879 : memref<1x128xi32, #tpu.memory_space<vmem>> -> memref<128xi32, #tpu.memory_space<vmem>>
        %dma_wait3A_881 = arith.constant 0 : i32
        %dma_wait3A_882 = tpu.memref_slice %arg9[%dma_wait3A_881] : memref<100096xf32, #tpu.memory_space<vmem_shared>> -> memref<100096xf32, #tpu.memory_space<vmem_shared>>
        tpu.wait_indirect_dma semaphore(%arg26 : memref<!tpu.dma_semaphore, #tpu.memory_space<semaphore_mem>>) src(%dma_wait3A_882 : memref<100096xf32, #tpu.memory_space<vmem_shared>>) dst(%dma_wait3A_877 : memref<128xf32, #tpu.memory_space<vmem>>)
        %dma_wait3A_883 = arith.constant 9 : i32
        %dma_wait3A_884 = arith.constant 1152 : i32
        %dma_wait3A_885 = tpu.memref_slice %arg22[%dma_wait3A_884] : memref<2048xf32, #tpu.memory_space<vmem>> -> memref<128xf32, #tpu.memory_space<vmem>>
        %dma_wait3A_886 = arith.constant 0 : i32
        %dma_wait3A_887 = tpu.memref_slice %arg18[%dma_wait3A_883, %dma_wait3A_886] : memref<16x128xi32, #tpu.memory_space<vmem>> -> memref<1x128xi32, #tpu.memory_space<vmem>>
        %dma_wait3A_888 = tpu.memref_squeeze %dma_wait3A_887 : memref<1x128xi32, #tpu.memory_space<vmem>> -> memref<128xi32, #tpu.memory_space<vmem>>
        %dma_wait3A_889 = arith.constant 0 : i32
        %dma_wait3A_890 = tpu.memref_slice %arg10[%dma_wait3A_889] : memref<100096xf32, #tpu.memory_space<vmem_shared>> -> memref<100096xf32, #tpu.memory_space<vmem_shared>>
        tpu.wait_indirect_dma semaphore(%arg26 : memref<!tpu.dma_semaphore, #tpu.memory_space<semaphore_mem>>) src(%dma_wait3A_890 : memref<100096xf32, #tpu.memory_space<vmem_shared>>) dst(%dma_wait3A_885 : memref<128xf32, #tpu.memory_space<vmem>>)
        %dma_wait3A_891 = arith.constant 9 : i32
        %dma_wait3A_892 = arith.constant 1152 : i32
        %dma_wait3A_893 = tpu.memref_slice %arg23[%dma_wait3A_892] : memref<2048xf32, #tpu.memory_space<vmem>> -> memref<128xf32, #tpu.memory_space<vmem>>
        %dma_wait3A_894 = arith.constant 0 : i32
        %dma_wait3A_895 = tpu.memref_slice %arg18[%dma_wait3A_891, %dma_wait3A_894] : memref<16x128xi32, #tpu.memory_space<vmem>> -> memref<1x128xi32, #tpu.memory_space<vmem>>
        %dma_wait3A_896 = tpu.memref_squeeze %dma_wait3A_895 : memref<1x128xi32, #tpu.memory_space<vmem>> -> memref<128xi32, #tpu.memory_space<vmem>>
        %dma_wait3A_897 = arith.constant 0 : i32
        %dma_wait3A_898 = tpu.memref_slice %arg11[%dma_wait3A_897] : memref<100096xf32, #tpu.memory_space<vmem_shared>> -> memref<100096xf32, #tpu.memory_space<vmem_shared>>
        tpu.wait_indirect_dma semaphore(%arg26 : memref<!tpu.dma_semaphore, #tpu.memory_space<semaphore_mem>>) src(%dma_wait3A_898 : memref<100096xf32, #tpu.memory_space<vmem_shared>>) dst(%dma_wait3A_893 : memref<128xf32, #tpu.memory_space<vmem>>)
        %dma_wait3A_899 = arith.constant 9 : i32
        %dma_wait3A_900 = arith.constant 1152 : i32
        %dma_wait3A_901 = tpu.memref_slice %arg24[%dma_wait3A_900] : memref<2048xf32, #tpu.memory_space<vmem>> -> memref<128xf32, #tpu.memory_space<vmem>>
        %dma_wait3A_902 = arith.constant 0 : i32
        %dma_wait3A_903 = tpu.memref_slice %arg18[%dma_wait3A_899, %dma_wait3A_902] : memref<16x128xi32, #tpu.memory_space<vmem>> -> memref<1x128xi32, #tpu.memory_space<vmem>>
        %dma_wait3A_904 = tpu.memref_squeeze %dma_wait3A_903 : memref<1x128xi32, #tpu.memory_space<vmem>> -> memref<128xi32, #tpu.memory_space<vmem>>
        %dma_wait3A_905 = arith.constant 0 : i32
        %dma_wait3A_906 = tpu.memref_slice %arg12[%dma_wait3A_905] : memref<100096xf32, #tpu.memory_space<vmem_shared>> -> memref<100096xf32, #tpu.memory_space<vmem_shared>>
        tpu.wait_indirect_dma semaphore(%arg26 : memref<!tpu.dma_semaphore, #tpu.memory_space<semaphore_mem>>) src(%dma_wait3A_906 : memref<100096xf32, #tpu.memory_space<vmem_shared>>) dst(%dma_wait3A_901 : memref<128xf32, #tpu.memory_space<vmem>>)
        %dma_wait3A_907 = arith.constant 10 : i32
        %dma_wait3A_908 = arith.constant 1280 : i32
        %dma_wait3A_909 = tpu.memref_slice %arg21[%dma_wait3A_908] : memref<2048xf32, #tpu.memory_space<vmem>> -> memref<128xf32, #tpu.memory_space<vmem>>
        %dma_wait3A_910 = arith.constant 0 : i32
        %dma_wait3A_911 = tpu.memref_slice %arg18[%dma_wait3A_907, %dma_wait3A_910] : memref<16x128xi32, #tpu.memory_space<vmem>> -> memref<1x128xi32, #tpu.memory_space<vmem>>
        %dma_wait3A_912 = tpu.memref_squeeze %dma_wait3A_911 : memref<1x128xi32, #tpu.memory_space<vmem>> -> memref<128xi32, #tpu.memory_space<vmem>>
        %dma_wait3A_913 = arith.constant 0 : i32
        %dma_wait3A_914 = tpu.memref_slice %arg9[%dma_wait3A_913] : memref<100096xf32, #tpu.memory_space<vmem_shared>> -> memref<100096xf32, #tpu.memory_space<vmem_shared>>
        tpu.wait_indirect_dma semaphore(%arg26 : memref<!tpu.dma_semaphore, #tpu.memory_space<semaphore_mem>>) src(%dma_wait3A_914 : memref<100096xf32, #tpu.memory_space<vmem_shared>>) dst(%dma_wait3A_909 : memref<128xf32, #tpu.memory_space<vmem>>)
        %dma_wait3A_915 = arith.constant 10 : i32
        %dma_wait3A_916 = arith.constant 1280 : i32
        %dma_wait3A_917 = tpu.memref_slice %arg22[%dma_wait3A_916] : memref<2048xf32, #tpu.memory_space<vmem>> -> memref<128xf32, #tpu.memory_space<vmem>>
        %dma_wait3A_918 = arith.constant 0 : i32
        %dma_wait3A_919 = tpu.memref_slice %arg18[%dma_wait3A_915, %dma_wait3A_918] : memref<16x128xi32, #tpu.memory_space<vmem>> -> memref<1x128xi32, #tpu.memory_space<vmem>>
        %dma_wait3A_920 = tpu.memref_squeeze %dma_wait3A_919 : memref<1x128xi32, #tpu.memory_space<vmem>> -> memref<128xi32, #tpu.memory_space<vmem>>
        %dma_wait3A_921 = arith.constant 0 : i32
        %dma_wait3A_922 = tpu.memref_slice %arg10[%dma_wait3A_921] : memref<100096xf32, #tpu.memory_space<vmem_shared>> -> memref<100096xf32, #tpu.memory_space<vmem_shared>>
        tpu.wait_indirect_dma semaphore(%arg26 : memref<!tpu.dma_semaphore, #tpu.memory_space<semaphore_mem>>) src(%dma_wait3A_922 : memref<100096xf32, #tpu.memory_space<vmem_shared>>) dst(%dma_wait3A_917 : memref<128xf32, #tpu.memory_space<vmem>>)
        %dma_wait3A_923 = arith.constant 10 : i32
        %dma_wait3A_924 = arith.constant 1280 : i32
        %dma_wait3A_925 = tpu.memref_slice %arg23[%dma_wait3A_924] : memref<2048xf32, #tpu.memory_space<vmem>> -> memref<128xf32, #tpu.memory_space<vmem>>
        %dma_wait3A_926 = arith.constant 0 : i32
        %dma_wait3A_927 = tpu.memref_slice %arg18[%dma_wait3A_923, %dma_wait3A_926] : memref<16x128xi32, #tpu.memory_space<vmem>> -> memref<1x128xi32, #tpu.memory_space<vmem>>
        %dma_wait3A_928 = tpu.memref_squeeze %dma_wait3A_927 : memref<1x128xi32, #tpu.memory_space<vmem>> -> memref<128xi32, #tpu.memory_space<vmem>>
        %dma_wait3A_929 = arith.constant 0 : i32
        %dma_wait3A_930 = tpu.memref_slice %arg11[%dma_wait3A_929] : memref<100096xf32, #tpu.memory_space<vmem_shared>> -> memref<100096xf32, #tpu.memory_space<vmem_shared>>
        tpu.wait_indirect_dma semaphore(%arg26 : memref<!tpu.dma_semaphore, #tpu.memory_space<semaphore_mem>>) src(%dma_wait3A_930 : memref<100096xf32, #tpu.memory_space<vmem_shared>>) dst(%dma_wait3A_925 : memref<128xf32, #tpu.memory_space<vmem>>)
        %dma_wait3A_931 = arith.constant 10 : i32
        %dma_wait3A_932 = arith.constant 1280 : i32
        %dma_wait3A_933 = tpu.memref_slice %arg24[%dma_wait3A_932] : memref<2048xf32, #tpu.memory_space<vmem>> -> memref<128xf32, #tpu.memory_space<vmem>>
        %dma_wait3A_934 = arith.constant 0 : i32
        %dma_wait3A_935 = tpu.memref_slice %arg18[%dma_wait3A_931, %dma_wait3A_934] : memref<16x128xi32, #tpu.memory_space<vmem>> -> memref<1x128xi32, #tpu.memory_space<vmem>>
        %dma_wait3A_936 = tpu.memref_squeeze %dma_wait3A_935 : memref<1x128xi32, #tpu.memory_space<vmem>> -> memref<128xi32, #tpu.memory_space<vmem>>
        %dma_wait3A_937 = arith.constant 0 : i32
        %dma_wait3A_938 = tpu.memref_slice %arg12[%dma_wait3A_937] : memref<100096xf32, #tpu.memory_space<vmem_shared>> -> memref<100096xf32, #tpu.memory_space<vmem_shared>>
        tpu.wait_indirect_dma semaphore(%arg26 : memref<!tpu.dma_semaphore, #tpu.memory_space<semaphore_mem>>) src(%dma_wait3A_938 : memref<100096xf32, #tpu.memory_space<vmem_shared>>) dst(%dma_wait3A_933 : memref<128xf32, #tpu.memory_space<vmem>>)
        %dma_wait3A_939 = arith.constant 11 : i32
        %dma_wait3A_940 = arith.constant 1408 : i32
        %dma_wait3A_941 = tpu.memref_slice %arg21[%dma_wait3A_940] : memref<2048xf32, #tpu.memory_space<vmem>> -> memref<128xf32, #tpu.memory_space<vmem>>
        %dma_wait3A_942 = arith.constant 0 : i32
        %dma_wait3A_943 = tpu.memref_slice %arg18[%dma_wait3A_939, %dma_wait3A_942] : memref<16x128xi32, #tpu.memory_space<vmem>> -> memref<1x128xi32, #tpu.memory_space<vmem>>
        %dma_wait3A_944 = tpu.memref_squeeze %dma_wait3A_943 : memref<1x128xi32, #tpu.memory_space<vmem>> -> memref<128xi32, #tpu.memory_space<vmem>>
        %dma_wait3A_945 = arith.constant 0 : i32
        %dma_wait3A_946 = tpu.memref_slice %arg9[%dma_wait3A_945] : memref<100096xf32, #tpu.memory_space<vmem_shared>> -> memref<100096xf32, #tpu.memory_space<vmem_shared>>
        tpu.wait_indirect_dma semaphore(%arg26 : memref<!tpu.dma_semaphore, #tpu.memory_space<semaphore_mem>>) src(%dma_wait3A_946 : memref<100096xf32, #tpu.memory_space<vmem_shared>>) dst(%dma_wait3A_941 : memref<128xf32, #tpu.memory_space<vmem>>)
        %dma_wait3A_947 = arith.constant 11 : i32
        %dma_wait3A_948 = arith.constant 1408 : i32
        %dma_wait3A_949 = tpu.memref_slice %arg22[%dma_wait3A_948] : memref<2048xf32, #tpu.memory_space<vmem>> -> memref<128xf32, #tpu.memory_space<vmem>>
        %dma_wait3A_950 = arith.constant 0 : i32
        %dma_wait3A_951 = tpu.memref_slice %arg18[%dma_wait3A_947, %dma_wait3A_950] : memref<16x128xi32, #tpu.memory_space<vmem>> -> memref<1x128xi32, #tpu.memory_space<vmem>>
        %dma_wait3A_952 = tpu.memref_squeeze %dma_wait3A_951 : memref<1x128xi32, #tpu.memory_space<vmem>> -> memref<128xi32, #tpu.memory_space<vmem>>
        %dma_wait3A_953 = arith.constant 0 : i32
        %dma_wait3A_954 = tpu.memref_slice %arg10[%dma_wait3A_953] : memref<100096xf32, #tpu.memory_space<vmem_shared>> -> memref<100096xf32, #tpu.memory_space<vmem_shared>>
        tpu.wait_indirect_dma semaphore(%arg26 : memref<!tpu.dma_semaphore, #tpu.memory_space<semaphore_mem>>) src(%dma_wait3A_954 : memref<100096xf32, #tpu.memory_space<vmem_shared>>) dst(%dma_wait3A_949 : memref<128xf32, #tpu.memory_space<vmem>>)
        %dma_wait3A_955 = arith.constant 11 : i32
        %dma_wait3A_956 = arith.constant 1408 : i32
        %dma_wait3A_957 = tpu.memref_slice %arg23[%dma_wait3A_956] : memref<2048xf32, #tpu.memory_space<vmem>> -> memref<128xf32, #tpu.memory_space<vmem>>
        %dma_wait3A_958 = arith.constant 0 : i32
        %dma_wait3A_959 = tpu.memref_slice %arg18[%dma_wait3A_955, %dma_wait3A_958] : memref<16x128xi32, #tpu.memory_space<vmem>> -> memref<1x128xi32, #tpu.memory_space<vmem>>
        %dma_wait3A_960 = tpu.memref_squeeze %dma_wait3A_959 : memref<1x128xi32, #tpu.memory_space<vmem>> -> memref<128xi32, #tpu.memory_space<vmem>>
        %dma_wait3A_961 = arith.constant 0 : i32
        %dma_wait3A_962 = tpu.memref_slice %arg11[%dma_wait3A_961] : memref<100096xf32, #tpu.memory_space<vmem_shared>> -> memref<100096xf32, #tpu.memory_space<vmem_shared>>
        tpu.wait_indirect_dma semaphore(%arg26 : memref<!tpu.dma_semaphore, #tpu.memory_space<semaphore_mem>>) src(%dma_wait3A_962 : memref<100096xf32, #tpu.memory_space<vmem_shared>>) dst(%dma_wait3A_957 : memref<128xf32, #tpu.memory_space<vmem>>)
        %dma_wait3A_963 = arith.constant 11 : i32
        %dma_wait3A_964 = arith.constant 1408 : i32
        %dma_wait3A_965 = tpu.memref_slice %arg24[%dma_wait3A_964] : memref<2048xf32, #tpu.memory_space<vmem>> -> memref<128xf32, #tpu.memory_space<vmem>>
        %dma_wait3A_966 = arith.constant 0 : i32
        %dma_wait3A_967 = tpu.memref_slice %arg18[%dma_wait3A_963, %dma_wait3A_966] : memref<16x128xi32, #tpu.memory_space<vmem>> -> memref<1x128xi32, #tpu.memory_space<vmem>>
        %dma_wait3A_968 = tpu.memref_squeeze %dma_wait3A_967 : memref<1x128xi32, #tpu.memory_space<vmem>> -> memref<128xi32, #tpu.memory_space<vmem>>
        %dma_wait3A_969 = arith.constant 0 : i32
        %dma_wait3A_970 = tpu.memref_slice %arg12[%dma_wait3A_969] : memref<100096xf32, #tpu.memory_space<vmem_shared>> -> memref<100096xf32, #tpu.memory_space<vmem_shared>>
        tpu.wait_indirect_dma semaphore(%arg26 : memref<!tpu.dma_semaphore, #tpu.memory_space<semaphore_mem>>) src(%dma_wait3A_970 : memref<100096xf32, #tpu.memory_space<vmem_shared>>) dst(%dma_wait3A_965 : memref<128xf32, #tpu.memory_space<vmem>>)
        %dma_wait3A_971 = arith.constant 12 : i32
        %dma_wait3A_972 = arith.constant 1536 : i32
        %dma_wait3A_973 = tpu.memref_slice %arg21[%dma_wait3A_972] : memref<2048xf32, #tpu.memory_space<vmem>> -> memref<128xf32, #tpu.memory_space<vmem>>
        %dma_wait3A_974 = arith.constant 0 : i32
        %dma_wait3A_975 = tpu.memref_slice %arg18[%dma_wait3A_971, %dma_wait3A_974] : memref<16x128xi32, #tpu.memory_space<vmem>> -> memref<1x128xi32, #tpu.memory_space<vmem>>
        %dma_wait3A_976 = tpu.memref_squeeze %dma_wait3A_975 : memref<1x128xi32, #tpu.memory_space<vmem>> -> memref<128xi32, #tpu.memory_space<vmem>>
        %dma_wait3A_977 = arith.constant 0 : i32
        %dma_wait3A_978 = tpu.memref_slice %arg9[%dma_wait3A_977] : memref<100096xf32, #tpu.memory_space<vmem_shared>> -> memref<100096xf32, #tpu.memory_space<vmem_shared>>
        tpu.wait_indirect_dma semaphore(%arg26 : memref<!tpu.dma_semaphore, #tpu.memory_space<semaphore_mem>>) src(%dma_wait3A_978 : memref<100096xf32, #tpu.memory_space<vmem_shared>>) dst(%dma_wait3A_973 : memref<128xf32, #tpu.memory_space<vmem>>)
        %dma_wait3A_979 = arith.constant 12 : i32
        %dma_wait3A_980 = arith.constant 1536 : i32
        %dma_wait3A_981 = tpu.memref_slice %arg22[%dma_wait3A_980] : memref<2048xf32, #tpu.memory_space<vmem>> -> memref<128xf32, #tpu.memory_space<vmem>>
        %dma_wait3A_982 = arith.constant 0 : i32
        %dma_wait3A_983 = tpu.memref_slice %arg18[%dma_wait3A_979, %dma_wait3A_982] : memref<16x128xi32, #tpu.memory_space<vmem>> -> memref<1x128xi32, #tpu.memory_space<vmem>>
        %dma_wait3A_984 = tpu.memref_squeeze %dma_wait3A_983 : memref<1x128xi32, #tpu.memory_space<vmem>> -> memref<128xi32, #tpu.memory_space<vmem>>
        %dma_wait3A_985 = arith.constant 0 : i32
        %dma_wait3A_986 = tpu.memref_slice %arg10[%dma_wait3A_985] : memref<100096xf32, #tpu.memory_space<vmem_shared>> -> memref<100096xf32, #tpu.memory_space<vmem_shared>>
        tpu.wait_indirect_dma semaphore(%arg26 : memref<!tpu.dma_semaphore, #tpu.memory_space<semaphore_mem>>) src(%dma_wait3A_986 : memref<100096xf32, #tpu.memory_space<vmem_shared>>) dst(%dma_wait3A_981 : memref<128xf32, #tpu.memory_space<vmem>>)
        %dma_wait3A_987 = arith.constant 12 : i32
        %dma_wait3A_988 = arith.constant 1536 : i32
        %dma_wait3A_989 = tpu.memref_slice %arg23[%dma_wait3A_988] : memref<2048xf32, #tpu.memory_space<vmem>> -> memref<128xf32, #tpu.memory_space<vmem>>
        %dma_wait3A_990 = arith.constant 0 : i32
        %dma_wait3A_991 = tpu.memref_slice %arg18[%dma_wait3A_987, %dma_wait3A_990] : memref<16x128xi32, #tpu.memory_space<vmem>> -> memref<1x128xi32, #tpu.memory_space<vmem>>
        %dma_wait3A_992 = tpu.memref_squeeze %dma_wait3A_991 : memref<1x128xi32, #tpu.memory_space<vmem>> -> memref<128xi32, #tpu.memory_space<vmem>>
        %dma_wait3A_993 = arith.constant 0 : i32
        %dma_wait3A_994 = tpu.memref_slice %arg11[%dma_wait3A_993] : memref<100096xf32, #tpu.memory_space<vmem_shared>> -> memref<100096xf32, #tpu.memory_space<vmem_shared>>
        tpu.wait_indirect_dma semaphore(%arg26 : memref<!tpu.dma_semaphore, #tpu.memory_space<semaphore_mem>>) src(%dma_wait3A_994 : memref<100096xf32, #tpu.memory_space<vmem_shared>>) dst(%dma_wait3A_989 : memref<128xf32, #tpu.memory_space<vmem>>)
        %dma_wait3A_995 = arith.constant 12 : i32
        %dma_wait3A_996 = arith.constant 1536 : i32
        %dma_wait3A_997 = tpu.memref_slice %arg24[%dma_wait3A_996] : memref<2048xf32, #tpu.memory_space<vmem>> -> memref<128xf32, #tpu.memory_space<vmem>>
        %dma_wait3A_998 = arith.constant 0 : i32
        %dma_wait3A_999 = tpu.memref_slice %arg18[%dma_wait3A_995, %dma_wait3A_998] : memref<16x128xi32, #tpu.memory_space<vmem>> -> memref<1x128xi32, #tpu.memory_space<vmem>>
        %dma_wait3A_1000 = tpu.memref_squeeze %dma_wait3A_999 : memref<1x128xi32, #tpu.memory_space<vmem>> -> memref<128xi32, #tpu.memory_space<vmem>>
        %dma_wait3A_1001 = arith.constant 0 : i32
        %dma_wait3A_1002 = tpu.memref_slice %arg12[%dma_wait3A_1001] : memref<100096xf32, #tpu.memory_space<vmem_shared>> -> memref<100096xf32, #tpu.memory_space<vmem_shared>>
        tpu.wait_indirect_dma semaphore(%arg26 : memref<!tpu.dma_semaphore, #tpu.memory_space<semaphore_mem>>) src(%dma_wait3A_1002 : memref<100096xf32, #tpu.memory_space<vmem_shared>>) dst(%dma_wait3A_997 : memref<128xf32, #tpu.memory_space<vmem>>)
        %dma_wait3A_1003 = arith.constant 13 : i32
        %dma_wait3A_1004 = arith.constant 1664 : i32
        %dma_wait3A_1005 = tpu.memref_slice %arg21[%dma_wait3A_1004] : memref<2048xf32, #tpu.memory_space<vmem>> -> memref<128xf32, #tpu.memory_space<vmem>>
        %dma_wait3A_1006 = arith.constant 0 : i32
        %dma_wait3A_1007 = tpu.memref_slice %arg18[%dma_wait3A_1003, %dma_wait3A_1006] : memref<16x128xi32, #tpu.memory_space<vmem>> -> memref<1x128xi32, #tpu.memory_space<vmem>>
        %dma_wait3A_1008 = tpu.memref_squeeze %dma_wait3A_1007 : memref<1x128xi32, #tpu.memory_space<vmem>> -> memref<128xi32, #tpu.memory_space<vmem>>
        %dma_wait3A_1009 = arith.constant 0 : i32
        %dma_wait3A_1010 = tpu.memref_slice %arg9[%dma_wait3A_1009] : memref<100096xf32, #tpu.memory_space<vmem_shared>> -> memref<100096xf32, #tpu.memory_space<vmem_shared>>
        tpu.wait_indirect_dma semaphore(%arg26 : memref<!tpu.dma_semaphore, #tpu.memory_space<semaphore_mem>>) src(%dma_wait3A_1010 : memref<100096xf32, #tpu.memory_space<vmem_shared>>) dst(%dma_wait3A_1005 : memref<128xf32, #tpu.memory_space<vmem>>)
        %dma_wait3A_1011 = arith.constant 13 : i32
        %dma_wait3A_1012 = arith.constant 1664 : i32
        %dma_wait3A_1013 = tpu.memref_slice %arg22[%dma_wait3A_1012] : memref<2048xf32, #tpu.memory_space<vmem>> -> memref<128xf32, #tpu.memory_space<vmem>>
        %dma_wait3A_1014 = arith.constant 0 : i32
        %dma_wait3A_1015 = tpu.memref_slice %arg18[%dma_wait3A_1011, %dma_wait3A_1014] : memref<16x128xi32, #tpu.memory_space<vmem>> -> memref<1x128xi32, #tpu.memory_space<vmem>>
        %dma_wait3A_1016 = tpu.memref_squeeze %dma_wait3A_1015 : memref<1x128xi32, #tpu.memory_space<vmem>> -> memref<128xi32, #tpu.memory_space<vmem>>
        %dma_wait3A_1017 = arith.constant 0 : i32
        %dma_wait3A_1018 = tpu.memref_slice %arg10[%dma_wait3A_1017] : memref<100096xf32, #tpu.memory_space<vmem_shared>> -> memref<100096xf32, #tpu.memory_space<vmem_shared>>
        tpu.wait_indirect_dma semaphore(%arg26 : memref<!tpu.dma_semaphore, #tpu.memory_space<semaphore_mem>>) src(%dma_wait3A_1018 : memref<100096xf32, #tpu.memory_space<vmem_shared>>) dst(%dma_wait3A_1013 : memref<128xf32, #tpu.memory_space<vmem>>)
        %dma_wait3A_1019 = arith.constant 13 : i32
        %dma_wait3A_1020 = arith.constant 1664 : i32
        %dma_wait3A_1021 = tpu.memref_slice %arg23[%dma_wait3A_1020] : memref<2048xf32, #tpu.memory_space<vmem>> -> memref<128xf32, #tpu.memory_space<vmem>>
        %dma_wait3A_1022 = arith.constant 0 : i32
        %dma_wait3A_1023 = tpu.memref_slice %arg18[%dma_wait3A_1019, %dma_wait3A_1022] : memref<16x128xi32, #tpu.memory_space<vmem>> -> memref<1x128xi32, #tpu.memory_space<vmem>>
        %dma_wait3A_1024 = tpu.memref_squeeze %dma_wait3A_1023 : memref<1x128xi32, #tpu.memory_space<vmem>> -> memref<128xi32, #tpu.memory_space<vmem>>
        %dma_wait3A_1025 = arith.constant 0 : i32
        %dma_wait3A_1026 = tpu.memref_slice %arg11[%dma_wait3A_1025] : memref<100096xf32, #tpu.memory_space<vmem_shared>> -> memref<100096xf32, #tpu.memory_space<vmem_shared>>
        tpu.wait_indirect_dma semaphore(%arg26 : memref<!tpu.dma_semaphore, #tpu.memory_space<semaphore_mem>>) src(%dma_wait3A_1026 : memref<100096xf32, #tpu.memory_space<vmem_shared>>) dst(%dma_wait3A_1021 : memref<128xf32, #tpu.memory_space<vmem>>)
        %dma_wait3A_1027 = arith.constant 13 : i32
        %dma_wait3A_1028 = arith.constant 1664 : i32
        %dma_wait3A_1029 = tpu.memref_slice %arg24[%dma_wait3A_1028] : memref<2048xf32, #tpu.memory_space<vmem>> -> memref<128xf32, #tpu.memory_space<vmem>>
        %dma_wait3A_1030 = arith.constant 0 : i32
        %dma_wait3A_1031 = tpu.memref_slice %arg18[%dma_wait3A_1027, %dma_wait3A_1030] : memref<16x128xi32, #tpu.memory_space<vmem>> -> memref<1x128xi32, #tpu.memory_space<vmem>>
        %dma_wait3A_1032 = tpu.memref_squeeze %dma_wait3A_1031 : memref<1x128xi32, #tpu.memory_space<vmem>> -> memref<128xi32, #tpu.memory_space<vmem>>
        %dma_wait3A_1033 = arith.constant 0 : i32
        %dma_wait3A_1034 = tpu.memref_slice %arg12[%dma_wait3A_1033] : memref<100096xf32, #tpu.memory_space<vmem_shared>> -> memref<100096xf32, #tpu.memory_space<vmem_shared>>
        tpu.wait_indirect_dma semaphore(%arg26 : memref<!tpu.dma_semaphore, #tpu.memory_space<semaphore_mem>>) src(%dma_wait3A_1034 : memref<100096xf32, #tpu.memory_space<vmem_shared>>) dst(%dma_wait3A_1029 : memref<128xf32, #tpu.memory_space<vmem>>)
        %dma_wait3A_1035 = arith.constant 14 : i32
        %dma_wait3A_1036 = arith.constant 1792 : i32
        %dma_wait3A_1037 = tpu.memref_slice %arg21[%dma_wait3A_1036] : memref<2048xf32, #tpu.memory_space<vmem>> -> memref<128xf32, #tpu.memory_space<vmem>>
        %dma_wait3A_1038 = arith.constant 0 : i32
        %dma_wait3A_1039 = tpu.memref_slice %arg18[%dma_wait3A_1035, %dma_wait3A_1038] : memref<16x128xi32, #tpu.memory_space<vmem>> -> memref<1x128xi32, #tpu.memory_space<vmem>>
        %dma_wait3A_1040 = tpu.memref_squeeze %dma_wait3A_1039 : memref<1x128xi32, #tpu.memory_space<vmem>> -> memref<128xi32, #tpu.memory_space<vmem>>
        %dma_wait3A_1041 = arith.constant 0 : i32
        %dma_wait3A_1042 = tpu.memref_slice %arg9[%dma_wait3A_1041] : memref<100096xf32, #tpu.memory_space<vmem_shared>> -> memref<100096xf32, #tpu.memory_space<vmem_shared>>
        tpu.wait_indirect_dma semaphore(%arg26 : memref<!tpu.dma_semaphore, #tpu.memory_space<semaphore_mem>>) src(%dma_wait3A_1042 : memref<100096xf32, #tpu.memory_space<vmem_shared>>) dst(%dma_wait3A_1037 : memref<128xf32, #tpu.memory_space<vmem>>)
        %dma_wait3A_1043 = arith.constant 14 : i32
        %dma_wait3A_1044 = arith.constant 1792 : i32
        %dma_wait3A_1045 = tpu.memref_slice %arg22[%dma_wait3A_1044] : memref<2048xf32, #tpu.memory_space<vmem>> -> memref<128xf32, #tpu.memory_space<vmem>>
        %dma_wait3A_1046 = arith.constant 0 : i32
        %dma_wait3A_1047 = tpu.memref_slice %arg18[%dma_wait3A_1043, %dma_wait3A_1046] : memref<16x128xi32, #tpu.memory_space<vmem>> -> memref<1x128xi32, #tpu.memory_space<vmem>>
        %dma_wait3A_1048 = tpu.memref_squeeze %dma_wait3A_1047 : memref<1x128xi32, #tpu.memory_space<vmem>> -> memref<128xi32, #tpu.memory_space<vmem>>
        %dma_wait3A_1049 = arith.constant 0 : i32
        %dma_wait3A_1050 = tpu.memref_slice %arg10[%dma_wait3A_1049] : memref<100096xf32, #tpu.memory_space<vmem_shared>> -> memref<100096xf32, #tpu.memory_space<vmem_shared>>
        tpu.wait_indirect_dma semaphore(%arg26 : memref<!tpu.dma_semaphore, #tpu.memory_space<semaphore_mem>>) src(%dma_wait3A_1050 : memref<100096xf32, #tpu.memory_space<vmem_shared>>) dst(%dma_wait3A_1045 : memref<128xf32, #tpu.memory_space<vmem>>)
        %dma_wait3A_1051 = arith.constant 14 : i32
        %dma_wait3A_1052 = arith.constant 1792 : i32
        %dma_wait3A_1053 = tpu.memref_slice %arg23[%dma_wait3A_1052] : memref<2048xf32, #tpu.memory_space<vmem>> -> memref<128xf32, #tpu.memory_space<vmem>>
        %dma_wait3A_1054 = arith.constant 0 : i32
        %dma_wait3A_1055 = tpu.memref_slice %arg18[%dma_wait3A_1051, %dma_wait3A_1054] : memref<16x128xi32, #tpu.memory_space<vmem>> -> memref<1x128xi32, #tpu.memory_space<vmem>>
        %dma_wait3A_1056 = tpu.memref_squeeze %dma_wait3A_1055 : memref<1x128xi32, #tpu.memory_space<vmem>> -> memref<128xi32, #tpu.memory_space<vmem>>
        %dma_wait3A_1057 = arith.constant 0 : i32
        %dma_wait3A_1058 = tpu.memref_slice %arg11[%dma_wait3A_1057] : memref<100096xf32, #tpu.memory_space<vmem_shared>> -> memref<100096xf32, #tpu.memory_space<vmem_shared>>
        tpu.wait_indirect_dma semaphore(%arg26 : memref<!tpu.dma_semaphore, #tpu.memory_space<semaphore_mem>>) src(%dma_wait3A_1058 : memref<100096xf32, #tpu.memory_space<vmem_shared>>) dst(%dma_wait3A_1053 : memref<128xf32, #tpu.memory_space<vmem>>)
        %dma_wait3A_1059 = arith.constant 14 : i32
        %dma_wait3A_1060 = arith.constant 1792 : i32
        %dma_wait3A_1061 = tpu.memref_slice %arg24[%dma_wait3A_1060] : memref<2048xf32, #tpu.memory_space<vmem>> -> memref<128xf32, #tpu.memory_space<vmem>>
        %dma_wait3A_1062 = arith.constant 0 : i32
        %dma_wait3A_1063 = tpu.memref_slice %arg18[%dma_wait3A_1059, %dma_wait3A_1062] : memref<16x128xi32, #tpu.memory_space<vmem>> -> memref<1x128xi32, #tpu.memory_space<vmem>>
        %dma_wait3A_1064 = tpu.memref_squeeze %dma_wait3A_1063 : memref<1x128xi32, #tpu.memory_space<vmem>> -> memref<128xi32, #tpu.memory_space<vmem>>
        %dma_wait3A_1065 = arith.constant 0 : i32
        %dma_wait3A_1066 = tpu.memref_slice %arg12[%dma_wait3A_1065] : memref<100096xf32, #tpu.memory_space<vmem_shared>> -> memref<100096xf32, #tpu.memory_space<vmem_shared>>
        tpu.wait_indirect_dma semaphore(%arg26 : memref<!tpu.dma_semaphore, #tpu.memory_space<semaphore_mem>>) src(%dma_wait3A_1066 : memref<100096xf32, #tpu.memory_space<vmem_shared>>) dst(%dma_wait3A_1061 : memref<128xf32, #tpu.memory_space<vmem>>)
        %dma_wait3A_1067 = arith.constant 15 : i32
        %dma_wait3A_1068 = arith.constant 1920 : i32
        %dma_wait3A_1069 = tpu.memref_slice %arg21[%dma_wait3A_1068] : memref<2048xf32, #tpu.memory_space<vmem>> -> memref<128xf32, #tpu.memory_space<vmem>>
        %dma_wait3A_1070 = arith.constant 0 : i32
        %dma_wait3A_1071 = tpu.memref_slice %arg18[%dma_wait3A_1067, %dma_wait3A_1070] : memref<16x128xi32, #tpu.memory_space<vmem>> -> memref<1x128xi32, #tpu.memory_space<vmem>>
        %dma_wait3A_1072 = tpu.memref_squeeze %dma_wait3A_1071 : memref<1x128xi32, #tpu.memory_space<vmem>> -> memref<128xi32, #tpu.memory_space<vmem>>
        %dma_wait3A_1073 = arith.constant 0 : i32
        %dma_wait3A_1074 = tpu.memref_slice %arg9[%dma_wait3A_1073] : memref<100096xf32, #tpu.memory_space<vmem_shared>> -> memref<100096xf32, #tpu.memory_space<vmem_shared>>
        tpu.wait_indirect_dma semaphore(%arg26 : memref<!tpu.dma_semaphore, #tpu.memory_space<semaphore_mem>>) src(%dma_wait3A_1074 : memref<100096xf32, #tpu.memory_space<vmem_shared>>) dst(%dma_wait3A_1069 : memref<128xf32, #tpu.memory_space<vmem>>)
        %dma_wait3A_1075 = arith.constant 15 : i32
        %dma_wait3A_1076 = arith.constant 1920 : i32
        %dma_wait3A_1077 = tpu.memref_slice %arg22[%dma_wait3A_1076] : memref<2048xf32, #tpu.memory_space<vmem>> -> memref<128xf32, #tpu.memory_space<vmem>>
        %dma_wait3A_1078 = arith.constant 0 : i32
        %dma_wait3A_1079 = tpu.memref_slice %arg18[%dma_wait3A_1075, %dma_wait3A_1078] : memref<16x128xi32, #tpu.memory_space<vmem>> -> memref<1x128xi32, #tpu.memory_space<vmem>>
        %dma_wait3A_1080 = tpu.memref_squeeze %dma_wait3A_1079 : memref<1x128xi32, #tpu.memory_space<vmem>> -> memref<128xi32, #tpu.memory_space<vmem>>
        %dma_wait3A_1081 = arith.constant 0 : i32
        %dma_wait3A_1082 = tpu.memref_slice %arg10[%dma_wait3A_1081] : memref<100096xf32, #tpu.memory_space<vmem_shared>> -> memref<100096xf32, #tpu.memory_space<vmem_shared>>
        tpu.wait_indirect_dma semaphore(%arg26 : memref<!tpu.dma_semaphore, #tpu.memory_space<semaphore_mem>>) src(%dma_wait3A_1082 : memref<100096xf32, #tpu.memory_space<vmem_shared>>) dst(%dma_wait3A_1077 : memref<128xf32, #tpu.memory_space<vmem>>)
        %dma_wait3A_1083 = arith.constant 15 : i32
        %dma_wait3A_1084 = arith.constant 1920 : i32
        %dma_wait3A_1085 = tpu.memref_slice %arg23[%dma_wait3A_1084] : memref<2048xf32, #tpu.memory_space<vmem>> -> memref<128xf32, #tpu.memory_space<vmem>>
        %dma_wait3A_1086 = arith.constant 0 : i32
        %dma_wait3A_1087 = tpu.memref_slice %arg18[%dma_wait3A_1083, %dma_wait3A_1086] : memref<16x128xi32, #tpu.memory_space<vmem>> -> memref<1x128xi32, #tpu.memory_space<vmem>>
        %dma_wait3A_1088 = tpu.memref_squeeze %dma_wait3A_1087 : memref<1x128xi32, #tpu.memory_space<vmem>> -> memref<128xi32, #tpu.memory_space<vmem>>
        %dma_wait3A_1089 = arith.constant 0 : i32
        %dma_wait3A_1090 = tpu.memref_slice %arg11[%dma_wait3A_1089] : memref<100096xf32, #tpu.memory_space<vmem_shared>> -> memref<100096xf32, #tpu.memory_space<vmem_shared>>
        tpu.wait_indirect_dma semaphore(%arg26 : memref<!tpu.dma_semaphore, #tpu.memory_space<semaphore_mem>>) src(%dma_wait3A_1090 : memref<100096xf32, #tpu.memory_space<vmem_shared>>) dst(%dma_wait3A_1085 : memref<128xf32, #tpu.memory_space<vmem>>)
        %dma_wait3A_1091 = arith.constant 15 : i32
        %dma_wait3A_1092 = arith.constant 1920 : i32
        %dma_wait3A_1093 = tpu.memref_slice %arg24[%dma_wait3A_1092] : memref<2048xf32, #tpu.memory_space<vmem>> -> memref<128xf32, #tpu.memory_space<vmem>>
        %dma_wait3A_1094 = arith.constant 0 : i32
        %dma_wait3A_1095 = tpu.memref_slice %arg18[%dma_wait3A_1091, %dma_wait3A_1094] : memref<16x128xi32, #tpu.memory_space<vmem>> -> memref<1x128xi32, #tpu.memory_space<vmem>>
        %dma_wait3A_1096 = tpu.memref_squeeze %dma_wait3A_1095 : memref<1x128xi32, #tpu.memory_space<vmem>> -> memref<128xi32, #tpu.memory_space<vmem>>
        %dma_wait3A_1097 = arith.constant 0 : i32
        %dma_wait3A_1098 = tpu.memref_slice %arg12[%dma_wait3A_1097] : memref<100096xf32, #tpu.memory_space<vmem_shared>> -> memref<100096xf32, #tpu.memory_space<vmem_shared>>
        tpu.wait_indirect_dma semaphore(%arg26 : memref<!tpu.dma_semaphore, #tpu.memory_space<semaphore_mem>>) src(%dma_wait3A_1098 : memref<100096xf32, #tpu.memory_space<vmem_shared>>) dst(%dma_wait3A_1093 : memref<128xf32, #tpu.memory_space<vmem>>)
        %scan3A_1099 = arith.constant 0 : i32
        %scan3A_1100 = arith.constant 0 : i32
        %scan3A_1101 = arith.constant 128 : i32
        %scan3A_1102 = arith.addi %scan3A_1100, %scan3A_1101 : i32
        %scan3A_1103 = arith.constant 1 : i32
        %scan3A_1104 = scf.for %scan3A_2130 = %scan3A_1100 to %scan3A_1102 step %scan3A_1103 iter_args(%scan3A_2131 = %scan3A_1099) -> (i32)  : i32 {
          %mul3A_2132 = arith.constant 16 : i32
          %mul3A_2133 = arith.muli %scan3A_2130, %mul3A_2132 : i32
          %get3A_2134 = arith.index_cast %mul3A_2133 : i32 to index
          %get3A_2135 = tpu.vector_load %arg20[%get3A_2134] {strides = array<i32>} : memref<2048xf32, #tpu.memory_space<vmem>>, vector<16xf32>,
          %get3A_2136 = vector.shape_cast %get3A_2135 : vector<16xf32> to vector<16xf32>
          %get3A_2137 = arith.index_cast %mul3A_2133 : i32 to index
          %get3A_2138 = tpu.vector_load %arg21[%get3A_2137] {strides = array<i32>} : memref<2048xf32, #tpu.memory_space<vmem>>, vector<16xf32>,
          %get3A_2139 = vector.shape_cast %get3A_2138 : vector<16xf32> to vector<16xf32>
          %mul3A_2140 = arith.mulf %get3A_2136, %get3A_14 : vector<16xf32>
          %add3A_2141 = arith.addf %get3A_2139, %mul3A_2140 : vector<16xf32>
          %max3A = arith.constant 0.000000e+00 : f32
          %max3A_2142 = vector.broadcast %max3A : f32 to vector<16xf32>
          %max3A_2143 = arith.maximumf %add3A_2141, %max3A_2142 : vector<16xf32>
          %swap3A = arith.index_cast %mul3A_2133 : i32 to index
          %swap3A_2144 = tpu.vector_load %arg21[%swap3A] {strides = array<i32>} : memref<2048xf32, #tpu.memory_space<vmem>>, vector<16xf32>,
          %swap3A_2145 = vector.shape_cast %swap3A_2144 : vector<16xf32> to vector<16xf32>
          %swap3A_2146 = vector.shape_cast %max3A_2143 : vector<16xf32> to vector<16xf32>
          tpu.vector_store %arg21[%swap3A], %swap3A_2146 {strides = array<i32>} : memref<2048xf32, #tpu.memory_space<vmem>>, vector<16xf32>,
          %get3A_2147 = arith.index_cast %mul3A_2133 : i32 to index
          %get3A_2148 = tpu.vector_load %arg22[%get3A_2147] {strides = array<i32>} : memref<2048xf32, #tpu.memory_space<vmem>>, vector<16xf32>,
          %get3A_2149 = vector.shape_cast %get3A_2148 : vector<16xf32> to vector<16xf32>
          %mul3A_2150 = arith.mulf %get3A_2136, %get3A_19 : vector<16xf32>
          %add3A_2151 = arith.addf %get3A_2149, %mul3A_2150 : vector<16xf32>
          %max3A_2152 = arith.constant 0.000000e+00 : f32
          %max3A_2153 = vector.broadcast %max3A_2152 : f32 to vector<16xf32>
          %max3A_2154 = arith.maximumf %add3A_2151, %max3A_2153 : vector<16xf32>
          %swap3A_2155 = arith.index_cast %mul3A_2133 : i32 to index
          %swap3A_2156 = tpu.vector_load %arg22[%swap3A_2155] {strides = array<i32>} : memref<2048xf32, #tpu.memory_space<vmem>>, vector<16xf32>,
          %swap3A_2157 = vector.shape_cast %swap3A_2156 : vector<16xf32> to vector<16xf32>
          %swap3A_2158 = vector.shape_cast %max3A_2154 : vector<16xf32> to vector<16xf32>
          tpu.vector_store %arg22[%swap3A_2155], %swap3A_2158 {strides = array<i32>} : memref<2048xf32, #tpu.memory_space<vmem>>, vector<16xf32>,
          %get3A_2159 = arith.index_cast %mul3A_2133 : i32 to index
          %get3A_2160 = tpu.vector_load %arg23[%get3A_2159] {strides = array<i32>} : memref<2048xf32, #tpu.memory_space<vmem>>, vector<16xf32>,
          %get3A_2161 = vector.shape_cast %get3A_2160 : vector<16xf32> to vector<16xf32>
          %mul3A_2162 = arith.mulf %get3A_2136, %get3A_24 : vector<16xf32>
          %add3A_2163 = arith.addf %get3A_2161, %mul3A_2162 : vector<16xf32>
          %max3A_2164 = arith.constant 0.000000e+00 : f32
          %max3A_2165 = vector.broadcast %max3A_2164 : f32 to vector<16xf32>
          %max3A_2166 = arith.maximumf %add3A_2163, %max3A_2165 : vector<16xf32>
          %swap3A_2167 = arith.index_cast %mul3A_2133 : i32 to index
          %swap3A_2168 = tpu.vector_load %arg23[%swap3A_2167] {strides = array<i32>} : memref<2048xf32, #tpu.memory_space<vmem>>, vector<16xf32>,
          %swap3A_2169 = vector.shape_cast %swap3A_2168 : vector<16xf32> to vector<16xf32>
          %swap3A_2170 = vector.shape_cast %max3A_2166 : vector<16xf32> to vector<16xf32>
          tpu.vector_store %arg23[%swap3A_2167], %swap3A_2170 {strides = array<i32>} : memref<2048xf32, #tpu.memory_space<vmem>>, vector<16xf32>,
          %get3A_2171 = arith.index_cast %mul3A_2133 : i32 to index
          %get3A_2172 = tpu.vector_load %arg24[%get3A_2171] {strides = array<i32>} : memref<2048xf32, #tpu.memory_space<vmem>>, vector<16xf32>,
          %get3A_2173 = vector.shape_cast %get3A_2172 : vector<16xf32> to vector<16xf32>
          %mul3A_2174 = arith.mulf %get3A_2136, %get3A_29 : vector<16xf32>
          %add3A_2175 = arith.addf %get3A_2173, %mul3A_2174 : vector<16xf32>
          %max3A_2176 = arith.constant 0.000000e+00 : f32
          %max3A_2177 = vector.broadcast %max3A_2176 : f32 to vector<16xf32>
          %max3A_2178 = arith.maximumf %add3A_2175, %max3A_2177 : vector<16xf32>
          %swap3A_2179 = arith.index_cast %mul3A_2133 : i32 to index
          %swap3A_2180 = tpu.vector_load %arg24[%swap3A_2179] {strides = array<i32>} : memref<2048xf32, #tpu.memory_space<vmem>>, vector<16xf32>,
          %swap3A_2181 = vector.shape_cast %swap3A_2180 : vector<16xf32> to vector<16xf32>
          %swap3A_2182 = vector.shape_cast %max3A_2178 : vector<16xf32> to vector<16xf32>
          tpu.vector_store %arg24[%swap3A_2179], %swap3A_2182 {strides = array<i32>} : memref<2048xf32, #tpu.memory_space<vmem>>, vector<16xf32>,
          %scan3A_2183 = arith.constant 0 : i32
          scf.yield %scan3A_2183 : i32
        }
        %scan3A_1105 = arith.constant 128 : i32
        %dma_start3A_1106 = arith.constant 0 : i32
        %dma_start3A_1107 = arith.constant 0 : i32
        %dma_start3A_1108 = tpu.memref_slice %arg21[%dma_start3A_1107] : memref<2048xf32, #tpu.memory_space<vmem>> -> memref<128xf32, #tpu.memory_space<vmem>>
        %dma_start3A_1109 = arith.constant 0 : i32
        %dma_start3A_1110 = tpu.memref_slice %arg19[%dma_start3A_1106, %dma_start3A_1109] : memref<16x128xi32, #tpu.memory_space<vmem>> -> memref<1x128xi32, #tpu.memory_space<vmem>>
        %dma_start3A_1111 = tpu.memref_squeeze %dma_start3A_1110 : memref<1x128xi32, #tpu.memory_space<vmem>> -> memref<128xi32, #tpu.memory_space<vmem>>
        %dma_start3A_1112 = arith.constant 0 : i32
        %dma_start3A_1113 = tpu.memref_slice %arg13[%dma_start3A_1112] : memref<100096xf32, #tpu.memory_space<vmem_shared>> -> memref<100096xf32, #tpu.memory_space<vmem_shared>>
        tpu.enqueue_indirect_dma source(%dma_start3A_1108 : memref<128xf32, #tpu.memory_space<vmem>>) target(%dma_start3A_1113 : memref<100096xf32, #tpu.memory_space<vmem_shared>>) offsets(%dma_start3A_1111 : memref<128xi32, #tpu.memory_space<vmem>>) semaphore(%arg27 : memref<!tpu.dma_semaphore, #tpu.memory_space<semaphore_mem>>) {add = true}
        %dma_start3A_1114 = arith.constant 0 : i32
        %dma_start3A_1115 = arith.constant 0 : i32
        %dma_start3A_1116 = tpu.memref_slice %arg22[%dma_start3A_1115] : memref<2048xf32, #tpu.memory_space<vmem>> -> memref<128xf32, #tpu.memory_space<vmem>>
        %dma_start3A_1117 = arith.constant 0 : i32
        %dma_start3A_1118 = tpu.memref_slice %arg19[%dma_start3A_1114, %dma_start3A_1117] : memref<16x128xi32, #tpu.memory_space<vmem>> -> memref<1x128xi32, #tpu.memory_space<vmem>>
        %dma_start3A_1119 = tpu.memref_squeeze %dma_start3A_1118 : memref<1x128xi32, #tpu.memory_space<vmem>> -> memref<128xi32, #tpu.memory_space<vmem>>
        %dma_start3A_1120 = arith.constant 0 : i32
        %dma_start3A_1121 = tpu.memref_slice %arg14[%dma_start3A_1120] : memref<100096xf32, #tpu.memory_space<vmem_shared>> -> memref<100096xf32, #tpu.memory_space<vmem_shared>>
        tpu.enqueue_indirect_dma source(%dma_start3A_1116 : memref<128xf32, #tpu.memory_space<vmem>>) target(%dma_start3A_1121 : memref<100096xf32, #tpu.memory_space<vmem_shared>>) offsets(%dma_start3A_1119 : memref<128xi32, #tpu.memory_space<vmem>>) semaphore(%arg27 : memref<!tpu.dma_semaphore, #tpu.memory_space<semaphore_mem>>) {add = true}
        %dma_start3A_1122 = arith.constant 0 : i32
        %dma_start3A_1123 = arith.constant 0 : i32
        %dma_start3A_1124 = tpu.memref_slice %arg23[%dma_start3A_1123] : memref<2048xf32, #tpu.memory_space<vmem>> -> memref<128xf32, #tpu.memory_space<vmem>>
        %dma_start3A_1125 = arith.constant 0 : i32
        %dma_start3A_1126 = tpu.memref_slice %arg19[%dma_start3A_1122, %dma_start3A_1125] : memref<16x128xi32, #tpu.memory_space<vmem>> -> memref<1x128xi32, #tpu.memory_space<vmem>>
        %dma_start3A_1127 = tpu.memref_squeeze %dma_start3A_1126 : memref<1x128xi32, #tpu.memory_space<vmem>> -> memref<128xi32, #tpu.memory_space<vmem>>
        %dma_start3A_1128 = arith.constant 0 : i32
        %dma_start3A_1129 = tpu.memref_slice %arg15[%dma_start3A_1128] : memref<100096xf32, #tpu.memory_space<vmem_shared>> -> memref<100096xf32, #tpu.memory_space<vmem_shared>>
        tpu.enqueue_indirect_dma source(%dma_start3A_1124 : memref<128xf32, #tpu.memory_space<vmem>>) target(%dma_start3A_1129 : memref<100096xf32, #tpu.memory_space<vmem_shared>>) offsets(%dma_start3A_1127 : memref<128xi32, #tpu.memory_space<vmem>>) semaphore(%arg27 : memref<!tpu.dma_semaphore, #tpu.memory_space<semaphore_mem>>) {add = true}
        %dma_start3A_1130 = arith.constant 0 : i32
        %dma_start3A_1131 = arith.constant 0 : i32
        %dma_start3A_1132 = tpu.memref_slice %arg24[%dma_start3A_1131] : memref<2048xf32, #tpu.memory_space<vmem>> -> memref<128xf32, #tpu.memory_space<vmem>>
        %dma_start3A_1133 = arith.constant 0 : i32
        %dma_start3A_1134 = tpu.memref_slice %arg19[%dma_start3A_1130, %dma_start3A_1133] : memref<16x128xi32, #tpu.memory_space<vmem>> -> memref<1x128xi32, #tpu.memory_space<vmem>>
        %dma_start3A_1135 = tpu.memref_squeeze %dma_start3A_1134 : memref<1x128xi32, #tpu.memory_space<vmem>> -> memref<128xi32, #tpu.memory_space<vmem>>
        %dma_start3A_1136 = arith.constant 0 : i32
        %dma_start3A_1137 = tpu.memref_slice %arg16[%dma_start3A_1136] : memref<100096xf32, #tpu.memory_space<vmem_shared>> -> memref<100096xf32, #tpu.memory_space<vmem_shared>>
        tpu.enqueue_indirect_dma source(%dma_start3A_1132 : memref<128xf32, #tpu.memory_space<vmem>>) target(%dma_start3A_1137 : memref<100096xf32, #tpu.memory_space<vmem_shared>>) offsets(%dma_start3A_1135 : memref<128xi32, #tpu.memory_space<vmem>>) semaphore(%arg27 : memref<!tpu.dma_semaphore, #tpu.memory_space<semaphore_mem>>) {add = true}
        %dma_start3A_1138 = arith.constant 1 : i32
        %dma_start3A_1139 = arith.constant 128 : i32
        %dma_start3A_1140 = tpu.memref_slice %arg21[%dma_start3A_1139] : memref<2048xf32, #tpu.memory_space<vmem>> -> memref<128xf32, #tpu.memory_space<vmem>>
        %dma_start3A_1141 = arith.constant 0 : i32
        %dma_start3A_1142 = tpu.memref_slice %arg19[%dma_start3A_1138, %dma_start3A_1141] : memref<16x128xi32, #tpu.memory_space<vmem>> -> memref<1x128xi32, #tpu.memory_space<vmem>>
        %dma_start3A_1143 = tpu.memref_squeeze %dma_start3A_1142 : memref<1x128xi32, #tpu.memory_space<vmem>> -> memref<128xi32, #tpu.memory_space<vmem>>
        %dma_start3A_1144 = arith.constant 0 : i32
        %dma_start3A_1145 = tpu.memref_slice %arg13[%dma_start3A_1144] : memref<100096xf32, #tpu.memory_space<vmem_shared>> -> memref<100096xf32, #tpu.memory_space<vmem_shared>>
        tpu.enqueue_indirect_dma source(%dma_start3A_1140 : memref<128xf32, #tpu.memory_space<vmem>>) target(%dma_start3A_1145 : memref<100096xf32, #tpu.memory_space<vmem_shared>>) offsets(%dma_start3A_1143 : memref<128xi32, #tpu.memory_space<vmem>>) semaphore(%arg27 : memref<!tpu.dma_semaphore, #tpu.memory_space<semaphore_mem>>) {add = true}
        %dma_start3A_1146 = arith.constant 1 : i32
        %dma_start3A_1147 = arith.constant 128 : i32
        %dma_start3A_1148 = tpu.memref_slice %arg22[%dma_start3A_1147] : memref<2048xf32, #tpu.memory_space<vmem>> -> memref<128xf32, #tpu.memory_space<vmem>>
        %dma_start3A_1149 = arith.constant 0 : i32
        %dma_start3A_1150 = tpu.memref_slice %arg19[%dma_start3A_1146, %dma_start3A_1149] : memref<16x128xi32, #tpu.memory_space<vmem>> -> memref<1x128xi32, #tpu.memory_space<vmem>>
        %dma_start3A_1151 = tpu.memref_squeeze %dma_start3A_1150 : memref<1x128xi32, #tpu.memory_space<vmem>> -> memref<128xi32, #tpu.memory_space<vmem>>
        %dma_start3A_1152 = arith.constant 0 : i32
        %dma_start3A_1153 = tpu.memref_slice %arg14[%dma_start3A_1152] : memref<100096xf32, #tpu.memory_space<vmem_shared>> -> memref<100096xf32, #tpu.memory_space<vmem_shared>>
        tpu.enqueue_indirect_dma source(%dma_start3A_1148 : memref<128xf32, #tpu.memory_space<vmem>>) target(%dma_start3A_1153 : memref<100096xf32, #tpu.memory_space<vmem_shared>>) offsets(%dma_start3A_1151 : memref<128xi32, #tpu.memory_space<vmem>>) semaphore(%arg27 : memref<!tpu.dma_semaphore, #tpu.memory_space<semaphore_mem>>) {add = true}
        %dma_start3A_1154 = arith.constant 1 : i32
        %dma_start3A_1155 = arith.constant 128 : i32
        %dma_start3A_1156 = tpu.memref_slice %arg23[%dma_start3A_1155] : memref<2048xf32, #tpu.memory_space<vmem>> -> memref<128xf32, #tpu.memory_space<vmem>>
        %dma_start3A_1157 = arith.constant 0 : i32
        %dma_start3A_1158 = tpu.memref_slice %arg19[%dma_start3A_1154, %dma_start3A_1157] : memref<16x128xi32, #tpu.memory_space<vmem>> -> memref<1x128xi32, #tpu.memory_space<vmem>>
        %dma_start3A_1159 = tpu.memref_squeeze %dma_start3A_1158 : memref<1x128xi32, #tpu.memory_space<vmem>> -> memref<128xi32, #tpu.memory_space<vmem>>
        %dma_start3A_1160 = arith.constant 0 : i32
        %dma_start3A_1161 = tpu.memref_slice %arg15[%dma_start3A_1160] : memref<100096xf32, #tpu.memory_space<vmem_shared>> -> memref<100096xf32, #tpu.memory_space<vmem_shared>>
        tpu.enqueue_indirect_dma source(%dma_start3A_1156 : memref<128xf32, #tpu.memory_space<vmem>>) target(%dma_start3A_1161 : memref<100096xf32, #tpu.memory_space<vmem_shared>>) offsets(%dma_start3A_1159 : memref<128xi32, #tpu.memory_space<vmem>>) semaphore(%arg27 : memref<!tpu.dma_semaphore, #tpu.memory_space<semaphore_mem>>) {add = true}
        %dma_start3A_1162 = arith.constant 1 : i32
        %dma_start3A_1163 = arith.constant 128 : i32
        %dma_start3A_1164 = tpu.memref_slice %arg24[%dma_start3A_1163] : memref<2048xf32, #tpu.memory_space<vmem>> -> memref<128xf32, #tpu.memory_space<vmem>>
        %dma_start3A_1165 = arith.constant 0 : i32
        %dma_start3A_1166 = tpu.memref_slice %arg19[%dma_start3A_1162, %dma_start3A_1165] : memref<16x128xi32, #tpu.memory_space<vmem>> -> memref<1x128xi32, #tpu.memory_space<vmem>>
        %dma_start3A_1167 = tpu.memref_squeeze %dma_start3A_1166 : memref<1x128xi32, #tpu.memory_space<vmem>> -> memref<128xi32, #tpu.memory_space<vmem>>
        %dma_start3A_1168 = arith.constant 0 : i32
        %dma_start3A_1169 = tpu.memref_slice %arg16[%dma_start3A_1168] : memref<100096xf32, #tpu.memory_space<vmem_shared>> -> memref<100096xf32, #tpu.memory_space<vmem_shared>>
        tpu.enqueue_indirect_dma source(%dma_start3A_1164 : memref<128xf32, #tpu.memory_space<vmem>>) target(%dma_start3A_1169 : memref<100096xf32, #tpu.memory_space<vmem_shared>>) offsets(%dma_start3A_1167 : memref<128xi32, #tpu.memory_space<vmem>>) semaphore(%arg27 : memref<!tpu.dma_semaphore, #tpu.memory_space<semaphore_mem>>) {add = true}
        %dma_start3A_1170 = arith.constant 2 : i32
        %dma_start3A_1171 = arith.constant 256 : i32
        %dma_start3A_1172 = tpu.memref_slice %arg21[%dma_start3A_1171] : memref<2048xf32, #tpu.memory_space<vmem>> -> memref<128xf32, #tpu.memory_space<vmem>>
        %dma_start3A_1173 = arith.constant 0 : i32
        %dma_start3A_1174 = tpu.memref_slice %arg19[%dma_start3A_1170, %dma_start3A_1173] : memref<16x128xi32, #tpu.memory_space<vmem>> -> memref<1x128xi32, #tpu.memory_space<vmem>>
        %dma_start3A_1175 = tpu.memref_squeeze %dma_start3A_1174 : memref<1x128xi32, #tpu.memory_space<vmem>> -> memref<128xi32, #tpu.memory_space<vmem>>
        %dma_start3A_1176 = arith.constant 0 : i32
        %dma_start3A_1177 = tpu.memref_slice %arg13[%dma_start3A_1176] : memref<100096xf32, #tpu.memory_space<vmem_shared>> -> memref<100096xf32, #tpu.memory_space<vmem_shared>>
        tpu.enqueue_indirect_dma source(%dma_start3A_1172 : memref<128xf32, #tpu.memory_space<vmem>>) target(%dma_start3A_1177 : memref<100096xf32, #tpu.memory_space<vmem_shared>>) offsets(%dma_start3A_1175 : memref<128xi32, #tpu.memory_space<vmem>>) semaphore(%arg27 : memref<!tpu.dma_semaphore, #tpu.memory_space<semaphore_mem>>) {add = true}
        %dma_start3A_1178 = arith.constant 2 : i32
        %dma_start3A_1179 = arith.constant 256 : i32
        %dma_start3A_1180 = tpu.memref_slice %arg22[%dma_start3A_1179] : memref<2048xf32, #tpu.memory_space<vmem>> -> memref<128xf32, #tpu.memory_space<vmem>>
        %dma_start3A_1181 = arith.constant 0 : i32
        %dma_start3A_1182 = tpu.memref_slice %arg19[%dma_start3A_1178, %dma_start3A_1181] : memref<16x128xi32, #tpu.memory_space<vmem>> -> memref<1x128xi32, #tpu.memory_space<vmem>>
        %dma_start3A_1183 = tpu.memref_squeeze %dma_start3A_1182 : memref<1x128xi32, #tpu.memory_space<vmem>> -> memref<128xi32, #tpu.memory_space<vmem>>
        %dma_start3A_1184 = arith.constant 0 : i32
        %dma_start3A_1185 = tpu.memref_slice %arg14[%dma_start3A_1184] : memref<100096xf32, #tpu.memory_space<vmem_shared>> -> memref<100096xf32, #tpu.memory_space<vmem_shared>>
        tpu.enqueue_indirect_dma source(%dma_start3A_1180 : memref<128xf32, #tpu.memory_space<vmem>>) target(%dma_start3A_1185 : memref<100096xf32, #tpu.memory_space<vmem_shared>>) offsets(%dma_start3A_1183 : memref<128xi32, #tpu.memory_space<vmem>>) semaphore(%arg27 : memref<!tpu.dma_semaphore, #tpu.memory_space<semaphore_mem>>) {add = true}
        %dma_start3A_1186 = arith.constant 2 : i32
        %dma_start3A_1187 = arith.constant 256 : i32
        %dma_start3A_1188 = tpu.memref_slice %arg23[%dma_start3A_1187] : memref<2048xf32, #tpu.memory_space<vmem>> -> memref<128xf32, #tpu.memory_space<vmem>>
        %dma_start3A_1189 = arith.constant 0 : i32
        %dma_start3A_1190 = tpu.memref_slice %arg19[%dma_start3A_1186, %dma_start3A_1189] : memref<16x128xi32, #tpu.memory_space<vmem>> -> memref<1x128xi32, #tpu.memory_space<vmem>>
        %dma_start3A_1191 = tpu.memref_squeeze %dma_start3A_1190 : memref<1x128xi32, #tpu.memory_space<vmem>> -> memref<128xi32, #tpu.memory_space<vmem>>
        %dma_start3A_1192 = arith.constant 0 : i32
        %dma_start3A_1193 = tpu.memref_slice %arg15[%dma_start3A_1192] : memref<100096xf32, #tpu.memory_space<vmem_shared>> -> memref<100096xf32, #tpu.memory_space<vmem_shared>>
        tpu.enqueue_indirect_dma source(%dma_start3A_1188 : memref<128xf32, #tpu.memory_space<vmem>>) target(%dma_start3A_1193 : memref<100096xf32, #tpu.memory_space<vmem_shared>>) offsets(%dma_start3A_1191 : memref<128xi32, #tpu.memory_space<vmem>>) semaphore(%arg27 : memref<!tpu.dma_semaphore, #tpu.memory_space<semaphore_mem>>) {add = true}
        %dma_start3A_1194 = arith.constant 2 : i32
        %dma_start3A_1195 = arith.constant 256 : i32
        %dma_start3A_1196 = tpu.memref_slice %arg24[%dma_start3A_1195] : memref<2048xf32, #tpu.memory_space<vmem>> -> memref<128xf32, #tpu.memory_space<vmem>>
        %dma_start3A_1197 = arith.constant 0 : i32
        %dma_start3A_1198 = tpu.memref_slice %arg19[%dma_start3A_1194, %dma_start3A_1197] : memref<16x128xi32, #tpu.memory_space<vmem>> -> memref<1x128xi32, #tpu.memory_space<vmem>>
        %dma_start3A_1199 = tpu.memref_squeeze %dma_start3A_1198 : memref<1x128xi32, #tpu.memory_space<vmem>> -> memref<128xi32, #tpu.memory_space<vmem>>
        %dma_start3A_1200 = arith.constant 0 : i32
        %dma_start3A_1201 = tpu.memref_slice %arg16[%dma_start3A_1200] : memref<100096xf32, #tpu.memory_space<vmem_shared>> -> memref<100096xf32, #tpu.memory_space<vmem_shared>>
        tpu.enqueue_indirect_dma source(%dma_start3A_1196 : memref<128xf32, #tpu.memory_space<vmem>>) target(%dma_start3A_1201 : memref<100096xf32, #tpu.memory_space<vmem_shared>>) offsets(%dma_start3A_1199 : memref<128xi32, #tpu.memory_space<vmem>>) semaphore(%arg27 : memref<!tpu.dma_semaphore, #tpu.memory_space<semaphore_mem>>) {add = true}
        %dma_start3A_1202 = arith.constant 3 : i32
        %dma_start3A_1203 = arith.constant 384 : i32
        %dma_start3A_1204 = tpu.memref_slice %arg21[%dma_start3A_1203] : memref<2048xf32, #tpu.memory_space<vmem>> -> memref<128xf32, #tpu.memory_space<vmem>>
        %dma_start3A_1205 = arith.constant 0 : i32
        %dma_start3A_1206 = tpu.memref_slice %arg19[%dma_start3A_1202, %dma_start3A_1205] : memref<16x128xi32, #tpu.memory_space<vmem>> -> memref<1x128xi32, #tpu.memory_space<vmem>>
        %dma_start3A_1207 = tpu.memref_squeeze %dma_start3A_1206 : memref<1x128xi32, #tpu.memory_space<vmem>> -> memref<128xi32, #tpu.memory_space<vmem>>
        %dma_start3A_1208 = arith.constant 0 : i32
        %dma_start3A_1209 = tpu.memref_slice %arg13[%dma_start3A_1208] : memref<100096xf32, #tpu.memory_space<vmem_shared>> -> memref<100096xf32, #tpu.memory_space<vmem_shared>>
        tpu.enqueue_indirect_dma source(%dma_start3A_1204 : memref<128xf32, #tpu.memory_space<vmem>>) target(%dma_start3A_1209 : memref<100096xf32, #tpu.memory_space<vmem_shared>>) offsets(%dma_start3A_1207 : memref<128xi32, #tpu.memory_space<vmem>>) semaphore(%arg27 : memref<!tpu.dma_semaphore, #tpu.memory_space<semaphore_mem>>) {add = true}
        %dma_start3A_1210 = arith.constant 3 : i32
        %dma_start3A_1211 = arith.constant 384 : i32
        %dma_start3A_1212 = tpu.memref_slice %arg22[%dma_start3A_1211] : memref<2048xf32, #tpu.memory_space<vmem>> -> memref<128xf32, #tpu.memory_space<vmem>>
        %dma_start3A_1213 = arith.constant 0 : i32
        %dma_start3A_1214 = tpu.memref_slice %arg19[%dma_start3A_1210, %dma_start3A_1213] : memref<16x128xi32, #tpu.memory_space<vmem>> -> memref<1x128xi32, #tpu.memory_space<vmem>>
        %dma_start3A_1215 = tpu.memref_squeeze %dma_start3A_1214 : memref<1x128xi32, #tpu.memory_space<vmem>> -> memref<128xi32, #tpu.memory_space<vmem>>
        %dma_start3A_1216 = arith.constant 0 : i32
        %dma_start3A_1217 = tpu.memref_slice %arg14[%dma_start3A_1216] : memref<100096xf32, #tpu.memory_space<vmem_shared>> -> memref<100096xf32, #tpu.memory_space<vmem_shared>>
        tpu.enqueue_indirect_dma source(%dma_start3A_1212 : memref<128xf32, #tpu.memory_space<vmem>>) target(%dma_start3A_1217 : memref<100096xf32, #tpu.memory_space<vmem_shared>>) offsets(%dma_start3A_1215 : memref<128xi32, #tpu.memory_space<vmem>>) semaphore(%arg27 : memref<!tpu.dma_semaphore, #tpu.memory_space<semaphore_mem>>) {add = true}
        %dma_start3A_1218 = arith.constant 3 : i32
        %dma_start3A_1219 = arith.constant 384 : i32
        %dma_start3A_1220 = tpu.memref_slice %arg23[%dma_start3A_1219] : memref<2048xf32, #tpu.memory_space<vmem>> -> memref<128xf32, #tpu.memory_space<vmem>>
        %dma_start3A_1221 = arith.constant 0 : i32
        %dma_start3A_1222 = tpu.memref_slice %arg19[%dma_start3A_1218, %dma_start3A_1221] : memref<16x128xi32, #tpu.memory_space<vmem>> -> memref<1x128xi32, #tpu.memory_space<vmem>>
        %dma_start3A_1223 = tpu.memref_squeeze %dma_start3A_1222 : memref<1x128xi32, #tpu.memory_space<vmem>> -> memref<128xi32, #tpu.memory_space<vmem>>
        %dma_start3A_1224 = arith.constant 0 : i32
        %dma_start3A_1225 = tpu.memref_slice %arg15[%dma_start3A_1224] : memref<100096xf32, #tpu.memory_space<vmem_shared>> -> memref<100096xf32, #tpu.memory_space<vmem_shared>>
        tpu.enqueue_indirect_dma source(%dma_start3A_1220 : memref<128xf32, #tpu.memory_space<vmem>>) target(%dma_start3A_1225 : memref<100096xf32, #tpu.memory_space<vmem_shared>>) offsets(%dma_start3A_1223 : memref<128xi32, #tpu.memory_space<vmem>>) semaphore(%arg27 : memref<!tpu.dma_semaphore, #tpu.memory_space<semaphore_mem>>) {add = true}
        %dma_start3A_1226 = arith.constant 3 : i32
        %dma_start3A_1227 = arith.constant 384 : i32
        %dma_start3A_1228 = tpu.memref_slice %arg24[%dma_start3A_1227] : memref<2048xf32, #tpu.memory_space<vmem>> -> memref<128xf32, #tpu.memory_space<vmem>>
        %dma_start3A_1229 = arith.constant 0 : i32
        %dma_start3A_1230 = tpu.memref_slice %arg19[%dma_start3A_1226, %dma_start3A_1229] : memref<16x128xi32, #tpu.memory_space<vmem>> -> memref<1x128xi32, #tpu.memory_space<vmem>>
        %dma_start3A_1231 = tpu.memref_squeeze %dma_start3A_1230 : memref<1x128xi32, #tpu.memory_space<vmem>> -> memref<128xi32, #tpu.memory_space<vmem>>
        %dma_start3A_1232 = arith.constant 0 : i32
        %dma_start3A_1233 = tpu.memref_slice %arg16[%dma_start3A_1232] : memref<100096xf32, #tpu.memory_space<vmem_shared>> -> memref<100096xf32, #tpu.memory_space<vmem_shared>>
        tpu.enqueue_indirect_dma source(%dma_start3A_1228 : memref<128xf32, #tpu.memory_space<vmem>>) target(%dma_start3A_1233 : memref<100096xf32, #tpu.memory_space<vmem_shared>>) offsets(%dma_start3A_1231 : memref<128xi32, #tpu.memory_space<vmem>>) semaphore(%arg27 : memref<!tpu.dma_semaphore, #tpu.memory_space<semaphore_mem>>) {add = true}
        %dma_start3A_1234 = arith.constant 4 : i32
        %dma_start3A_1235 = arith.constant 512 : i32
        %dma_start3A_1236 = tpu.memref_slice %arg21[%dma_start3A_1235] : memref<2048xf32, #tpu.memory_space<vmem>> -> memref<128xf32, #tpu.memory_space<vmem>>
        %dma_start3A_1237 = arith.constant 0 : i32
        %dma_start3A_1238 = tpu.memref_slice %arg19[%dma_start3A_1234, %dma_start3A_1237] : memref<16x128xi32, #tpu.memory_space<vmem>> -> memref<1x128xi32, #tpu.memory_space<vmem>>
        %dma_start3A_1239 = tpu.memref_squeeze %dma_start3A_1238 : memref<1x128xi32, #tpu.memory_space<vmem>> -> memref<128xi32, #tpu.memory_space<vmem>>
        %dma_start3A_1240 = arith.constant 0 : i32
        %dma_start3A_1241 = tpu.memref_slice %arg13[%dma_start3A_1240] : memref<100096xf32, #tpu.memory_space<vmem_shared>> -> memref<100096xf32, #tpu.memory_space<vmem_shared>>
        tpu.enqueue_indirect_dma source(%dma_start3A_1236 : memref<128xf32, #tpu.memory_space<vmem>>) target(%dma_start3A_1241 : memref<100096xf32, #tpu.memory_space<vmem_shared>>) offsets(%dma_start3A_1239 : memref<128xi32, #tpu.memory_space<vmem>>) semaphore(%arg27 : memref<!tpu.dma_semaphore, #tpu.memory_space<semaphore_mem>>) {add = true}
        %dma_start3A_1242 = arith.constant 4 : i32
        %dma_start3A_1243 = arith.constant 512 : i32
        %dma_start3A_1244 = tpu.memref_slice %arg22[%dma_start3A_1243] : memref<2048xf32, #tpu.memory_space<vmem>> -> memref<128xf32, #tpu.memory_space<vmem>>
        %dma_start3A_1245 = arith.constant 0 : i32
        %dma_start3A_1246 = tpu.memref_slice %arg19[%dma_start3A_1242, %dma_start3A_1245] : memref<16x128xi32, #tpu.memory_space<vmem>> -> memref<1x128xi32, #tpu.memory_space<vmem>>
        %dma_start3A_1247 = tpu.memref_squeeze %dma_start3A_1246 : memref<1x128xi32, #tpu.memory_space<vmem>> -> memref<128xi32, #tpu.memory_space<vmem>>
        %dma_start3A_1248 = arith.constant 0 : i32
        %dma_start3A_1249 = tpu.memref_slice %arg14[%dma_start3A_1248] : memref<100096xf32, #tpu.memory_space<vmem_shared>> -> memref<100096xf32, #tpu.memory_space<vmem_shared>>
        tpu.enqueue_indirect_dma source(%dma_start3A_1244 : memref<128xf32, #tpu.memory_space<vmem>>) target(%dma_start3A_1249 : memref<100096xf32, #tpu.memory_space<vmem_shared>>) offsets(%dma_start3A_1247 : memref<128xi32, #tpu.memory_space<vmem>>) semaphore(%arg27 : memref<!tpu.dma_semaphore, #tpu.memory_space<semaphore_mem>>) {add = true}
        %dma_start3A_1250 = arith.constant 4 : i32
        %dma_start3A_1251 = arith.constant 512 : i32
        %dma_start3A_1252 = tpu.memref_slice %arg23[%dma_start3A_1251] : memref<2048xf32, #tpu.memory_space<vmem>> -> memref<128xf32, #tpu.memory_space<vmem>>
        %dma_start3A_1253 = arith.constant 0 : i32
        %dma_start3A_1254 = tpu.memref_slice %arg19[%dma_start3A_1250, %dma_start3A_1253] : memref<16x128xi32, #tpu.memory_space<vmem>> -> memref<1x128xi32, #tpu.memory_space<vmem>>
        %dma_start3A_1255 = tpu.memref_squeeze %dma_start3A_1254 : memref<1x128xi32, #tpu.memory_space<vmem>> -> memref<128xi32, #tpu.memory_space<vmem>>
        %dma_start3A_1256 = arith.constant 0 : i32
        %dma_start3A_1257 = tpu.memref_slice %arg15[%dma_start3A_1256] : memref<100096xf32, #tpu.memory_space<vmem_shared>> -> memref<100096xf32, #tpu.memory_space<vmem_shared>>
        tpu.enqueue_indirect_dma source(%dma_start3A_1252 : memref<128xf32, #tpu.memory_space<vmem>>) target(%dma_start3A_1257 : memref<100096xf32, #tpu.memory_space<vmem_shared>>) offsets(%dma_start3A_1255 : memref<128xi32, #tpu.memory_space<vmem>>) semaphore(%arg27 : memref<!tpu.dma_semaphore, #tpu.memory_space<semaphore_mem>>) {add = true}
        %dma_start3A_1258 = arith.constant 4 : i32
        %dma_start3A_1259 = arith.constant 512 : i32
        %dma_start3A_1260 = tpu.memref_slice %arg24[%dma_start3A_1259] : memref<2048xf32, #tpu.memory_space<vmem>> -> memref<128xf32, #tpu.memory_space<vmem>>
        %dma_start3A_1261 = arith.constant 0 : i32
        %dma_start3A_1262 = tpu.memref_slice %arg19[%dma_start3A_1258, %dma_start3A_1261] : memref<16x128xi32, #tpu.memory_space<vmem>> -> memref<1x128xi32, #tpu.memory_space<vmem>>
        %dma_start3A_1263 = tpu.memref_squeeze %dma_start3A_1262 : memref<1x128xi32, #tpu.memory_space<vmem>> -> memref<128xi32, #tpu.memory_space<vmem>>
        %dma_start3A_1264 = arith.constant 0 : i32
        %dma_start3A_1265 = tpu.memref_slice %arg16[%dma_start3A_1264] : memref<100096xf32, #tpu.memory_space<vmem_shared>> -> memref<100096xf32, #tpu.memory_space<vmem_shared>>
        tpu.enqueue_indirect_dma source(%dma_start3A_1260 : memref<128xf32, #tpu.memory_space<vmem>>) target(%dma_start3A_1265 : memref<100096xf32, #tpu.memory_space<vmem_shared>>) offsets(%dma_start3A_1263 : memref<128xi32, #tpu.memory_space<vmem>>) semaphore(%arg27 : memref<!tpu.dma_semaphore, #tpu.memory_space<semaphore_mem>>) {add = true}
        %dma_start3A_1266 = arith.constant 5 : i32
        %dma_start3A_1267 = arith.constant 640 : i32
        %dma_start3A_1268 = tpu.memref_slice %arg21[%dma_start3A_1267] : memref<2048xf32, #tpu.memory_space<vmem>> -> memref<128xf32, #tpu.memory_space<vmem>>
        %dma_start3A_1269 = arith.constant 0 : i32
        %dma_start3A_1270 = tpu.memref_slice %arg19[%dma_start3A_1266, %dma_start3A_1269] : memref<16x128xi32, #tpu.memory_space<vmem>> -> memref<1x128xi32, #tpu.memory_space<vmem>>
        %dma_start3A_1271 = tpu.memref_squeeze %dma_start3A_1270 : memref<1x128xi32, #tpu.memory_space<vmem>> -> memref<128xi32, #tpu.memory_space<vmem>>
        %dma_start3A_1272 = arith.constant 0 : i32
        %dma_start3A_1273 = tpu.memref_slice %arg13[%dma_start3A_1272] : memref<100096xf32, #tpu.memory_space<vmem_shared>> -> memref<100096xf32, #tpu.memory_space<vmem_shared>>
        tpu.enqueue_indirect_dma source(%dma_start3A_1268 : memref<128xf32, #tpu.memory_space<vmem>>) target(%dma_start3A_1273 : memref<100096xf32, #tpu.memory_space<vmem_shared>>) offsets(%dma_start3A_1271 : memref<128xi32, #tpu.memory_space<vmem>>) semaphore(%arg27 : memref<!tpu.dma_semaphore, #tpu.memory_space<semaphore_mem>>) {add = true}
        %dma_start3A_1274 = arith.constant 5 : i32
        %dma_start3A_1275 = arith.constant 640 : i32
        %dma_start3A_1276 = tpu.memref_slice %arg22[%dma_start3A_1275] : memref<2048xf32, #tpu.memory_space<vmem>> -> memref<128xf32, #tpu.memory_space<vmem>>
        %dma_start3A_1277 = arith.constant 0 : i32
        %dma_start3A_1278 = tpu.memref_slice %arg19[%dma_start3A_1274, %dma_start3A_1277] : memref<16x128xi32, #tpu.memory_space<vmem>> -> memref<1x128xi32, #tpu.memory_space<vmem>>
        %dma_start3A_1279 = tpu.memref_squeeze %dma_start3A_1278 : memref<1x128xi32, #tpu.memory_space<vmem>> -> memref<128xi32, #tpu.memory_space<vmem>>
        %dma_start3A_1280 = arith.constant 0 : i32
        %dma_start3A_1281 = tpu.memref_slice %arg14[%dma_start3A_1280] : memref<100096xf32, #tpu.memory_space<vmem_shared>> -> memref<100096xf32, #tpu.memory_space<vmem_shared>>
        tpu.enqueue_indirect_dma source(%dma_start3A_1276 : memref<128xf32, #tpu.memory_space<vmem>>) target(%dma_start3A_1281 : memref<100096xf32, #tpu.memory_space<vmem_shared>>) offsets(%dma_start3A_1279 : memref<128xi32, #tpu.memory_space<vmem>>) semaphore(%arg27 : memref<!tpu.dma_semaphore, #tpu.memory_space<semaphore_mem>>) {add = true}
        %dma_start3A_1282 = arith.constant 5 : i32
        %dma_start3A_1283 = arith.constant 640 : i32
        %dma_start3A_1284 = tpu.memref_slice %arg23[%dma_start3A_1283] : memref<2048xf32, #tpu.memory_space<vmem>> -> memref<128xf32, #tpu.memory_space<vmem>>
        %dma_start3A_1285 = arith.constant 0 : i32
        %dma_start3A_1286 = tpu.memref_slice %arg19[%dma_start3A_1282, %dma_start3A_1285] : memref<16x128xi32, #tpu.memory_space<vmem>> -> memref<1x128xi32, #tpu.memory_space<vmem>>
        %dma_start3A_1287 = tpu.memref_squeeze %dma_start3A_1286 : memref<1x128xi32, #tpu.memory_space<vmem>> -> memref<128xi32, #tpu.memory_space<vmem>>
        %dma_start3A_1288 = arith.constant 0 : i32
        %dma_start3A_1289 = tpu.memref_slice %arg15[%dma_start3A_1288] : memref<100096xf32, #tpu.memory_space<vmem_shared>> -> memref<100096xf32, #tpu.memory_space<vmem_shared>>
        tpu.enqueue_indirect_dma source(%dma_start3A_1284 : memref<128xf32, #tpu.memory_space<vmem>>) target(%dma_start3A_1289 : memref<100096xf32, #tpu.memory_space<vmem_shared>>) offsets(%dma_start3A_1287 : memref<128xi32, #tpu.memory_space<vmem>>) semaphore(%arg27 : memref<!tpu.dma_semaphore, #tpu.memory_space<semaphore_mem>>) {add = true}
        %dma_start3A_1290 = arith.constant 5 : i32
        %dma_start3A_1291 = arith.constant 640 : i32
        %dma_start3A_1292 = tpu.memref_slice %arg24[%dma_start3A_1291] : memref<2048xf32, #tpu.memory_space<vmem>> -> memref<128xf32, #tpu.memory_space<vmem>>
        %dma_start3A_1293 = arith.constant 0 : i32
        %dma_start3A_1294 = tpu.memref_slice %arg19[%dma_start3A_1290, %dma_start3A_1293] : memref<16x128xi32, #tpu.memory_space<vmem>> -> memref<1x128xi32, #tpu.memory_space<vmem>>
        %dma_start3A_1295 = tpu.memref_squeeze %dma_start3A_1294 : memref<1x128xi32, #tpu.memory_space<vmem>> -> memref<128xi32, #tpu.memory_space<vmem>>
        %dma_start3A_1296 = arith.constant 0 : i32
        %dma_start3A_1297 = tpu.memref_slice %arg16[%dma_start3A_1296] : memref<100096xf32, #tpu.memory_space<vmem_shared>> -> memref<100096xf32, #tpu.memory_space<vmem_shared>>
        tpu.enqueue_indirect_dma source(%dma_start3A_1292 : memref<128xf32, #tpu.memory_space<vmem>>) target(%dma_start3A_1297 : memref<100096xf32, #tpu.memory_space<vmem_shared>>) offsets(%dma_start3A_1295 : memref<128xi32, #tpu.memory_space<vmem>>) semaphore(%arg27 : memref<!tpu.dma_semaphore, #tpu.memory_space<semaphore_mem>>) {add = true}
        %dma_start3A_1298 = arith.constant 6 : i32
        %dma_start3A_1299 = arith.constant 768 : i32
        %dma_start3A_1300 = tpu.memref_slice %arg21[%dma_start3A_1299] : memref<2048xf32, #tpu.memory_space<vmem>> -> memref<128xf32, #tpu.memory_space<vmem>>
        %dma_start3A_1301 = arith.constant 0 : i32
        %dma_start3A_1302 = tpu.memref_slice %arg19[%dma_start3A_1298, %dma_start3A_1301] : memref<16x128xi32, #tpu.memory_space<vmem>> -> memref<1x128xi32, #tpu.memory_space<vmem>>
        %dma_start3A_1303 = tpu.memref_squeeze %dma_start3A_1302 : memref<1x128xi32, #tpu.memory_space<vmem>> -> memref<128xi32, #tpu.memory_space<vmem>>
        %dma_start3A_1304 = arith.constant 0 : i32
        %dma_start3A_1305 = tpu.memref_slice %arg13[%dma_start3A_1304] : memref<100096xf32, #tpu.memory_space<vmem_shared>> -> memref<100096xf32, #tpu.memory_space<vmem_shared>>
        tpu.enqueue_indirect_dma source(%dma_start3A_1300 : memref<128xf32, #tpu.memory_space<vmem>>) target(%dma_start3A_1305 : memref<100096xf32, #tpu.memory_space<vmem_shared>>) offsets(%dma_start3A_1303 : memref<128xi32, #tpu.memory_space<vmem>>) semaphore(%arg27 : memref<!tpu.dma_semaphore, #tpu.memory_space<semaphore_mem>>) {add = true}
        %dma_start3A_1306 = arith.constant 6 : i32
        %dma_start3A_1307 = arith.constant 768 : i32
        %dma_start3A_1308 = tpu.memref_slice %arg22[%dma_start3A_1307] : memref<2048xf32, #tpu.memory_space<vmem>> -> memref<128xf32, #tpu.memory_space<vmem>>
        %dma_start3A_1309 = arith.constant 0 : i32
        %dma_start3A_1310 = tpu.memref_slice %arg19[%dma_start3A_1306, %dma_start3A_1309] : memref<16x128xi32, #tpu.memory_space<vmem>> -> memref<1x128xi32, #tpu.memory_space<vmem>>
        %dma_start3A_1311 = tpu.memref_squeeze %dma_start3A_1310 : memref<1x128xi32, #tpu.memory_space<vmem>> -> memref<128xi32, #tpu.memory_space<vmem>>
        %dma_start3A_1312 = arith.constant 0 : i32
        %dma_start3A_1313 = tpu.memref_slice %arg14[%dma_start3A_1312] : memref<100096xf32, #tpu.memory_space<vmem_shared>> -> memref<100096xf32, #tpu.memory_space<vmem_shared>>
        tpu.enqueue_indirect_dma source(%dma_start3A_1308 : memref<128xf32, #tpu.memory_space<vmem>>) target(%dma_start3A_1313 : memref<100096xf32, #tpu.memory_space<vmem_shared>>) offsets(%dma_start3A_1311 : memref<128xi32, #tpu.memory_space<vmem>>) semaphore(%arg27 : memref<!tpu.dma_semaphore, #tpu.memory_space<semaphore_mem>>) {add = true}
        %dma_start3A_1314 = arith.constant 6 : i32
        %dma_start3A_1315 = arith.constant 768 : i32
        %dma_start3A_1316 = tpu.memref_slice %arg23[%dma_start3A_1315] : memref<2048xf32, #tpu.memory_space<vmem>> -> memref<128xf32, #tpu.memory_space<vmem>>
        %dma_start3A_1317 = arith.constant 0 : i32
        %dma_start3A_1318 = tpu.memref_slice %arg19[%dma_start3A_1314, %dma_start3A_1317] : memref<16x128xi32, #tpu.memory_space<vmem>> -> memref<1x128xi32, #tpu.memory_space<vmem>>
        %dma_start3A_1319 = tpu.memref_squeeze %dma_start3A_1318 : memref<1x128xi32, #tpu.memory_space<vmem>> -> memref<128xi32, #tpu.memory_space<vmem>>
        %dma_start3A_1320 = arith.constant 0 : i32
        %dma_start3A_1321 = tpu.memref_slice %arg15[%dma_start3A_1320] : memref<100096xf32, #tpu.memory_space<vmem_shared>> -> memref<100096xf32, #tpu.memory_space<vmem_shared>>
        tpu.enqueue_indirect_dma source(%dma_start3A_1316 : memref<128xf32, #tpu.memory_space<vmem>>) target(%dma_start3A_1321 : memref<100096xf32, #tpu.memory_space<vmem_shared>>) offsets(%dma_start3A_1319 : memref<128xi32, #tpu.memory_space<vmem>>) semaphore(%arg27 : memref<!tpu.dma_semaphore, #tpu.memory_space<semaphore_mem>>) {add = true}
        %dma_start3A_1322 = arith.constant 6 : i32
        %dma_start3A_1323 = arith.constant 768 : i32
        %dma_start3A_1324 = tpu.memref_slice %arg24[%dma_start3A_1323] : memref<2048xf32, #tpu.memory_space<vmem>> -> memref<128xf32, #tpu.memory_space<vmem>>
        %dma_start3A_1325 = arith.constant 0 : i32
        %dma_start3A_1326 = tpu.memref_slice %arg19[%dma_start3A_1322, %dma_start3A_1325] : memref<16x128xi32, #tpu.memory_space<vmem>> -> memref<1x128xi32, #tpu.memory_space<vmem>>
        %dma_start3A_1327 = tpu.memref_squeeze %dma_start3A_1326 : memref<1x128xi32, #tpu.memory_space<vmem>> -> memref<128xi32, #tpu.memory_space<vmem>>
        %dma_start3A_1328 = arith.constant 0 : i32
        %dma_start3A_1329 = tpu.memref_slice %arg16[%dma_start3A_1328] : memref<100096xf32, #tpu.memory_space<vmem_shared>> -> memref<100096xf32, #tpu.memory_space<vmem_shared>>
        tpu.enqueue_indirect_dma source(%dma_start3A_1324 : memref<128xf32, #tpu.memory_space<vmem>>) target(%dma_start3A_1329 : memref<100096xf32, #tpu.memory_space<vmem_shared>>) offsets(%dma_start3A_1327 : memref<128xi32, #tpu.memory_space<vmem>>) semaphore(%arg27 : memref<!tpu.dma_semaphore, #tpu.memory_space<semaphore_mem>>) {add = true}
        %dma_start3A_1330 = arith.constant 7 : i32
        %dma_start3A_1331 = arith.constant 896 : i32
        %dma_start3A_1332 = tpu.memref_slice %arg21[%dma_start3A_1331] : memref<2048xf32, #tpu.memory_space<vmem>> -> memref<128xf32, #tpu.memory_space<vmem>>
        %dma_start3A_1333 = arith.constant 0 : i32
        %dma_start3A_1334 = tpu.memref_slice %arg19[%dma_start3A_1330, %dma_start3A_1333] : memref<16x128xi32, #tpu.memory_space<vmem>> -> memref<1x128xi32, #tpu.memory_space<vmem>>
        %dma_start3A_1335 = tpu.memref_squeeze %dma_start3A_1334 : memref<1x128xi32, #tpu.memory_space<vmem>> -> memref<128xi32, #tpu.memory_space<vmem>>
        %dma_start3A_1336 = arith.constant 0 : i32
        %dma_start3A_1337 = tpu.memref_slice %arg13[%dma_start3A_1336] : memref<100096xf32, #tpu.memory_space<vmem_shared>> -> memref<100096xf32, #tpu.memory_space<vmem_shared>>
        tpu.enqueue_indirect_dma source(%dma_start3A_1332 : memref<128xf32, #tpu.memory_space<vmem>>) target(%dma_start3A_1337 : memref<100096xf32, #tpu.memory_space<vmem_shared>>) offsets(%dma_start3A_1335 : memref<128xi32, #tpu.memory_space<vmem>>) semaphore(%arg27 : memref<!tpu.dma_semaphore, #tpu.memory_space<semaphore_mem>>) {add = true}
        %dma_start3A_1338 = arith.constant 7 : i32
        %dma_start3A_1339 = arith.constant 896 : i32
        %dma_start3A_1340 = tpu.memref_slice %arg22[%dma_start3A_1339] : memref<2048xf32, #tpu.memory_space<vmem>> -> memref<128xf32, #tpu.memory_space<vmem>>
        %dma_start3A_1341 = arith.constant 0 : i32
        %dma_start3A_1342 = tpu.memref_slice %arg19[%dma_start3A_1338, %dma_start3A_1341] : memref<16x128xi32, #tpu.memory_space<vmem>> -> memref<1x128xi32, #tpu.memory_space<vmem>>
        %dma_start3A_1343 = tpu.memref_squeeze %dma_start3A_1342 : memref<1x128xi32, #tpu.memory_space<vmem>> -> memref<128xi32, #tpu.memory_space<vmem>>
        %dma_start3A_1344 = arith.constant 0 : i32
        %dma_start3A_1345 = tpu.memref_slice %arg14[%dma_start3A_1344] : memref<100096xf32, #tpu.memory_space<vmem_shared>> -> memref<100096xf32, #tpu.memory_space<vmem_shared>>
        tpu.enqueue_indirect_dma source(%dma_start3A_1340 : memref<128xf32, #tpu.memory_space<vmem>>) target(%dma_start3A_1345 : memref<100096xf32, #tpu.memory_space<vmem_shared>>) offsets(%dma_start3A_1343 : memref<128xi32, #tpu.memory_space<vmem>>) semaphore(%arg27 : memref<!tpu.dma_semaphore, #tpu.memory_space<semaphore_mem>>) {add = true}
        %dma_start3A_1346 = arith.constant 7 : i32
        %dma_start3A_1347 = arith.constant 896 : i32
        %dma_start3A_1348 = tpu.memref_slice %arg23[%dma_start3A_1347] : memref<2048xf32, #tpu.memory_space<vmem>> -> memref<128xf32, #tpu.memory_space<vmem>>
        %dma_start3A_1349 = arith.constant 0 : i32
        %dma_start3A_1350 = tpu.memref_slice %arg19[%dma_start3A_1346, %dma_start3A_1349] : memref<16x128xi32, #tpu.memory_space<vmem>> -> memref<1x128xi32, #tpu.memory_space<vmem>>
        %dma_start3A_1351 = tpu.memref_squeeze %dma_start3A_1350 : memref<1x128xi32, #tpu.memory_space<vmem>> -> memref<128xi32, #tpu.memory_space<vmem>>
        %dma_start3A_1352 = arith.constant 0 : i32
        %dma_start3A_1353 = tpu.memref_slice %arg15[%dma_start3A_1352] : memref<100096xf32, #tpu.memory_space<vmem_shared>> -> memref<100096xf32, #tpu.memory_space<vmem_shared>>
        tpu.enqueue_indirect_dma source(%dma_start3A_1348 : memref<128xf32, #tpu.memory_space<vmem>>) target(%dma_start3A_1353 : memref<100096xf32, #tpu.memory_space<vmem_shared>>) offsets(%dma_start3A_1351 : memref<128xi32, #tpu.memory_space<vmem>>) semaphore(%arg27 : memref<!tpu.dma_semaphore, #tpu.memory_space<semaphore_mem>>) {add = true}
        %dma_start3A_1354 = arith.constant 7 : i32
        %dma_start3A_1355 = arith.constant 896 : i32
        %dma_start3A_1356 = tpu.memref_slice %arg24[%dma_start3A_1355] : memref<2048xf32, #tpu.memory_space<vmem>> -> memref<128xf32, #tpu.memory_space<vmem>>
        %dma_start3A_1357 = arith.constant 0 : i32
        %dma_start3A_1358 = tpu.memref_slice %arg19[%dma_start3A_1354, %dma_start3A_1357] : memref<16x128xi32, #tpu.memory_space<vmem>> -> memref<1x128xi32, #tpu.memory_space<vmem>>
        %dma_start3A_1359 = tpu.memref_squeeze %dma_start3A_1358 : memref<1x128xi32, #tpu.memory_space<vmem>> -> memref<128xi32, #tpu.memory_space<vmem>>
        %dma_start3A_1360 = arith.constant 0 : i32
        %dma_start3A_1361 = tpu.memref_slice %arg16[%dma_start3A_1360] : memref<100096xf32, #tpu.memory_space<vmem_shared>> -> memref<100096xf32, #tpu.memory_space<vmem_shared>>
        tpu.enqueue_indirect_dma source(%dma_start3A_1356 : memref<128xf32, #tpu.memory_space<vmem>>) target(%dma_start3A_1361 : memref<100096xf32, #tpu.memory_space<vmem_shared>>) offsets(%dma_start3A_1359 : memref<128xi32, #tpu.memory_space<vmem>>) semaphore(%arg27 : memref<!tpu.dma_semaphore, #tpu.memory_space<semaphore_mem>>) {add = true}
        %dma_start3A_1362 = arith.constant 8 : i32
        %dma_start3A_1363 = arith.constant 1024 : i32
        %dma_start3A_1364 = tpu.memref_slice %arg21[%dma_start3A_1363] : memref<2048xf32, #tpu.memory_space<vmem>> -> memref<128xf32, #tpu.memory_space<vmem>>
        %dma_start3A_1365 = arith.constant 0 : i32
        %dma_start3A_1366 = tpu.memref_slice %arg19[%dma_start3A_1362, %dma_start3A_1365] : memref<16x128xi32, #tpu.memory_space<vmem>> -> memref<1x128xi32, #tpu.memory_space<vmem>>
        %dma_start3A_1367 = tpu.memref_squeeze %dma_start3A_1366 : memref<1x128xi32, #tpu.memory_space<vmem>> -> memref<128xi32, #tpu.memory_space<vmem>>
        %dma_start3A_1368 = arith.constant 0 : i32
        %dma_start3A_1369 = tpu.memref_slice %arg13[%dma_start3A_1368] : memref<100096xf32, #tpu.memory_space<vmem_shared>> -> memref<100096xf32, #tpu.memory_space<vmem_shared>>
        tpu.enqueue_indirect_dma source(%dma_start3A_1364 : memref<128xf32, #tpu.memory_space<vmem>>) target(%dma_start3A_1369 : memref<100096xf32, #tpu.memory_space<vmem_shared>>) offsets(%dma_start3A_1367 : memref<128xi32, #tpu.memory_space<vmem>>) semaphore(%arg27 : memref<!tpu.dma_semaphore, #tpu.memory_space<semaphore_mem>>) {add = true}
        %dma_start3A_1370 = arith.constant 8 : i32
        %dma_start3A_1371 = arith.constant 1024 : i32
        %dma_start3A_1372 = tpu.memref_slice %arg22[%dma_start3A_1371] : memref<2048xf32, #tpu.memory_space<vmem>> -> memref<128xf32, #tpu.memory_space<vmem>>
        %dma_start3A_1373 = arith.constant 0 : i32
        %dma_start3A_1374 = tpu.memref_slice %arg19[%dma_start3A_1370, %dma_start3A_1373] : memref<16x128xi32, #tpu.memory_space<vmem>> -> memref<1x128xi32, #tpu.memory_space<vmem>>
        %dma_start3A_1375 = tpu.memref_squeeze %dma_start3A_1374 : memref<1x128xi32, #tpu.memory_space<vmem>> -> memref<128xi32, #tpu.memory_space<vmem>>
        %dma_start3A_1376 = arith.constant 0 : i32
        %dma_start3A_1377 = tpu.memref_slice %arg14[%dma_start3A_1376] : memref<100096xf32, #tpu.memory_space<vmem_shared>> -> memref<100096xf32, #tpu.memory_space<vmem_shared>>
        tpu.enqueue_indirect_dma source(%dma_start3A_1372 : memref<128xf32, #tpu.memory_space<vmem>>) target(%dma_start3A_1377 : memref<100096xf32, #tpu.memory_space<vmem_shared>>) offsets(%dma_start3A_1375 : memref<128xi32, #tpu.memory_space<vmem>>) semaphore(%arg27 : memref<!tpu.dma_semaphore, #tpu.memory_space<semaphore_mem>>) {add = true}
        %dma_start3A_1378 = arith.constant 8 : i32
        %dma_start3A_1379 = arith.constant 1024 : i32
        %dma_start3A_1380 = tpu.memref_slice %arg23[%dma_start3A_1379] : memref<2048xf32, #tpu.memory_space<vmem>> -> memref<128xf32, #tpu.memory_space<vmem>>
        %dma_start3A_1381 = arith.constant 0 : i32
        %dma_start3A_1382 = tpu.memref_slice %arg19[%dma_start3A_1378, %dma_start3A_1381] : memref<16x128xi32, #tpu.memory_space<vmem>> -> memref<1x128xi32, #tpu.memory_space<vmem>>
        %dma_start3A_1383 = tpu.memref_squeeze %dma_start3A_1382 : memref<1x128xi32, #tpu.memory_space<vmem>> -> memref<128xi32, #tpu.memory_space<vmem>>
        %dma_start3A_1384 = arith.constant 0 : i32
        %dma_start3A_1385 = tpu.memref_slice %arg15[%dma_start3A_1384] : memref<100096xf32, #tpu.memory_space<vmem_shared>> -> memref<100096xf32, #tpu.memory_space<vmem_shared>>
        tpu.enqueue_indirect_dma source(%dma_start3A_1380 : memref<128xf32, #tpu.memory_space<vmem>>) target(%dma_start3A_1385 : memref<100096xf32, #tpu.memory_space<vmem_shared>>) offsets(%dma_start3A_1383 : memref<128xi32, #tpu.memory_space<vmem>>) semaphore(%arg27 : memref<!tpu.dma_semaphore, #tpu.memory_space<semaphore_mem>>) {add = true}
        %dma_start3A_1386 = arith.constant 8 : i32
        %dma_start3A_1387 = arith.constant 1024 : i32
        %dma_start3A_1388 = tpu.memref_slice %arg24[%dma_start3A_1387] : memref<2048xf32, #tpu.memory_space<vmem>> -> memref<128xf32, #tpu.memory_space<vmem>>
        %dma_start3A_1389 = arith.constant 0 : i32
        %dma_start3A_1390 = tpu.memref_slice %arg19[%dma_start3A_1386, %dma_start3A_1389] : memref<16x128xi32, #tpu.memory_space<vmem>> -> memref<1x128xi32, #tpu.memory_space<vmem>>
        %dma_start3A_1391 = tpu.memref_squeeze %dma_start3A_1390 : memref<1x128xi32, #tpu.memory_space<vmem>> -> memref<128xi32, #tpu.memory_space<vmem>>
        %dma_start3A_1392 = arith.constant 0 : i32
        %dma_start3A_1393 = tpu.memref_slice %arg16[%dma_start3A_1392] : memref<100096xf32, #tpu.memory_space<vmem_shared>> -> memref<100096xf32, #tpu.memory_space<vmem_shared>>
        tpu.enqueue_indirect_dma source(%dma_start3A_1388 : memref<128xf32, #tpu.memory_space<vmem>>) target(%dma_start3A_1393 : memref<100096xf32, #tpu.memory_space<vmem_shared>>) offsets(%dma_start3A_1391 : memref<128xi32, #tpu.memory_space<vmem>>) semaphore(%arg27 : memref<!tpu.dma_semaphore, #tpu.memory_space<semaphore_mem>>) {add = true}
        %dma_start3A_1394 = arith.constant 9 : i32
        %dma_start3A_1395 = arith.constant 1152 : i32
        %dma_start3A_1396 = tpu.memref_slice %arg21[%dma_start3A_1395] : memref<2048xf32, #tpu.memory_space<vmem>> -> memref<128xf32, #tpu.memory_space<vmem>>
        %dma_start3A_1397 = arith.constant 0 : i32
        %dma_start3A_1398 = tpu.memref_slice %arg19[%dma_start3A_1394, %dma_start3A_1397] : memref<16x128xi32, #tpu.memory_space<vmem>> -> memref<1x128xi32, #tpu.memory_space<vmem>>
        %dma_start3A_1399 = tpu.memref_squeeze %dma_start3A_1398 : memref<1x128xi32, #tpu.memory_space<vmem>> -> memref<128xi32, #tpu.memory_space<vmem>>
        %dma_start3A_1400 = arith.constant 0 : i32
        %dma_start3A_1401 = tpu.memref_slice %arg13[%dma_start3A_1400] : memref<100096xf32, #tpu.memory_space<vmem_shared>> -> memref<100096xf32, #tpu.memory_space<vmem_shared>>
        tpu.enqueue_indirect_dma source(%dma_start3A_1396 : memref<128xf32, #tpu.memory_space<vmem>>) target(%dma_start3A_1401 : memref<100096xf32, #tpu.memory_space<vmem_shared>>) offsets(%dma_start3A_1399 : memref<128xi32, #tpu.memory_space<vmem>>) semaphore(%arg27 : memref<!tpu.dma_semaphore, #tpu.memory_space<semaphore_mem>>) {add = true}
        %dma_start3A_1402 = arith.constant 9 : i32
        %dma_start3A_1403 = arith.constant 1152 : i32
        %dma_start3A_1404 = tpu.memref_slice %arg22[%dma_start3A_1403] : memref<2048xf32, #tpu.memory_space<vmem>> -> memref<128xf32, #tpu.memory_space<vmem>>
        %dma_start3A_1405 = arith.constant 0 : i32
        %dma_start3A_1406 = tpu.memref_slice %arg19[%dma_start3A_1402, %dma_start3A_1405] : memref<16x128xi32, #tpu.memory_space<vmem>> -> memref<1x128xi32, #tpu.memory_space<vmem>>
        %dma_start3A_1407 = tpu.memref_squeeze %dma_start3A_1406 : memref<1x128xi32, #tpu.memory_space<vmem>> -> memref<128xi32, #tpu.memory_space<vmem>>
        %dma_start3A_1408 = arith.constant 0 : i32
        %dma_start3A_1409 = tpu.memref_slice %arg14[%dma_start3A_1408] : memref<100096xf32, #tpu.memory_space<vmem_shared>> -> memref<100096xf32, #tpu.memory_space<vmem_shared>>
        tpu.enqueue_indirect_dma source(%dma_start3A_1404 : memref<128xf32, #tpu.memory_space<vmem>>) target(%dma_start3A_1409 : memref<100096xf32, #tpu.memory_space<vmem_shared>>) offsets(%dma_start3A_1407 : memref<128xi32, #tpu.memory_space<vmem>>) semaphore(%arg27 : memref<!tpu.dma_semaphore, #tpu.memory_space<semaphore_mem>>) {add = true}
        %dma_start3A_1410 = arith.constant 9 : i32
        %dma_start3A_1411 = arith.constant 1152 : i32
        %dma_start3A_1412 = tpu.memref_slice %arg23[%dma_start3A_1411] : memref<2048xf32, #tpu.memory_space<vmem>> -> memref<128xf32, #tpu.memory_space<vmem>>
        %dma_start3A_1413 = arith.constant 0 : i32
        %dma_start3A_1414 = tpu.memref_slice %arg19[%dma_start3A_1410, %dma_start3A_1413] : memref<16x128xi32, #tpu.memory_space<vmem>> -> memref<1x128xi32, #tpu.memory_space<vmem>>
        %dma_start3A_1415 = tpu.memref_squeeze %dma_start3A_1414 : memref<1x128xi32, #tpu.memory_space<vmem>> -> memref<128xi32, #tpu.memory_space<vmem>>
        %dma_start3A_1416 = arith.constant 0 : i32
        %dma_start3A_1417 = tpu.memref_slice %arg15[%dma_start3A_1416] : memref<100096xf32, #tpu.memory_space<vmem_shared>> -> memref<100096xf32, #tpu.memory_space<vmem_shared>>
        tpu.enqueue_indirect_dma source(%dma_start3A_1412 : memref<128xf32, #tpu.memory_space<vmem>>) target(%dma_start3A_1417 : memref<100096xf32, #tpu.memory_space<vmem_shared>>) offsets(%dma_start3A_1415 : memref<128xi32, #tpu.memory_space<vmem>>) semaphore(%arg27 : memref<!tpu.dma_semaphore, #tpu.memory_space<semaphore_mem>>) {add = true}
        %dma_start3A_1418 = arith.constant 9 : i32
        %dma_start3A_1419 = arith.constant 1152 : i32
        %dma_start3A_1420 = tpu.memref_slice %arg24[%dma_start3A_1419] : memref<2048xf32, #tpu.memory_space<vmem>> -> memref<128xf32, #tpu.memory_space<vmem>>
        %dma_start3A_1421 = arith.constant 0 : i32
        %dma_start3A_1422 = tpu.memref_slice %arg19[%dma_start3A_1418, %dma_start3A_1421] : memref<16x128xi32, #tpu.memory_space<vmem>> -> memref<1x128xi32, #tpu.memory_space<vmem>>
        %dma_start3A_1423 = tpu.memref_squeeze %dma_start3A_1422 : memref<1x128xi32, #tpu.memory_space<vmem>> -> memref<128xi32, #tpu.memory_space<vmem>>
        %dma_start3A_1424 = arith.constant 0 : i32
        %dma_start3A_1425 = tpu.memref_slice %arg16[%dma_start3A_1424] : memref<100096xf32, #tpu.memory_space<vmem_shared>> -> memref<100096xf32, #tpu.memory_space<vmem_shared>>
        tpu.enqueue_indirect_dma source(%dma_start3A_1420 : memref<128xf32, #tpu.memory_space<vmem>>) target(%dma_start3A_1425 : memref<100096xf32, #tpu.memory_space<vmem_shared>>) offsets(%dma_start3A_1423 : memref<128xi32, #tpu.memory_space<vmem>>) semaphore(%arg27 : memref<!tpu.dma_semaphore, #tpu.memory_space<semaphore_mem>>) {add = true}
        %dma_start3A_1426 = arith.constant 10 : i32
        %dma_start3A_1427 = arith.constant 1280 : i32
        %dma_start3A_1428 = tpu.memref_slice %arg21[%dma_start3A_1427] : memref<2048xf32, #tpu.memory_space<vmem>> -> memref<128xf32, #tpu.memory_space<vmem>>
        %dma_start3A_1429 = arith.constant 0 : i32
        %dma_start3A_1430 = tpu.memref_slice %arg19[%dma_start3A_1426, %dma_start3A_1429] : memref<16x128xi32, #tpu.memory_space<vmem>> -> memref<1x128xi32, #tpu.memory_space<vmem>>
        %dma_start3A_1431 = tpu.memref_squeeze %dma_start3A_1430 : memref<1x128xi32, #tpu.memory_space<vmem>> -> memref<128xi32, #tpu.memory_space<vmem>>
        %dma_start3A_1432 = arith.constant 0 : i32
        %dma_start3A_1433 = tpu.memref_slice %arg13[%dma_start3A_1432] : memref<100096xf32, #tpu.memory_space<vmem_shared>> -> memref<100096xf32, #tpu.memory_space<vmem_shared>>
        tpu.enqueue_indirect_dma source(%dma_start3A_1428 : memref<128xf32, #tpu.memory_space<vmem>>) target(%dma_start3A_1433 : memref<100096xf32, #tpu.memory_space<vmem_shared>>) offsets(%dma_start3A_1431 : memref<128xi32, #tpu.memory_space<vmem>>) semaphore(%arg27 : memref<!tpu.dma_semaphore, #tpu.memory_space<semaphore_mem>>) {add = true}
        %dma_start3A_1434 = arith.constant 10 : i32
        %dma_start3A_1435 = arith.constant 1280 : i32
        %dma_start3A_1436 = tpu.memref_slice %arg22[%dma_start3A_1435] : memref<2048xf32, #tpu.memory_space<vmem>> -> memref<128xf32, #tpu.memory_space<vmem>>
        %dma_start3A_1437 = arith.constant 0 : i32
        %dma_start3A_1438 = tpu.memref_slice %arg19[%dma_start3A_1434, %dma_start3A_1437] : memref<16x128xi32, #tpu.memory_space<vmem>> -> memref<1x128xi32, #tpu.memory_space<vmem>>
        %dma_start3A_1439 = tpu.memref_squeeze %dma_start3A_1438 : memref<1x128xi32, #tpu.memory_space<vmem>> -> memref<128xi32, #tpu.memory_space<vmem>>
        %dma_start3A_1440 = arith.constant 0 : i32
        %dma_start3A_1441 = tpu.memref_slice %arg14[%dma_start3A_1440] : memref<100096xf32, #tpu.memory_space<vmem_shared>> -> memref<100096xf32, #tpu.memory_space<vmem_shared>>
        tpu.enqueue_indirect_dma source(%dma_start3A_1436 : memref<128xf32, #tpu.memory_space<vmem>>) target(%dma_start3A_1441 : memref<100096xf32, #tpu.memory_space<vmem_shared>>) offsets(%dma_start3A_1439 : memref<128xi32, #tpu.memory_space<vmem>>) semaphore(%arg27 : memref<!tpu.dma_semaphore, #tpu.memory_space<semaphore_mem>>) {add = true}
        %dma_start3A_1442 = arith.constant 10 : i32
        %dma_start3A_1443 = arith.constant 1280 : i32
        %dma_start3A_1444 = tpu.memref_slice %arg23[%dma_start3A_1443] : memref<2048xf32, #tpu.memory_space<vmem>> -> memref<128xf32, #tpu.memory_space<vmem>>
        %dma_start3A_1445 = arith.constant 0 : i32
        %dma_start3A_1446 = tpu.memref_slice %arg19[%dma_start3A_1442, %dma_start3A_1445] : memref<16x128xi32, #tpu.memory_space<vmem>> -> memref<1x128xi32, #tpu.memory_space<vmem>>
        %dma_start3A_1447 = tpu.memref_squeeze %dma_start3A_1446 : memref<1x128xi32, #tpu.memory_space<vmem>> -> memref<128xi32, #tpu.memory_space<vmem>>
        %dma_start3A_1448 = arith.constant 0 : i32
        %dma_start3A_1449 = tpu.memref_slice %arg15[%dma_start3A_1448] : memref<100096xf32, #tpu.memory_space<vmem_shared>> -> memref<100096xf32, #tpu.memory_space<vmem_shared>>
        tpu.enqueue_indirect_dma source(%dma_start3A_1444 : memref<128xf32, #tpu.memory_space<vmem>>) target(%dma_start3A_1449 : memref<100096xf32, #tpu.memory_space<vmem_shared>>) offsets(%dma_start3A_1447 : memref<128xi32, #tpu.memory_space<vmem>>) semaphore(%arg27 : memref<!tpu.dma_semaphore, #tpu.memory_space<semaphore_mem>>) {add = true}
        %dma_start3A_1450 = arith.constant 10 : i32
        %dma_start3A_1451 = arith.constant 1280 : i32
        %dma_start3A_1452 = tpu.memref_slice %arg24[%dma_start3A_1451] : memref<2048xf32, #tpu.memory_space<vmem>> -> memref<128xf32, #tpu.memory_space<vmem>>
        %dma_start3A_1453 = arith.constant 0 : i32
        %dma_start3A_1454 = tpu.memref_slice %arg19[%dma_start3A_1450, %dma_start3A_1453] : memref<16x128xi32, #tpu.memory_space<vmem>> -> memref<1x128xi32, #tpu.memory_space<vmem>>
        %dma_start3A_1455 = tpu.memref_squeeze %dma_start3A_1454 : memref<1x128xi32, #tpu.memory_space<vmem>> -> memref<128xi32, #tpu.memory_space<vmem>>
        %dma_start3A_1456 = arith.constant 0 : i32
        %dma_start3A_1457 = tpu.memref_slice %arg16[%dma_start3A_1456] : memref<100096xf32, #tpu.memory_space<vmem_shared>> -> memref<100096xf32, #tpu.memory_space<vmem_shared>>
        tpu.enqueue_indirect_dma source(%dma_start3A_1452 : memref<128xf32, #tpu.memory_space<vmem>>) target(%dma_start3A_1457 : memref<100096xf32, #tpu.memory_space<vmem_shared>>) offsets(%dma_start3A_1455 : memref<128xi32, #tpu.memory_space<vmem>>) semaphore(%arg27 : memref<!tpu.dma_semaphore, #tpu.memory_space<semaphore_mem>>) {add = true}
        %dma_start3A_1458 = arith.constant 11 : i32
        %dma_start3A_1459 = arith.constant 1408 : i32
        %dma_start3A_1460 = tpu.memref_slice %arg21[%dma_start3A_1459] : memref<2048xf32, #tpu.memory_space<vmem>> -> memref<128xf32, #tpu.memory_space<vmem>>
        %dma_start3A_1461 = arith.constant 0 : i32
        %dma_start3A_1462 = tpu.memref_slice %arg19[%dma_start3A_1458, %dma_start3A_1461] : memref<16x128xi32, #tpu.memory_space<vmem>> -> memref<1x128xi32, #tpu.memory_space<vmem>>
        %dma_start3A_1463 = tpu.memref_squeeze %dma_start3A_1462 : memref<1x128xi32, #tpu.memory_space<vmem>> -> memref<128xi32, #tpu.memory_space<vmem>>
        %dma_start3A_1464 = arith.constant 0 : i32
        %dma_start3A_1465 = tpu.memref_slice %arg13[%dma_start3A_1464] : memref<100096xf32, #tpu.memory_space<vmem_shared>> -> memref<100096xf32, #tpu.memory_space<vmem_shared>>
        tpu.enqueue_indirect_dma source(%dma_start3A_1460 : memref<128xf32, #tpu.memory_space<vmem>>) target(%dma_start3A_1465 : memref<100096xf32, #tpu.memory_space<vmem_shared>>) offsets(%dma_start3A_1463 : memref<128xi32, #tpu.memory_space<vmem>>) semaphore(%arg27 : memref<!tpu.dma_semaphore, #tpu.memory_space<semaphore_mem>>) {add = true}
        %dma_start3A_1466 = arith.constant 11 : i32
        %dma_start3A_1467 = arith.constant 1408 : i32
        %dma_start3A_1468 = tpu.memref_slice %arg22[%dma_start3A_1467] : memref<2048xf32, #tpu.memory_space<vmem>> -> memref<128xf32, #tpu.memory_space<vmem>>
        %dma_start3A_1469 = arith.constant 0 : i32
        %dma_start3A_1470 = tpu.memref_slice %arg19[%dma_start3A_1466, %dma_start3A_1469] : memref<16x128xi32, #tpu.memory_space<vmem>> -> memref<1x128xi32, #tpu.memory_space<vmem>>
        %dma_start3A_1471 = tpu.memref_squeeze %dma_start3A_1470 : memref<1x128xi32, #tpu.memory_space<vmem>> -> memref<128xi32, #tpu.memory_space<vmem>>
        %dma_start3A_1472 = arith.constant 0 : i32
        %dma_start3A_1473 = tpu.memref_slice %arg14[%dma_start3A_1472] : memref<100096xf32, #tpu.memory_space<vmem_shared>> -> memref<100096xf32, #tpu.memory_space<vmem_shared>>
        tpu.enqueue_indirect_dma source(%dma_start3A_1468 : memref<128xf32, #tpu.memory_space<vmem>>) target(%dma_start3A_1473 : memref<100096xf32, #tpu.memory_space<vmem_shared>>) offsets(%dma_start3A_1471 : memref<128xi32, #tpu.memory_space<vmem>>) semaphore(%arg27 : memref<!tpu.dma_semaphore, #tpu.memory_space<semaphore_mem>>) {add = true}
        %dma_start3A_1474 = arith.constant 11 : i32
        %dma_start3A_1475 = arith.constant 1408 : i32
        %dma_start3A_1476 = tpu.memref_slice %arg23[%dma_start3A_1475] : memref<2048xf32, #tpu.memory_space<vmem>> -> memref<128xf32, #tpu.memory_space<vmem>>
        %dma_start3A_1477 = arith.constant 0 : i32
        %dma_start3A_1478 = tpu.memref_slice %arg19[%dma_start3A_1474, %dma_start3A_1477] : memref<16x128xi32, #tpu.memory_space<vmem>> -> memref<1x128xi32, #tpu.memory_space<vmem>>
        %dma_start3A_1479 = tpu.memref_squeeze %dma_start3A_1478 : memref<1x128xi32, #tpu.memory_space<vmem>> -> memref<128xi32, #tpu.memory_space<vmem>>
        %dma_start3A_1480 = arith.constant 0 : i32
        %dma_start3A_1481 = tpu.memref_slice %arg15[%dma_start3A_1480] : memref<100096xf32, #tpu.memory_space<vmem_shared>> -> memref<100096xf32, #tpu.memory_space<vmem_shared>>
        tpu.enqueue_indirect_dma source(%dma_start3A_1476 : memref<128xf32, #tpu.memory_space<vmem>>) target(%dma_start3A_1481 : memref<100096xf32, #tpu.memory_space<vmem_shared>>) offsets(%dma_start3A_1479 : memref<128xi32, #tpu.memory_space<vmem>>) semaphore(%arg27 : memref<!tpu.dma_semaphore, #tpu.memory_space<semaphore_mem>>) {add = true}
        %dma_start3A_1482 = arith.constant 11 : i32
        %dma_start3A_1483 = arith.constant 1408 : i32
        %dma_start3A_1484 = tpu.memref_slice %arg24[%dma_start3A_1483] : memref<2048xf32, #tpu.memory_space<vmem>> -> memref<128xf32, #tpu.memory_space<vmem>>
        %dma_start3A_1485 = arith.constant 0 : i32
        %dma_start3A_1486 = tpu.memref_slice %arg19[%dma_start3A_1482, %dma_start3A_1485] : memref<16x128xi32, #tpu.memory_space<vmem>> -> memref<1x128xi32, #tpu.memory_space<vmem>>
        %dma_start3A_1487 = tpu.memref_squeeze %dma_start3A_1486 : memref<1x128xi32, #tpu.memory_space<vmem>> -> memref<128xi32, #tpu.memory_space<vmem>>
        %dma_start3A_1488 = arith.constant 0 : i32
        %dma_start3A_1489 = tpu.memref_slice %arg16[%dma_start3A_1488] : memref<100096xf32, #tpu.memory_space<vmem_shared>> -> memref<100096xf32, #tpu.memory_space<vmem_shared>>
        tpu.enqueue_indirect_dma source(%dma_start3A_1484 : memref<128xf32, #tpu.memory_space<vmem>>) target(%dma_start3A_1489 : memref<100096xf32, #tpu.memory_space<vmem_shared>>) offsets(%dma_start3A_1487 : memref<128xi32, #tpu.memory_space<vmem>>) semaphore(%arg27 : memref<!tpu.dma_semaphore, #tpu.memory_space<semaphore_mem>>) {add = true}
        %dma_start3A_1490 = arith.constant 12 : i32
        %dma_start3A_1491 = arith.constant 1536 : i32
        %dma_start3A_1492 = tpu.memref_slice %arg21[%dma_start3A_1491] : memref<2048xf32, #tpu.memory_space<vmem>> -> memref<128xf32, #tpu.memory_space<vmem>>
        %dma_start3A_1493 = arith.constant 0 : i32
        %dma_start3A_1494 = tpu.memref_slice %arg19[%dma_start3A_1490, %dma_start3A_1493] : memref<16x128xi32, #tpu.memory_space<vmem>> -> memref<1x128xi32, #tpu.memory_space<vmem>>
        %dma_start3A_1495 = tpu.memref_squeeze %dma_start3A_1494 : memref<1x128xi32, #tpu.memory_space<vmem>> -> memref<128xi32, #tpu.memory_space<vmem>>
        %dma_start3A_1496 = arith.constant 0 : i32
        %dma_start3A_1497 = tpu.memref_slice %arg13[%dma_start3A_1496] : memref<100096xf32, #tpu.memory_space<vmem_shared>> -> memref<100096xf32, #tpu.memory_space<vmem_shared>>
        tpu.enqueue_indirect_dma source(%dma_start3A_1492 : memref<128xf32, #tpu.memory_space<vmem>>) target(%dma_start3A_1497 : memref<100096xf32, #tpu.memory_space<vmem_shared>>) offsets(%dma_start3A_1495 : memref<128xi32, #tpu.memory_space<vmem>>) semaphore(%arg27 : memref<!tpu.dma_semaphore, #tpu.memory_space<semaphore_mem>>) {add = true}
        %dma_start3A_1498 = arith.constant 12 : i32
        %dma_start3A_1499 = arith.constant 1536 : i32
        %dma_start3A_1500 = tpu.memref_slice %arg22[%dma_start3A_1499] : memref<2048xf32, #tpu.memory_space<vmem>> -> memref<128xf32, #tpu.memory_space<vmem>>
        %dma_start3A_1501 = arith.constant 0 : i32
        %dma_start3A_1502 = tpu.memref_slice %arg19[%dma_start3A_1498, %dma_start3A_1501] : memref<16x128xi32, #tpu.memory_space<vmem>> -> memref<1x128xi32, #tpu.memory_space<vmem>>
        %dma_start3A_1503 = tpu.memref_squeeze %dma_start3A_1502 : memref<1x128xi32, #tpu.memory_space<vmem>> -> memref<128xi32, #tpu.memory_space<vmem>>
        %dma_start3A_1504 = arith.constant 0 : i32
        %dma_start3A_1505 = tpu.memref_slice %arg14[%dma_start3A_1504] : memref<100096xf32, #tpu.memory_space<vmem_shared>> -> memref<100096xf32, #tpu.memory_space<vmem_shared>>
        tpu.enqueue_indirect_dma source(%dma_start3A_1500 : memref<128xf32, #tpu.memory_space<vmem>>) target(%dma_start3A_1505 : memref<100096xf32, #tpu.memory_space<vmem_shared>>) offsets(%dma_start3A_1503 : memref<128xi32, #tpu.memory_space<vmem>>) semaphore(%arg27 : memref<!tpu.dma_semaphore, #tpu.memory_space<semaphore_mem>>) {add = true}
        %dma_start3A_1506 = arith.constant 12 : i32
        %dma_start3A_1507 = arith.constant 1536 : i32
        %dma_start3A_1508 = tpu.memref_slice %arg23[%dma_start3A_1507] : memref<2048xf32, #tpu.memory_space<vmem>> -> memref<128xf32, #tpu.memory_space<vmem>>
        %dma_start3A_1509 = arith.constant 0 : i32
        %dma_start3A_1510 = tpu.memref_slice %arg19[%dma_start3A_1506, %dma_start3A_1509] : memref<16x128xi32, #tpu.memory_space<vmem>> -> memref<1x128xi32, #tpu.memory_space<vmem>>
        %dma_start3A_1511 = tpu.memref_squeeze %dma_start3A_1510 : memref<1x128xi32, #tpu.memory_space<vmem>> -> memref<128xi32, #tpu.memory_space<vmem>>
        %dma_start3A_1512 = arith.constant 0 : i32
        %dma_start3A_1513 = tpu.memref_slice %arg15[%dma_start3A_1512] : memref<100096xf32, #tpu.memory_space<vmem_shared>> -> memref<100096xf32, #tpu.memory_space<vmem_shared>>
        tpu.enqueue_indirect_dma source(%dma_start3A_1508 : memref<128xf32, #tpu.memory_space<vmem>>) target(%dma_start3A_1513 : memref<100096xf32, #tpu.memory_space<vmem_shared>>) offsets(%dma_start3A_1511 : memref<128xi32, #tpu.memory_space<vmem>>) semaphore(%arg27 : memref<!tpu.dma_semaphore, #tpu.memory_space<semaphore_mem>>) {add = true}
        %dma_start3A_1514 = arith.constant 12 : i32
        %dma_start3A_1515 = arith.constant 1536 : i32
        %dma_start3A_1516 = tpu.memref_slice %arg24[%dma_start3A_1515] : memref<2048xf32, #tpu.memory_space<vmem>> -> memref<128xf32, #tpu.memory_space<vmem>>
        %dma_start3A_1517 = arith.constant 0 : i32
        %dma_start3A_1518 = tpu.memref_slice %arg19[%dma_start3A_1514, %dma_start3A_1517] : memref<16x128xi32, #tpu.memory_space<vmem>> -> memref<1x128xi32, #tpu.memory_space<vmem>>
        %dma_start3A_1519 = tpu.memref_squeeze %dma_start3A_1518 : memref<1x128xi32, #tpu.memory_space<vmem>> -> memref<128xi32, #tpu.memory_space<vmem>>
        %dma_start3A_1520 = arith.constant 0 : i32
        %dma_start3A_1521 = tpu.memref_slice %arg16[%dma_start3A_1520] : memref<100096xf32, #tpu.memory_space<vmem_shared>> -> memref<100096xf32, #tpu.memory_space<vmem_shared>>
        tpu.enqueue_indirect_dma source(%dma_start3A_1516 : memref<128xf32, #tpu.memory_space<vmem>>) target(%dma_start3A_1521 : memref<100096xf32, #tpu.memory_space<vmem_shared>>) offsets(%dma_start3A_1519 : memref<128xi32, #tpu.memory_space<vmem>>) semaphore(%arg27 : memref<!tpu.dma_semaphore, #tpu.memory_space<semaphore_mem>>) {add = true}
        %dma_start3A_1522 = arith.constant 13 : i32
        %dma_start3A_1523 = arith.constant 1664 : i32
        %dma_start3A_1524 = tpu.memref_slice %arg21[%dma_start3A_1523] : memref<2048xf32, #tpu.memory_space<vmem>> -> memref<128xf32, #tpu.memory_space<vmem>>
        %dma_start3A_1525 = arith.constant 0 : i32
        %dma_start3A_1526 = tpu.memref_slice %arg19[%dma_start3A_1522, %dma_start3A_1525] : memref<16x128xi32, #tpu.memory_space<vmem>> -> memref<1x128xi32, #tpu.memory_space<vmem>>
        %dma_start3A_1527 = tpu.memref_squeeze %dma_start3A_1526 : memref<1x128xi32, #tpu.memory_space<vmem>> -> memref<128xi32, #tpu.memory_space<vmem>>
        %dma_start3A_1528 = arith.constant 0 : i32
        %dma_start3A_1529 = tpu.memref_slice %arg13[%dma_start3A_1528] : memref<100096xf32, #tpu.memory_space<vmem_shared>> -> memref<100096xf32, #tpu.memory_space<vmem_shared>>
        tpu.enqueue_indirect_dma source(%dma_start3A_1524 : memref<128xf32, #tpu.memory_space<vmem>>) target(%dma_start3A_1529 : memref<100096xf32, #tpu.memory_space<vmem_shared>>) offsets(%dma_start3A_1527 : memref<128xi32, #tpu.memory_space<vmem>>) semaphore(%arg27 : memref<!tpu.dma_semaphore, #tpu.memory_space<semaphore_mem>>) {add = true}
        %dma_start3A_1530 = arith.constant 13 : i32
        %dma_start3A_1531 = arith.constant 1664 : i32
        %dma_start3A_1532 = tpu.memref_slice %arg22[%dma_start3A_1531] : memref<2048xf32, #tpu.memory_space<vmem>> -> memref<128xf32, #tpu.memory_space<vmem>>
        %dma_start3A_1533 = arith.constant 0 : i32
        %dma_start3A_1534 = tpu.memref_slice %arg19[%dma_start3A_1530, %dma_start3A_1533] : memref<16x128xi32, #tpu.memory_space<vmem>> -> memref<1x128xi32, #tpu.memory_space<vmem>>
        %dma_start3A_1535 = tpu.memref_squeeze %dma_start3A_1534 : memref<1x128xi32, #tpu.memory_space<vmem>> -> memref<128xi32, #tpu.memory_space<vmem>>
        %dma_start3A_1536 = arith.constant 0 : i32
        %dma_start3A_1537 = tpu.memref_slice %arg14[%dma_start3A_1536] : memref<100096xf32, #tpu.memory_space<vmem_shared>> -> memref<100096xf32, #tpu.memory_space<vmem_shared>>
        tpu.enqueue_indirect_dma source(%dma_start3A_1532 : memref<128xf32, #tpu.memory_space<vmem>>) target(%dma_start3A_1537 : memref<100096xf32, #tpu.memory_space<vmem_shared>>) offsets(%dma_start3A_1535 : memref<128xi32, #tpu.memory_space<vmem>>) semaphore(%arg27 : memref<!tpu.dma_semaphore, #tpu.memory_space<semaphore_mem>>) {add = true}
        %dma_start3A_1538 = arith.constant 13 : i32
        %dma_start3A_1539 = arith.constant 1664 : i32
        %dma_start3A_1540 = tpu.memref_slice %arg23[%dma_start3A_1539] : memref<2048xf32, #tpu.memory_space<vmem>> -> memref<128xf32, #tpu.memory_space<vmem>>
        %dma_start3A_1541 = arith.constant 0 : i32
        %dma_start3A_1542 = tpu.memref_slice %arg19[%dma_start3A_1538, %dma_start3A_1541] : memref<16x128xi32, #tpu.memory_space<vmem>> -> memref<1x128xi32, #tpu.memory_space<vmem>>
        %dma_start3A_1543 = tpu.memref_squeeze %dma_start3A_1542 : memref<1x128xi32, #tpu.memory_space<vmem>> -> memref<128xi32, #tpu.memory_space<vmem>>
        %dma_start3A_1544 = arith.constant 0 : i32
        %dma_start3A_1545 = tpu.memref_slice %arg15[%dma_start3A_1544] : memref<100096xf32, #tpu.memory_space<vmem_shared>> -> memref<100096xf32, #tpu.memory_space<vmem_shared>>
        tpu.enqueue_indirect_dma source(%dma_start3A_1540 : memref<128xf32, #tpu.memory_space<vmem>>) target(%dma_start3A_1545 : memref<100096xf32, #tpu.memory_space<vmem_shared>>) offsets(%dma_start3A_1543 : memref<128xi32, #tpu.memory_space<vmem>>) semaphore(%arg27 : memref<!tpu.dma_semaphore, #tpu.memory_space<semaphore_mem>>) {add = true}
        %dma_start3A_1546 = arith.constant 13 : i32
        %dma_start3A_1547 = arith.constant 1664 : i32
        %dma_start3A_1548 = tpu.memref_slice %arg24[%dma_start3A_1547] : memref<2048xf32, #tpu.memory_space<vmem>> -> memref<128xf32, #tpu.memory_space<vmem>>
        %dma_start3A_1549 = arith.constant 0 : i32
        %dma_start3A_1550 = tpu.memref_slice %arg19[%dma_start3A_1546, %dma_start3A_1549] : memref<16x128xi32, #tpu.memory_space<vmem>> -> memref<1x128xi32, #tpu.memory_space<vmem>>
        %dma_start3A_1551 = tpu.memref_squeeze %dma_start3A_1550 : memref<1x128xi32, #tpu.memory_space<vmem>> -> memref<128xi32, #tpu.memory_space<vmem>>
        %dma_start3A_1552 = arith.constant 0 : i32
        %dma_start3A_1553 = tpu.memref_slice %arg16[%dma_start3A_1552] : memref<100096xf32, #tpu.memory_space<vmem_shared>> -> memref<100096xf32, #tpu.memory_space<vmem_shared>>
        tpu.enqueue_indirect_dma source(%dma_start3A_1548 : memref<128xf32, #tpu.memory_space<vmem>>) target(%dma_start3A_1553 : memref<100096xf32, #tpu.memory_space<vmem_shared>>) offsets(%dma_start3A_1551 : memref<128xi32, #tpu.memory_space<vmem>>) semaphore(%arg27 : memref<!tpu.dma_semaphore, #tpu.memory_space<semaphore_mem>>) {add = true}
        %dma_start3A_1554 = arith.constant 14 : i32
        %dma_start3A_1555 = arith.constant 1792 : i32
        %dma_start3A_1556 = tpu.memref_slice %arg21[%dma_start3A_1555] : memref<2048xf32, #tpu.memory_space<vmem>> -> memref<128xf32, #tpu.memory_space<vmem>>
        %dma_start3A_1557 = arith.constant 0 : i32
        %dma_start3A_1558 = tpu.memref_slice %arg19[%dma_start3A_1554, %dma_start3A_1557] : memref<16x128xi32, #tpu.memory_space<vmem>> -> memref<1x128xi32, #tpu.memory_space<vmem>>
        %dma_start3A_1559 = tpu.memref_squeeze %dma_start3A_1558 : memref<1x128xi32, #tpu.memory_space<vmem>> -> memref<128xi32, #tpu.memory_space<vmem>>
        %dma_start3A_1560 = arith.constant 0 : i32
        %dma_start3A_1561 = tpu.memref_slice %arg13[%dma_start3A_1560] : memref<100096xf32, #tpu.memory_space<vmem_shared>> -> memref<100096xf32, #tpu.memory_space<vmem_shared>>
        tpu.enqueue_indirect_dma source(%dma_start3A_1556 : memref<128xf32, #tpu.memory_space<vmem>>) target(%dma_start3A_1561 : memref<100096xf32, #tpu.memory_space<vmem_shared>>) offsets(%dma_start3A_1559 : memref<128xi32, #tpu.memory_space<vmem>>) semaphore(%arg27 : memref<!tpu.dma_semaphore, #tpu.memory_space<semaphore_mem>>) {add = true}
        %dma_start3A_1562 = arith.constant 14 : i32
        %dma_start3A_1563 = arith.constant 1792 : i32
        %dma_start3A_1564 = tpu.memref_slice %arg22[%dma_start3A_1563] : memref<2048xf32, #tpu.memory_space<vmem>> -> memref<128xf32, #tpu.memory_space<vmem>>
        %dma_start3A_1565 = arith.constant 0 : i32
        %dma_start3A_1566 = tpu.memref_slice %arg19[%dma_start3A_1562, %dma_start3A_1565] : memref<16x128xi32, #tpu.memory_space<vmem>> -> memref<1x128xi32, #tpu.memory_space<vmem>>
        %dma_start3A_1567 = tpu.memref_squeeze %dma_start3A_1566 : memref<1x128xi32, #tpu.memory_space<vmem>> -> memref<128xi32, #tpu.memory_space<vmem>>
        %dma_start3A_1568 = arith.constant 0 : i32
        %dma_start3A_1569 = tpu.memref_slice %arg14[%dma_start3A_1568] : memref<100096xf32, #tpu.memory_space<vmem_shared>> -> memref<100096xf32, #tpu.memory_space<vmem_shared>>
        tpu.enqueue_indirect_dma source(%dma_start3A_1564 : memref<128xf32, #tpu.memory_space<vmem>>) target(%dma_start3A_1569 : memref<100096xf32, #tpu.memory_space<vmem_shared>>) offsets(%dma_start3A_1567 : memref<128xi32, #tpu.memory_space<vmem>>) semaphore(%arg27 : memref<!tpu.dma_semaphore, #tpu.memory_space<semaphore_mem>>) {add = true}
        %dma_start3A_1570 = arith.constant 14 : i32
        %dma_start3A_1571 = arith.constant 1792 : i32
        %dma_start3A_1572 = tpu.memref_slice %arg23[%dma_start3A_1571] : memref<2048xf32, #tpu.memory_space<vmem>> -> memref<128xf32, #tpu.memory_space<vmem>>
        %dma_start3A_1573 = arith.constant 0 : i32
        %dma_start3A_1574 = tpu.memref_slice %arg19[%dma_start3A_1570, %dma_start3A_1573] : memref<16x128xi32, #tpu.memory_space<vmem>> -> memref<1x128xi32, #tpu.memory_space<vmem>>
        %dma_start3A_1575 = tpu.memref_squeeze %dma_start3A_1574 : memref<1x128xi32, #tpu.memory_space<vmem>> -> memref<128xi32, #tpu.memory_space<vmem>>
        %dma_start3A_1576 = arith.constant 0 : i32
        %dma_start3A_1577 = tpu.memref_slice %arg15[%dma_start3A_1576] : memref<100096xf32, #tpu.memory_space<vmem_shared>> -> memref<100096xf32, #tpu.memory_space<vmem_shared>>
        tpu.enqueue_indirect_dma source(%dma_start3A_1572 : memref<128xf32, #tpu.memory_space<vmem>>) target(%dma_start3A_1577 : memref<100096xf32, #tpu.memory_space<vmem_shared>>) offsets(%dma_start3A_1575 : memref<128xi32, #tpu.memory_space<vmem>>) semaphore(%arg27 : memref<!tpu.dma_semaphore, #tpu.memory_space<semaphore_mem>>) {add = true}
        %dma_start3A_1578 = arith.constant 14 : i32
        %dma_start3A_1579 = arith.constant 1792 : i32
        %dma_start3A_1580 = tpu.memref_slice %arg24[%dma_start3A_1579] : memref<2048xf32, #tpu.memory_space<vmem>> -> memref<128xf32, #tpu.memory_space<vmem>>
        %dma_start3A_1581 = arith.constant 0 : i32
        %dma_start3A_1582 = tpu.memref_slice %arg19[%dma_start3A_1578, %dma_start3A_1581] : memref<16x128xi32, #tpu.memory_space<vmem>> -> memref<1x128xi32, #tpu.memory_space<vmem>>
        %dma_start3A_1583 = tpu.memref_squeeze %dma_start3A_1582 : memref<1x128xi32, #tpu.memory_space<vmem>> -> memref<128xi32, #tpu.memory_space<vmem>>
        %dma_start3A_1584 = arith.constant 0 : i32
        %dma_start3A_1585 = tpu.memref_slice %arg16[%dma_start3A_1584] : memref<100096xf32, #tpu.memory_space<vmem_shared>> -> memref<100096xf32, #tpu.memory_space<vmem_shared>>
        tpu.enqueue_indirect_dma source(%dma_start3A_1580 : memref<128xf32, #tpu.memory_space<vmem>>) target(%dma_start3A_1585 : memref<100096xf32, #tpu.memory_space<vmem_shared>>) offsets(%dma_start3A_1583 : memref<128xi32, #tpu.memory_space<vmem>>) semaphore(%arg27 : memref<!tpu.dma_semaphore, #tpu.memory_space<semaphore_mem>>) {add = true}
        %dma_start3A_1586 = arith.constant 15 : i32
        %dma_start3A_1587 = arith.constant 1920 : i32
        %dma_start3A_1588 = tpu.memref_slice %arg21[%dma_start3A_1587] : memref<2048xf32, #tpu.memory_space<vmem>> -> memref<128xf32, #tpu.memory_space<vmem>>
        %dma_start3A_1589 = arith.constant 0 : i32
        %dma_start3A_1590 = tpu.memref_slice %arg19[%dma_start3A_1586, %dma_start3A_1589] : memref<16x128xi32, #tpu.memory_space<vmem>> -> memref<1x128xi32, #tpu.memory_space<vmem>>
        %dma_start3A_1591 = tpu.memref_squeeze %dma_start3A_1590 : memref<1x128xi32, #tpu.memory_space<vmem>> -> memref<128xi32, #tpu.memory_space<vmem>>
        %dma_start3A_1592 = arith.constant 0 : i32
        %dma_start3A_1593 = tpu.memref_slice %arg13[%dma_start3A_1592] : memref<100096xf32, #tpu.memory_space<vmem_shared>> -> memref<100096xf32, #tpu.memory_space<vmem_shared>>
        tpu.enqueue_indirect_dma source(%dma_start3A_1588 : memref<128xf32, #tpu.memory_space<vmem>>) target(%dma_start3A_1593 : memref<100096xf32, #tpu.memory_space<vmem_shared>>) offsets(%dma_start3A_1591 : memref<128xi32, #tpu.memory_space<vmem>>) semaphore(%arg27 : memref<!tpu.dma_semaphore, #tpu.memory_space<semaphore_mem>>) {add = true}
        %dma_start3A_1594 = arith.constant 15 : i32
        %dma_start3A_1595 = arith.constant 1920 : i32
        %dma_start3A_1596 = tpu.memref_slice %arg22[%dma_start3A_1595] : memref<2048xf32, #tpu.memory_space<vmem>> -> memref<128xf32, #tpu.memory_space<vmem>>
        %dma_start3A_1597 = arith.constant 0 : i32
        %dma_start3A_1598 = tpu.memref_slice %arg19[%dma_start3A_1594, %dma_start3A_1597] : memref<16x128xi32, #tpu.memory_space<vmem>> -> memref<1x128xi32, #tpu.memory_space<vmem>>
        %dma_start3A_1599 = tpu.memref_squeeze %dma_start3A_1598 : memref<1x128xi32, #tpu.memory_space<vmem>> -> memref<128xi32, #tpu.memory_space<vmem>>
        %dma_start3A_1600 = arith.constant 0 : i32
        %dma_start3A_1601 = tpu.memref_slice %arg14[%dma_start3A_1600] : memref<100096xf32, #tpu.memory_space<vmem_shared>> -> memref<100096xf32, #tpu.memory_space<vmem_shared>>
        tpu.enqueue_indirect_dma source(%dma_start3A_1596 : memref<128xf32, #tpu.memory_space<vmem>>) target(%dma_start3A_1601 : memref<100096xf32, #tpu.memory_space<vmem_shared>>) offsets(%dma_start3A_1599 : memref<128xi32, #tpu.memory_space<vmem>>) semaphore(%arg27 : memref<!tpu.dma_semaphore, #tpu.memory_space<semaphore_mem>>) {add = true}
        %dma_start3A_1602 = arith.constant 15 : i32
        %dma_start3A_1603 = arith.constant 1920 : i32
        %dma_start3A_1604 = tpu.memref_slice %arg23[%dma_start3A_1603] : memref<2048xf32, #tpu.memory_space<vmem>> -> memref<128xf32, #tpu.memory_space<vmem>>
        %dma_start3A_1605 = arith.constant 0 : i32
        %dma_start3A_1606 = tpu.memref_slice %arg19[%dma_start3A_1602, %dma_start3A_1605] : memref<16x128xi32, #tpu.memory_space<vmem>> -> memref<1x128xi32, #tpu.memory_space<vmem>>
        %dma_start3A_1607 = tpu.memref_squeeze %dma_start3A_1606 : memref<1x128xi32, #tpu.memory_space<vmem>> -> memref<128xi32, #tpu.memory_space<vmem>>
        %dma_start3A_1608 = arith.constant 0 : i32
        %dma_start3A_1609 = tpu.memref_slice %arg15[%dma_start3A_1608] : memref<100096xf32, #tpu.memory_space<vmem_shared>> -> memref<100096xf32, #tpu.memory_space<vmem_shared>>
        tpu.enqueue_indirect_dma source(%dma_start3A_1604 : memref<128xf32, #tpu.memory_space<vmem>>) target(%dma_start3A_1609 : memref<100096xf32, #tpu.memory_space<vmem_shared>>) offsets(%dma_start3A_1607 : memref<128xi32, #tpu.memory_space<vmem>>) semaphore(%arg27 : memref<!tpu.dma_semaphore, #tpu.memory_space<semaphore_mem>>) {add = true}
        %dma_start3A_1610 = arith.constant 15 : i32
        %dma_start3A_1611 = arith.constant 1920 : i32
        %dma_start3A_1612 = tpu.memref_slice %arg24[%dma_start3A_1611] : memref<2048xf32, #tpu.memory_space<vmem>> -> memref<128xf32, #tpu.memory_space<vmem>>
        %dma_start3A_1613 = arith.constant 0 : i32
        %dma_start3A_1614 = tpu.memref_slice %arg19[%dma_start3A_1610, %dma_start3A_1613] : memref<16x128xi32, #tpu.memory_space<vmem>> -> memref<1x128xi32, #tpu.memory_space<vmem>>
        %dma_start3A_1615 = tpu.memref_squeeze %dma_start3A_1614 : memref<1x128xi32, #tpu.memory_space<vmem>> -> memref<128xi32, #tpu.memory_space<vmem>>
        %dma_start3A_1616 = arith.constant 0 : i32
        %dma_start3A_1617 = tpu.memref_slice %arg16[%dma_start3A_1616] : memref<100096xf32, #tpu.memory_space<vmem_shared>> -> memref<100096xf32, #tpu.memory_space<vmem_shared>>
        tpu.enqueue_indirect_dma source(%dma_start3A_1612 : memref<128xf32, #tpu.memory_space<vmem>>) target(%dma_start3A_1617 : memref<100096xf32, #tpu.memory_space<vmem_shared>>) offsets(%dma_start3A_1615 : memref<128xi32, #tpu.memory_space<vmem>>) semaphore(%arg27 : memref<!tpu.dma_semaphore, #tpu.memory_space<semaphore_mem>>) {add = true}
        %dma_wait3A_1618 = arith.constant 0 : i32
        %dma_wait3A_1619 = arith.constant 0 : i32
        %dma_wait3A_1620 = tpu.memref_slice %arg21[%dma_wait3A_1619] : memref<2048xf32, #tpu.memory_space<vmem>> -> memref<128xf32, #tpu.memory_space<vmem>>
        %dma_wait3A_1621 = arith.constant 0 : i32
        %dma_wait3A_1622 = tpu.memref_slice %arg19[%dma_wait3A_1618, %dma_wait3A_1621] : memref<16x128xi32, #tpu.memory_space<vmem>> -> memref<1x128xi32, #tpu.memory_space<vmem>>
        %dma_wait3A_1623 = tpu.memref_squeeze %dma_wait3A_1622 : memref<1x128xi32, #tpu.memory_space<vmem>> -> memref<128xi32, #tpu.memory_space<vmem>>
        %dma_wait3A_1624 = arith.constant 0 : i32
        %dma_wait3A_1625 = tpu.memref_slice %arg13[%dma_wait3A_1624] : memref<100096xf32, #tpu.memory_space<vmem_shared>> -> memref<100096xf32, #tpu.memory_space<vmem_shared>>
        tpu.wait_indirect_dma semaphore(%arg27 : memref<!tpu.dma_semaphore, #tpu.memory_space<semaphore_mem>>) src(%dma_wait3A_1620 : memref<128xf32, #tpu.memory_space<vmem>>) dst(%dma_wait3A_1625 : memref<100096xf32, #tpu.memory_space<vmem_shared>>)
        %dma_wait3A_1626 = arith.constant 0 : i32
        %dma_wait3A_1627 = arith.constant 0 : i32
        %dma_wait3A_1628 = tpu.memref_slice %arg22[%dma_wait3A_1627] : memref<2048xf32, #tpu.memory_space<vmem>> -> memref<128xf32, #tpu.memory_space<vmem>>
        %dma_wait3A_1629 = arith.constant 0 : i32
        %dma_wait3A_1630 = tpu.memref_slice %arg19[%dma_wait3A_1626, %dma_wait3A_1629] : memref<16x128xi32, #tpu.memory_space<vmem>> -> memref<1x128xi32, #tpu.memory_space<vmem>>
        %dma_wait3A_1631 = tpu.memref_squeeze %dma_wait3A_1630 : memref<1x128xi32, #tpu.memory_space<vmem>> -> memref<128xi32, #tpu.memory_space<vmem>>
        %dma_wait3A_1632 = arith.constant 0 : i32
        %dma_wait3A_1633 = tpu.memref_slice %arg14[%dma_wait3A_1632] : memref<100096xf32, #tpu.memory_space<vmem_shared>> -> memref<100096xf32, #tpu.memory_space<vmem_shared>>
        tpu.wait_indirect_dma semaphore(%arg27 : memref<!tpu.dma_semaphore, #tpu.memory_space<semaphore_mem>>) src(%dma_wait3A_1628 : memref<128xf32, #tpu.memory_space<vmem>>) dst(%dma_wait3A_1633 : memref<100096xf32, #tpu.memory_space<vmem_shared>>)
        %dma_wait3A_1634 = arith.constant 0 : i32
        %dma_wait3A_1635 = arith.constant 0 : i32
        %dma_wait3A_1636 = tpu.memref_slice %arg23[%dma_wait3A_1635] : memref<2048xf32, #tpu.memory_space<vmem>> -> memref<128xf32, #tpu.memory_space<vmem>>
        %dma_wait3A_1637 = arith.constant 0 : i32
        %dma_wait3A_1638 = tpu.memref_slice %arg19[%dma_wait3A_1634, %dma_wait3A_1637] : memref<16x128xi32, #tpu.memory_space<vmem>> -> memref<1x128xi32, #tpu.memory_space<vmem>>
        %dma_wait3A_1639 = tpu.memref_squeeze %dma_wait3A_1638 : memref<1x128xi32, #tpu.memory_space<vmem>> -> memref<128xi32, #tpu.memory_space<vmem>>
        %dma_wait3A_1640 = arith.constant 0 : i32
        %dma_wait3A_1641 = tpu.memref_slice %arg15[%dma_wait3A_1640] : memref<100096xf32, #tpu.memory_space<vmem_shared>> -> memref<100096xf32, #tpu.memory_space<vmem_shared>>
        tpu.wait_indirect_dma semaphore(%arg27 : memref<!tpu.dma_semaphore, #tpu.memory_space<semaphore_mem>>) src(%dma_wait3A_1636 : memref<128xf32, #tpu.memory_space<vmem>>) dst(%dma_wait3A_1641 : memref<100096xf32, #tpu.memory_space<vmem_shared>>)
        %dma_wait3A_1642 = arith.constant 0 : i32
        %dma_wait3A_1643 = arith.constant 0 : i32
        %dma_wait3A_1644 = tpu.memref_slice %arg24[%dma_wait3A_1643] : memref<2048xf32, #tpu.memory_space<vmem>> -> memref<128xf32, #tpu.memory_space<vmem>>
        %dma_wait3A_1645 = arith.constant 0 : i32
        %dma_wait3A_1646 = tpu.memref_slice %arg19[%dma_wait3A_1642, %dma_wait3A_1645] : memref<16x128xi32, #tpu.memory_space<vmem>> -> memref<1x128xi32, #tpu.memory_space<vmem>>
        %dma_wait3A_1647 = tpu.memref_squeeze %dma_wait3A_1646 : memref<1x128xi32, #tpu.memory_space<vmem>> -> memref<128xi32, #tpu.memory_space<vmem>>
        %dma_wait3A_1648 = arith.constant 0 : i32
        %dma_wait3A_1649 = tpu.memref_slice %arg16[%dma_wait3A_1648] : memref<100096xf32, #tpu.memory_space<vmem_shared>> -> memref<100096xf32, #tpu.memory_space<vmem_shared>>
        tpu.wait_indirect_dma semaphore(%arg27 : memref<!tpu.dma_semaphore, #tpu.memory_space<semaphore_mem>>) src(%dma_wait3A_1644 : memref<128xf32, #tpu.memory_space<vmem>>) dst(%dma_wait3A_1649 : memref<100096xf32, #tpu.memory_space<vmem_shared>>)
        %dma_wait3A_1650 = arith.constant 1 : i32
        %dma_wait3A_1651 = arith.constant 128 : i32
        %dma_wait3A_1652 = tpu.memref_slice %arg21[%dma_wait3A_1651] : memref<2048xf32, #tpu.memory_space<vmem>> -> memref<128xf32, #tpu.memory_space<vmem>>
        %dma_wait3A_1653 = arith.constant 0 : i32
        %dma_wait3A_1654 = tpu.memref_slice %arg19[%dma_wait3A_1650, %dma_wait3A_1653] : memref<16x128xi32, #tpu.memory_space<vmem>> -> memref<1x128xi32, #tpu.memory_space<vmem>>
        %dma_wait3A_1655 = tpu.memref_squeeze %dma_wait3A_1654 : memref<1x128xi32, #tpu.memory_space<vmem>> -> memref<128xi32, #tpu.memory_space<vmem>>
        %dma_wait3A_1656 = arith.constant 0 : i32
        %dma_wait3A_1657 = tpu.memref_slice %arg13[%dma_wait3A_1656] : memref<100096xf32, #tpu.memory_space<vmem_shared>> -> memref<100096xf32, #tpu.memory_space<vmem_shared>>
        tpu.wait_indirect_dma semaphore(%arg27 : memref<!tpu.dma_semaphore, #tpu.memory_space<semaphore_mem>>) src(%dma_wait3A_1652 : memref<128xf32, #tpu.memory_space<vmem>>) dst(%dma_wait3A_1657 : memref<100096xf32, #tpu.memory_space<vmem_shared>>)
        %dma_wait3A_1658 = arith.constant 1 : i32
        %dma_wait3A_1659 = arith.constant 128 : i32
        %dma_wait3A_1660 = tpu.memref_slice %arg22[%dma_wait3A_1659] : memref<2048xf32, #tpu.memory_space<vmem>> -> memref<128xf32, #tpu.memory_space<vmem>>
        %dma_wait3A_1661 = arith.constant 0 : i32
        %dma_wait3A_1662 = tpu.memref_slice %arg19[%dma_wait3A_1658, %dma_wait3A_1661] : memref<16x128xi32, #tpu.memory_space<vmem>> -> memref<1x128xi32, #tpu.memory_space<vmem>>
        %dma_wait3A_1663 = tpu.memref_squeeze %dma_wait3A_1662 : memref<1x128xi32, #tpu.memory_space<vmem>> -> memref<128xi32, #tpu.memory_space<vmem>>
        %dma_wait3A_1664 = arith.constant 0 : i32
        %dma_wait3A_1665 = tpu.memref_slice %arg14[%dma_wait3A_1664] : memref<100096xf32, #tpu.memory_space<vmem_shared>> -> memref<100096xf32, #tpu.memory_space<vmem_shared>>
        tpu.wait_indirect_dma semaphore(%arg27 : memref<!tpu.dma_semaphore, #tpu.memory_space<semaphore_mem>>) src(%dma_wait3A_1660 : memref<128xf32, #tpu.memory_space<vmem>>) dst(%dma_wait3A_1665 : memref<100096xf32, #tpu.memory_space<vmem_shared>>)
        %dma_wait3A_1666 = arith.constant 1 : i32
        %dma_wait3A_1667 = arith.constant 128 : i32
        %dma_wait3A_1668 = tpu.memref_slice %arg23[%dma_wait3A_1667] : memref<2048xf32, #tpu.memory_space<vmem>> -> memref<128xf32, #tpu.memory_space<vmem>>
        %dma_wait3A_1669 = arith.constant 0 : i32
        %dma_wait3A_1670 = tpu.memref_slice %arg19[%dma_wait3A_1666, %dma_wait3A_1669] : memref<16x128xi32, #tpu.memory_space<vmem>> -> memref<1x128xi32, #tpu.memory_space<vmem>>
        %dma_wait3A_1671 = tpu.memref_squeeze %dma_wait3A_1670 : memref<1x128xi32, #tpu.memory_space<vmem>> -> memref<128xi32, #tpu.memory_space<vmem>>
        %dma_wait3A_1672 = arith.constant 0 : i32
        %dma_wait3A_1673 = tpu.memref_slice %arg15[%dma_wait3A_1672] : memref<100096xf32, #tpu.memory_space<vmem_shared>> -> memref<100096xf32, #tpu.memory_space<vmem_shared>>
        tpu.wait_indirect_dma semaphore(%arg27 : memref<!tpu.dma_semaphore, #tpu.memory_space<semaphore_mem>>) src(%dma_wait3A_1668 : memref<128xf32, #tpu.memory_space<vmem>>) dst(%dma_wait3A_1673 : memref<100096xf32, #tpu.memory_space<vmem_shared>>)
        %dma_wait3A_1674 = arith.constant 1 : i32
        %dma_wait3A_1675 = arith.constant 128 : i32
        %dma_wait3A_1676 = tpu.memref_slice %arg24[%dma_wait3A_1675] : memref<2048xf32, #tpu.memory_space<vmem>> -> memref<128xf32, #tpu.memory_space<vmem>>
        %dma_wait3A_1677 = arith.constant 0 : i32
        %dma_wait3A_1678 = tpu.memref_slice %arg19[%dma_wait3A_1674, %dma_wait3A_1677] : memref<16x128xi32, #tpu.memory_space<vmem>> -> memref<1x128xi32, #tpu.memory_space<vmem>>
        %dma_wait3A_1679 = tpu.memref_squeeze %dma_wait3A_1678 : memref<1x128xi32, #tpu.memory_space<vmem>> -> memref<128xi32, #tpu.memory_space<vmem>>
        %dma_wait3A_1680 = arith.constant 0 : i32
        %dma_wait3A_1681 = tpu.memref_slice %arg16[%dma_wait3A_1680] : memref<100096xf32, #tpu.memory_space<vmem_shared>> -> memref<100096xf32, #tpu.memory_space<vmem_shared>>
        tpu.wait_indirect_dma semaphore(%arg27 : memref<!tpu.dma_semaphore, #tpu.memory_space<semaphore_mem>>) src(%dma_wait3A_1676 : memref<128xf32, #tpu.memory_space<vmem>>) dst(%dma_wait3A_1681 : memref<100096xf32, #tpu.memory_space<vmem_shared>>)
        %dma_wait3A_1682 = arith.constant 2 : i32
        %dma_wait3A_1683 = arith.constant 256 : i32
        %dma_wait3A_1684 = tpu.memref_slice %arg21[%dma_wait3A_1683] : memref<2048xf32, #tpu.memory_space<vmem>> -> memref<128xf32, #tpu.memory_space<vmem>>
        %dma_wait3A_1685 = arith.constant 0 : i32
        %dma_wait3A_1686 = tpu.memref_slice %arg19[%dma_wait3A_1682, %dma_wait3A_1685] : memref<16x128xi32, #tpu.memory_space<vmem>> -> memref<1x128xi32, #tpu.memory_space<vmem>>
        %dma_wait3A_1687 = tpu.memref_squeeze %dma_wait3A_1686 : memref<1x128xi32, #tpu.memory_space<vmem>> -> memref<128xi32, #tpu.memory_space<vmem>>
        %dma_wait3A_1688 = arith.constant 0 : i32
        %dma_wait3A_1689 = tpu.memref_slice %arg13[%dma_wait3A_1688] : memref<100096xf32, #tpu.memory_space<vmem_shared>> -> memref<100096xf32, #tpu.memory_space<vmem_shared>>
        tpu.wait_indirect_dma semaphore(%arg27 : memref<!tpu.dma_semaphore, #tpu.memory_space<semaphore_mem>>) src(%dma_wait3A_1684 : memref<128xf32, #tpu.memory_space<vmem>>) dst(%dma_wait3A_1689 : memref<100096xf32, #tpu.memory_space<vmem_shared>>)
        %dma_wait3A_1690 = arith.constant 2 : i32
        %dma_wait3A_1691 = arith.constant 256 : i32
        %dma_wait3A_1692 = tpu.memref_slice %arg22[%dma_wait3A_1691] : memref<2048xf32, #tpu.memory_space<vmem>> -> memref<128xf32, #tpu.memory_space<vmem>>
        %dma_wait3A_1693 = arith.constant 0 : i32
        %dma_wait3A_1694 = tpu.memref_slice %arg19[%dma_wait3A_1690, %dma_wait3A_1693] : memref<16x128xi32, #tpu.memory_space<vmem>> -> memref<1x128xi32, #tpu.memory_space<vmem>>
        %dma_wait3A_1695 = tpu.memref_squeeze %dma_wait3A_1694 : memref<1x128xi32, #tpu.memory_space<vmem>> -> memref<128xi32, #tpu.memory_space<vmem>>
        %dma_wait3A_1696 = arith.constant 0 : i32
        %dma_wait3A_1697 = tpu.memref_slice %arg14[%dma_wait3A_1696] : memref<100096xf32, #tpu.memory_space<vmem_shared>> -> memref<100096xf32, #tpu.memory_space<vmem_shared>>
        tpu.wait_indirect_dma semaphore(%arg27 : memref<!tpu.dma_semaphore, #tpu.memory_space<semaphore_mem>>) src(%dma_wait3A_1692 : memref<128xf32, #tpu.memory_space<vmem>>) dst(%dma_wait3A_1697 : memref<100096xf32, #tpu.memory_space<vmem_shared>>)
        %dma_wait3A_1698 = arith.constant 2 : i32
        %dma_wait3A_1699 = arith.constant 256 : i32
        %dma_wait3A_1700 = tpu.memref_slice %arg23[%dma_wait3A_1699] : memref<2048xf32, #tpu.memory_space<vmem>> -> memref<128xf32, #tpu.memory_space<vmem>>
        %dma_wait3A_1701 = arith.constant 0 : i32
        %dma_wait3A_1702 = tpu.memref_slice %arg19[%dma_wait3A_1698, %dma_wait3A_1701] : memref<16x128xi32, #tpu.memory_space<vmem>> -> memref<1x128xi32, #tpu.memory_space<vmem>>
        %dma_wait3A_1703 = tpu.memref_squeeze %dma_wait3A_1702 : memref<1x128xi32, #tpu.memory_space<vmem>> -> memref<128xi32, #tpu.memory_space<vmem>>
        %dma_wait3A_1704 = arith.constant 0 : i32
        %dma_wait3A_1705 = tpu.memref_slice %arg15[%dma_wait3A_1704] : memref<100096xf32, #tpu.memory_space<vmem_shared>> -> memref<100096xf32, #tpu.memory_space<vmem_shared>>
        tpu.wait_indirect_dma semaphore(%arg27 : memref<!tpu.dma_semaphore, #tpu.memory_space<semaphore_mem>>) src(%dma_wait3A_1700 : memref<128xf32, #tpu.memory_space<vmem>>) dst(%dma_wait3A_1705 : memref<100096xf32, #tpu.memory_space<vmem_shared>>)
        %dma_wait3A_1706 = arith.constant 2 : i32
        %dma_wait3A_1707 = arith.constant 256 : i32
        %dma_wait3A_1708 = tpu.memref_slice %arg24[%dma_wait3A_1707] : memref<2048xf32, #tpu.memory_space<vmem>> -> memref<128xf32, #tpu.memory_space<vmem>>
        %dma_wait3A_1709 = arith.constant 0 : i32
        %dma_wait3A_1710 = tpu.memref_slice %arg19[%dma_wait3A_1706, %dma_wait3A_1709] : memref<16x128xi32, #tpu.memory_space<vmem>> -> memref<1x128xi32, #tpu.memory_space<vmem>>
        %dma_wait3A_1711 = tpu.memref_squeeze %dma_wait3A_1710 : memref<1x128xi32, #tpu.memory_space<vmem>> -> memref<128xi32, #tpu.memory_space<vmem>>
        %dma_wait3A_1712 = arith.constant 0 : i32
        %dma_wait3A_1713 = tpu.memref_slice %arg16[%dma_wait3A_1712] : memref<100096xf32, #tpu.memory_space<vmem_shared>> -> memref<100096xf32, #tpu.memory_space<vmem_shared>>
        tpu.wait_indirect_dma semaphore(%arg27 : memref<!tpu.dma_semaphore, #tpu.memory_space<semaphore_mem>>) src(%dma_wait3A_1708 : memref<128xf32, #tpu.memory_space<vmem>>) dst(%dma_wait3A_1713 : memref<100096xf32, #tpu.memory_space<vmem_shared>>)
        %dma_wait3A_1714 = arith.constant 3 : i32
        %dma_wait3A_1715 = arith.constant 384 : i32
        %dma_wait3A_1716 = tpu.memref_slice %arg21[%dma_wait3A_1715] : memref<2048xf32, #tpu.memory_space<vmem>> -> memref<128xf32, #tpu.memory_space<vmem>>
        %dma_wait3A_1717 = arith.constant 0 : i32
        %dma_wait3A_1718 = tpu.memref_slice %arg19[%dma_wait3A_1714, %dma_wait3A_1717] : memref<16x128xi32, #tpu.memory_space<vmem>> -> memref<1x128xi32, #tpu.memory_space<vmem>>
        %dma_wait3A_1719 = tpu.memref_squeeze %dma_wait3A_1718 : memref<1x128xi32, #tpu.memory_space<vmem>> -> memref<128xi32, #tpu.memory_space<vmem>>
        %dma_wait3A_1720 = arith.constant 0 : i32
        %dma_wait3A_1721 = tpu.memref_slice %arg13[%dma_wait3A_1720] : memref<100096xf32, #tpu.memory_space<vmem_shared>> -> memref<100096xf32, #tpu.memory_space<vmem_shared>>
        tpu.wait_indirect_dma semaphore(%arg27 : memref<!tpu.dma_semaphore, #tpu.memory_space<semaphore_mem>>) src(%dma_wait3A_1716 : memref<128xf32, #tpu.memory_space<vmem>>) dst(%dma_wait3A_1721 : memref<100096xf32, #tpu.memory_space<vmem_shared>>)
        %dma_wait3A_1722 = arith.constant 3 : i32
        %dma_wait3A_1723 = arith.constant 384 : i32
        %dma_wait3A_1724 = tpu.memref_slice %arg22[%dma_wait3A_1723] : memref<2048xf32, #tpu.memory_space<vmem>> -> memref<128xf32, #tpu.memory_space<vmem>>
        %dma_wait3A_1725 = arith.constant 0 : i32
        %dma_wait3A_1726 = tpu.memref_slice %arg19[%dma_wait3A_1722, %dma_wait3A_1725] : memref<16x128xi32, #tpu.memory_space<vmem>> -> memref<1x128xi32, #tpu.memory_space<vmem>>
        %dma_wait3A_1727 = tpu.memref_squeeze %dma_wait3A_1726 : memref<1x128xi32, #tpu.memory_space<vmem>> -> memref<128xi32, #tpu.memory_space<vmem>>
        %dma_wait3A_1728 = arith.constant 0 : i32
        %dma_wait3A_1729 = tpu.memref_slice %arg14[%dma_wait3A_1728] : memref<100096xf32, #tpu.memory_space<vmem_shared>> -> memref<100096xf32, #tpu.memory_space<vmem_shared>>
        tpu.wait_indirect_dma semaphore(%arg27 : memref<!tpu.dma_semaphore, #tpu.memory_space<semaphore_mem>>) src(%dma_wait3A_1724 : memref<128xf32, #tpu.memory_space<vmem>>) dst(%dma_wait3A_1729 : memref<100096xf32, #tpu.memory_space<vmem_shared>>)
        %dma_wait3A_1730 = arith.constant 3 : i32
        %dma_wait3A_1731 = arith.constant 384 : i32
        %dma_wait3A_1732 = tpu.memref_slice %arg23[%dma_wait3A_1731] : memref<2048xf32, #tpu.memory_space<vmem>> -> memref<128xf32, #tpu.memory_space<vmem>>
        %dma_wait3A_1733 = arith.constant 0 : i32
        %dma_wait3A_1734 = tpu.memref_slice %arg19[%dma_wait3A_1730, %dma_wait3A_1733] : memref<16x128xi32, #tpu.memory_space<vmem>> -> memref<1x128xi32, #tpu.memory_space<vmem>>
        %dma_wait3A_1735 = tpu.memref_squeeze %dma_wait3A_1734 : memref<1x128xi32, #tpu.memory_space<vmem>> -> memref<128xi32, #tpu.memory_space<vmem>>
        %dma_wait3A_1736 = arith.constant 0 : i32
        %dma_wait3A_1737 = tpu.memref_slice %arg15[%dma_wait3A_1736] : memref<100096xf32, #tpu.memory_space<vmem_shared>> -> memref<100096xf32, #tpu.memory_space<vmem_shared>>
        tpu.wait_indirect_dma semaphore(%arg27 : memref<!tpu.dma_semaphore, #tpu.memory_space<semaphore_mem>>) src(%dma_wait3A_1732 : memref<128xf32, #tpu.memory_space<vmem>>) dst(%dma_wait3A_1737 : memref<100096xf32, #tpu.memory_space<vmem_shared>>)
        %dma_wait3A_1738 = arith.constant 3 : i32
        %dma_wait3A_1739 = arith.constant 384 : i32
        %dma_wait3A_1740 = tpu.memref_slice %arg24[%dma_wait3A_1739] : memref<2048xf32, #tpu.memory_space<vmem>> -> memref<128xf32, #tpu.memory_space<vmem>>
        %dma_wait3A_1741 = arith.constant 0 : i32
        %dma_wait3A_1742 = tpu.memref_slice %arg19[%dma_wait3A_1738, %dma_wait3A_1741] : memref<16x128xi32, #tpu.memory_space<vmem>> -> memref<1x128xi32, #tpu.memory_space<vmem>>
        %dma_wait3A_1743 = tpu.memref_squeeze %dma_wait3A_1742 : memref<1x128xi32, #tpu.memory_space<vmem>> -> memref<128xi32, #tpu.memory_space<vmem>>
        %dma_wait3A_1744 = arith.constant 0 : i32
        %dma_wait3A_1745 = tpu.memref_slice %arg16[%dma_wait3A_1744] : memref<100096xf32, #tpu.memory_space<vmem_shared>> -> memref<100096xf32, #tpu.memory_space<vmem_shared>>
        tpu.wait_indirect_dma semaphore(%arg27 : memref<!tpu.dma_semaphore, #tpu.memory_space<semaphore_mem>>) src(%dma_wait3A_1740 : memref<128xf32, #tpu.memory_space<vmem>>) dst(%dma_wait3A_1745 : memref<100096xf32, #tpu.memory_space<vmem_shared>>)
        %dma_wait3A_1746 = arith.constant 4 : i32
        %dma_wait3A_1747 = arith.constant 512 : i32
        %dma_wait3A_1748 = tpu.memref_slice %arg21[%dma_wait3A_1747] : memref<2048xf32, #tpu.memory_space<vmem>> -> memref<128xf32, #tpu.memory_space<vmem>>
        %dma_wait3A_1749 = arith.constant 0 : i32
        %dma_wait3A_1750 = tpu.memref_slice %arg19[%dma_wait3A_1746, %dma_wait3A_1749] : memref<16x128xi32, #tpu.memory_space<vmem>> -> memref<1x128xi32, #tpu.memory_space<vmem>>
        %dma_wait3A_1751 = tpu.memref_squeeze %dma_wait3A_1750 : memref<1x128xi32, #tpu.memory_space<vmem>> -> memref<128xi32, #tpu.memory_space<vmem>>
        %dma_wait3A_1752 = arith.constant 0 : i32
        %dma_wait3A_1753 = tpu.memref_slice %arg13[%dma_wait3A_1752] : memref<100096xf32, #tpu.memory_space<vmem_shared>> -> memref<100096xf32, #tpu.memory_space<vmem_shared>>
        tpu.wait_indirect_dma semaphore(%arg27 : memref<!tpu.dma_semaphore, #tpu.memory_space<semaphore_mem>>) src(%dma_wait3A_1748 : memref<128xf32, #tpu.memory_space<vmem>>) dst(%dma_wait3A_1753 : memref<100096xf32, #tpu.memory_space<vmem_shared>>)
        %dma_wait3A_1754 = arith.constant 4 : i32
        %dma_wait3A_1755 = arith.constant 512 : i32
        %dma_wait3A_1756 = tpu.memref_slice %arg22[%dma_wait3A_1755] : memref<2048xf32, #tpu.memory_space<vmem>> -> memref<128xf32, #tpu.memory_space<vmem>>
        %dma_wait3A_1757 = arith.constant 0 : i32
        %dma_wait3A_1758 = tpu.memref_slice %arg19[%dma_wait3A_1754, %dma_wait3A_1757] : memref<16x128xi32, #tpu.memory_space<vmem>> -> memref<1x128xi32, #tpu.memory_space<vmem>>
        %dma_wait3A_1759 = tpu.memref_squeeze %dma_wait3A_1758 : memref<1x128xi32, #tpu.memory_space<vmem>> -> memref<128xi32, #tpu.memory_space<vmem>>
        %dma_wait3A_1760 = arith.constant 0 : i32
        %dma_wait3A_1761 = tpu.memref_slice %arg14[%dma_wait3A_1760] : memref<100096xf32, #tpu.memory_space<vmem_shared>> -> memref<100096xf32, #tpu.memory_space<vmem_shared>>
        tpu.wait_indirect_dma semaphore(%arg27 : memref<!tpu.dma_semaphore, #tpu.memory_space<semaphore_mem>>) src(%dma_wait3A_1756 : memref<128xf32, #tpu.memory_space<vmem>>) dst(%dma_wait3A_1761 : memref<100096xf32, #tpu.memory_space<vmem_shared>>)
        %dma_wait3A_1762 = arith.constant 4 : i32
        %dma_wait3A_1763 = arith.constant 512 : i32
        %dma_wait3A_1764 = tpu.memref_slice %arg23[%dma_wait3A_1763] : memref<2048xf32, #tpu.memory_space<vmem>> -> memref<128xf32, #tpu.memory_space<vmem>>
        %dma_wait3A_1765 = arith.constant 0 : i32
        %dma_wait3A_1766 = tpu.memref_slice %arg19[%dma_wait3A_1762, %dma_wait3A_1765] : memref<16x128xi32, #tpu.memory_space<vmem>> -> memref<1x128xi32, #tpu.memory_space<vmem>>
        %dma_wait3A_1767 = tpu.memref_squeeze %dma_wait3A_1766 : memref<1x128xi32, #tpu.memory_space<vmem>> -> memref<128xi32, #tpu.memory_space<vmem>>
        %dma_wait3A_1768 = arith.constant 0 : i32
        %dma_wait3A_1769 = tpu.memref_slice %arg15[%dma_wait3A_1768] : memref<100096xf32, #tpu.memory_space<vmem_shared>> -> memref<100096xf32, #tpu.memory_space<vmem_shared>>
        tpu.wait_indirect_dma semaphore(%arg27 : memref<!tpu.dma_semaphore, #tpu.memory_space<semaphore_mem>>) src(%dma_wait3A_1764 : memref<128xf32, #tpu.memory_space<vmem>>) dst(%dma_wait3A_1769 : memref<100096xf32, #tpu.memory_space<vmem_shared>>)
        %dma_wait3A_1770 = arith.constant 4 : i32
        %dma_wait3A_1771 = arith.constant 512 : i32
        %dma_wait3A_1772 = tpu.memref_slice %arg24[%dma_wait3A_1771] : memref<2048xf32, #tpu.memory_space<vmem>> -> memref<128xf32, #tpu.memory_space<vmem>>
        %dma_wait3A_1773 = arith.constant 0 : i32
        %dma_wait3A_1774 = tpu.memref_slice %arg19[%dma_wait3A_1770, %dma_wait3A_1773] : memref<16x128xi32, #tpu.memory_space<vmem>> -> memref<1x128xi32, #tpu.memory_space<vmem>>
        %dma_wait3A_1775 = tpu.memref_squeeze %dma_wait3A_1774 : memref<1x128xi32, #tpu.memory_space<vmem>> -> memref<128xi32, #tpu.memory_space<vmem>>
        %dma_wait3A_1776 = arith.constant 0 : i32
        %dma_wait3A_1777 = tpu.memref_slice %arg16[%dma_wait3A_1776] : memref<100096xf32, #tpu.memory_space<vmem_shared>> -> memref<100096xf32, #tpu.memory_space<vmem_shared>>
        tpu.wait_indirect_dma semaphore(%arg27 : memref<!tpu.dma_semaphore, #tpu.memory_space<semaphore_mem>>) src(%dma_wait3A_1772 : memref<128xf32, #tpu.memory_space<vmem>>) dst(%dma_wait3A_1777 : memref<100096xf32, #tpu.memory_space<vmem_shared>>)
        %dma_wait3A_1778 = arith.constant 5 : i32
        %dma_wait3A_1779 = arith.constant 640 : i32
        %dma_wait3A_1780 = tpu.memref_slice %arg21[%dma_wait3A_1779] : memref<2048xf32, #tpu.memory_space<vmem>> -> memref<128xf32, #tpu.memory_space<vmem>>
        %dma_wait3A_1781 = arith.constant 0 : i32
        %dma_wait3A_1782 = tpu.memref_slice %arg19[%dma_wait3A_1778, %dma_wait3A_1781] : memref<16x128xi32, #tpu.memory_space<vmem>> -> memref<1x128xi32, #tpu.memory_space<vmem>>
        %dma_wait3A_1783 = tpu.memref_squeeze %dma_wait3A_1782 : memref<1x128xi32, #tpu.memory_space<vmem>> -> memref<128xi32, #tpu.memory_space<vmem>>
        %dma_wait3A_1784 = arith.constant 0 : i32
        %dma_wait3A_1785 = tpu.memref_slice %arg13[%dma_wait3A_1784] : memref<100096xf32, #tpu.memory_space<vmem_shared>> -> memref<100096xf32, #tpu.memory_space<vmem_shared>>
        tpu.wait_indirect_dma semaphore(%arg27 : memref<!tpu.dma_semaphore, #tpu.memory_space<semaphore_mem>>) src(%dma_wait3A_1780 : memref<128xf32, #tpu.memory_space<vmem>>) dst(%dma_wait3A_1785 : memref<100096xf32, #tpu.memory_space<vmem_shared>>)
        %dma_wait3A_1786 = arith.constant 5 : i32
        %dma_wait3A_1787 = arith.constant 640 : i32
        %dma_wait3A_1788 = tpu.memref_slice %arg22[%dma_wait3A_1787] : memref<2048xf32, #tpu.memory_space<vmem>> -> memref<128xf32, #tpu.memory_space<vmem>>
        %dma_wait3A_1789 = arith.constant 0 : i32
        %dma_wait3A_1790 = tpu.memref_slice %arg19[%dma_wait3A_1786, %dma_wait3A_1789] : memref<16x128xi32, #tpu.memory_space<vmem>> -> memref<1x128xi32, #tpu.memory_space<vmem>>
        %dma_wait3A_1791 = tpu.memref_squeeze %dma_wait3A_1790 : memref<1x128xi32, #tpu.memory_space<vmem>> -> memref<128xi32, #tpu.memory_space<vmem>>
        %dma_wait3A_1792 = arith.constant 0 : i32
        %dma_wait3A_1793 = tpu.memref_slice %arg14[%dma_wait3A_1792] : memref<100096xf32, #tpu.memory_space<vmem_shared>> -> memref<100096xf32, #tpu.memory_space<vmem_shared>>
        tpu.wait_indirect_dma semaphore(%arg27 : memref<!tpu.dma_semaphore, #tpu.memory_space<semaphore_mem>>) src(%dma_wait3A_1788 : memref<128xf32, #tpu.memory_space<vmem>>) dst(%dma_wait3A_1793 : memref<100096xf32, #tpu.memory_space<vmem_shared>>)
        %dma_wait3A_1794 = arith.constant 5 : i32
        %dma_wait3A_1795 = arith.constant 640 : i32
        %dma_wait3A_1796 = tpu.memref_slice %arg23[%dma_wait3A_1795] : memref<2048xf32, #tpu.memory_space<vmem>> -> memref<128xf32, #tpu.memory_space<vmem>>
        %dma_wait3A_1797 = arith.constant 0 : i32
        %dma_wait3A_1798 = tpu.memref_slice %arg19[%dma_wait3A_1794, %dma_wait3A_1797] : memref<16x128xi32, #tpu.memory_space<vmem>> -> memref<1x128xi32, #tpu.memory_space<vmem>>
        %dma_wait3A_1799 = tpu.memref_squeeze %dma_wait3A_1798 : memref<1x128xi32, #tpu.memory_space<vmem>> -> memref<128xi32, #tpu.memory_space<vmem>>
        %dma_wait3A_1800 = arith.constant 0 : i32
        %dma_wait3A_1801 = tpu.memref_slice %arg15[%dma_wait3A_1800] : memref<100096xf32, #tpu.memory_space<vmem_shared>> -> memref<100096xf32, #tpu.memory_space<vmem_shared>>
        tpu.wait_indirect_dma semaphore(%arg27 : memref<!tpu.dma_semaphore, #tpu.memory_space<semaphore_mem>>) src(%dma_wait3A_1796 : memref<128xf32, #tpu.memory_space<vmem>>) dst(%dma_wait3A_1801 : memref<100096xf32, #tpu.memory_space<vmem_shared>>)
        %dma_wait3A_1802 = arith.constant 5 : i32
        %dma_wait3A_1803 = arith.constant 640 : i32
        %dma_wait3A_1804 = tpu.memref_slice %arg24[%dma_wait3A_1803] : memref<2048xf32, #tpu.memory_space<vmem>> -> memref<128xf32, #tpu.memory_space<vmem>>
        %dma_wait3A_1805 = arith.constant 0 : i32
        %dma_wait3A_1806 = tpu.memref_slice %arg19[%dma_wait3A_1802, %dma_wait3A_1805] : memref<16x128xi32, #tpu.memory_space<vmem>> -> memref<1x128xi32, #tpu.memory_space<vmem>>
        %dma_wait3A_1807 = tpu.memref_squeeze %dma_wait3A_1806 : memref<1x128xi32, #tpu.memory_space<vmem>> -> memref<128xi32, #tpu.memory_space<vmem>>
        %dma_wait3A_1808 = arith.constant 0 : i32
        %dma_wait3A_1809 = tpu.memref_slice %arg16[%dma_wait3A_1808] : memref<100096xf32, #tpu.memory_space<vmem_shared>> -> memref<100096xf32, #tpu.memory_space<vmem_shared>>
        tpu.wait_indirect_dma semaphore(%arg27 : memref<!tpu.dma_semaphore, #tpu.memory_space<semaphore_mem>>) src(%dma_wait3A_1804 : memref<128xf32, #tpu.memory_space<vmem>>) dst(%dma_wait3A_1809 : memref<100096xf32, #tpu.memory_space<vmem_shared>>)
        %dma_wait3A_1810 = arith.constant 6 : i32
        %dma_wait3A_1811 = arith.constant 768 : i32
        %dma_wait3A_1812 = tpu.memref_slice %arg21[%dma_wait3A_1811] : memref<2048xf32, #tpu.memory_space<vmem>> -> memref<128xf32, #tpu.memory_space<vmem>>
        %dma_wait3A_1813 = arith.constant 0 : i32
        %dma_wait3A_1814 = tpu.memref_slice %arg19[%dma_wait3A_1810, %dma_wait3A_1813] : memref<16x128xi32, #tpu.memory_space<vmem>> -> memref<1x128xi32, #tpu.memory_space<vmem>>
        %dma_wait3A_1815 = tpu.memref_squeeze %dma_wait3A_1814 : memref<1x128xi32, #tpu.memory_space<vmem>> -> memref<128xi32, #tpu.memory_space<vmem>>
        %dma_wait3A_1816 = arith.constant 0 : i32
        %dma_wait3A_1817 = tpu.memref_slice %arg13[%dma_wait3A_1816] : memref<100096xf32, #tpu.memory_space<vmem_shared>> -> memref<100096xf32, #tpu.memory_space<vmem_shared>>
        tpu.wait_indirect_dma semaphore(%arg27 : memref<!tpu.dma_semaphore, #tpu.memory_space<semaphore_mem>>) src(%dma_wait3A_1812 : memref<128xf32, #tpu.memory_space<vmem>>) dst(%dma_wait3A_1817 : memref<100096xf32, #tpu.memory_space<vmem_shared>>)
        %dma_wait3A_1818 = arith.constant 6 : i32
        %dma_wait3A_1819 = arith.constant 768 : i32
        %dma_wait3A_1820 = tpu.memref_slice %arg22[%dma_wait3A_1819] : memref<2048xf32, #tpu.memory_space<vmem>> -> memref<128xf32, #tpu.memory_space<vmem>>
        %dma_wait3A_1821 = arith.constant 0 : i32
        %dma_wait3A_1822 = tpu.memref_slice %arg19[%dma_wait3A_1818, %dma_wait3A_1821] : memref<16x128xi32, #tpu.memory_space<vmem>> -> memref<1x128xi32, #tpu.memory_space<vmem>>
        %dma_wait3A_1823 = tpu.memref_squeeze %dma_wait3A_1822 : memref<1x128xi32, #tpu.memory_space<vmem>> -> memref<128xi32, #tpu.memory_space<vmem>>
        %dma_wait3A_1824 = arith.constant 0 : i32
        %dma_wait3A_1825 = tpu.memref_slice %arg14[%dma_wait3A_1824] : memref<100096xf32, #tpu.memory_space<vmem_shared>> -> memref<100096xf32, #tpu.memory_space<vmem_shared>>
        tpu.wait_indirect_dma semaphore(%arg27 : memref<!tpu.dma_semaphore, #tpu.memory_space<semaphore_mem>>) src(%dma_wait3A_1820 : memref<128xf32, #tpu.memory_space<vmem>>) dst(%dma_wait3A_1825 : memref<100096xf32, #tpu.memory_space<vmem_shared>>)
        %dma_wait3A_1826 = arith.constant 6 : i32
        %dma_wait3A_1827 = arith.constant 768 : i32
        %dma_wait3A_1828 = tpu.memref_slice %arg23[%dma_wait3A_1827] : memref<2048xf32, #tpu.memory_space<vmem>> -> memref<128xf32, #tpu.memory_space<vmem>>
        %dma_wait3A_1829 = arith.constant 0 : i32
        %dma_wait3A_1830 = tpu.memref_slice %arg19[%dma_wait3A_1826, %dma_wait3A_1829] : memref<16x128xi32, #tpu.memory_space<vmem>> -> memref<1x128xi32, #tpu.memory_space<vmem>>
        %dma_wait3A_1831 = tpu.memref_squeeze %dma_wait3A_1830 : memref<1x128xi32, #tpu.memory_space<vmem>> -> memref<128xi32, #tpu.memory_space<vmem>>
        %dma_wait3A_1832 = arith.constant 0 : i32
        %dma_wait3A_1833 = tpu.memref_slice %arg15[%dma_wait3A_1832] : memref<100096xf32, #tpu.memory_space<vmem_shared>> -> memref<100096xf32, #tpu.memory_space<vmem_shared>>
        tpu.wait_indirect_dma semaphore(%arg27 : memref<!tpu.dma_semaphore, #tpu.memory_space<semaphore_mem>>) src(%dma_wait3A_1828 : memref<128xf32, #tpu.memory_space<vmem>>) dst(%dma_wait3A_1833 : memref<100096xf32, #tpu.memory_space<vmem_shared>>)
        %dma_wait3A_1834 = arith.constant 6 : i32
        %dma_wait3A_1835 = arith.constant 768 : i32
        %dma_wait3A_1836 = tpu.memref_slice %arg24[%dma_wait3A_1835] : memref<2048xf32, #tpu.memory_space<vmem>> -> memref<128xf32, #tpu.memory_space<vmem>>
        %dma_wait3A_1837 = arith.constant 0 : i32
        %dma_wait3A_1838 = tpu.memref_slice %arg19[%dma_wait3A_1834, %dma_wait3A_1837] : memref<16x128xi32, #tpu.memory_space<vmem>> -> memref<1x128xi32, #tpu.memory_space<vmem>>
        %dma_wait3A_1839 = tpu.memref_squeeze %dma_wait3A_1838 : memref<1x128xi32, #tpu.memory_space<vmem>> -> memref<128xi32, #tpu.memory_space<vmem>>
        %dma_wait3A_1840 = arith.constant 0 : i32
        %dma_wait3A_1841 = tpu.memref_slice %arg16[%dma_wait3A_1840] : memref<100096xf32, #tpu.memory_space<vmem_shared>> -> memref<100096xf32, #tpu.memory_space<vmem_shared>>
        tpu.wait_indirect_dma semaphore(%arg27 : memref<!tpu.dma_semaphore, #tpu.memory_space<semaphore_mem>>) src(%dma_wait3A_1836 : memref<128xf32, #tpu.memory_space<vmem>>) dst(%dma_wait3A_1841 : memref<100096xf32, #tpu.memory_space<vmem_shared>>)
        %dma_wait3A_1842 = arith.constant 7 : i32
        %dma_wait3A_1843 = arith.constant 896 : i32
        %dma_wait3A_1844 = tpu.memref_slice %arg21[%dma_wait3A_1843] : memref<2048xf32, #tpu.memory_space<vmem>> -> memref<128xf32, #tpu.memory_space<vmem>>
        %dma_wait3A_1845 = arith.constant 0 : i32
        %dma_wait3A_1846 = tpu.memref_slice %arg19[%dma_wait3A_1842, %dma_wait3A_1845] : memref<16x128xi32, #tpu.memory_space<vmem>> -> memref<1x128xi32, #tpu.memory_space<vmem>>
        %dma_wait3A_1847 = tpu.memref_squeeze %dma_wait3A_1846 : memref<1x128xi32, #tpu.memory_space<vmem>> -> memref<128xi32, #tpu.memory_space<vmem>>
        %dma_wait3A_1848 = arith.constant 0 : i32
        %dma_wait3A_1849 = tpu.memref_slice %arg13[%dma_wait3A_1848] : memref<100096xf32, #tpu.memory_space<vmem_shared>> -> memref<100096xf32, #tpu.memory_space<vmem_shared>>
        tpu.wait_indirect_dma semaphore(%arg27 : memref<!tpu.dma_semaphore, #tpu.memory_space<semaphore_mem>>) src(%dma_wait3A_1844 : memref<128xf32, #tpu.memory_space<vmem>>) dst(%dma_wait3A_1849 : memref<100096xf32, #tpu.memory_space<vmem_shared>>)
        %dma_wait3A_1850 = arith.constant 7 : i32
        %dma_wait3A_1851 = arith.constant 896 : i32
        %dma_wait3A_1852 = tpu.memref_slice %arg22[%dma_wait3A_1851] : memref<2048xf32, #tpu.memory_space<vmem>> -> memref<128xf32, #tpu.memory_space<vmem>>
        %dma_wait3A_1853 = arith.constant 0 : i32
        %dma_wait3A_1854 = tpu.memref_slice %arg19[%dma_wait3A_1850, %dma_wait3A_1853] : memref<16x128xi32, #tpu.memory_space<vmem>> -> memref<1x128xi32, #tpu.memory_space<vmem>>
        %dma_wait3A_1855 = tpu.memref_squeeze %dma_wait3A_1854 : memref<1x128xi32, #tpu.memory_space<vmem>> -> memref<128xi32, #tpu.memory_space<vmem>>
        %dma_wait3A_1856 = arith.constant 0 : i32
        %dma_wait3A_1857 = tpu.memref_slice %arg14[%dma_wait3A_1856] : memref<100096xf32, #tpu.memory_space<vmem_shared>> -> memref<100096xf32, #tpu.memory_space<vmem_shared>>
        tpu.wait_indirect_dma semaphore(%arg27 : memref<!tpu.dma_semaphore, #tpu.memory_space<semaphore_mem>>) src(%dma_wait3A_1852 : memref<128xf32, #tpu.memory_space<vmem>>) dst(%dma_wait3A_1857 : memref<100096xf32, #tpu.memory_space<vmem_shared>>)
        %dma_wait3A_1858 = arith.constant 7 : i32
        %dma_wait3A_1859 = arith.constant 896 : i32
        %dma_wait3A_1860 = tpu.memref_slice %arg23[%dma_wait3A_1859] : memref<2048xf32, #tpu.memory_space<vmem>> -> memref<128xf32, #tpu.memory_space<vmem>>
        %dma_wait3A_1861 = arith.constant 0 : i32
        %dma_wait3A_1862 = tpu.memref_slice %arg19[%dma_wait3A_1858, %dma_wait3A_1861] : memref<16x128xi32, #tpu.memory_space<vmem>> -> memref<1x128xi32, #tpu.memory_space<vmem>>
        %dma_wait3A_1863 = tpu.memref_squeeze %dma_wait3A_1862 : memref<1x128xi32, #tpu.memory_space<vmem>> -> memref<128xi32, #tpu.memory_space<vmem>>
        %dma_wait3A_1864 = arith.constant 0 : i32
        %dma_wait3A_1865 = tpu.memref_slice %arg15[%dma_wait3A_1864] : memref<100096xf32, #tpu.memory_space<vmem_shared>> -> memref<100096xf32, #tpu.memory_space<vmem_shared>>
        tpu.wait_indirect_dma semaphore(%arg27 : memref<!tpu.dma_semaphore, #tpu.memory_space<semaphore_mem>>) src(%dma_wait3A_1860 : memref<128xf32, #tpu.memory_space<vmem>>) dst(%dma_wait3A_1865 : memref<100096xf32, #tpu.memory_space<vmem_shared>>)
        %dma_wait3A_1866 = arith.constant 7 : i32
        %dma_wait3A_1867 = arith.constant 896 : i32
        %dma_wait3A_1868 = tpu.memref_slice %arg24[%dma_wait3A_1867] : memref<2048xf32, #tpu.memory_space<vmem>> -> memref<128xf32, #tpu.memory_space<vmem>>
        %dma_wait3A_1869 = arith.constant 0 : i32
        %dma_wait3A_1870 = tpu.memref_slice %arg19[%dma_wait3A_1866, %dma_wait3A_1869] : memref<16x128xi32, #tpu.memory_space<vmem>> -> memref<1x128xi32, #tpu.memory_space<vmem>>
        %dma_wait3A_1871 = tpu.memref_squeeze %dma_wait3A_1870 : memref<1x128xi32, #tpu.memory_space<vmem>> -> memref<128xi32, #tpu.memory_space<vmem>>
        %dma_wait3A_1872 = arith.constant 0 : i32
        %dma_wait3A_1873 = tpu.memref_slice %arg16[%dma_wait3A_1872] : memref<100096xf32, #tpu.memory_space<vmem_shared>> -> memref<100096xf32, #tpu.memory_space<vmem_shared>>
        tpu.wait_indirect_dma semaphore(%arg27 : memref<!tpu.dma_semaphore, #tpu.memory_space<semaphore_mem>>) src(%dma_wait3A_1868 : memref<128xf32, #tpu.memory_space<vmem>>) dst(%dma_wait3A_1873 : memref<100096xf32, #tpu.memory_space<vmem_shared>>)
        %dma_wait3A_1874 = arith.constant 8 : i32
        %dma_wait3A_1875 = arith.constant 1024 : i32
        %dma_wait3A_1876 = tpu.memref_slice %arg21[%dma_wait3A_1875] : memref<2048xf32, #tpu.memory_space<vmem>> -> memref<128xf32, #tpu.memory_space<vmem>>
        %dma_wait3A_1877 = arith.constant 0 : i32
        %dma_wait3A_1878 = tpu.memref_slice %arg19[%dma_wait3A_1874, %dma_wait3A_1877] : memref<16x128xi32, #tpu.memory_space<vmem>> -> memref<1x128xi32, #tpu.memory_space<vmem>>
        %dma_wait3A_1879 = tpu.memref_squeeze %dma_wait3A_1878 : memref<1x128xi32, #tpu.memory_space<vmem>> -> memref<128xi32, #tpu.memory_space<vmem>>
        %dma_wait3A_1880 = arith.constant 0 : i32
        %dma_wait3A_1881 = tpu.memref_slice %arg13[%dma_wait3A_1880] : memref<100096xf32, #tpu.memory_space<vmem_shared>> -> memref<100096xf32, #tpu.memory_space<vmem_shared>>
        tpu.wait_indirect_dma semaphore(%arg27 : memref<!tpu.dma_semaphore, #tpu.memory_space<semaphore_mem>>) src(%dma_wait3A_1876 : memref<128xf32, #tpu.memory_space<vmem>>) dst(%dma_wait3A_1881 : memref<100096xf32, #tpu.memory_space<vmem_shared>>)
        %dma_wait3A_1882 = arith.constant 8 : i32
        %dma_wait3A_1883 = arith.constant 1024 : i32
        %dma_wait3A_1884 = tpu.memref_slice %arg22[%dma_wait3A_1883] : memref<2048xf32, #tpu.memory_space<vmem>> -> memref<128xf32, #tpu.memory_space<vmem>>
        %dma_wait3A_1885 = arith.constant 0 : i32
        %dma_wait3A_1886 = tpu.memref_slice %arg19[%dma_wait3A_1882, %dma_wait3A_1885] : memref<16x128xi32, #tpu.memory_space<vmem>> -> memref<1x128xi32, #tpu.memory_space<vmem>>
        %dma_wait3A_1887 = tpu.memref_squeeze %dma_wait3A_1886 : memref<1x128xi32, #tpu.memory_space<vmem>> -> memref<128xi32, #tpu.memory_space<vmem>>
        %dma_wait3A_1888 = arith.constant 0 : i32
        %dma_wait3A_1889 = tpu.memref_slice %arg14[%dma_wait3A_1888] : memref<100096xf32, #tpu.memory_space<vmem_shared>> -> memref<100096xf32, #tpu.memory_space<vmem_shared>>
        tpu.wait_indirect_dma semaphore(%arg27 : memref<!tpu.dma_semaphore, #tpu.memory_space<semaphore_mem>>) src(%dma_wait3A_1884 : memref<128xf32, #tpu.memory_space<vmem>>) dst(%dma_wait3A_1889 : memref<100096xf32, #tpu.memory_space<vmem_shared>>)
        %dma_wait3A_1890 = arith.constant 8 : i32
        %dma_wait3A_1891 = arith.constant 1024 : i32
        %dma_wait3A_1892 = tpu.memref_slice %arg23[%dma_wait3A_1891] : memref<2048xf32, #tpu.memory_space<vmem>> -> memref<128xf32, #tpu.memory_space<vmem>>
        %dma_wait3A_1893 = arith.constant 0 : i32
        %dma_wait3A_1894 = tpu.memref_slice %arg19[%dma_wait3A_1890, %dma_wait3A_1893] : memref<16x128xi32, #tpu.memory_space<vmem>> -> memref<1x128xi32, #tpu.memory_space<vmem>>
        %dma_wait3A_1895 = tpu.memref_squeeze %dma_wait3A_1894 : memref<1x128xi32, #tpu.memory_space<vmem>> -> memref<128xi32, #tpu.memory_space<vmem>>
        %dma_wait3A_1896 = arith.constant 0 : i32
        %dma_wait3A_1897 = tpu.memref_slice %arg15[%dma_wait3A_1896] : memref<100096xf32, #tpu.memory_space<vmem_shared>> -> memref<100096xf32, #tpu.memory_space<vmem_shared>>
        tpu.wait_indirect_dma semaphore(%arg27 : memref<!tpu.dma_semaphore, #tpu.memory_space<semaphore_mem>>) src(%dma_wait3A_1892 : memref<128xf32, #tpu.memory_space<vmem>>) dst(%dma_wait3A_1897 : memref<100096xf32, #tpu.memory_space<vmem_shared>>)
        %dma_wait3A_1898 = arith.constant 8 : i32
        %dma_wait3A_1899 = arith.constant 1024 : i32
        %dma_wait3A_1900 = tpu.memref_slice %arg24[%dma_wait3A_1899] : memref<2048xf32, #tpu.memory_space<vmem>> -> memref<128xf32, #tpu.memory_space<vmem>>
        %dma_wait3A_1901 = arith.constant 0 : i32
        %dma_wait3A_1902 = tpu.memref_slice %arg19[%dma_wait3A_1898, %dma_wait3A_1901] : memref<16x128xi32, #tpu.memory_space<vmem>> -> memref<1x128xi32, #tpu.memory_space<vmem>>
        %dma_wait3A_1903 = tpu.memref_squeeze %dma_wait3A_1902 : memref<1x128xi32, #tpu.memory_space<vmem>> -> memref<128xi32, #tpu.memory_space<vmem>>
        %dma_wait3A_1904 = arith.constant 0 : i32
        %dma_wait3A_1905 = tpu.memref_slice %arg16[%dma_wait3A_1904] : memref<100096xf32, #tpu.memory_space<vmem_shared>> -> memref<100096xf32, #tpu.memory_space<vmem_shared>>
        tpu.wait_indirect_dma semaphore(%arg27 : memref<!tpu.dma_semaphore, #tpu.memory_space<semaphore_mem>>) src(%dma_wait3A_1900 : memref<128xf32, #tpu.memory_space<vmem>>) dst(%dma_wait3A_1905 : memref<100096xf32, #tpu.memory_space<vmem_shared>>)
        %dma_wait3A_1906 = arith.constant 9 : i32
        %dma_wait3A_1907 = arith.constant 1152 : i32
        %dma_wait3A_1908 = tpu.memref_slice %arg21[%dma_wait3A_1907] : memref<2048xf32, #tpu.memory_space<vmem>> -> memref<128xf32, #tpu.memory_space<vmem>>
        %dma_wait3A_1909 = arith.constant 0 : i32
        %dma_wait3A_1910 = tpu.memref_slice %arg19[%dma_wait3A_1906, %dma_wait3A_1909] : memref<16x128xi32, #tpu.memory_space<vmem>> -> memref<1x128xi32, #tpu.memory_space<vmem>>
        %dma_wait3A_1911 = tpu.memref_squeeze %dma_wait3A_1910 : memref<1x128xi32, #tpu.memory_space<vmem>> -> memref<128xi32, #tpu.memory_space<vmem>>
        %dma_wait3A_1912 = arith.constant 0 : i32
        %dma_wait3A_1913 = tpu.memref_slice %arg13[%dma_wait3A_1912] : memref<100096xf32, #tpu.memory_space<vmem_shared>> -> memref<100096xf32, #tpu.memory_space<vmem_shared>>
        tpu.wait_indirect_dma semaphore(%arg27 : memref<!tpu.dma_semaphore, #tpu.memory_space<semaphore_mem>>) src(%dma_wait3A_1908 : memref<128xf32, #tpu.memory_space<vmem>>) dst(%dma_wait3A_1913 : memref<100096xf32, #tpu.memory_space<vmem_shared>>)
        %dma_wait3A_1914 = arith.constant 9 : i32
        %dma_wait3A_1915 = arith.constant 1152 : i32
        %dma_wait3A_1916 = tpu.memref_slice %arg22[%dma_wait3A_1915] : memref<2048xf32, #tpu.memory_space<vmem>> -> memref<128xf32, #tpu.memory_space<vmem>>
        %dma_wait3A_1917 = arith.constant 0 : i32
        %dma_wait3A_1918 = tpu.memref_slice %arg19[%dma_wait3A_1914, %dma_wait3A_1917] : memref<16x128xi32, #tpu.memory_space<vmem>> -> memref<1x128xi32, #tpu.memory_space<vmem>>
        %dma_wait3A_1919 = tpu.memref_squeeze %dma_wait3A_1918 : memref<1x128xi32, #tpu.memory_space<vmem>> -> memref<128xi32, #tpu.memory_space<vmem>>
        %dma_wait3A_1920 = arith.constant 0 : i32
        %dma_wait3A_1921 = tpu.memref_slice %arg14[%dma_wait3A_1920] : memref<100096xf32, #tpu.memory_space<vmem_shared>> -> memref<100096xf32, #tpu.memory_space<vmem_shared>>
        tpu.wait_indirect_dma semaphore(%arg27 : memref<!tpu.dma_semaphore, #tpu.memory_space<semaphore_mem>>) src(%dma_wait3A_1916 : memref<128xf32, #tpu.memory_space<vmem>>) dst(%dma_wait3A_1921 : memref<100096xf32, #tpu.memory_space<vmem_shared>>)
        %dma_wait3A_1922 = arith.constant 9 : i32
        %dma_wait3A_1923 = arith.constant 1152 : i32
        %dma_wait3A_1924 = tpu.memref_slice %arg23[%dma_wait3A_1923] : memref<2048xf32, #tpu.memory_space<vmem>> -> memref<128xf32, #tpu.memory_space<vmem>>
        %dma_wait3A_1925 = arith.constant 0 : i32
        %dma_wait3A_1926 = tpu.memref_slice %arg19[%dma_wait3A_1922, %dma_wait3A_1925] : memref<16x128xi32, #tpu.memory_space<vmem>> -> memref<1x128xi32, #tpu.memory_space<vmem>>
        %dma_wait3A_1927 = tpu.memref_squeeze %dma_wait3A_1926 : memref<1x128xi32, #tpu.memory_space<vmem>> -> memref<128xi32, #tpu.memory_space<vmem>>
        %dma_wait3A_1928 = arith.constant 0 : i32
        %dma_wait3A_1929 = tpu.memref_slice %arg15[%dma_wait3A_1928] : memref<100096xf32, #tpu.memory_space<vmem_shared>> -> memref<100096xf32, #tpu.memory_space<vmem_shared>>
        tpu.wait_indirect_dma semaphore(%arg27 : memref<!tpu.dma_semaphore, #tpu.memory_space<semaphore_mem>>) src(%dma_wait3A_1924 : memref<128xf32, #tpu.memory_space<vmem>>) dst(%dma_wait3A_1929 : memref<100096xf32, #tpu.memory_space<vmem_shared>>)
        %dma_wait3A_1930 = arith.constant 9 : i32
        %dma_wait3A_1931 = arith.constant 1152 : i32
        %dma_wait3A_1932 = tpu.memref_slice %arg24[%dma_wait3A_1931] : memref<2048xf32, #tpu.memory_space<vmem>> -> memref<128xf32, #tpu.memory_space<vmem>>
        %dma_wait3A_1933 = arith.constant 0 : i32
        %dma_wait3A_1934 = tpu.memref_slice %arg19[%dma_wait3A_1930, %dma_wait3A_1933] : memref<16x128xi32, #tpu.memory_space<vmem>> -> memref<1x128xi32, #tpu.memory_space<vmem>>
        %dma_wait3A_1935 = tpu.memref_squeeze %dma_wait3A_1934 : memref<1x128xi32, #tpu.memory_space<vmem>> -> memref<128xi32, #tpu.memory_space<vmem>>
        %dma_wait3A_1936 = arith.constant 0 : i32
        %dma_wait3A_1937 = tpu.memref_slice %arg16[%dma_wait3A_1936] : memref<100096xf32, #tpu.memory_space<vmem_shared>> -> memref<100096xf32, #tpu.memory_space<vmem_shared>>
        tpu.wait_indirect_dma semaphore(%arg27 : memref<!tpu.dma_semaphore, #tpu.memory_space<semaphore_mem>>) src(%dma_wait3A_1932 : memref<128xf32, #tpu.memory_space<vmem>>) dst(%dma_wait3A_1937 : memref<100096xf32, #tpu.memory_space<vmem_shared>>)
        %dma_wait3A_1938 = arith.constant 10 : i32
        %dma_wait3A_1939 = arith.constant 1280 : i32
        %dma_wait3A_1940 = tpu.memref_slice %arg21[%dma_wait3A_1939] : memref<2048xf32, #tpu.memory_space<vmem>> -> memref<128xf32, #tpu.memory_space<vmem>>
        %dma_wait3A_1941 = arith.constant 0 : i32
        %dma_wait3A_1942 = tpu.memref_slice %arg19[%dma_wait3A_1938, %dma_wait3A_1941] : memref<16x128xi32, #tpu.memory_space<vmem>> -> memref<1x128xi32, #tpu.memory_space<vmem>>
        %dma_wait3A_1943 = tpu.memref_squeeze %dma_wait3A_1942 : memref<1x128xi32, #tpu.memory_space<vmem>> -> memref<128xi32, #tpu.memory_space<vmem>>
        %dma_wait3A_1944 = arith.constant 0 : i32
        %dma_wait3A_1945 = tpu.memref_slice %arg13[%dma_wait3A_1944] : memref<100096xf32, #tpu.memory_space<vmem_shared>> -> memref<100096xf32, #tpu.memory_space<vmem_shared>>
        tpu.wait_indirect_dma semaphore(%arg27 : memref<!tpu.dma_semaphore, #tpu.memory_space<semaphore_mem>>) src(%dma_wait3A_1940 : memref<128xf32, #tpu.memory_space<vmem>>) dst(%dma_wait3A_1945 : memref<100096xf32, #tpu.memory_space<vmem_shared>>)
        %dma_wait3A_1946 = arith.constant 10 : i32
        %dma_wait3A_1947 = arith.constant 1280 : i32
        %dma_wait3A_1948 = tpu.memref_slice %arg22[%dma_wait3A_1947] : memref<2048xf32, #tpu.memory_space<vmem>> -> memref<128xf32, #tpu.memory_space<vmem>>
        %dma_wait3A_1949 = arith.constant 0 : i32
        %dma_wait3A_1950 = tpu.memref_slice %arg19[%dma_wait3A_1946, %dma_wait3A_1949] : memref<16x128xi32, #tpu.memory_space<vmem>> -> memref<1x128xi32, #tpu.memory_space<vmem>>
        %dma_wait3A_1951 = tpu.memref_squeeze %dma_wait3A_1950 : memref<1x128xi32, #tpu.memory_space<vmem>> -> memref<128xi32, #tpu.memory_space<vmem>>
        %dma_wait3A_1952 = arith.constant 0 : i32
        %dma_wait3A_1953 = tpu.memref_slice %arg14[%dma_wait3A_1952] : memref<100096xf32, #tpu.memory_space<vmem_shared>> -> memref<100096xf32, #tpu.memory_space<vmem_shared>>
        tpu.wait_indirect_dma semaphore(%arg27 : memref<!tpu.dma_semaphore, #tpu.memory_space<semaphore_mem>>) src(%dma_wait3A_1948 : memref<128xf32, #tpu.memory_space<vmem>>) dst(%dma_wait3A_1953 : memref<100096xf32, #tpu.memory_space<vmem_shared>>)
        %dma_wait3A_1954 = arith.constant 10 : i32
        %dma_wait3A_1955 = arith.constant 1280 : i32
        %dma_wait3A_1956 = tpu.memref_slice %arg23[%dma_wait3A_1955] : memref<2048xf32, #tpu.memory_space<vmem>> -> memref<128xf32, #tpu.memory_space<vmem>>
        %dma_wait3A_1957 = arith.constant 0 : i32
        %dma_wait3A_1958 = tpu.memref_slice %arg19[%dma_wait3A_1954, %dma_wait3A_1957] : memref<16x128xi32, #tpu.memory_space<vmem>> -> memref<1x128xi32, #tpu.memory_space<vmem>>
        %dma_wait3A_1959 = tpu.memref_squeeze %dma_wait3A_1958 : memref<1x128xi32, #tpu.memory_space<vmem>> -> memref<128xi32, #tpu.memory_space<vmem>>
        %dma_wait3A_1960 = arith.constant 0 : i32
        %dma_wait3A_1961 = tpu.memref_slice %arg15[%dma_wait3A_1960] : memref<100096xf32, #tpu.memory_space<vmem_shared>> -> memref<100096xf32, #tpu.memory_space<vmem_shared>>
        tpu.wait_indirect_dma semaphore(%arg27 : memref<!tpu.dma_semaphore, #tpu.memory_space<semaphore_mem>>) src(%dma_wait3A_1956 : memref<128xf32, #tpu.memory_space<vmem>>) dst(%dma_wait3A_1961 : memref<100096xf32, #tpu.memory_space<vmem_shared>>)
        %dma_wait3A_1962 = arith.constant 10 : i32
        %dma_wait3A_1963 = arith.constant 1280 : i32
        %dma_wait3A_1964 = tpu.memref_slice %arg24[%dma_wait3A_1963] : memref<2048xf32, #tpu.memory_space<vmem>> -> memref<128xf32, #tpu.memory_space<vmem>>
        %dma_wait3A_1965 = arith.constant 0 : i32
        %dma_wait3A_1966 = tpu.memref_slice %arg19[%dma_wait3A_1962, %dma_wait3A_1965] : memref<16x128xi32, #tpu.memory_space<vmem>> -> memref<1x128xi32, #tpu.memory_space<vmem>>
        %dma_wait3A_1967 = tpu.memref_squeeze %dma_wait3A_1966 : memref<1x128xi32, #tpu.memory_space<vmem>> -> memref<128xi32, #tpu.memory_space<vmem>>
        %dma_wait3A_1968 = arith.constant 0 : i32
        %dma_wait3A_1969 = tpu.memref_slice %arg16[%dma_wait3A_1968] : memref<100096xf32, #tpu.memory_space<vmem_shared>> -> memref<100096xf32, #tpu.memory_space<vmem_shared>>
        tpu.wait_indirect_dma semaphore(%arg27 : memref<!tpu.dma_semaphore, #tpu.memory_space<semaphore_mem>>) src(%dma_wait3A_1964 : memref<128xf32, #tpu.memory_space<vmem>>) dst(%dma_wait3A_1969 : memref<100096xf32, #tpu.memory_space<vmem_shared>>)
        %dma_wait3A_1970 = arith.constant 11 : i32
        %dma_wait3A_1971 = arith.constant 1408 : i32
        %dma_wait3A_1972 = tpu.memref_slice %arg21[%dma_wait3A_1971] : memref<2048xf32, #tpu.memory_space<vmem>> -> memref<128xf32, #tpu.memory_space<vmem>>
        %dma_wait3A_1973 = arith.constant 0 : i32
        %dma_wait3A_1974 = tpu.memref_slice %arg19[%dma_wait3A_1970, %dma_wait3A_1973] : memref<16x128xi32, #tpu.memory_space<vmem>> -> memref<1x128xi32, #tpu.memory_space<vmem>>
        %dma_wait3A_1975 = tpu.memref_squeeze %dma_wait3A_1974 : memref<1x128xi32, #tpu.memory_space<vmem>> -> memref<128xi32, #tpu.memory_space<vmem>>
        %dma_wait3A_1976 = arith.constant 0 : i32
        %dma_wait3A_1977 = tpu.memref_slice %arg13[%dma_wait3A_1976] : memref<100096xf32, #tpu.memory_space<vmem_shared>> -> memref<100096xf32, #tpu.memory_space<vmem_shared>>
        tpu.wait_indirect_dma semaphore(%arg27 : memref<!tpu.dma_semaphore, #tpu.memory_space<semaphore_mem>>) src(%dma_wait3A_1972 : memref<128xf32, #tpu.memory_space<vmem>>) dst(%dma_wait3A_1977 : memref<100096xf32, #tpu.memory_space<vmem_shared>>)
        %dma_wait3A_1978 = arith.constant 11 : i32
        %dma_wait3A_1979 = arith.constant 1408 : i32
        %dma_wait3A_1980 = tpu.memref_slice %arg22[%dma_wait3A_1979] : memref<2048xf32, #tpu.memory_space<vmem>> -> memref<128xf32, #tpu.memory_space<vmem>>
        %dma_wait3A_1981 = arith.constant 0 : i32
        %dma_wait3A_1982 = tpu.memref_slice %arg19[%dma_wait3A_1978, %dma_wait3A_1981] : memref<16x128xi32, #tpu.memory_space<vmem>> -> memref<1x128xi32, #tpu.memory_space<vmem>>
        %dma_wait3A_1983 = tpu.memref_squeeze %dma_wait3A_1982 : memref<1x128xi32, #tpu.memory_space<vmem>> -> memref<128xi32, #tpu.memory_space<vmem>>
        %dma_wait3A_1984 = arith.constant 0 : i32
        %dma_wait3A_1985 = tpu.memref_slice %arg14[%dma_wait3A_1984] : memref<100096xf32, #tpu.memory_space<vmem_shared>> -> memref<100096xf32, #tpu.memory_space<vmem_shared>>
        tpu.wait_indirect_dma semaphore(%arg27 : memref<!tpu.dma_semaphore, #tpu.memory_space<semaphore_mem>>) src(%dma_wait3A_1980 : memref<128xf32, #tpu.memory_space<vmem>>) dst(%dma_wait3A_1985 : memref<100096xf32, #tpu.memory_space<vmem_shared>>)
        %dma_wait3A_1986 = arith.constant 11 : i32
        %dma_wait3A_1987 = arith.constant 1408 : i32
        %dma_wait3A_1988 = tpu.memref_slice %arg23[%dma_wait3A_1987] : memref<2048xf32, #tpu.memory_space<vmem>> -> memref<128xf32, #tpu.memory_space<vmem>>
        %dma_wait3A_1989 = arith.constant 0 : i32
        %dma_wait3A_1990 = tpu.memref_slice %arg19[%dma_wait3A_1986, %dma_wait3A_1989] : memref<16x128xi32, #tpu.memory_space<vmem>> -> memref<1x128xi32, #tpu.memory_space<vmem>>
        %dma_wait3A_1991 = tpu.memref_squeeze %dma_wait3A_1990 : memref<1x128xi32, #tpu.memory_space<vmem>> -> memref<128xi32, #tpu.memory_space<vmem>>
        %dma_wait3A_1992 = arith.constant 0 : i32
        %dma_wait3A_1993 = tpu.memref_slice %arg15[%dma_wait3A_1992] : memref<100096xf32, #tpu.memory_space<vmem_shared>> -> memref<100096xf32, #tpu.memory_space<vmem_shared>>
        tpu.wait_indirect_dma semaphore(%arg27 : memref<!tpu.dma_semaphore, #tpu.memory_space<semaphore_mem>>) src(%dma_wait3A_1988 : memref<128xf32, #tpu.memory_space<vmem>>) dst(%dma_wait3A_1993 : memref<100096xf32, #tpu.memory_space<vmem_shared>>)
        %dma_wait3A_1994 = arith.constant 11 : i32
        %dma_wait3A_1995 = arith.constant 1408 : i32
        %dma_wait3A_1996 = tpu.memref_slice %arg24[%dma_wait3A_1995] : memref<2048xf32, #tpu.memory_space<vmem>> -> memref<128xf32, #tpu.memory_space<vmem>>
        %dma_wait3A_1997 = arith.constant 0 : i32
        %dma_wait3A_1998 = tpu.memref_slice %arg19[%dma_wait3A_1994, %dma_wait3A_1997] : memref<16x128xi32, #tpu.memory_space<vmem>> -> memref<1x128xi32, #tpu.memory_space<vmem>>
        %dma_wait3A_1999 = tpu.memref_squeeze %dma_wait3A_1998 : memref<1x128xi32, #tpu.memory_space<vmem>> -> memref<128xi32, #tpu.memory_space<vmem>>
        %dma_wait3A_2000 = arith.constant 0 : i32
        %dma_wait3A_2001 = tpu.memref_slice %arg16[%dma_wait3A_2000] : memref<100096xf32, #tpu.memory_space<vmem_shared>> -> memref<100096xf32, #tpu.memory_space<vmem_shared>>
        tpu.wait_indirect_dma semaphore(%arg27 : memref<!tpu.dma_semaphore, #tpu.memory_space<semaphore_mem>>) src(%dma_wait3A_1996 : memref<128xf32, #tpu.memory_space<vmem>>) dst(%dma_wait3A_2001 : memref<100096xf32, #tpu.memory_space<vmem_shared>>)
        %dma_wait3A_2002 = arith.constant 12 : i32
        %dma_wait3A_2003 = arith.constant 1536 : i32
        %dma_wait3A_2004 = tpu.memref_slice %arg21[%dma_wait3A_2003] : memref<2048xf32, #tpu.memory_space<vmem>> -> memref<128xf32, #tpu.memory_space<vmem>>
        %dma_wait3A_2005 = arith.constant 0 : i32
        %dma_wait3A_2006 = tpu.memref_slice %arg19[%dma_wait3A_2002, %dma_wait3A_2005] : memref<16x128xi32, #tpu.memory_space<vmem>> -> memref<1x128xi32, #tpu.memory_space<vmem>>
        %dma_wait3A_2007 = tpu.memref_squeeze %dma_wait3A_2006 : memref<1x128xi32, #tpu.memory_space<vmem>> -> memref<128xi32, #tpu.memory_space<vmem>>
        %dma_wait3A_2008 = arith.constant 0 : i32
        %dma_wait3A_2009 = tpu.memref_slice %arg13[%dma_wait3A_2008] : memref<100096xf32, #tpu.memory_space<vmem_shared>> -> memref<100096xf32, #tpu.memory_space<vmem_shared>>
        tpu.wait_indirect_dma semaphore(%arg27 : memref<!tpu.dma_semaphore, #tpu.memory_space<semaphore_mem>>) src(%dma_wait3A_2004 : memref<128xf32, #tpu.memory_space<vmem>>) dst(%dma_wait3A_2009 : memref<100096xf32, #tpu.memory_space<vmem_shared>>)
        %dma_wait3A_2010 = arith.constant 12 : i32
        %dma_wait3A_2011 = arith.constant 1536 : i32
        %dma_wait3A_2012 = tpu.memref_slice %arg22[%dma_wait3A_2011] : memref<2048xf32, #tpu.memory_space<vmem>> -> memref<128xf32, #tpu.memory_space<vmem>>
        %dma_wait3A_2013 = arith.constant 0 : i32
        %dma_wait3A_2014 = tpu.memref_slice %arg19[%dma_wait3A_2010, %dma_wait3A_2013] : memref<16x128xi32, #tpu.memory_space<vmem>> -> memref<1x128xi32, #tpu.memory_space<vmem>>
        %dma_wait3A_2015 = tpu.memref_squeeze %dma_wait3A_2014 : memref<1x128xi32, #tpu.memory_space<vmem>> -> memref<128xi32, #tpu.memory_space<vmem>>
        %dma_wait3A_2016 = arith.constant 0 : i32
        %dma_wait3A_2017 = tpu.memref_slice %arg14[%dma_wait3A_2016] : memref<100096xf32, #tpu.memory_space<vmem_shared>> -> memref<100096xf32, #tpu.memory_space<vmem_shared>>
        tpu.wait_indirect_dma semaphore(%arg27 : memref<!tpu.dma_semaphore, #tpu.memory_space<semaphore_mem>>) src(%dma_wait3A_2012 : memref<128xf32, #tpu.memory_space<vmem>>) dst(%dma_wait3A_2017 : memref<100096xf32, #tpu.memory_space<vmem_shared>>)
        %dma_wait3A_2018 = arith.constant 12 : i32
        %dma_wait3A_2019 = arith.constant 1536 : i32
        %dma_wait3A_2020 = tpu.memref_slice %arg23[%dma_wait3A_2019] : memref<2048xf32, #tpu.memory_space<vmem>> -> memref<128xf32, #tpu.memory_space<vmem>>
        %dma_wait3A_2021 = arith.constant 0 : i32
        %dma_wait3A_2022 = tpu.memref_slice %arg19[%dma_wait3A_2018, %dma_wait3A_2021] : memref<16x128xi32, #tpu.memory_space<vmem>> -> memref<1x128xi32, #tpu.memory_space<vmem>>
        %dma_wait3A_2023 = tpu.memref_squeeze %dma_wait3A_2022 : memref<1x128xi32, #tpu.memory_space<vmem>> -> memref<128xi32, #tpu.memory_space<vmem>>
        %dma_wait3A_2024 = arith.constant 0 : i32
        %dma_wait3A_2025 = tpu.memref_slice %arg15[%dma_wait3A_2024] : memref<100096xf32, #tpu.memory_space<vmem_shared>> -> memref<100096xf32, #tpu.memory_space<vmem_shared>>
        tpu.wait_indirect_dma semaphore(%arg27 : memref<!tpu.dma_semaphore, #tpu.memory_space<semaphore_mem>>) src(%dma_wait3A_2020 : memref<128xf32, #tpu.memory_space<vmem>>) dst(%dma_wait3A_2025 : memref<100096xf32, #tpu.memory_space<vmem_shared>>)
        %dma_wait3A_2026 = arith.constant 12 : i32
        %dma_wait3A_2027 = arith.constant 1536 : i32
        %dma_wait3A_2028 = tpu.memref_slice %arg24[%dma_wait3A_2027] : memref<2048xf32, #tpu.memory_space<vmem>> -> memref<128xf32, #tpu.memory_space<vmem>>
        %dma_wait3A_2029 = arith.constant 0 : i32
        %dma_wait3A_2030 = tpu.memref_slice %arg19[%dma_wait3A_2026, %dma_wait3A_2029] : memref<16x128xi32, #tpu.memory_space<vmem>> -> memref<1x128xi32, #tpu.memory_space<vmem>>
        %dma_wait3A_2031 = tpu.memref_squeeze %dma_wait3A_2030 : memref<1x128xi32, #tpu.memory_space<vmem>> -> memref<128xi32, #tpu.memory_space<vmem>>
        %dma_wait3A_2032 = arith.constant 0 : i32
        %dma_wait3A_2033 = tpu.memref_slice %arg16[%dma_wait3A_2032] : memref<100096xf32, #tpu.memory_space<vmem_shared>> -> memref<100096xf32, #tpu.memory_space<vmem_shared>>
        tpu.wait_indirect_dma semaphore(%arg27 : memref<!tpu.dma_semaphore, #tpu.memory_space<semaphore_mem>>) src(%dma_wait3A_2028 : memref<128xf32, #tpu.memory_space<vmem>>) dst(%dma_wait3A_2033 : memref<100096xf32, #tpu.memory_space<vmem_shared>>)
        %dma_wait3A_2034 = arith.constant 13 : i32
        %dma_wait3A_2035 = arith.constant 1664 : i32
        %dma_wait3A_2036 = tpu.memref_slice %arg21[%dma_wait3A_2035] : memref<2048xf32, #tpu.memory_space<vmem>> -> memref<128xf32, #tpu.memory_space<vmem>>
        %dma_wait3A_2037 = arith.constant 0 : i32
        %dma_wait3A_2038 = tpu.memref_slice %arg19[%dma_wait3A_2034, %dma_wait3A_2037] : memref<16x128xi32, #tpu.memory_space<vmem>> -> memref<1x128xi32, #tpu.memory_space<vmem>>
        %dma_wait3A_2039 = tpu.memref_squeeze %dma_wait3A_2038 : memref<1x128xi32, #tpu.memory_space<vmem>> -> memref<128xi32, #tpu.memory_space<vmem>>
        %dma_wait3A_2040 = arith.constant 0 : i32
        %dma_wait3A_2041 = tpu.memref_slice %arg13[%dma_wait3A_2040] : memref<100096xf32, #tpu.memory_space<vmem_shared>> -> memref<100096xf32, #tpu.memory_space<vmem_shared>>
        tpu.wait_indirect_dma semaphore(%arg27 : memref<!tpu.dma_semaphore, #tpu.memory_space<semaphore_mem>>) src(%dma_wait3A_2036 : memref<128xf32, #tpu.memory_space<vmem>>) dst(%dma_wait3A_2041 : memref<100096xf32, #tpu.memory_space<vmem_shared>>)
        %dma_wait3A_2042 = arith.constant 13 : i32
        %dma_wait3A_2043 = arith.constant 1664 : i32
        %dma_wait3A_2044 = tpu.memref_slice %arg22[%dma_wait3A_2043] : memref<2048xf32, #tpu.memory_space<vmem>> -> memref<128xf32, #tpu.memory_space<vmem>>
        %dma_wait3A_2045 = arith.constant 0 : i32
        %dma_wait3A_2046 = tpu.memref_slice %arg19[%dma_wait3A_2042, %dma_wait3A_2045] : memref<16x128xi32, #tpu.memory_space<vmem>> -> memref<1x128xi32, #tpu.memory_space<vmem>>
        %dma_wait3A_2047 = tpu.memref_squeeze %dma_wait3A_2046 : memref<1x128xi32, #tpu.memory_space<vmem>> -> memref<128xi32, #tpu.memory_space<vmem>>
        %dma_wait3A_2048 = arith.constant 0 : i32
        %dma_wait3A_2049 = tpu.memref_slice %arg14[%dma_wait3A_2048] : memref<100096xf32, #tpu.memory_space<vmem_shared>> -> memref<100096xf32, #tpu.memory_space<vmem_shared>>
        tpu.wait_indirect_dma semaphore(%arg27 : memref<!tpu.dma_semaphore, #tpu.memory_space<semaphore_mem>>) src(%dma_wait3A_2044 : memref<128xf32, #tpu.memory_space<vmem>>) dst(%dma_wait3A_2049 : memref<100096xf32, #tpu.memory_space<vmem_shared>>)
        %dma_wait3A_2050 = arith.constant 13 : i32
        %dma_wait3A_2051 = arith.constant 1664 : i32
        %dma_wait3A_2052 = tpu.memref_slice %arg23[%dma_wait3A_2051] : memref<2048xf32, #tpu.memory_space<vmem>> -> memref<128xf32, #tpu.memory_space<vmem>>
        %dma_wait3A_2053 = arith.constant 0 : i32
        %dma_wait3A_2054 = tpu.memref_slice %arg19[%dma_wait3A_2050, %dma_wait3A_2053] : memref<16x128xi32, #tpu.memory_space<vmem>> -> memref<1x128xi32, #tpu.memory_space<vmem>>
        %dma_wait3A_2055 = tpu.memref_squeeze %dma_wait3A_2054 : memref<1x128xi32, #tpu.memory_space<vmem>> -> memref<128xi32, #tpu.memory_space<vmem>>
        %dma_wait3A_2056 = arith.constant 0 : i32
        %dma_wait3A_2057 = tpu.memref_slice %arg15[%dma_wait3A_2056] : memref<100096xf32, #tpu.memory_space<vmem_shared>> -> memref<100096xf32, #tpu.memory_space<vmem_shared>>
        tpu.wait_indirect_dma semaphore(%arg27 : memref<!tpu.dma_semaphore, #tpu.memory_space<semaphore_mem>>) src(%dma_wait3A_2052 : memref<128xf32, #tpu.memory_space<vmem>>) dst(%dma_wait3A_2057 : memref<100096xf32, #tpu.memory_space<vmem_shared>>)
        %dma_wait3A_2058 = arith.constant 13 : i32
        %dma_wait3A_2059 = arith.constant 1664 : i32
        %dma_wait3A_2060 = tpu.memref_slice %arg24[%dma_wait3A_2059] : memref<2048xf32, #tpu.memory_space<vmem>> -> memref<128xf32, #tpu.memory_space<vmem>>
        %dma_wait3A_2061 = arith.constant 0 : i32
        %dma_wait3A_2062 = tpu.memref_slice %arg19[%dma_wait3A_2058, %dma_wait3A_2061] : memref<16x128xi32, #tpu.memory_space<vmem>> -> memref<1x128xi32, #tpu.memory_space<vmem>>
        %dma_wait3A_2063 = tpu.memref_squeeze %dma_wait3A_2062 : memref<1x128xi32, #tpu.memory_space<vmem>> -> memref<128xi32, #tpu.memory_space<vmem>>
        %dma_wait3A_2064 = arith.constant 0 : i32
        %dma_wait3A_2065 = tpu.memref_slice %arg16[%dma_wait3A_2064] : memref<100096xf32, #tpu.memory_space<vmem_shared>> -> memref<100096xf32, #tpu.memory_space<vmem_shared>>
        tpu.wait_indirect_dma semaphore(%arg27 : memref<!tpu.dma_semaphore, #tpu.memory_space<semaphore_mem>>) src(%dma_wait3A_2060 : memref<128xf32, #tpu.memory_space<vmem>>) dst(%dma_wait3A_2065 : memref<100096xf32, #tpu.memory_space<vmem_shared>>)
        %dma_wait3A_2066 = arith.constant 14 : i32
        %dma_wait3A_2067 = arith.constant 1792 : i32
        %dma_wait3A_2068 = tpu.memref_slice %arg21[%dma_wait3A_2067] : memref<2048xf32, #tpu.memory_space<vmem>> -> memref<128xf32, #tpu.memory_space<vmem>>
        %dma_wait3A_2069 = arith.constant 0 : i32
        %dma_wait3A_2070 = tpu.memref_slice %arg19[%dma_wait3A_2066, %dma_wait3A_2069] : memref<16x128xi32, #tpu.memory_space<vmem>> -> memref<1x128xi32, #tpu.memory_space<vmem>>
        %dma_wait3A_2071 = tpu.memref_squeeze %dma_wait3A_2070 : memref<1x128xi32, #tpu.memory_space<vmem>> -> memref<128xi32, #tpu.memory_space<vmem>>
        %dma_wait3A_2072 = arith.constant 0 : i32
        %dma_wait3A_2073 = tpu.memref_slice %arg13[%dma_wait3A_2072] : memref<100096xf32, #tpu.memory_space<vmem_shared>> -> memref<100096xf32, #tpu.memory_space<vmem_shared>>
        tpu.wait_indirect_dma semaphore(%arg27 : memref<!tpu.dma_semaphore, #tpu.memory_space<semaphore_mem>>) src(%dma_wait3A_2068 : memref<128xf32, #tpu.memory_space<vmem>>) dst(%dma_wait3A_2073 : memref<100096xf32, #tpu.memory_space<vmem_shared>>)
        %dma_wait3A_2074 = arith.constant 14 : i32
        %dma_wait3A_2075 = arith.constant 1792 : i32
        %dma_wait3A_2076 = tpu.memref_slice %arg22[%dma_wait3A_2075] : memref<2048xf32, #tpu.memory_space<vmem>> -> memref<128xf32, #tpu.memory_space<vmem>>
        %dma_wait3A_2077 = arith.constant 0 : i32
        %dma_wait3A_2078 = tpu.memref_slice %arg19[%dma_wait3A_2074, %dma_wait3A_2077] : memref<16x128xi32, #tpu.memory_space<vmem>> -> memref<1x128xi32, #tpu.memory_space<vmem>>
        %dma_wait3A_2079 = tpu.memref_squeeze %dma_wait3A_2078 : memref<1x128xi32, #tpu.memory_space<vmem>> -> memref<128xi32, #tpu.memory_space<vmem>>
        %dma_wait3A_2080 = arith.constant 0 : i32
        %dma_wait3A_2081 = tpu.memref_slice %arg14[%dma_wait3A_2080] : memref<100096xf32, #tpu.memory_space<vmem_shared>> -> memref<100096xf32, #tpu.memory_space<vmem_shared>>
        tpu.wait_indirect_dma semaphore(%arg27 : memref<!tpu.dma_semaphore, #tpu.memory_space<semaphore_mem>>) src(%dma_wait3A_2076 : memref<128xf32, #tpu.memory_space<vmem>>) dst(%dma_wait3A_2081 : memref<100096xf32, #tpu.memory_space<vmem_shared>>)
        %dma_wait3A_2082 = arith.constant 14 : i32
        %dma_wait3A_2083 = arith.constant 1792 : i32
        %dma_wait3A_2084 = tpu.memref_slice %arg23[%dma_wait3A_2083] : memref<2048xf32, #tpu.memory_space<vmem>> -> memref<128xf32, #tpu.memory_space<vmem>>
        %dma_wait3A_2085 = arith.constant 0 : i32
        %dma_wait3A_2086 = tpu.memref_slice %arg19[%dma_wait3A_2082, %dma_wait3A_2085] : memref<16x128xi32, #tpu.memory_space<vmem>> -> memref<1x128xi32, #tpu.memory_space<vmem>>
        %dma_wait3A_2087 = tpu.memref_squeeze %dma_wait3A_2086 : memref<1x128xi32, #tpu.memory_space<vmem>> -> memref<128xi32, #tpu.memory_space<vmem>>
        %dma_wait3A_2088 = arith.constant 0 : i32
        %dma_wait3A_2089 = tpu.memref_slice %arg15[%dma_wait3A_2088] : memref<100096xf32, #tpu.memory_space<vmem_shared>> -> memref<100096xf32, #tpu.memory_space<vmem_shared>>
        tpu.wait_indirect_dma semaphore(%arg27 : memref<!tpu.dma_semaphore, #tpu.memory_space<semaphore_mem>>) src(%dma_wait3A_2084 : memref<128xf32, #tpu.memory_space<vmem>>) dst(%dma_wait3A_2089 : memref<100096xf32, #tpu.memory_space<vmem_shared>>)
        %dma_wait3A_2090 = arith.constant 14 : i32
        %dma_wait3A_2091 = arith.constant 1792 : i32
        %dma_wait3A_2092 = tpu.memref_slice %arg24[%dma_wait3A_2091] : memref<2048xf32, #tpu.memory_space<vmem>> -> memref<128xf32, #tpu.memory_space<vmem>>
        %dma_wait3A_2093 = arith.constant 0 : i32
        %dma_wait3A_2094 = tpu.memref_slice %arg19[%dma_wait3A_2090, %dma_wait3A_2093] : memref<16x128xi32, #tpu.memory_space<vmem>> -> memref<1x128xi32, #tpu.memory_space<vmem>>
        %dma_wait3A_2095 = tpu.memref_squeeze %dma_wait3A_2094 : memref<1x128xi32, #tpu.memory_space<vmem>> -> memref<128xi32, #tpu.memory_space<vmem>>
        %dma_wait3A_2096 = arith.constant 0 : i32
        %dma_wait3A_2097 = tpu.memref_slice %arg16[%dma_wait3A_2096] : memref<100096xf32, #tpu.memory_space<vmem_shared>> -> memref<100096xf32, #tpu.memory_space<vmem_shared>>
        tpu.wait_indirect_dma semaphore(%arg27 : memref<!tpu.dma_semaphore, #tpu.memory_space<semaphore_mem>>) src(%dma_wait3A_2092 : memref<128xf32, #tpu.memory_space<vmem>>) dst(%dma_wait3A_2097 : memref<100096xf32, #tpu.memory_space<vmem_shared>>)
        %dma_wait3A_2098 = arith.constant 15 : i32
        %dma_wait3A_2099 = arith.constant 1920 : i32
        %dma_wait3A_2100 = tpu.memref_slice %arg21[%dma_wait3A_2099] : memref<2048xf32, #tpu.memory_space<vmem>> -> memref<128xf32, #tpu.memory_space<vmem>>
        %dma_wait3A_2101 = arith.constant 0 : i32
        %dma_wait3A_2102 = tpu.memref_slice %arg19[%dma_wait3A_2098, %dma_wait3A_2101] : memref<16x128xi32, #tpu.memory_space<vmem>> -> memref<1x128xi32, #tpu.memory_space<vmem>>
        %dma_wait3A_2103 = tpu.memref_squeeze %dma_wait3A_2102 : memref<1x128xi32, #tpu.memory_space<vmem>> -> memref<128xi32, #tpu.memory_space<vmem>>
        %dma_wait3A_2104 = arith.constant 0 : i32
        %dma_wait3A_2105 = tpu.memref_slice %arg13[%dma_wait3A_2104] : memref<100096xf32, #tpu.memory_space<vmem_shared>> -> memref<100096xf32, #tpu.memory_space<vmem_shared>>
        tpu.wait_indirect_dma semaphore(%arg27 : memref<!tpu.dma_semaphore, #tpu.memory_space<semaphore_mem>>) src(%dma_wait3A_2100 : memref<128xf32, #tpu.memory_space<vmem>>) dst(%dma_wait3A_2105 : memref<100096xf32, #tpu.memory_space<vmem_shared>>)
        %dma_wait3A_2106 = arith.constant 15 : i32
        %dma_wait3A_2107 = arith.constant 1920 : i32
        %dma_wait3A_2108 = tpu.memref_slice %arg22[%dma_wait3A_2107] : memref<2048xf32, #tpu.memory_space<vmem>> -> memref<128xf32, #tpu.memory_space<vmem>>
        %dma_wait3A_2109 = arith.constant 0 : i32
        %dma_wait3A_2110 = tpu.memref_slice %arg19[%dma_wait3A_2106, %dma_wait3A_2109] : memref<16x128xi32, #tpu.memory_space<vmem>> -> memref<1x128xi32, #tpu.memory_space<vmem>>
        %dma_wait3A_2111 = tpu.memref_squeeze %dma_wait3A_2110 : memref<1x128xi32, #tpu.memory_space<vmem>> -> memref<128xi32, #tpu.memory_space<vmem>>
        %dma_wait3A_2112 = arith.constant 0 : i32
        %dma_wait3A_2113 = tpu.memref_slice %arg14[%dma_wait3A_2112] : memref<100096xf32, #tpu.memory_space<vmem_shared>> -> memref<100096xf32, #tpu.memory_space<vmem_shared>>
        tpu.wait_indirect_dma semaphore(%arg27 : memref<!tpu.dma_semaphore, #tpu.memory_space<semaphore_mem>>) src(%dma_wait3A_2108 : memref<128xf32, #tpu.memory_space<vmem>>) dst(%dma_wait3A_2113 : memref<100096xf32, #tpu.memory_space<vmem_shared>>)
        %dma_wait3A_2114 = arith.constant 15 : i32
        %dma_wait3A_2115 = arith.constant 1920 : i32
        %dma_wait3A_2116 = tpu.memref_slice %arg23[%dma_wait3A_2115] : memref<2048xf32, #tpu.memory_space<vmem>> -> memref<128xf32, #tpu.memory_space<vmem>>
        %dma_wait3A_2117 = arith.constant 0 : i32
        %dma_wait3A_2118 = tpu.memref_slice %arg19[%dma_wait3A_2114, %dma_wait3A_2117] : memref<16x128xi32, #tpu.memory_space<vmem>> -> memref<1x128xi32, #tpu.memory_space<vmem>>
        %dma_wait3A_2119 = tpu.memref_squeeze %dma_wait3A_2118 : memref<1x128xi32, #tpu.memory_space<vmem>> -> memref<128xi32, #tpu.memory_space<vmem>>
        %dma_wait3A_2120 = arith.constant 0 : i32
        %dma_wait3A_2121 = tpu.memref_slice %arg15[%dma_wait3A_2120] : memref<100096xf32, #tpu.memory_space<vmem_shared>> -> memref<100096xf32, #tpu.memory_space<vmem_shared>>
        tpu.wait_indirect_dma semaphore(%arg27 : memref<!tpu.dma_semaphore, #tpu.memory_space<semaphore_mem>>) src(%dma_wait3A_2116 : memref<128xf32, #tpu.memory_space<vmem>>) dst(%dma_wait3A_2121 : memref<100096xf32, #tpu.memory_space<vmem_shared>>)
        %dma_wait3A_2122 = arith.constant 15 : i32
        %dma_wait3A_2123 = arith.constant 1920 : i32
        %dma_wait3A_2124 = tpu.memref_slice %arg24[%dma_wait3A_2123] : memref<2048xf32, #tpu.memory_space<vmem>> -> memref<128xf32, #tpu.memory_space<vmem>>
        %dma_wait3A_2125 = arith.constant 0 : i32
        %dma_wait3A_2126 = tpu.memref_slice %arg19[%dma_wait3A_2122, %dma_wait3A_2125] : memref<16x128xi32, #tpu.memory_space<vmem>> -> memref<1x128xi32, #tpu.memory_space<vmem>>
        %dma_wait3A_2127 = tpu.memref_squeeze %dma_wait3A_2126 : memref<1x128xi32, #tpu.memory_space<vmem>> -> memref<128xi32, #tpu.memory_space<vmem>>
        %dma_wait3A_2128 = arith.constant 0 : i32
        %dma_wait3A_2129 = tpu.memref_slice %arg16[%dma_wait3A_2128] : memref<100096xf32, #tpu.memory_space<vmem_shared>> -> memref<100096xf32, #tpu.memory_space<vmem_shared>>
        tpu.wait_indirect_dma semaphore(%arg27 : memref<!tpu.dma_semaphore, #tpu.memory_space<semaphore_mem>>) src(%dma_wait3A_2124 : memref<128xf32, #tpu.memory_space<vmem>>) dst(%dma_wait3A_2129 : memref<100096xf32, #tpu.memory_space<vmem_shared>>)
      } else {
      }
      %scan3A_72 = arith.constant 0 : i32
      scf.yield %scan3A_72 : i32
    }
    %scan3A_35 = arith.constant 98 : i32
    %barrier3A_36 = arith.constant 0 : index
    tpu.barrier barrier_id(%barrier3A_36)
    "tpu.region"() ({
      %run_scoped3A = tpu.sem_alloc : memref<!tpu.dma_semaphore, #tpu.memory_space<semaphore_mem>>
      %dma_start3A = tpu.memref_slice %arg13[%mul3A_2] : memref<100096xf32, #tpu.memory_space<vmem_shared>> -> memref<6256xf32, #tpu.memory_space<vmem_shared>>
      %dma_start3A_65 = tpu.memref_slice %arg13[%mul3A_2] : memref<100096xf32, #tpu.memory_space<vmem_shared>> -> memref<6256xf32, #tpu.memory_space<vmem_shared>>
      tpu.enqueue_dma source(%dma_start3A_65 : memref<6256xf32, #tpu.memory_space<vmem_shared>>) target(%arg17 : memref<6256xf32, #tpu.memory_space<vmem>>) target_semaphore(%run_scoped3A : memref<!tpu.dma_semaphore, #tpu.memory_space<semaphore_mem>>)
      %dma_wait3A = tpu.memref_slice %arg13[%mul3A_2] : memref<100096xf32, #tpu.memory_space<vmem_shared>> -> memref<6256xf32, #tpu.memory_space<vmem_shared>>
      %dma_wait3A_66 = tpu.memref_slice %arg13[%mul3A_2] : memref<100096xf32, #tpu.memory_space<vmem_shared>> -> memref<6256xf32, #tpu.memory_space<vmem_shared>>
      tpu.wait_dma2 semaphore(%run_scoped3A : memref<!tpu.dma_semaphore, #tpu.memory_space<semaphore_mem>>) src(%dma_wait3A_66 : memref<6256xf32, #tpu.memory_space<vmem_shared>>) dst(%arg17 : memref<6256xf32, #tpu.memory_space<vmem>>)
      tpu.yield
    }) : () -> ()
    %mul3A_37 = arith.constant 4 : i32
    %mul3A_38 = arith.muli %arg0, %mul3A_37 : i32
    %add3A_39 = arith.constant 0 : i32
    %add3A_40 = arith.addi %mul3A_38, %add3A_39 : i32
    %mul3A_41 = arith.constant 100096 : i32
    %mul3A_42 = arith.muli %add3A_40, %mul3A_41 : i32
    %add3A_43 = arith.addi %mul3A_42, %mul3A_2 : i32
    "tpu.region"() ({
      %run_scoped3A = tpu.sem_alloc : memref<!tpu.dma_semaphore, #tpu.memory_space<semaphore_mem>>
      %dma_start3A = tpu.memref_slice %arg8[%add3A_43] : memref<800768xf32, #tpu.memory_space<hbm>> -> memref<6256xf32, #tpu.memory_space<hbm>>
      %dma_start3A_65 = tpu.memref_slice %arg8[%add3A_43] : memref<800768xf32, #tpu.memory_space<hbm>> -> memref<6256xf32, #tpu.memory_space<hbm>>
      tpu.enqueue_dma source(%arg17 : memref<6256xf32, #tpu.memory_space<vmem>>) target(%dma_start3A_65 : memref<6256xf32, #tpu.memory_space<hbm>>) target_semaphore(%run_scoped3A : memref<!tpu.dma_semaphore, #tpu.memory_space<semaphore_mem>>)
      %dma_wait3A = tpu.memref_slice %arg8[%add3A_43] : memref<800768xf32, #tpu.memory_space<hbm>> -> memref<6256xf32, #tpu.memory_space<hbm>>
      %dma_wait3A_66 = tpu.memref_slice %arg8[%add3A_43] : memref<800768xf32, #tpu.memory_space<hbm>> -> memref<6256xf32, #tpu.memory_space<hbm>>
      tpu.wait_dma2 semaphore(%run_scoped3A : memref<!tpu.dma_semaphore, #tpu.memory_space<semaphore_mem>>) src(%arg17 : memref<6256xf32, #tpu.memory_space<vmem>>) dst(%dma_wait3A_66 : memref<6256xf32, #tpu.memory_space<hbm>>)
      tpu.yield
    }) : () -> ()
    "tpu.region"() ({
      %run_scoped3A = tpu.sem_alloc : memref<!tpu.dma_semaphore, #tpu.memory_space<semaphore_mem>>
      %dma_start3A = tpu.memref_slice %arg14[%mul3A_2] : memref<100096xf32, #tpu.memory_space<vmem_shared>> -> memref<6256xf32, #tpu.memory_space<vmem_shared>>
      %dma_start3A_65 = tpu.memref_slice %arg14[%mul3A_2] : memref<100096xf32, #tpu.memory_space<vmem_shared>> -> memref<6256xf32, #tpu.memory_space<vmem_shared>>
      tpu.enqueue_dma source(%dma_start3A_65 : memref<6256xf32, #tpu.memory_space<vmem_shared>>) target(%arg17 : memref<6256xf32, #tpu.memory_space<vmem>>) target_semaphore(%run_scoped3A : memref<!tpu.dma_semaphore, #tpu.memory_space<semaphore_mem>>)
      %dma_wait3A = tpu.memref_slice %arg14[%mul3A_2] : memref<100096xf32, #tpu.memory_space<vmem_shared>> -> memref<6256xf32, #tpu.memory_space<vmem_shared>>
      %dma_wait3A_66 = tpu.memref_slice %arg14[%mul3A_2] : memref<100096xf32, #tpu.memory_space<vmem_shared>> -> memref<6256xf32, #tpu.memory_space<vmem_shared>>
      tpu.wait_dma2 semaphore(%run_scoped3A : memref<!tpu.dma_semaphore, #tpu.memory_space<semaphore_mem>>) src(%dma_wait3A_66 : memref<6256xf32, #tpu.memory_space<vmem_shared>>) dst(%arg17 : memref<6256xf32, #tpu.memory_space<vmem>>)
      tpu.yield
    }) : () -> ()
    %mul3A_44 = arith.constant 4 : i32
    %mul3A_45 = arith.muli %arg0, %mul3A_44 : i32
    %add3A_46 = arith.constant 1 : i32
    %add3A_47 = arith.addi %mul3A_45, %add3A_46 : i32
    %mul3A_48 = arith.constant 100096 : i32
    %mul3A_49 = arith.muli %add3A_47, %mul3A_48 : i32
    %add3A_50 = arith.addi %mul3A_49, %mul3A_2 : i32
    "tpu.region"() ({
      %run_scoped3A = tpu.sem_alloc : memref<!tpu.dma_semaphore, #tpu.memory_space<semaphore_mem>>
      %dma_start3A = tpu.memref_slice %arg8[%add3A_50] : memref<800768xf32, #tpu.memory_space<hbm>> -> memref<6256xf32, #tpu.memory_space<hbm>>
      %dma_start3A_65 = tpu.memref_slice %arg8[%add3A_50] : memref<800768xf32, #tpu.memory_space<hbm>> -> memref<6256xf32, #tpu.memory_space<hbm>>
      tpu.enqueue_dma source(%arg17 : memref<6256xf32, #tpu.memory_space<vmem>>) target(%dma_start3A_65 : memref<6256xf32, #tpu.memory_space<hbm>>) target_semaphore(%run_scoped3A : memref<!tpu.dma_semaphore, #tpu.memory_space<semaphore_mem>>)
      %dma_wait3A = tpu.memref_slice %arg8[%add3A_50] : memref<800768xf32, #tpu.memory_space<hbm>> -> memref<6256xf32, #tpu.memory_space<hbm>>
      %dma_wait3A_66 = tpu.memref_slice %arg8[%add3A_50] : memref<800768xf32, #tpu.memory_space<hbm>> -> memref<6256xf32, #tpu.memory_space<hbm>>
      tpu.wait_dma2 semaphore(%run_scoped3A : memref<!tpu.dma_semaphore, #tpu.memory_space<semaphore_mem>>) src(%arg17 : memref<6256xf32, #tpu.memory_space<vmem>>) dst(%dma_wait3A_66 : memref<6256xf32, #tpu.memory_space<hbm>>)
      tpu.yield
    }) : () -> ()
    "tpu.region"() ({
      %run_scoped3A = tpu.sem_alloc : memref<!tpu.dma_semaphore, #tpu.memory_space<semaphore_mem>>
      %dma_start3A = tpu.memref_slice %arg15[%mul3A_2] : memref<100096xf32, #tpu.memory_space<vmem_shared>> -> memref<6256xf32, #tpu.memory_space<vmem_shared>>
      %dma_start3A_65 = tpu.memref_slice %arg15[%mul3A_2] : memref<100096xf32, #tpu.memory_space<vmem_shared>> -> memref<6256xf32, #tpu.memory_space<vmem_shared>>
      tpu.enqueue_dma source(%dma_start3A_65 : memref<6256xf32, #tpu.memory_space<vmem_shared>>) target(%arg17 : memref<6256xf32, #tpu.memory_space<vmem>>) target_semaphore(%run_scoped3A : memref<!tpu.dma_semaphore, #tpu.memory_space<semaphore_mem>>)
      %dma_wait3A = tpu.memref_slice %arg15[%mul3A_2] : memref<100096xf32, #tpu.memory_space<vmem_shared>> -> memref<6256xf32, #tpu.memory_space<vmem_shared>>
      %dma_wait3A_66 = tpu.memref_slice %arg15[%mul3A_2] : memref<100096xf32, #tpu.memory_space<vmem_shared>> -> memref<6256xf32, #tpu.memory_space<vmem_shared>>
      tpu.wait_dma2 semaphore(%run_scoped3A : memref<!tpu.dma_semaphore, #tpu.memory_space<semaphore_mem>>) src(%dma_wait3A_66 : memref<6256xf32, #tpu.memory_space<vmem_shared>>) dst(%arg17 : memref<6256xf32, #tpu.memory_space<vmem>>)
      tpu.yield
    }) : () -> ()
    %mul3A_51 = arith.constant 4 : i32
    %mul3A_52 = arith.muli %arg0, %mul3A_51 : i32
    %add3A_53 = arith.constant 2 : i32
    %add3A_54 = arith.addi %mul3A_52, %add3A_53 : i32
    %mul3A_55 = arith.constant 100096 : i32
    %mul3A_56 = arith.muli %add3A_54, %mul3A_55 : i32
    %add3A_57 = arith.addi %mul3A_56, %mul3A_2 : i32
    "tpu.region"() ({
      %run_scoped3A = tpu.sem_alloc : memref<!tpu.dma_semaphore, #tpu.memory_space<semaphore_mem>>
      %dma_start3A = tpu.memref_slice %arg8[%add3A_57] : memref<800768xf32, #tpu.memory_space<hbm>> -> memref<6256xf32, #tpu.memory_space<hbm>>
      %dma_start3A_65 = tpu.memref_slice %arg8[%add3A_57] : memref<800768xf32, #tpu.memory_space<hbm>> -> memref<6256xf32, #tpu.memory_space<hbm>>
      tpu.enqueue_dma source(%arg17 : memref<6256xf32, #tpu.memory_space<vmem>>) target(%dma_start3A_65 : memref<6256xf32, #tpu.memory_space<hbm>>) target_semaphore(%run_scoped3A : memref<!tpu.dma_semaphore, #tpu.memory_space<semaphore_mem>>)
      %dma_wait3A = tpu.memref_slice %arg8[%add3A_57] : memref<800768xf32, #tpu.memory_space<hbm>> -> memref<6256xf32, #tpu.memory_space<hbm>>
      %dma_wait3A_66 = tpu.memref_slice %arg8[%add3A_57] : memref<800768xf32, #tpu.memory_space<hbm>> -> memref<6256xf32, #tpu.memory_space<hbm>>
      tpu.wait_dma2 semaphore(%run_scoped3A : memref<!tpu.dma_semaphore, #tpu.memory_space<semaphore_mem>>) src(%arg17 : memref<6256xf32, #tpu.memory_space<vmem>>) dst(%dma_wait3A_66 : memref<6256xf32, #tpu.memory_space<hbm>>)
      tpu.yield
    }) : () -> ()
    "tpu.region"() ({
      %run_scoped3A = tpu.sem_alloc : memref<!tpu.dma_semaphore, #tpu.memory_space<semaphore_mem>>
      %dma_start3A = tpu.memref_slice %arg16[%mul3A_2] : memref<100096xf32, #tpu.memory_space<vmem_shared>> -> memref<6256xf32, #tpu.memory_space<vmem_shared>>
      %dma_start3A_65 = tpu.memref_slice %arg16[%mul3A_2] : memref<100096xf32, #tpu.memory_space<vmem_shared>> -> memref<6256xf32, #tpu.memory_space<vmem_shared>>
      tpu.enqueue_dma source(%dma_start3A_65 : memref<6256xf32, #tpu.memory_space<vmem_shared>>) target(%arg17 : memref<6256xf32, #tpu.memory_space<vmem>>) target_semaphore(%run_scoped3A : memref<!tpu.dma_semaphore, #tpu.memory_space<semaphore_mem>>)
      %dma_wait3A = tpu.memref_slice %arg16[%mul3A_2] : memref<100096xf32, #tpu.memory_space<vmem_shared>> -> memref<6256xf32, #tpu.memory_space<vmem_shared>>
      %dma_wait3A_66 = tpu.memref_slice %arg16[%mul3A_2] : memref<100096xf32, #tpu.memory_space<vmem_shared>> -> memref<6256xf32, #tpu.memory_space<vmem_shared>>
      tpu.wait_dma2 semaphore(%run_scoped3A : memref<!tpu.dma_semaphore, #tpu.memory_space<semaphore_mem>>) src(%dma_wait3A_66 : memref<6256xf32, #tpu.memory_space<vmem_shared>>) dst(%arg17 : memref<6256xf32, #tpu.memory_space<vmem>>)
      tpu.yield
    }) : () -> ()
    %mul3A_58 = arith.constant 4 : i32
    %mul3A_59 = arith.muli %arg0, %mul3A_58 : i32
    %add3A_60 = arith.constant 3 : i32
    %add3A_61 = arith.addi %mul3A_59, %add3A_60 : i32
    %mul3A_62 = arith.constant 100096 : i32
    %mul3A_63 = arith.muli %add3A_61, %mul3A_62 : i32
    %add3A_64 = arith.addi %mul3A_63, %mul3A_2 : i32
    "tpu.region"() ({
      %run_scoped3A = tpu.sem_alloc : memref<!tpu.dma_semaphore, #tpu.memory_space<semaphore_mem>>
      %dma_start3A = tpu.memref_slice %arg8[%add3A_64] : memref<800768xf32, #tpu.memory_space<hbm>> -> memref<6256xf32, #tpu.memory_space<hbm>>
      %dma_start3A_65 = tpu.memref_slice %arg8[%add3A_64] : memref<800768xf32, #tpu.memory_space<hbm>> -> memref<6256xf32, #tpu.memory_space<hbm>>
      tpu.enqueue_dma source(%arg17 : memref<6256xf32, #tpu.memory_space<vmem>>) target(%dma_start3A_65 : memref<6256xf32, #tpu.memory_space<hbm>>) target_semaphore(%run_scoped3A : memref<!tpu.dma_semaphore, #tpu.memory_space<semaphore_mem>>)
      %dma_wait3A = tpu.memref_slice %arg8[%add3A_64] : memref<800768xf32, #tpu.memory_space<hbm>> -> memref<6256xf32, #tpu.memory_space<hbm>>
      %dma_wait3A_66 = tpu.memref_slice %arg8[%add3A_64] : memref<800768xf32, #tpu.memory_space<hbm>> -> memref<6256xf32, #tpu.memory_space<hbm>>
      tpu.wait_dma2 semaphore(%run_scoped3A : memref<!tpu.dma_semaphore, #tpu.memory_space<semaphore_mem>>) src(%arg17 : memref<6256xf32, #tpu.memory_space<vmem>>) dst(%dma_wait3A_66 : memref<6256xf32, #tpu.memory_space<hbm>>)
      tpu.yield
    }) : () -> ()
    return
  }
}

module attributes {stable_mosaic.version = 14 : i64} {
  func.func @_tc_prep_body(%arg0: i32, %arg1: memref<3x50048xf32, #tpu.memory_space<vmem>>, %arg2: memref<4x4xf32, #tpu.memory_space<vmem>>, %arg3: memref<4x1xf32, #tpu.memory_space<vmem>>, %arg4: memref<3x4xf32, #tpu.memory_space<vmem>>, %arg5: memref<4x50048xf32, #tpu.memory_space<vmem>>, %arg6: memref<4x50048xf32, #tpu.memory_space<vmem>>) attributes {dimension_semantics = [#tpu.dimension_semantics<arbitrary>], iteration_bounds = array<i64: 2>, scalar_prefetch = 0 : i64, scratch_operands = 0 : i64, tpu.core_type = #tpu.core_type<tc>, window_params = [{transform_indices = @transform_0, window_bounds = array<i64: 3, 50048>}, {pipeline_mode = #tpu.pipeline_mode<synchronous>, transform_indices = @transform_1, window_bounds = array<i64: 4, 4>}, {pipeline_mode = #tpu.pipeline_mode<synchronous>, transform_indices = @transform_2, window_bounds = array<i64: 4, 1>}, {pipeline_mode = #tpu.pipeline_mode<synchronous>, transform_indices = @transform_3, window_bounds = array<i64: 3, 4>}, {transform_indices = @transform_4, window_bounds = array<i64: 4, 50048>}, {transform_indices = @transform_5, window_bounds = array<i64: 4, 50048>}]} {
    %get3A = arith.constant 0 : index
    %get3A_0 = arith.constant 0 : index
    %get3A_1 = vector.load %arg1[%get3A, %get3A_0] : memref<3x50048xf32, #tpu.memory_space<vmem>>, vector<3x50048xf32>
    %get3A_2 = arith.constant 0 : index
    %get3A_3 = arith.constant 0 : index
    %get3A_4 = vector.load %arg2[%get3A_2, %get3A_3] : memref<4x4xf32, #tpu.memory_space<vmem>>, vector<4x4xf32>
    %get3A_5 = arith.constant 0 : index
    %get3A_6 = arith.constant 0 : index
    %get3A_7 = vector.load %arg3[%get3A_5, %get3A_6] : memref<4x1xf32, #tpu.memory_space<vmem>>, vector<4x1xf32>
    %slice3A = vector.extract_strided_slice %get3A_4 {offsets = [0, 0], sizes = [1, 4], strides = [1, 1]} : vector<4x4xf32> to vector<1x4xf32>
    %transpose3A = tpu.transpose %slice3A, [1, 0] : vector<1x4xf32> -> vector<4x1xf32>
    %slice3A_8 = vector.extract_strided_slice %get3A_1 {offsets = [0, 0], sizes = [1, 50048], strides = [1, 1]} : vector<3x50048xf32> to vector<1x50048xf32>
    %mul3A = vector.broadcast %transpose3A : vector<4x1xf32> to vector<4x50048xf32>
    %mul3A_9 = vector.broadcast %slice3A_8 : vector<1x50048xf32> to vector<4x50048xf32>
    %mul3A_10 = arith.mulf %mul3A, %mul3A_9 : vector<4x50048xf32>
    %slice3A_11 = vector.extract_strided_slice %get3A_4 {offsets = [1, 0], sizes = [1, 4], strides = [1, 1]} : vector<4x4xf32> to vector<1x4xf32>
    %transpose3A_12 = tpu.transpose %slice3A_11, [1, 0] : vector<1x4xf32> -> vector<4x1xf32>
    %slice3A_13 = vector.extract_strided_slice %get3A_1 {offsets = [1, 0], sizes = [1, 50048], strides = [1, 1]} : vector<3x50048xf32> to vector<1x50048xf32>
    %mul3A_14 = vector.broadcast %transpose3A_12 : vector<4x1xf32> to vector<4x50048xf32>
    %mul3A_15 = vector.broadcast %slice3A_13 : vector<1x50048xf32> to vector<4x50048xf32>
    %mul3A_16 = arith.mulf %mul3A_14, %mul3A_15 : vector<4x50048xf32>
    %add3A = arith.addf %mul3A_10, %mul3A_16 : vector<4x50048xf32>
    %slice3A_17 = vector.extract_strided_slice %get3A_4 {offsets = [2, 0], sizes = [1, 4], strides = [1, 1]} : vector<4x4xf32> to vector<1x4xf32>
    %transpose3A_18 = tpu.transpose %slice3A_17, [1, 0] : vector<1x4xf32> -> vector<4x1xf32>
    %slice3A_19 = vector.extract_strided_slice %get3A_1 {offsets = [2, 0], sizes = [1, 50048], strides = [1, 1]} : vector<3x50048xf32> to vector<1x50048xf32>
    %mul3A_20 = vector.broadcast %transpose3A_18 : vector<4x1xf32> to vector<4x50048xf32>
    %mul3A_21 = vector.broadcast %slice3A_19 : vector<1x50048xf32> to vector<4x50048xf32>
    %mul3A_22 = arith.mulf %mul3A_20, %mul3A_21 : vector<4x50048xf32>
    %add3A_23 = arith.addf %add3A, %mul3A_22 : vector<4x50048xf32>
    %add3A_24 = vector.broadcast %get3A_7 : vector<4x1xf32> to vector<4x50048xf32>
    %add3A_25 = arith.addf %add3A_23, %add3A_24 : vector<4x50048xf32>
    %swap3A = arith.constant 0 : index
    %swap3A_26 = arith.constant 0 : index
    %swap3A_27 = vector.load %arg5[%swap3A, %swap3A_26] : memref<4x50048xf32, #tpu.memory_space<vmem>>, vector<4x50048xf32>
    tpu.vector_store %arg5[%swap3A, %swap3A_26], %add3A_25 {strides = array<i32>} : memref<4x50048xf32, #tpu.memory_space<vmem>>, vector<4x50048xf32>,
    %get3A_28 = arith.constant 0 : index
    %get3A_29 = arith.constant 0 : index
    %get3A_30 = vector.load %arg4[%get3A_28, %get3A_29] : memref<3x4xf32, #tpu.memory_space<vmem>>, vector<3x4xf32>
    %slice3A_31 = vector.extract_strided_slice %get3A_30 {offsets = [0, 0], sizes = [1, 4], strides = [1, 1]} : vector<3x4xf32> to vector<1x4xf32>
    %transpose3A_32 = tpu.transpose %slice3A_31, [1, 0] : vector<1x4xf32> -> vector<4x1xf32>
    %slice3A_33 = vector.extract_strided_slice %get3A_1 {offsets = [0, 0], sizes = [1, 50048], strides = [1, 1]} : vector<3x50048xf32> to vector<1x50048xf32>
    %mul3A_34 = vector.broadcast %transpose3A_32 : vector<4x1xf32> to vector<4x50048xf32>
    %mul3A_35 = vector.broadcast %slice3A_33 : vector<1x50048xf32> to vector<4x50048xf32>
    %mul3A_36 = arith.mulf %mul3A_34, %mul3A_35 : vector<4x50048xf32>
    %slice3A_37 = vector.extract_strided_slice %get3A_30 {offsets = [1, 0], sizes = [1, 4], strides = [1, 1]} : vector<3x4xf32> to vector<1x4xf32>
    %transpose3A_38 = tpu.transpose %slice3A_37, [1, 0] : vector<1x4xf32> -> vector<4x1xf32>
    %slice3A_39 = vector.extract_strided_slice %get3A_1 {offsets = [1, 0], sizes = [1, 50048], strides = [1, 1]} : vector<3x50048xf32> to vector<1x50048xf32>
    %mul3A_40 = vector.broadcast %transpose3A_38 : vector<4x1xf32> to vector<4x50048xf32>
    %mul3A_41 = vector.broadcast %slice3A_39 : vector<1x50048xf32> to vector<4x50048xf32>
    %mul3A_42 = arith.mulf %mul3A_40, %mul3A_41 : vector<4x50048xf32>
    %add3A_43 = arith.addf %mul3A_36, %mul3A_42 : vector<4x50048xf32>
    %slice3A_44 = vector.extract_strided_slice %get3A_30 {offsets = [2, 0], sizes = [1, 4], strides = [1, 1]} : vector<3x4xf32> to vector<1x4xf32>
    %transpose3A_45 = tpu.transpose %slice3A_44, [1, 0] : vector<1x4xf32> -> vector<4x1xf32>
    %slice3A_46 = vector.extract_strided_slice %get3A_1 {offsets = [2, 0], sizes = [1, 50048], strides = [1, 1]} : vector<3x50048xf32> to vector<1x50048xf32>
    %mul3A_47 = vector.broadcast %transpose3A_45 : vector<4x1xf32> to vector<4x50048xf32>
    %mul3A_48 = vector.broadcast %slice3A_46 : vector<1x50048xf32> to vector<4x50048xf32>
    %mul3A_49 = arith.mulf %mul3A_47, %mul3A_48 : vector<4x50048xf32>
    %add3A_50 = arith.addf %add3A_43, %mul3A_49 : vector<4x50048xf32>
    %swap3A_51 = arith.constant 0 : index
    %swap3A_52 = arith.constant 0 : index
    %swap3A_53 = vector.load %arg6[%swap3A_51, %swap3A_52] : memref<4x50048xf32, #tpu.memory_space<vmem>>, vector<4x50048xf32>
    tpu.vector_store %arg6[%swap3A_51, %swap3A_52], %add3A_50 {strides = array<i32>} : memref<4x50048xf32, #tpu.memory_space<vmem>>, vector<4x50048xf32>,
    return
  }
  func.func @transform_0(%arg0: i32) -> (i32, i32) {
    %c0_i32 = arith.constant 0 : i32
    %c0_i32_0 = arith.constant 0 : i32
    return %c0_i32, %arg0 : i32, i32
  }
  func.func @transform_1(%arg0: i32) -> (i32, i32) {
    %c0_i32 = arith.constant 0 : i32
    %c0_i32_0 = arith.constant 0 : i32
    %c0_i32_1 = arith.constant 0 : i32
    return %c0_i32, %c0_i32_0 : i32, i32
  }
  func.func @transform_2(%arg0: i32) -> (i32, i32) {
    %c0_i32 = arith.constant 0 : i32
    %c0_i32_0 = arith.constant 0 : i32
    %c0_i32_1 = arith.constant 0 : i32
    return %c0_i32, %c0_i32_0 : i32, i32
  }
  func.func @transform_3(%arg0: i32) -> (i32, i32) {
    %c0_i32 = arith.constant 0 : i32
    %c0_i32_0 = arith.constant 0 : i32
    %c0_i32_1 = arith.constant 0 : i32
    return %c0_i32, %c0_i32_0 : i32, i32
  }
  func.func @transform_4(%arg0: i32) -> (i32, i32) {
    %c0_i32 = arith.constant 0 : i32
    %c0_i32_0 = arith.constant 0 : i32
    return %c0_i32, %arg0 : i32, i32
  }
  func.func @transform_5(%arg0: i32) -> (i32, i32) {
    %c0_i32 = arith.constant 0 : i32
    %c0_i32_0 = arith.constant 0 : i32
    return %c0_i32, %arg0 : i32, i32
  }
}

module attributes {stable_mosaic.version = 14 : i64} {
  func.func @_tc_combine_body(%arg0: i32, %arg1: memref<2x4x50048xf32, #tpu.memory_space<vmem>>, %arg2: memref<4x50048xf32, #tpu.memory_space<vmem>>, %arg3: memref<4x50048xf32, #tpu.memory_space<vmem>>) attributes {dimension_semantics = [#tpu.dimension_semantics<arbitrary>], iteration_bounds = array<i64: 2>, scalar_prefetch = 0 : i64, scratch_operands = 0 : i64, tpu.core_type = #tpu.core_type<tc>, window_params = [{transform_indices = @transform_0, window_bounds = array<i64: 2, 4, 50048>}, {transform_indices = @transform_1, window_bounds = array<i64: 4, 50048>}, {transform_indices = @transform_2, window_bounds = array<i64: 4, 50048>}]} {
    %get3A = arith.constant 0 : index
    %get3A_0 = arith.constant 0 : index
    %get3A_1 = arith.constant 0 : index
    %get3A_2 = vector.load %arg1[%get3A, %get3A_0, %get3A_1] : memref<2x4x50048xf32, #tpu.memory_space<vmem>>, vector<1x4x50048xf32>
    %get3A_3 = vector.shape_cast %get3A_2 : vector<1x4x50048xf32> to vector<4x50048xf32>
    %get3A_4 = arith.constant 1 : index
    %get3A_5 = arith.constant 0 : index
    %get3A_6 = arith.constant 0 : index
    %get3A_7 = vector.load %arg1[%get3A_4, %get3A_5, %get3A_6] : memref<2x4x50048xf32, #tpu.memory_space<vmem>>, vector<1x4x50048xf32>
    %get3A_8 = vector.shape_cast %get3A_7 : vector<1x4x50048xf32> to vector<4x50048xf32>
    %add3A = arith.addf %get3A_3, %get3A_8 : vector<4x50048xf32>
    %get3A_9 = arith.constant 0 : index
    %get3A_10 = arith.constant 0 : index
    %get3A_11 = vector.load %arg2[%get3A_9, %get3A_10] : memref<4x50048xf32, #tpu.memory_space<vmem>>, vector<4x50048xf32>
    %add3A_12 = arith.addf %add3A, %get3A_11 : vector<4x50048xf32>
    %swap3A = arith.constant 0 : index
    %swap3A_13 = arith.constant 0 : index
    %swap3A_14 = vector.load %arg3[%swap3A, %swap3A_13] : memref<4x50048xf32, #tpu.memory_space<vmem>>, vector<4x50048xf32>
    tpu.vector_store %arg3[%swap3A, %swap3A_13], %add3A_12 {strides = array<i32>} : memref<4x50048xf32, #tpu.memory_space<vmem>>, vector<4x50048xf32>,
    return
  }
  func.func @transform_0(%arg0: i32) -> (i32, i32, i32) {
    %c0_i32 = arith.constant 0 : i32
    %c0_i32_0 = arith.constant 0 : i32
    %c0_i32_1 = arith.constant 0 : i32
    return %c0_i32, %c0_i32_0, %arg0 : i32, i32, i32
  }
  func.func @transform_1(%arg0: i32) -> (i32, i32) {
    %c0_i32 = arith.constant 0 : i32
    %c0_i32_0 = arith.constant 0 : i32
    return %c0_i32, %arg0 : i32, i32
  }
  func.func @transform_2(%arg0: i32) -> (i32, i32) {
    %c0_i32 = arith.constant 0 : i32
    %c0_i32_0 = arith.constant 0 : i32
    return %c0_i32, %arg0 : i32, i32
  }
}

</mosaic_0001>

<sc_bundles>
// kernel: kernel.5.cloned.1.call-start
scs
__scs_entry_jumppad:
0x0: {  	(pc) =	sbr.rel $0x88, $3  }
0x1: {  	(tag) =	ssettag $0x0;
	lr =	simm.s32 $0x1  }
0x2: {  	[smem:$0x3F9B] =	sst lr;
	_ =	strace $0xD0000000  }
0x3: {  	_ = 	snop  }
0x4: {  	_ = 	snop  }
0x5: {  	_ = 	snop  }
0x6: {  	_ = 	snop  }
0x7: {  	_ = 	snop  }
__scs_overlays_trampoline_lowered:
0x8: {  	[smem:$0x3FAA] =	sst s0  }
0x9: {  	[smem:$0x3FAB] =	sst s1  }
0xa: {  	[smem:$0x3FAC] =	sst s2  }
0xb: {  	[smem:$0x3FAD] =	sst s3  }
0xc: {  	[smem:$0x3FAE] =	sst s4  }
0xd: {  	[smem:$0x3FAF] =	sst s5  }
0xe: {  	[smem:$0x3FB0] =	sst s6  }
0xf: {  	[smem:$0x3FB1] =	sst s7  }
0x10: {  	[smem:$0x3FB2] =	sst s8  }
0x11: {  	[smem:$0x3FB3] =	sst s9;
	s0 =	simm.s32 @!p0 $0x0  }
0x12: {  	s1 =	sld [smem:$0x3F99];
	s0 =	simm.s32 @p0 $0x1  }
0x13: {  	[smem:$0x3FB4] =	sst s0;
	s0 =	simm.s32 @!p1 $0x0  }
0x14: {  	s2 =	sld [smem:$0x3F98];
	s0 =	simm.s32 @p1 $0x1  }
0x15: {  	[smem:$0x3FB5] =	sst s0;
	s0 =	simm.s32 @!p2 $0x0  }
0x16: {  	s3 =	sld [smem:$0x3FDB];
	s0 =	simm.s32 @p2 $0x1  }
0x17: {  	s4 =	simm.s32 $0x1BF5;
	[smem:$0x3FB7] =	sst s0  }
0x18: {  	s0 =	sld [smem:$0x3F9A];
	_ =	swait.ge [sflag:s4], $0x0  }
0x19: {  	s7 =	sld [smem:$0x3F9B]  }
0x1a: {  	s8 =	sadd.s32 $0xFFFFE003, lr  }
0x1b: {  	s9 =	sadd.s32 $0xFFFFFEF7, lr;
	s5 =	simm.s32 $0xFFFFFFFF;
	p2 =	slt.u32 s8, $0xFFFFF086  }
0x1c: {  	p1 =	slt.u32 s9, $0xF7A;
	s5 =	simm.s32 @!p2 $0x0  }
0x1d: {  	s5 =	simm.s32 @p1 $0x1;
	p0 =	seq.s32 s7, s2  }
0x1e: {  	s7 =	smul.u32 @!p0 $0xF7A, s2;
	p2 =	seq.s32 @!p0 s5, $0x0  }
0x1f: {  	s9 =	smul.u32 $0xF7A, s1;
	s8 =	simm.s32 @!p0 $0x1BF5;
	p2 =	por !p2, p0  }
0x20: {  	[sflag:s8] =	ssyncset.s32 @!p0 $0xFFFFF086;
	s6 =	sadd.s32 @!p0 s3, s7;
	s7 =	simm.s32 @!p0 $0x108  }
0x21: {  	s3 =	sadd.s32 s3, s9;
	s6 =	sadd.s32 @!p0 $0x88, s6;
	s7 =	simm.s32 @p2 $0x1082  }
0x22: {  	[simem:s7], [sflag:s8] =	dma.local @!p0 [hbm:s6], $0xF7A  }
0x23: {  	s9 =	sor.u32 $0xD0000000, s2;
	s6 =	simm.s32 $0x108;
	_ =	swait.ge @!p0 [sflag:s8], $0x0  }
0x24: {  	s3 =	sadd.s32 $0x88, s3;
	s6 =	simm.s32 @!p1 $0x1082;
	[sflag:s4] =	ssyncset.s32 $0xFFFFF086  }
0x25: {  	[simem:s6], [sflag:s4] =	dma.local [hbm:s3], $0xF7A  }
0x26: {  	[smem:$0x3F9B] =	sst s1;
	(tag) =	ssettag s2;
	_ =	strace s9  }
0x27: {  	s1 =	sld [smem:$0x3FAB]  }
0x28: {  	s2 =	sld [smem:$0x3FAC]  }
0x29: {  	s4 =	sld [smem:$0x3FAE]  }
0x2a: {  	p0 =	seq.s32 s5, $0x0;
	s5 =	sld [smem:$0x3FAF]  }
0x2b: {  	s6 =	sld [smem:$0x3FB0]  }
0x2c: {  	s7 =	sld [smem:$0x3FB1]  }
0x2d: {  	s3 =	simm.s32 $0x108;
	s8 =	sld [smem:$0x3FB2]  }
0x2e: {  	s3 =	simm.s32 @!p0 $0x1082;
	s9 =	sld [smem:$0x3FB3]  }
0x2f: {  	lr =	sadd.s32 s0, s3;
	s0 =	sld [smem:$0x3FAA]  }
0x30: {  	s3 =	sld [smem:$0x3FAD]  }
0x31: {  	[smem:$0x3FB6] =	sst s10  }
0x32: {  	s10 =	sld [smem:$0x3FB4];
	_ =	sdelay $0x3  }
0x33: {  	p0 =	seq.s32 s10, $0x1;
	s10 =	sld [smem:$0x3FB6];
	_ =	sdelay $0x3  }
0x34: {  	[smem:$0x3FB6] =	sst s10  }
0x35: {  	s10 =	sld [smem:$0x3FB5];
	_ =	sdelay $0x3  }
0x36: {  	p1 =	seq.s32 s10, $0x1;
	s10 =	sld [smem:$0x3FB6];
	_ =	sdelay $0x3  }
0x37: {  	[smem:$0x3FB6] =	sst s10  }
0x38: {  	s10 =	sld [smem:$0x3FB7]  }
0x39: {  	_ = 	snop;
	(pc) =	sbr.ind lr, $3  }
0x3a: {  	_ = 	snop  }
0x3b: {  	_ = 	snop  }
0x3c: {  	p2 =	seq.s32 s10, $0x1;
	s10 =	sld [smem:$0x3FB6]  }
0x3d: {  	_ =	shalt  }
0x3e: {  	_ =	shalt  }
0x3f: {  	_ =	shalt  }
0x40: {  	_ =	shalt  }
0x41: {  	_ =	shalt  }
0x42: {  	_ =	shalt  }
0x43: {  	_ =	shalt  }
0x44: {  	_ =	shalt  }
0x45: {  	_ =	shalt  }
0x46: {  	_ =	shalt  }
0x47: {  	_ =	shalt  }
0x48: {  	_ =	shalt  }
0x49: {  	_ =	shalt  }
0x4a: {  	_ =	shalt  }
0x4b: {  	_ =	shalt  }
0x4c: {  	_ =	shalt  }
0x4d: {  	_ =	shalt  }
0x4e: {  	_ =	shalt  }
0x4f: {  	_ =	shalt  }
0x50: {  	_ =	shalt  }
0x51: {  	_ =	shalt  }
0x52: {  	_ =	shalt  }
0x53: {  	_ =	shalt  }
0x54: {  	_ =	shalt  }
0x55: {  	_ =	shalt  }
0x56: {  	_ =	shalt  }
0x57: {  	_ =	shalt  }
0x58: {  	_ =	shalt  }
0x59: {  	_ =	shalt  }
0x5a: {  	_ =	shalt  }
0x5b: {  	_ =	shalt  }
0x5c: {  	_ =	shalt  }
0x5d: {  	_ =	shalt  }
0x5e: {  	_ =	shalt  }
0x5f: {  	_ =	shalt  }
0x60: {  	_ =	shalt  }
0x61: {  	_ =	shalt  }
0x62: {  	_ =	shalt  }
0x63: {  	_ =	shalt  }
0x64: {  	_ =	shalt  }
0x65: {  	_ =	shalt  }
0x66: {  	_ =	shalt  }
0x67: {  	_ =	shalt  }
0x68: {  	_ =	shalt  }
0x69: {  	_ =	shalt  }
0x6a: {  	_ =	shalt  }
0x6b: {  	_ =	shalt  }
0x6c: {  	_ =	shalt  }
0x6d: {  	_ =	shalt  }
0x6e: {  	_ =	shalt  }
0x6f: {  	_ =	shalt  }
0x70: {  	_ =	shalt  }
0x71: {  	_ =	shalt  }
0x72: {  	_ =	shalt  }
0x73: {  	_ =	shalt  }
0x74: {  	_ =	shalt  }
0x75: {  	_ =	shalt  }
0x76: {  	_ =	shalt  }
0x77: {  	_ =	shalt  }
0x78: {  	_ =	shalt  }
0x79: {  	_ =	shalt  }
0x7a: {  	_ =	shalt  }
0x7b: {  	_ =	shalt  }
0x7c: {  	_ =	shalt  }
0x7d: {  	_ =	shalt  }
0x7e: {  	_ =	shalt  }
0x7f: {  	_ =	shalt  }
0x80: {  	_ =	shalt  }
0x81: {  	_ =	shalt  }
0x82: {  	_ =	shalt  }
0x83: {  	_ =	shalt  }
0x84: {  	_ =	shalt  }
0x85: {  	_ =	shalt  }
0x86: {  	_ =	shalt  }
0x87: {  	_ =	shalt  }
.Lfunc_end0:
.L_simem_size_0:
called_computation_lowered:
.L_overlay_start_0:
0x88: {  	s2 =	sld [smem:$0x3FD9]  }
0x89: {  	s3 =	sld [smem:$0x3FFE];
	_ =	sdelay $0x1  }
0x8a: {  	s1 =	srdreg.scid  }
0x8b: {  	s0 =	sand.u32 $0x1, s1  }
0x8c: {  	s17 =	sshll.u32 s0, $0xA;
	s2 =	sadd.s32 s3, s2  }
0x8d: {  	s2 =	sadd.s32 s2, s17  }
0x8e: {  	[smem:$0x3FC2] =	sst s2  }
0x8f: {  	_ = 	snop  }
0x90: {  	s2 =	sld [smem:$0x3FC7]  }
0x91: {  	s18 =	sld [smem:$0x3FD0];
	(tm) =	ssettm $0x1  }
0x92: {  	s4 =	sld [smem:$0x3FFB];
	_ =	sdelay $0x3  }
0x93: {  	_ =	strace s4  }
0x94: {  	s4 =	sld [smem:$0x3FFC];
	_ =	sdelay $0x3  }
0x95: {  	_ =	strace s4  }
0x96: {  	s4 =	sld [smem:$0x3FFD];
	_ =	sdelay $0x3  }
0x97: {  	_ =	strace s4  }
0x98: {  	_ =	strace $0x8FFFFFFF  }
0x99: {  	s19 =	sld [smem:$0x3FDB];
	_ =	sdelay $0x1  }
0x9a: {  	s5 =	simm.s32 $_scs_section_size  }
0x9b: {  	s6 =	simm.s32 $_size__tile_overlayer_lowered;
	s7 =	simm.s32 $_tile_overlayer_lowered  }
0x9c: {  	s22 =	simm.s32 $0x1BFF;
	s21 =	sshll.u32 s7, $0x1;
	s4 =	sadd.s32 s5, s19  }
0x9d: {  	s8 =	simm.s32 $0x0;
	s20 =	sshll.u32 s6, $0x1;
	s6 =	sadd.s32 s21, s4  }
0x9e: {  	[timem:s8], [sflag:s22] =	dma.local [hbm:s6], s20  }
0x9f: {  	_ =	swait.ge [sflag:s22], s20  }
0xa0: {  	s5 =	ssub.s32 $0x0, s20;
	[sflag:s22] =	ssyncset.done $0x0  }
0xa1: {  	[sflag:s22] =	ssyncadd.s32 s5;
	_ =	sdelay $0x1  }
0xa2: {  	s23 =	simm.s32 $0x1B8B  }
0xa3: {  	_ =	swait.ge [sflag:s23], $0x1  }
0xa4: {  	[sflag:s23] =	ssyncset.done $0x0  }
0xa5: {  	s25 =	simm.s32 $0x1B8E;
	s24 =	sld [smem:$0x3FFE];
	[sflag:s23] =	ssyncadd.s32 $0xFFFFFFFF  }
0xa6: {  	s26 =	simm.s32 $execute0_lowered;
	[smem:$0x3FD2] =	sst s25  }
0xa7: {  	s6 =	sshll.u32 s26, $0x1;
	_ =	strace $0x80000046;
	[dreg:$0x1] =	wrdreg $0xFFFFFFFF  }
0xa8: {  	s28 =	simm.s32 $_size_execute0_lowered;
	s4 =	sadd.s32 s4, s6;
	[dreg:$0x0] =	wrdreg $0x0  }
0xa9: {  	s6 =	sshll.u32 s28, $0x1;
	[dreg:$0x2] =	wrdreg s4  }
0xaa: {  	[dreg:$0x3] =	wrdreg s6  }
0xab: {  	[dreg:$0x4] =	wrdreg $0xC0  }
0xac: {  	_ =	task [dreg:s8], $0x5FFFF  }
0xad: {  	[dreg:$0x1] =	wrdreg $0xFFFFFFFF  }
0xae: {  	[dreg:$0x0] =	wrdreg $0x60  }
0xaf: {  	[dreg:$0x2] =	wrdreg s18  }
0xb0: {  	[dreg:$0x3] =	wrdreg s24  }
0xb1: {  	[dreg:$0x4] =	wrdreg s2  }
0xb2: {  	[dreg:$0x5] =	wrdreg $0x0  }
0xb3: {  	[dreg:$0x6] =	wrdreg $0x18700  }
0xb4: {  	[dreg:$0x7] =	wrdreg $0x30E00  }
0xb5: {  	[dreg:$0x8] =	wrdreg $0x49500  }
0xb6: {  	[dreg:$0x9] =	wrdreg $0x61C00  }
0xb7: {  	[dreg:$0xa] =	wrdreg $0x7A300  }
0xb8: {  	[dreg:$0xb] =	wrdreg $0x92A00  }
0xb9: {  	[dreg:$0xc] =	wrdreg $0xAB100  }
0xba: {  	[dreg:$0xd] =	wrdreg $0x9  }
0xbb: {  	_ =	task.clear_ibuf [dreg:s8], $0xEFFFF;
	_ =	strace $0x90000046  }
0xbc: {  	s29 =	simm.s32 $0x9;
	_ =	strace $0x80000048  }
0xbd: {  	_ =	swait.ge [sflag:s29], $0x1  }
0xbe: {  	[sflag:s29] =	ssyncadd.s32 $0xFFFFFFFF  }
0xbf: {  	_ =	strace $0x90000048  }
0xc0: {  	_ =	sfence  }
0xc1: {  	s30 =	sld [smem:$0x0];
	_ =	sdelay $0x2  }
0xc2: {  	s31 =	sshll.u32 s1, $0xD;
	s1 =	sshrl.u32 s1, $0x2  }
0xc3: {  	s3 =	sand.u32 $0x4000, s31;
	s1 =	sadd.s32 s1, s30  }
0xc4: {  	s0 =	sor.u32 s3, s0;
	s1 =	sshll.u32 s1, $0x11  }
0xc5: {  	s0 =	sor.u32 s1, s0  }
0xc6: {  	s0 =	sadd.s32 $0x8F2B, s0  }
0xc7: {  	[sflag:s0] =	ssyncadd.remote.s32 $0x1  }
0xc8: {  	_ =	sfence.sel $0xFFFF  }
0xc9: {  	[dreg:$0x0] =	wrdreg $0xFFFFFFFF;
	(pc) =	sbr.abs _section_cstart, $3  }
0xca: {  	[dreg:$0x1] =	wrdreg $0xFFFFFFFF  }
0xcb: {  	_ =	task.clear_ibuf [dreg:s8], $0x2FFFF;
	_ =	strace $0x9FFFFFFF  }
0xcc: {  	(tm) =	ssettm $0x7FFFFFFF  }
0xcd: {  	_ =	shalt  }
tec
execute0_lowered:
.L_overlay_start_1:
0x0: {  	(tag) =	ssettag $0x1  }
0x1: {  	s0 =	rddreg [dreg:$0x0]  }
0x2: {  	s3 =	rddreg [dreg:$0x1]  }
0x3: {  	s1 =	rddreg [dreg:$0x3]  }
0x4: {  	s2 =	rddreg [dreg:$0x4]  }
0x5: {  	s4 =	rddreg [dreg:$0x5]  }
0x6: {  	s5 =	rddreg [dreg:$0x6]  }
0x7: {  	s6 =	rddreg [dreg:$0x7]  }
0x8: {  	s8 =	rddreg [dreg:$0x8]  }
0x9: {  	s9 =	rddreg [dreg:$0x9]  }
0xa: {  	s10 =	rddreg [dreg:$0xa]  }
0xb: {  	s16 =	stileid.u32;
	s7 =	srdreg.scid;
	s12 =	simm.s32 $0x0  }
0xc: {  	s28 =	simm.s32 $0x80;
	s31 =	simm.s32 $0xE780;
	s30 =	simm.s32 $0xEB80  }
0xd: {  	s11 =	smul.u32 $0x1870, s16;
	[smem:$0x7FF] =	sst s12;
	s22 =	sadd.s32 $0xC4200, s3  }
0xe: {  	s23 =	sadd.s32 $0xC00, s3;
	_ =	strace $0x80000047;
	[dreg:$0xc] =	wrdreg s22  }
0xf: {  	s25 =	sand.u32 $0x1, s7;
	s24 =	sadd.s32 $0x187800, s3;
	[dreg:$0xd] =	wrdreg s23  }
0x10: {  	s29 =	simm.s32 $0x2;
	s7 =	smul.u32 $0x61C00, s25;
	[dreg:$0xe] =	wrdreg s24  }
0x11: {  	s26 =	ssub.s32 $0x2, s25;
	s13 =	sshrl.u32 s11, $0x3;
	s21 =	sadd.s32 s11, s1  }
0x12: {  	s14 =	sshrl.u32 s26, $0x1;
	s22 =	sadd.s32 s11, s2;
	[dreg:$0x10] =	wrdreg s21  }
0x13: {  	s23 =	sadd.s32 s11, s4;
	s24 =	sadd.s32 s11, s5;
	[dreg:$0x11] =	wrdreg s22  }
0x14: {  	s17 =	sadd.s32 s11, s8;
	s18 =	sadd.s32 s11, s9;
	[dreg:$0x12] =	wrdreg s23  }
0x15: {  	s7 =	sadd.s32 s11, s7;
	s15 =	sadd.s32 s13, s3;
	[dreg:$0x13] =	wrdreg s24  }
0x16: {  	s14 =	ssub.s32 s26, s14;
	s0 =	sadd.s32 s0, s13;
	[dreg:$0x16] =	wrdreg s17  }
0x17: {  	s13 =	sadd.s32 s11, s6;
	[dreg:$0x17] =	wrdreg s18;
	s11 =	sadd.s32 s11, s10  }
0x18: {  	s23 =	sshll.u32 s16, $0x1;
	s16 =	simm.s32 $0xC380;
	s18 =	simm.s32 $0xE700  }
0x19: {  	s17 =	simm.s32 $0xE900;
	s7 =	sshrl.u32 s7, $0x3;
	[dreg:$0x18] =	wrdreg s11  }
0x1a: {  	s26 =	sadd.s32 $0x187A00, s15;
	s11 =	simm.s32 $0x0;
	[dreg:$0x1e] =	wrdreg s23  }
0x1b: {  	s22 =	smax.u32 s14, $0x1;
	s12 =	smov.u32 s13;
	[dreg:$0xf] =	wrdreg s0  }
0x1c: {  	s24 =	sadd.s32 $0x30E0, s0;
	s14 =	simm.s32 $0x1;
	[dreg:$0x14] =	wrdreg s26  }
0x1d: {  	s15 =	simm.s32 $0xE600;
	s23 =	simm.s32 $0xE800;
	[dreg:$0x1d] =	wrdreg s22  }
0x1e: {  	s13 =	simm.s32 $0xE880;
	s3 =	sadd.s32 s7, s3;
	[dreg:$0x1f] =	wrdreg s24  }
0x1f: {  	s26 =	sadd.s32 $0x61C0, s0;
	s0 =	sadd.s32 $0x92A0, s0;
	[dreg:$0x15] =	wrdreg s12  }
0x20: {  	s24 =	simm.s32 $0xE680;
	s7 =	simm.s32 $0xEA00;
	[smem:$0x7FB] =	sst s26  }
0x21: {  	s22 =	simm.s32 $0xEB00;
	s19 =	sadd.s32 $0x18AC00, s3;
	[smem:$0x7FC] =	sst s0  }
.Ltmp0:
0x22: {  	s20 =	sadd.s32 $0x18DCE0, s3;
	[dreg:$0x19] =	wrdreg s19;
	(pc) =	sbr.rel .LBB2_1-.Ltmp0, $4  }
0x23: {  	s21 =	sadd.s32 $0x190DC0, s3;
	s3 =	sadd.s32 $0x193EA0, s3;
	[dreg:$0x1a] =	wrdreg s20  }
0x24: {  	s0 =	simm.s32 $0xE980;
	s26 =	simm.s32 $0xEA80;
	[dreg:$0x1b] =	wrdreg s21  }
0x25: {  	[dreg:$0x1c] =	wrdreg s3;
	s19 =	simm.s32 $0x3;
	s3 =	simm.s32 $0x0  }
0x26: {  	s20 =	simm.s32 $0xDC00;
	s21 =	simm.s32 $0xE400;
	[smem:$0x7FD] =	sst s3  }
.LBB2_7:
0x27: {  	[bflag:$0x0] =	sbarrier.arrive $0xFFFF  }
0x28: {  	s15 =	rddreg [dreg:$0x15]  }
0x29: {  	[tilespmem:s12], [sflag:$0x3] =	stream.linear.gather [spmem:s15], $0x1870, $0x38;
	[tilespmem:$0x11600] =	vst v63  }
0x2a: {  	_ =	swait.ge [sflag:s19], $0x1870  }
0x2b: {  	[sflag:s19] =	ssyncset.done $0x0  }
0x2c: {  	s11 =	simm.s32 $0x0;
	s3 =	rddreg [dreg:$0x19];
	[sflag:s19] =	ssyncadd.s32 $0xFFFFE790  }
0x2d: {  	[hbm4b:s3+s11] =	stream.linear.scatter [tilespmem:s12], [sflag:$0x3], $0x1870, $0x38;
	[tilespmem:$0x11600] =	vst v63  }
0x2e: {  	_ =	swait.ge [sflag:s19], $0x1870  }
0x2f: {  	[sflag:s19] =	ssyncset.done $0x0  }
0x30: {  	s16 =	rddreg [dreg:$0x16];
	[sflag:s19] =	ssyncadd.s32 $0xFFFFE790  }
0x31: {  	[tilespmem:s12], [sflag:$0x3] =	stream.linear.gather [spmem:s16], $0x1870, $0x38;
	[tilespmem:$0x11600] =	vst v63  }
0x32: {  	_ =	swait.ge [sflag:s19], $0x1870  }
0x33: {  	[sflag:s19] =	ssyncset.done $0x0  }
0x34: {  	s16 =	rddreg [dreg:$0x1a];
	[sflag:s19] =	ssyncadd.s32 $0xFFFFE790  }
0x35: {  	[hbm4b:s16+s11] =	stream.linear.scatter [tilespmem:s12], [sflag:$0x3], $0x1870, $0x38;
	[tilespmem:$0x11600] =	vst v63  }
0x36: {  	_ =	swait.ge [sflag:s19], $0x1870  }
0x37: {  	[sflag:s19] =	ssyncset.done $0x0  }
0x38: {  	s16 =	rddreg [dreg:$0x17];
	[sflag:s19] =	ssyncadd.s32 $0xFFFFE790  }
0x39: {  	[tilespmem:s12], [sflag:$0x3] =	stream.linear.gather [spmem:s16], $0x1870, $0x38;
	[tilespmem:$0x11600] =	vst v63  }
0x3a: {  	_ =	swait.ge [sflag:s19], $0x1870  }
0x3b: {  	[sflag:s19] =	ssyncset.done $0x0  }
0x3c: {  	s16 =	rddreg [dreg:$0x1b];
	[sflag:s19] =	ssyncadd.s32 $0xFFFFE790  }
0x3d: {  	[hbm4b:s16+s11] =	stream.linear.scatter [tilespmem:s12], [sflag:$0x3], $0x1870, $0x38;
	[tilespmem:$0x11600] =	vst v63  }
0x3e: {  	_ =	swait.ge [sflag:s19], $0x1870  }
0x3f: {  	[sflag:s19] =	ssyncset.done $0x0  }
0x40: {  	s16 =	simm.s32 $0xC380;
	s12 =	rddreg [dreg:$0x18];
	[sflag:s19] =	ssyncadd.s32 $0xFFFFE790  }
0x41: {  	[tilespmem:s16], [sflag:$0x3] =	stream.linear.gather [spmem:s12], $0x1870, $0x38;
	[tilespmem:$0x11600] =	vst v63  }
0x42: {  	_ =	swait.ge [sflag:s19], $0x1870  }
0x43: {  	[sflag:s19] =	ssyncset.done $0x0  }
0x44: {  	s12 =	rddreg [dreg:$0x1c];
	[sflag:s19] =	ssyncadd.s32 $0xFFFFE790  }
0x45: {  	[hbm4b:s12+s11] =	stream.linear.scatter [tilespmem:s16], [sflag:$0x3], $0x1870, $0x38;
	[tilespmem:$0x11600] =	vst v63  }
0x46: {  	_ =	swait.ge [sflag:s19], $0x1870  }
0x47: {  	s3 =	sld [smem:$0x7FD];
	_ =	sdelay $0x2  }
0x48: {  	s12 =	sadd.s32 $0x1, s3;
	s3 =	rddreg [dreg:$0x1d]  }
0x49: {  	p0 =	sne.s32 s12, s3  }
.Ltmp1:
0x4a: {  	_ = 	snop;
	(pc) =	sbr.rel @!p0 .LBB2_8-.Ltmp1, $4  }
0x4b: {  	_ = 	snop  }
0x4c: {  	[sflag:s19] =	ssyncset.done $0x0  }
0x4d: {  	[sflag:s19] =	ssyncadd.s32 $0xFFFFE790  }
0x4e: {  	[smem:$0x7FD] =	sst s12;
	s12 =	smov.u32 s15;
	s15 =	simm.s32 $0xE600  }
.LBB2_1:
0x4f: {  	s3 =	rddreg [dreg:$0xf]  }
0x50: {  	[tilespmem:s16], [sflag:$0x3] =	stream.linear.gather [hbm4b:s3+s11], $0x1870, $0x38;
	[tilespmem:$0x11600] =	vst v63  }
0x51: {  	_ =	swait.ge [sflag:s19], $0x1870  }
0x52: {  	[sflag:s19] =	ssyncset.done $0x0  }
0x53: {  	s3 =	rddreg [dreg:$0x10];
	[sflag:s19] =	ssyncadd.s32 $0xFFFFE790  }
0x54: {  	[spmem:s3] =	stream.linear.scatter [tilespmem:s16], [sflag:$0x3], $0x1870, $0x38;
	[tilespmem:$0x11600] =	vst v63  }
0x55: {  	_ =	swait.ge [sflag:s19], $0x1870  }
0x56: {  	[sflag:s19] =	ssyncset.done $0x0  }
0x57: {  	s3 =	rddreg [dreg:$0x1f];
	[sflag:s19] =	ssyncadd.s32 $0xFFFFE790  }
0x58: {  	[tilespmem:s16], [sflag:$0x3] =	stream.linear.gather [hbm4b:s3+s11], $0x1870, $0x38;
	[tilespmem:$0x11600] =	vst v63  }
0x59: {  	_ =	swait.ge [sflag:s19], $0x1870  }
0x5a: {  	[sflag:s19] =	ssyncset.done $0x0  }
0x5b: {  	s3 =	rddreg [dreg:$0x11];
	[sflag:s19] =	ssyncadd.s32 $0xFFFFE790  }
0x5c: {  	[spmem:s3] =	stream.linear.scatter [tilespmem:s16], [sflag:$0x3], $0x1870, $0x38;
	[tilespmem:$0x11600] =	vst v63  }
0x5d: {  	_ =	swait.ge [sflag:s19], $0x1870  }
0x5e: {  	s3 =	sld [smem:$0x7FB]  }
0x5f: {  	[sflag:s19] =	ssyncset.done $0x0  }
0x60: {  	[sflag:s19] =	ssyncadd.s32 $0xFFFFE790  }
0x61: {  	[tilespmem:s16], [sflag:$0x3] =	stream.linear.gather [hbm4b:s3+s11], $0x1870, $0x38;
	[tilespmem:$0x11600] =	vst v63  }
0x62: {  	_ =	swait.ge [sflag:s19], $0x1870  }
0x63: {  	[sflag:s19] =	ssyncset.done $0x0  }
0x64: {  	s3 =	rddreg [dreg:$0x12];
	[sflag:s19] =	ssyncadd.s32 $0xFFFFE790  }
0x65: {  	[spmem:s3] =	stream.linear.scatter [tilespmem:s16], [sflag:$0x3], $0x1870, $0x38;
	[tilespmem:$0x11600] =	vst v63  }
0x66: {  	_ =	swait.ge [sflag:s19], $0x1870  }
0x67: {  	s3 =	sld [smem:$0x7FC]  }
0x68: {  	[sflag:s19] =	ssyncset.done $0x0  }
0x69: {  	[sflag:s19] =	ssyncadd.s32 $0xFFFFE790  }
0x6a: {  	[tilespmem:s16], [sflag:$0x3] =	stream.linear.gather [hbm4b:s3+s11], $0x1870, $0x38;
	[tilespmem:$0x11600] =	vst v63  }
0x6b: {  	_ =	swait.ge [sflag:s19], $0x1870  }
0x6c: {  	[sflag:s19] =	ssyncset.done $0x0  }
0x6d: {  	s3 =	rddreg [dreg:$0x13];
	[sflag:s19] =	ssyncadd.s32 $0xFFFFE790  }
0x6e: {  	[spmem:s3] =	stream.linear.scatter [tilespmem:s16], [sflag:$0x3], $0x1870, $0x38;
	[tilespmem:$0x11600] =	vst v63  }
0x6f: {  	_ =	swait.ge [sflag:s19], $0x1870  }
0x70: {  	[sflag:s19] =	ssyncset.done $0x0  }
0x71: {  	s3 =	rddreg [dreg:$0x14];
	[sflag:s19] =	ssyncadd.s32 $0xFFFFE790  }
0x72: {  	[tilespmem:s16], [sflag:$0x3] =	stream.linear.gather [hbm4b:s3+s11], $0x1870, $0x38;
	[tilespmem:$0x11600] =	vst v63  }
0x73: {  	_ =	swait.ge [sflag:s19], $0x1870  }
0x74: {  	[sflag:s19] =	ssyncset.done $0x0  }
0x75: {  	[sflag:s19] =	ssyncadd.s32 $0xFFFFE790  }
0x76: {  	[spmem:s12] =	stream.linear.scatter [tilespmem:s16], [sflag:$0x3], $0x1870, $0x38;
	[tilespmem:$0x11600] =	vst v63  }
0x77: {  	_ =	swait.ge [sflag:s19], $0x1870  }
0x78: {  	[sflag:s19] =	ssyncset.done $0x0  }
0x79: {  	s12 =	rddreg [dreg:$0x16];
	[sflag:s19] =	ssyncadd.s32 $0xFFFFE790  }
0x7a: {  	[spmem:s12] =	stream.linear.scatter [tilespmem:s16], [sflag:$0x3], $0x1870, $0x38;
	[tilespmem:$0x11600] =	vst v63  }
0x7b: {  	_ =	swait.ge [sflag:s19], $0x1870  }
0x7c: {  	[sflag:s19] =	ssyncset.done $0x0  }
0x7d: {  	s12 =	rddreg [dreg:$0x17];
	[sflag:s19] =	ssyncadd.s32 $0xFFFFE790  }
0x7e: {  	[spmem:s12] =	stream.linear.scatter [tilespmem:s16], [sflag:$0x3], $0x1870, $0x38;
	[tilespmem:$0x11600] =	vst v63  }
0x7f: {  	_ =	swait.ge [sflag:s19], $0x1870  }
0x80: {  	[sflag:s19] =	ssyncset.done $0x0  }
0x81: {  	s12 =	rddreg [dreg:$0x18];
	[sflag:s19] =	ssyncadd.s32 $0xFFFFE790  }
0x82: {  	[spmem:s12] =	stream.linear.scatter [tilespmem:s16], [sflag:$0x3], $0x1870, $0x38;
	[tilespmem:$0x11600] =	vst v63  }
0x83: {  	_ =	swait.ge [sflag:s19], $0x1870  }
0x84: {  	[sflag:s19] =	ssyncset.done $0x0  }
0x85: {  	s16 =	simm.s32 $0x11400;
	s12 =	rddreg [dreg:$0xe];
	[sflag:s19] =	ssyncadd.s32 $0xFFFFE790  }
0x86: {  	[tilespmem:s16], [sflag:$0x3] =	stream.linear.gather [hbm4b:s12+s11], $0x200, $0x38;
	[tilespmem:$0x11600] =	vst v63  }
0x87: {  	_ =	swait.ge [sflag:s19], $0x200  }
0x88: {  	[sflag:s19] =	ssyncset.done $0x0  }
0x89: {  	[sflag:s19] =	ssyncadd.s32 $0xFFFFFE00  }
.Ltmp2:
0x8a: {  	v0 =	vld [tilespmem:$0x11400];
	(pc) =	sbr.rel .LBB2_2-.Ltmp2, $4  }
0x8b: {  	v1 =	vld [tilespmem:$0x11480]  }
0x8c: {  	v2 =	vld [tilespmem:$0x11500]  }
0x8d: {  	v3 =	vld [tilespmem:$0x11580];
	[bflag:$0x0] =	sbarrier.arrive $0xFFFF  }
0x8e: {  	s16 =	simm.s32 $0x0;
	s12 =	simm.s32 $0xC380  }
.LBB2_6:
0x8f: {  	s16 =	sadd.s32 $0x1, s16  }
0x90: {  	p0 =	sne.s32 s16, $0x62  }
.Ltmp3:
0x91: {  	_ = 	snop;
	(pc) =	sbr.rel @!p0 .LBB2_7-.Ltmp3, $1  }
0x92: {  	_ =	sdelay $0x3  }
.LBB2_2:
0x93: {  	s11 =	sshll.u32 s16, $0x5;
	s3 =	rddreg [dreg:$0x1e]  }
0x94: {  	s11 =	sor.u32 s11, s3  }
0x95: {  	s11 =	sor.u32 s25, s11  }
0x96: {  	p0 =	sgt.u32 s11, $0xC34  }
.Ltmp4:
0x97: {  	_ = 	snop;
	(pc) =	sbr.rel @p0 .LBB2_6-.Ltmp4, $1  }
0x98: {  	_ =	sdelay $0x3  }
0x99: {  	s11 =	sshll.u32 s11, $0x8;
	s12 =	rddreg [dreg:$0xc]  }
0x9a: {  	s3 =	smov.u32 s25;
	s25 =	simm.s32 $0x0;
	s12 =	sadd.s32 s12, s11  }
0x9b: {  	[tilespmem:s20], [sflag:$0x3] =	stream.linear.gather [hbm4b:s12+s25], $0x800, $0x38;
	[tilespmem:$0x11600] =	vst v63  }
0x9c: {  	_ =	swait.ge [sflag:s19], $0x800  }
0x9d: {  	[sflag:s19] =	ssyncset.done $0x0;
	s12 =	rddreg [dreg:$0xd]  }
0x9e: {  	[sflag:s19] =	ssyncadd.s32 $0xFFFFF800;
	s12 =	sadd.s32 s12, s11  }
0x9f: {  	[tilespmem:s21], [sflag:$0x3] =	stream.linear.gather [hbm4b:s12+s25], $0x800, $0x38;
	[tilespmem:$0x11600] =	vst v63  }
0xa0: {  	_ =	swait.ge [sflag:s19], $0x800  }
0xa1: {  	[sflag:s19] =	ssyncset.done $0x0  }
0xa2: {  	[sflag:s19] =	ssyncadd.s32 $0xFFFFF800  }
0xa3: {  	s12 =	rddreg [dreg:$0x2]  }
0xa4: {  	s11 =	sadd.s32 s12, s11;
	s12 =	simm.s32 $0xEC00  }
0xa5: {  	[tilespmem:s12], [sflag:$0x3] =	stream.linear.gather [hbm4b:s11+s25], $0x800, $0x38;
	[tilespmem:$0x11600] =	vst v63  }
0xa6: {  	_ =	swait.ge [sflag:s19], $0x800  }
0xa7: {  	[sflag:s19] =	ssyncset.done $0x0  }
0xa8: {  	s25 =	simm.s32 $0xF400;
	[sflag:s19] =	ssyncadd.s32 $0xFFFFF800  }
0xa9: {  	[tilespmem:s25], [sflag:$0x1] =	stream.indirect.gather [spmem:s1], $0x1, s20, s28, $0xb8;
	[tilespmem:$0x11600] =	vst v63  }
0xaa: {  	s12 =	simm.s32 $0xFC00  }
0xab: {  	[tilespmem:s12], [sflag:$0x1] =	stream.indirect.gather [spmem:s2], $0x1, s20, s28, $0xb8;
	[tilespmem:$0x11600] =	vst v63  }
0xac: {  	s25 =	simm.s32 $0x10400  }
0xad: {  	[tilespmem:s25], [sflag:$0x1] =	stream.indirect.gather [spmem:s4], $0x1, s20, s28, $0xb8;
	[tilespmem:$0x11600] =	vst v63  }
0xae: {  	s12 =	simm.s32 $0x10C00  }
0xaf: {  	[tilespmem:s12], [sflag:$0x1] =	stream.indirect.gather [spmem:s5], $0x1, s20, s28, $0xb8;
	[tilespmem:$0x11600] =	vst v63  }
0xb0: {  	s11 =	simm.s32 $0xDC80;
	s25 =	simm.s32 $0xF480  }
0xb1: {  	[tilespmem:s25], [sflag:$0x1] =	stream.indirect.gather [spmem:s1], $0x1, s11, s28, $0xb8;
	[tilespmem:$0x11600] =	vst v63  }
0xb2: {  	s25 =	simm.s32 $0xFC80  }
0xb3: {  	[tilespmem:s25], [sflag:$0x1] =	stream.indirect.gather [spmem:s2], $0x1, s11, s28, $0xb8;
	[tilespmem:$0x11600] =	vst v63  }
0xb4: {  	s25 =	simm.s32 $0x10480  }
0xb5: {  	[tilespmem:s25], [sflag:$0x1] =	stream.indirect.gather [spmem:s4], $0x1, s11, s28, $0xb8;
	[tilespmem:$0x11600] =	vst v63  }
0xb6: {  	s25 =	simm.s32 $0x10C80  }
0xb7: {  	[tilespmem:s25], [sflag:$0x1] =	stream.indirect.gather [spmem:s5], $0x1, s11, s28, $0xb8;
	[tilespmem:$0x11600] =	vst v63  }
0xb8: {  	s11 =	simm.s32 $0xDD00;
	s25 =	simm.s32 $0xF500  }
0xb9: {  	[tilespmem:s25], [sflag:$0x1] =	stream.indirect.gather [spmem:s1], $0x1, s11, s28, $0xb8;
	[tilespmem:$0x11600] =	vst v63  }
0xba: {  	s25 =	simm.s32 $0xFD00  }
0xbb: {  	[tilespmem:s25], [sflag:$0x1] =	stream.indirect.gather [spmem:s2], $0x1, s11, s28, $0xb8;
	[tilespmem:$0x11600] =	vst v63  }
0xbc: {  	s25 =	simm.s32 $0x10500  }
0xbd: {  	[tilespmem:s25], [sflag:$0x1] =	stream.indirect.gather [spmem:s4], $0x1, s11, s28, $0xb8;
	[tilespmem:$0x11600] =	vst v63  }
0xbe: {  	s25 =	simm.s32 $0x10D00  }
0xbf: {  	[tilespmem:s25], [sflag:$0x1] =	stream.indirect.gather [spmem:s5], $0x1, s11, s28, $0xb8;
	[tilespmem:$0x11600] =	vst v63  }
0xc0: {  	s11 =	simm.s32 $0xDD80;
	s25 =	simm.s32 $0xF580  }
0xc1: {  	[tilespmem:s25], [sflag:$0x1] =	stream.indirect.gather [spmem:s1], $0x1, s11, s28, $0xb8;
	[tilespmem:$0x11600] =	vst v63  }
0xc2: {  	s25 =	simm.s32 $0xFD80  }
0xc3: {  	[tilespmem:s25], [sflag:$0x1] =	stream.indirect.gather [spmem:s2], $0x1, s11, s28, $0xb8;
	[tilespmem:$0x11600] =	vst v63  }
0xc4: {  	s25 =	simm.s32 $0x10580  }
0xc5: {  	[tilespmem:s25], [sflag:$0x1] =	stream.indirect.gather [spmem:s4], $0x1, s11, s28, $0xb8;
	[tilespmem:$0x11600] =	vst v63  }
0xc6: {  	s25 =	simm.s32 $0x10D80  }
0xc7: {  	[tilespmem:s25], [sflag:$0x1] =	stream.indirect.gather [spmem:s5], $0x1, s11, s28, $0xb8;
	[tilespmem:$0x11600] =	vst v63  }
0xc8: {  	s11 =	simm.s32 $0xDE00;
	s25 =	simm.s32 $0xF600  }
0xc9: {  	[tilespmem:s25], [sflag:$0x1] =	stream.indirect.gather [spmem:s1], $0x1, s11, s28, $0xb8;
	[tilespmem:$0x11600] =	vst v63  }
0xca: {  	s25 =	simm.s32 $0xFE00  }
0xcb: {  	[tilespmem:s25], [sflag:$0x1] =	stream.indirect.gather [spmem:s2], $0x1, s11, s28, $0xb8;
	[tilespmem:$0x11600] =	vst v63  }
0xcc: {  	s25 =	simm.s32 $0x10600  }
0xcd: {  	[tilespmem:s25], [sflag:$0x1] =	stream.indirect.gather [spmem:s4], $0x1, s11, s28, $0xb8;
	[tilespmem:$0x11600] =	vst v63  }
0xce: {  	s25 =	simm.s32 $0x10E00  }
0xcf: {  	[tilespmem:s25], [sflag:$0x1] =	stream.indirect.gather [spmem:s5], $0x1, s11, s28, $0xb8;
	[tilespmem:$0x11600] =	vst v63  }
0xd0: {  	s11 =	simm.s32 $0xDE80;
	s25 =	simm.s32 $0xF680  }
0xd1: {  	[tilespmem:s25], [sflag:$0x1] =	stream.indirect.gather [spmem:s1], $0x1, s11, s28, $0xb8;
	[tilespmem:$0x11600] =	vst v63  }
0xd2: {  	s25 =	simm.s32 $0xFE80  }
0xd3: {  	[tilespmem:s25], [sflag:$0x1] =	stream.indirect.gather [spmem:s2], $0x1, s11, s28, $0xb8;
	[tilespmem:$0x11600] =	vst v63  }
0xd4: {  	s25 =	simm.s32 $0x10680  }
0xd5: {  	[tilespmem:s25], [sflag:$0x1] =	stream.indirect.gather [spmem:s4], $0x1, s11, s28, $0xb8;
	[tilespmem:$0x11600] =	vst v63  }
0xd6: {  	s25 =	simm.s32 $0x10E80  }
0xd7: {  	[tilespmem:s25], [sflag:$0x1] =	stream.indirect.gather [spmem:s5], $0x1, s11, s28, $0xb8;
	[tilespmem:$0x11600] =	vst v63  }
0xd8: {  	s11 =	simm.s32 $0xDF00;
	s25 =	simm.s32 $0xF700  }
0xd9: {  	[tilespmem:s25], [sflag:$0x1] =	stream.indirect.gather [spmem:s1], $0x1, s11, s28, $0xb8;
	[tilespmem:$0x11600] =	vst v63  }
0xda: {  	s25 =	simm.s32 $0xFF00  }
0xdb: {  	[tilespmem:s25], [sflag:$0x1] =	stream.indirect.gather [spmem:s2], $0x1, s11, s28, $0xb8;
	[tilespmem:$0x11600] =	vst v63  }
0xdc: {  	s25 =	simm.s32 $0x10700  }
0xdd: {  	[tilespmem:s25], [sflag:$0x1] =	stream.indirect.gather [spmem:s4], $0x1, s11, s28, $0xb8;
	[tilespmem:$0x11600] =	vst v63  }
0xde: {  	s25 =	simm.s32 $0x10F00  }
0xdf: {  	[tilespmem:s25], [sflag:$0x1] =	stream.indirect.gather [spmem:s5], $0x1, s11, s28, $0xb8;
	[tilespmem:$0x11600] =	vst v63  }
0xe0: {  	s11 =	simm.s32 $0xDF80;
	s25 =	simm.s32 $0xF780  }
0xe1: {  	[tilespmem:s25], [sflag:$0x1] =	stream.indirect.gather [spmem:s1], $0x1, s11, s28, $0xb8;
	[tilespmem:$0x11600] =	vst v63  }
0xe2: {  	s25 =	simm.s32 $0xFF80  }
0xe3: {  	[tilespmem:s25], [sflag:$0x1] =	stream.indirect.gather [spmem:s2], $0x1, s11, s28, $0xb8;
	[tilespmem:$0x11600] =	vst v63  }
0xe4: {  	s25 =	simm.s32 $0x10780  }
0xe5: {  	[tilespmem:s25], [sflag:$0x1] =	stream.indirect.gather [spmem:s4], $0x1, s11, s28, $0xb8;
	[tilespmem:$0x11600] =	vst v63  }
0xe6: {  	s25 =	simm.s32 $0x10F80  }
0xe7: {  	[tilespmem:s25], [sflag:$0x1] =	stream.indirect.gather [spmem:s5], $0x1, s11, s28, $0xb8;
	[tilespmem:$0x11600] =	vst v63  }
0xe8: {  	s11 =	simm.s32 $0xE000;
	s25 =	simm.s32 $0xF800  }
0xe9: {  	[tilespmem:s25], [sflag:$0x1] =	stream.indirect.gather [spmem:s1], $0x1, s11, s28, $0xb8;
	[tilespmem:$0x11600] =	vst v63  }
0xea: {  	s25 =	simm.s32 $0x10000  }
0xeb: {  	[tilespmem:s25], [sflag:$0x1] =	stream.indirect.gather [spmem:s2], $0x1, s11, s28, $0xb8;
	[tilespmem:$0x11600] =	vst v63  }
0xec: {  	s25 =	simm.s32 $0x10800  }
0xed: {  	[tilespmem:s25], [sflag:$0x1] =	stream.indirect.gather [spmem:s4], $0x1, s11, s28, $0xb8;
	[tilespmem:$0x11600] =	vst v63  }
0xee: {  	s25 =	simm.s32 $0x11000  }
0xef: {  	[tilespmem:s25], [sflag:$0x1] =	stream.indirect.gather [spmem:s5], $0x1, s11, s28, $0xb8;
	[tilespmem:$0x11600] =	vst v63  }
0xf0: {  	s11 =	simm.s32 $0xE080;
	s25 =	simm.s32 $0xF880  }
0xf1: {  	[tilespmem:s25], [sflag:$0x1] =	stream.indirect.gather [spmem:s1], $0x1, s11, s28, $0xb8;
	[tilespmem:$0x11600] =	vst v63  }
0xf2: {  	s25 =	simm.s32 $0x10080  }
0xf3: {  	[tilespmem:s25], [sflag:$0x1] =	stream.indirect.gather [spmem:s2], $0x1, s11, s28, $0xb8;
	[tilespmem:$0x11600] =	vst v63  }
0xf4: {  	s25 =	simm.s32 $0x10880  }
0xf5: {  	[tilespmem:s25], [sflag:$0x1] =	stream.indirect.gather [spmem:s4], $0x1, s11, s28, $0xb8;
	[tilespmem:$0x11600] =	vst v63  }
0xf6: {  	s25 =	simm.s32 $0x11080  }
0xf7: {  	[tilespmem:s25], [sflag:$0x1] =	stream.indirect.gather [spmem:s5], $0x1, s11, s28, $0xb8;
	[tilespmem:$0x11600] =	vst v63  }
0xf8: {  	s11 =	simm.s32 $0xE100;
	s25 =	simm.s32 $0xF900  }
0xf9: {  	[tilespmem:s25], [sflag:$0x1] =	stream.indirect.gather [spmem:s1], $0x1, s11, s28, $0xb8;
	[tilespmem:$0x11600] =	vst v63  }
0xfa: {  	s25 =	simm.s32 $0x10100  }
0xfb: {  	[tilespmem:s25], [sflag:$0x1] =	stream.indirect.gather [spmem:s2], $0x1, s11, s28, $0xb8;
	[tilespmem:$0x11600] =	vst v63  }
0xfc: {  	s25 =	simm.s32 $0x10900  }
0xfd: {  	[tilespmem:s25], [sflag:$0x1] =	stream.indirect.gather [spmem:s4], $0x1, s11, s28, $0xb8;
	[tilespmem:$0x11600] =	vst v63  }
0xfe: {  	s25 =	simm.s32 $0x11100  }
0xff: {  	[tilespmem:s25], [sflag:$0x1] =	stream.indirect.gather [spmem:s5], $0x1, s11, s28, $0xb8;
	[tilespmem:$0x11600] =	vst v63  }
0x100: {  	s11 =	simm.s32 $0xE180;
	s25 =	simm.s32 $0xF980  }
0x101: {  	[tilespmem:s25], [sflag:$0x1] =	stream.indirect.gather [spmem:s1], $0x1, s11, s28, $0xb8;
	[tilespmem:$0x11600] =	vst v63  }
0x102: {  	s25 =	simm.s32 $0x10180  }
0x103: {  	[tilespmem:s25], [sflag:$0x1] =	stream.indirect.gather [spmem:s2], $0x1, s11, s28, $0xb8;
	[tilespmem:$0x11600] =	vst v63  }
0x104: {  	s25 =	simm.s32 $0x10980  }
0x105: {  	[tilespmem:s25], [sflag:$0x1] =	stream.indirect.gather [spmem:s4], $0x1, s11, s28, $0xb8;
	[tilespmem:$0x11600] =	vst v63  }
0x106: {  	s25 =	simm.s32 $0x11180  }
0x107: {  	[tilespmem:s25], [sflag:$0x1] =	stream.indirect.gather [spmem:s5], $0x1, s11, s28, $0xb8;
	[tilespmem:$0x11600] =	vst v63  }
0x108: {  	s11 =	simm.s32 $0xE200;
	s25 =	simm.s32 $0xFA00  }
0x109: {  	[tilespmem:s25], [sflag:$0x1] =	stream.indirect.gather [spmem:s1], $0x1, s11, s28, $0xb8;
	[tilespmem:$0x11600] =	vst v63  }
0x10a: {  	s25 =	simm.s32 $0x10200  }
0x10b: {  	[tilespmem:s25], [sflag:$0x1] =	stream.indirect.gather [spmem:s2], $0x1, s11, s28, $0xb8;
	[tilespmem:$0x11600] =	vst v63  }
0x10c: {  	s25 =	simm.s32 $0x10A00  }
0x10d: {  	[tilespmem:s25], [sflag:$0x1] =	stream.indirect.gather [spmem:s4], $0x1, s11, s28, $0xb8;
	[tilespmem:$0x11600] =	vst v63  }
0x10e: {  	s25 =	simm.s32 $0x11200  }
0x10f: {  	[tilespmem:s25], [sflag:$0x1] =	stream.indirect.gather [spmem:s5], $0x1, s11, s28, $0xb8;
	[tilespmem:$0x11600] =	vst v63  }
0x110: {  	s11 =	simm.s32 $0xE280;
	s25 =	simm.s32 $0xFA80  }
0x111: {  	[tilespmem:s25], [sflag:$0x1] =	stream.indirect.gather [spmem:s1], $0x1, s11, s28, $0xb8;
	[tilespmem:$0x11600] =	vst v63  }
0x112: {  	s25 =	simm.s32 $0x10280  }
0x113: {  	[tilespmem:s25], [sflag:$0x1] =	stream.indirect.gather [spmem:s2], $0x1, s11, s28, $0xb8;
	[tilespmem:$0x11600] =	vst v63  }
0x114: {  	s25 =	simm.s32 $0x10A80  }
0x115: {  	[tilespmem:s25], [sflag:$0x1] =	stream.indirect.gather [spmem:s4], $0x1, s11, s28, $0xb8;
	[tilespmem:$0x11600] =	vst v63  }
0x116: {  	s25 =	simm.s32 $0x11280  }
0x117: {  	[tilespmem:s25], [sflag:$0x1] =	stream.indirect.gather [spmem:s5], $0x1, s11, s28, $0xb8;
	[tilespmem:$0x11600] =	vst v63  }
0x118: {  	s11 =	simm.s32 $0xE300;
	s25 =	simm.s32 $0xFB00  }
0x119: {  	[tilespmem:s25], [sflag:$0x1] =	stream.indirect.gather [spmem:s1], $0x1, s11, s28, $0xb8;
	[tilespmem:$0x11600] =	vst v63  }
0x11a: {  	s25 =	simm.s32 $0x10300  }
0x11b: {  	[tilespmem:s25], [sflag:$0x1] =	stream.indirect.gather [spmem:s2], $0x1, s11, s28, $0xb8;
	[tilespmem:$0x11600] =	vst v63  }
0x11c: {  	s25 =	simm.s32 $0x10B00  }
0x11d: {  	[tilespmem:s25], [sflag:$0x1] =	stream.indirect.gather [spmem:s4], $0x1, s11, s28, $0xb8;
	[tilespmem:$0x11600] =	vst v63  }
0x11e: {  	s25 =	simm.s32 $0x11300  }
0x11f: {  	[tilespmem:s25], [sflag:$0x1] =	stream.indirect.gather [spmem:s5], $0x1, s11, s28, $0xb8;
	[tilespmem:$0x11600] =	vst v63  }
0x120: {  	s11 =	simm.s32 $0xE380;
	s25 =	simm.s32 $0xFB80  }
0x121: {  	[tilespmem:s25], [sflag:$0x1] =	stream.indirect.gather [spmem:s1], $0x1, s11, s28, $0xb8;
	[tilespmem:$0x11600] =	vst v63  }
0x122: {  	s25 =	simm.s32 $0x10380  }
0x123: {  	[tilespmem:s25], [sflag:$0x1] =	stream.indirect.gather [spmem:s2], $0x1, s11, s28, $0xb8;
	[tilespmem:$0x11600] =	vst v63  }
0x124: {  	s25 =	simm.s32 $0x10B80  }
0x125: {  	[tilespmem:s25], [sflag:$0x1] =	stream.indirect.gather [spmem:s4], $0x1, s11, s28, $0xb8;
	[tilespmem:$0x11600] =	vst v63  }
0x126: {  	s25 =	simm.s32 $0x11380  }
0x127: {  	[tilespmem:s25], [sflag:$0x1] =	stream.indirect.gather [spmem:s5], $0x1, s11, s28, $0xb8;
	[tilespmem:$0x11600] =	vst v63  }
0x128: {  	_ =	swait.ge [sflag:s14], $0x80  }
0x129: {  	[sflag:s14] =	ssyncset.done $0x0  }
0x12a: {  	[sflag:s14] =	ssyncadd.s32 $0xFFFFFF80  }
0x12b: {  	_ =	swait.ge [sflag:s14], $0x80  }
0x12c: {  	[sflag:s14] =	ssyncset.done $0x0  }
0x12d: {  	[sflag:s14] =	ssyncadd.s32 $0xFFFFFF80  }
0x12e: {  	_ =	swait.ge [sflag:s14], $0x80  }
0x12f: {  	[sflag:s14] =	ssyncset.done $0x0  }
0x130: {  	[sflag:s14] =	ssyncadd.s32 $0xFFFFFF80  }
0x131: {  	_ =	swait.ge [sflag:s14], $0x80  }
0x132: {  	[sflag:s14] =	ssyncset.done $0x0  }
0x133: {  	[sflag:s14] =	ssyncadd.s32 $0xFFFFFF80  }
0x134: {  	_ =	swait.ge [sflag:s14], $0x80  }
0x135: {  	[sflag:s14] =	ssyncset.done $0x0  }
0x136: {  	[sflag:s14] =	ssyncadd.s32 $0xFFFFFF80  }
0x137: {  	_ =	swait.ge [sflag:s14], $0x80  }
0x138: {  	[sflag:s14] =	ssyncset.done $0x0  }
0x139: {  	[sflag:s14] =	ssyncadd.s32 $0xFFFFFF80  }
0x13a: {  	_ =	swait.ge [sflag:s14], $0x80  }
0x13b: {  	[sflag:s14] =	ssyncset.done $0x0  }
0x13c: {  	[sflag:s14] =	ssyncadd.s32 $0xFFFFFF80  }
0x13d: {  	_ =	swait.ge [sflag:s14], $0x80  }
0x13e: {  	[sflag:s14] =	ssyncset.done $0x0  }
0x13f: {  	[sflag:s14] =	ssyncadd.s32 $0xFFFFFF80  }
0x140: {  	_ =	swait.ge [sflag:s14], $0x80  }
0x141: {  	[sflag:s14] =	ssyncset.done $0x0  }
0x142: {  	[sflag:s14] =	ssyncadd.s32 $0xFFFFFF80  }
0x143: {  	_ =	swait.ge [sflag:s14], $0x80  }
0x144: {  	[sflag:s14] =	ssyncset.done $0x0  }
0x145: {  	[sflag:s14] =	ssyncadd.s32 $0xFFFFFF80  }
0x146: {  	_ =	swait.ge [sflag:s14], $0x80  }
0x147: {  	[sflag:s14] =	ssyncset.done $0x0  }
0x148: {  	[sflag:s14] =	ssyncadd.s32 $0xFFFFFF80  }
0x149: {  	_ =	swait.ge [sflag:s14], $0x80  }
0x14a: {  	[sflag:s14] =	ssyncset.done $0x0  }
0x14b: {  	[sflag:s14] =	ssyncadd.s32 $0xFFFFFF80  }
0x14c: {  	_ =	swait.ge [sflag:s14], $0x80  }
0x14d: {  	[sflag:s14] =	ssyncset.done $0x0  }
0x14e: {  	[sflag:s14] =	ssyncadd.s32 $0xFFFFFF80  }
0x14f: {  	_ =	swait.ge [sflag:s14], $0x80  }
0x150: {  	[sflag:s14] =	ssyncset.done $0x0  }
0x151: {  	[sflag:s14] =	ssyncadd.s32 $0xFFFFFF80  }
0x152: {  	_ =	swait.ge [sflag:s14], $0x80  }
0x153: {  	[sflag:s14] =	ssyncset.done $0x0  }
0x154: {  	[sflag:s14] =	ssyncadd.s32 $0xFFFFFF80  }
0x155: {  	_ =	swait.ge [sflag:s14], $0x80  }
0x156: {  	[sflag:s14] =	ssyncset.done $0x0  }
0x157: {  	[sflag:s14] =	ssyncadd.s32 $0xFFFFFF80  }
0x158: {  	_ =	swait.ge [sflag:s14], $0x80  }
0x159: {  	[sflag:s14] =	ssyncset.done $0x0  }
0x15a: {  	[sflag:s14] =	ssyncadd.s32 $0xFFFFFF80  }
0x15b: {  	_ =	swait.ge [sflag:s14], $0x80  }
0x15c: {  	[sflag:s14] =	ssyncset.done $0x0  }
0x15d: {  	[sflag:s14] =	ssyncadd.s32 $0xFFFFFF80  }
0x15e: {  	_ =	swait.ge [sflag:s14], $0x80  }
0x15f: {  	[sflag:s14] =	ssyncset.done $0x0  }
0x160: {  	[sflag:s14] =	ssyncadd.s32 $0xFFFFFF80  }
0x161: {  	_ =	swait.ge [sflag:s14], $0x80  }
0x162: {  	[sflag:s14] =	ssyncset.done $0x0  }
0x163: {  	[sflag:s14] =	ssyncadd.s32 $0xFFFFFF80  }
0x164: {  	_ =	swait.ge [sflag:s14], $0x80  }
0x165: {  	[sflag:s14] =	ssyncset.done $0x0  }
0x166: {  	[sflag:s14] =	ssyncadd.s32 $0xFFFFFF80  }
0x167: {  	_ =	swait.ge [sflag:s14], $0x80  }
0x168: {  	[sflag:s14] =	ssyncset.done $0x0  }
0x169: {  	[sflag:s14] =	ssyncadd.s32 $0xFFFFFF80  }
0x16a: {  	_ =	swait.ge [sflag:s14], $0x80  }
0x16b: {  	[sflag:s14] =	ssyncset.done $0x0  }
0x16c: {  	[sflag:s14] =	ssyncadd.s32 $0xFFFFFF80  }
0x16d: {  	_ =	swait.ge [sflag:s14], $0x80  }
0x16e: {  	[sflag:s14] =	ssyncset.done $0x0  }
0x16f: {  	[sflag:s14] =	ssyncadd.s32 $0xFFFFFF80  }
0x170: {  	_ =	swait.ge [sflag:s14], $0x80  }
0x171: {  	[sflag:s14] =	ssyncset.done $0x0  }
0x172: {  	[sflag:s14] =	ssyncadd.s32 $0xFFFFFF80  }
0x173: {  	_ =	swait.ge [sflag:s14], $0x80  }
0x174: {  	[sflag:s14] =	ssyncset.done $0x0  }
0x175: {  	[sflag:s14] =	ssyncadd.s32 $0xFFFFFF80  }
0x176: {  	_ =	swait.ge [sflag:s14], $0x80  }
0x177: {  	[sflag:s14] =	ssyncset.done $0x0  }
0x178: {  	[sflag:s14] =	ssyncadd.s32 $0xFFFFFF80  }
0x179: {  	_ =	swait.ge [sflag:s14], $0x80  }
0x17a: {  	[sflag:s14] =	ssyncset.done $0x0  }
0x17b: {  	[sflag:s14] =	ssyncadd.s32 $0xFFFFFF80  }
0x17c: {  	_ =	swait.ge [sflag:s14], $0x80  }
0x17d: {  	[sflag:s14] =	ssyncset.done $0x0  }
0x17e: {  	[sflag:s14] =	ssyncadd.s32 $0xFFFFFF80  }
0x17f: {  	_ =	swait.ge [sflag:s14], $0x80  }
0x180: {  	[sflag:s14] =	ssyncset.done $0x0  }
0x181: {  	[sflag:s14] =	ssyncadd.s32 $0xFFFFFF80  }
0x182: {  	_ =	swait.ge [sflag:s14], $0x80  }
0x183: {  	[sflag:s14] =	ssyncset.done $0x0  }
0x184: {  	[sflag:s14] =	ssyncadd.s32 $0xFFFFFF80  }
0x185: {  	_ =	swait.ge [sflag:s14], $0x80  }
0x186: {  	[sflag:s14] =	ssyncset.done $0x0  }
0x187: {  	[sflag:s14] =	ssyncadd.s32 $0xFFFFFF80  }
0x188: {  	_ =	swait.ge [sflag:s14], $0x80  }
0x189: {  	[sflag:s14] =	ssyncset.done $0x0  }
0x18a: {  	[sflag:s14] =	ssyncadd.s32 $0xFFFFFF80  }
0x18b: {  	_ =	swait.ge [sflag:s14], $0x80  }
0x18c: {  	[sflag:s14] =	ssyncset.done $0x0  }
0x18d: {  	[sflag:s14] =	ssyncadd.s32 $0xFFFFFF80  }
0x18e: {  	_ =	swait.ge [sflag:s14], $0x80  }
0x18f: {  	[sflag:s14] =	ssyncset.done $0x0  }
0x190: {  	[sflag:s14] =	ssyncadd.s32 $0xFFFFFF80  }
0x191: {  	_ =	swait.ge [sflag:s14], $0x80  }
0x192: {  	[sflag:s14] =	ssyncset.done $0x0  }
0x193: {  	[sflag:s14] =	ssyncadd.s32 $0xFFFFFF80  }
0x194: {  	_ =	swait.ge [sflag:s14], $0x80  }
0x195: {  	[sflag:s14] =	ssyncset.done $0x0  }
0x196: {  	[sflag:s14] =	ssyncadd.s32 $0xFFFFFF80  }
0x197: {  	_ =	swait.ge [sflag:s14], $0x80  }
0x198: {  	[sflag:s14] =	ssyncset.done $0x0  }
0x199: {  	[sflag:s14] =	ssyncadd.s32 $0xFFFFFF80  }
0x19a: {  	_ =	swait.ge [sflag:s14], $0x80  }
0x19b: {  	[sflag:s14] =	ssyncset.done $0x0  }
0x19c: {  	[sflag:s14] =	ssyncadd.s32 $0xFFFFFF80  }
0x19d: {  	_ =	swait.ge [sflag:s14], $0x80  }
0x19e: {  	[sflag:s14] =	ssyncset.done $0x0  }
0x19f: {  	[sflag:s14] =	ssyncadd.s32 $0xFFFFFF80  }
0x1a0: {  	_ =	swait.ge [sflag:s14], $0x80  }
0x1a1: {  	[sflag:s14] =	ssyncset.done $0x0  }
0x1a2: {  	[sflag:s14] =	ssyncadd.s32 $0xFFFFFF80  }
0x1a3: {  	_ =	swait.ge [sflag:s14], $0x80  }
0x1a4: {  	[sflag:s14] =	ssyncset.done $0x0  }
0x1a5: {  	[sflag:s14] =	ssyncadd.s32 $0xFFFFFF80  }
0x1a6: {  	_ =	swait.ge [sflag:s14], $0x80  }
0x1a7: {  	[sflag:s14] =	ssyncset.done $0x0  }
0x1a8: {  	[sflag:s14] =	ssyncadd.s32 $0xFFFFFF80  }
0x1a9: {  	_ =	swait.ge [sflag:s14], $0x80  }
0x1aa: {  	[sflag:s14] =	ssyncset.done $0x0  }
0x1ab: {  	[sflag:s14] =	ssyncadd.s32 $0xFFFFFF80  }
0x1ac: {  	_ =	swait.ge [sflag:s14], $0x80  }
0x1ad: {  	[sflag:s14] =	ssyncset.done $0x0  }
0x1ae: {  	[sflag:s14] =	ssyncadd.s32 $0xFFFFFF80  }
0x1af: {  	_ =	swait.ge [sflag:s14], $0x80  }
0x1b0: {  	[sflag:s14] =	ssyncset.done $0x0  }
0x1b1: {  	[sflag:s14] =	ssyncadd.s32 $0xFFFFFF80  }
0x1b2: {  	_ =	swait.ge [sflag:s14], $0x80  }
0x1b3: {  	[sflag:s14] =	ssyncset.done $0x0  }
0x1b4: {  	[sflag:s14] =	ssyncadd.s32 $0xFFFFFF80  }
0x1b5: {  	_ =	swait.ge [sflag:s14], $0x80  }
0x1b6: {  	[sflag:s14] =	ssyncset.done $0x0  }
0x1b7: {  	[sflag:s14] =	ssyncadd.s32 $0xFFFFFF80  }
0x1b8: {  	_ =	swait.ge [sflag:s14], $0x80  }
0x1b9: {  	[sflag:s14] =	ssyncset.done $0x0  }
0x1ba: {  	[sflag:s14] =	ssyncadd.s32 $0xFFFFFF80  }
0x1bb: {  	_ =	swait.ge [sflag:s14], $0x80  }
0x1bc: {  	[sflag:s14] =	ssyncset.done $0x0  }
0x1bd: {  	[sflag:s14] =	ssyncadd.s32 $0xFFFFFF80  }
0x1be: {  	_ =	swait.ge [sflag:s14], $0x80  }
0x1bf: {  	[sflag:s14] =	ssyncset.done $0x0  }
0x1c0: {  	[sflag:s14] =	ssyncadd.s32 $0xFFFFFF80  }
0x1c1: {  	_ =	swait.ge [sflag:s14], $0x80  }
0x1c2: {  	[sflag:s14] =	ssyncset.done $0x0  }
0x1c3: {  	[sflag:s14] =	ssyncadd.s32 $0xFFFFFF80  }
0x1c4: {  	_ =	swait.ge [sflag:s14], $0x80  }
0x1c5: {  	[sflag:s14] =	ssyncset.done $0x0  }
0x1c6: {  	[sflag:s14] =	ssyncadd.s32 $0xFFFFFF80  }
0x1c7: {  	_ =	swait.ge [sflag:s14], $0x80  }
0x1c8: {  	[sflag:s14] =	ssyncset.done $0x0  }
0x1c9: {  	[sflag:s14] =	ssyncadd.s32 $0xFFFFFF80  }
0x1ca: {  	_ =	swait.ge [sflag:s14], $0x80  }
0x1cb: {  	[sflag:s14] =	ssyncset.done $0x0  }
0x1cc: {  	[sflag:s14] =	ssyncadd.s32 $0xFFFFFF80  }
0x1cd: {  	_ =	swait.ge [sflag:s14], $0x80  }
0x1ce: {  	[sflag:s14] =	ssyncset.done $0x0  }
0x1cf: {  	[sflag:s14] =	ssyncadd.s32 $0xFFFFFF80  }
0x1d0: {  	_ =	swait.ge [sflag:s14], $0x80  }
0x1d1: {  	[sflag:s14] =	ssyncset.done $0x0  }
0x1d2: {  	[sflag:s14] =	ssyncadd.s32 $0xFFFFFF80  }
0x1d3: {  	_ =	swait.ge [sflag:s14], $0x80  }
0x1d4: {  	[sflag:s14] =	ssyncset.done $0x0  }
0x1d5: {  	[sflag:s14] =	ssyncadd.s32 $0xFFFFFF80  }
0x1d6: {  	_ =	swait.ge [sflag:s14], $0x80  }
0x1d7: {  	[sflag:s14] =	ssyncset.done $0x0  }
0x1d8: {  	[sflag:s14] =	ssyncadd.s32 $0xFFFFFF80  }
0x1d9: {  	_ =	swait.ge [sflag:s14], $0x80  }
0x1da: {  	[sflag:s14] =	ssyncset.done $0x0  }
0x1db: {  	[sflag:s14] =	ssyncadd.s32 $0xFFFFFF80  }
0x1dc: {  	_ =	swait.ge [sflag:s14], $0x80  }
0x1dd: {  	[sflag:s14] =	ssyncset.done $0x0  }
0x1de: {  	[sflag:s14] =	ssyncadd.s32 $0xFFFFFF80  }
0x1df: {  	_ =	swait.ge [sflag:s14], $0x80  }
0x1e0: {  	[sflag:s14] =	ssyncset.done $0x0  }
0x1e1: {  	[sflag:s14] =	ssyncadd.s32 $0xFFFFFF80  }
0x1e2: {  	_ =	swait.ge [sflag:s14], $0x80  }
0x1e3: {  	[sflag:s14] =	ssyncset.done $0x0  }
0x1e4: {  	[sflag:s14] =	ssyncadd.s32 $0xFFFFFF80  }
0x1e5: {  	_ =	swait.ge [sflag:s14], $0x80  }
0x1e6: {  	[sflag:s14] =	ssyncset.done $0x0  }
0x1e7: {  	s11 =	simm.s32 $0x0;
	[sflag:s14] =	ssyncadd.s32 $0xFFFFFF80  }
0x1e8: {  	v5 =	vld [tilespmem:s11+$0xEC00];
	_ =	sdelay $0x1  }
0x1e9: {  	v4 =	vld [tilespmem:s11+$0xF400]  }
0x1ea: {  	v6 =	vld [tilespmem:s11+$0xFC00]  }
0x1eb: {  	v7 =	vld [tilespmem:s11+$0x10400]  }
0x1ec: {  	v9 =	vld [tilespmem:s11+$0x10C00];
	v8 =	vmul.f32 v5, v0  }
0x1ed: {  	v10 =	vmul.f32 v5, v1  }
0x1ee: {  	v11 =	vmul.f32 v5, v2;
	v8 =	vadd.f32 v8, v4  }
0x1ef: {  	s25 =	simm.s32 $0x10;
	v63 =	vmul.f32 v5, v3;
	v6 =	vadd.f32 v6, v10  }
0x1f0: {  	v4 =	vld [tilespmem:s25+$0xEC00];
	v7 =	vadd.f32 v7, v11;
	v8 =	vmax.f32 v8, $0.0e+00  }
0x1f1: {  	[tilespmem:s11+$0xF400] =	vst v8;
	v8 =	vmax.f32 v6, $0.0e+00;
	v6 =	vadd.f32 v9, v63  }
0x1f2: {  	s12 =	simm.s32 $0x80;
	v7 =	vmax.f32 v7, $0.0e+00;
	v5 =	vld [tilespmem:s25+$0xF400];
	[tilespmem:s11+$0xFC00] =	vst v8  }
.LBB2_4:
0x1f3: {  	p0 =	sne.s32 s12, $0x1FC0;
	v8 =	vld [tilespmem:s25+$0xFC00];
	[tilespmem:s11+$0x10400] =	vst v7;
	v6 =	vmax.f32 v6, $0.0e+00  }
0x1f4: {  	v7 =	vld [tilespmem:s25+$0x10400];
	[tilespmem:s11+$0x10C00] =	vst v6;
	s11 =	smov.u32 s25  }
0x1f5: {  	v6 =	vmul.f32 v4, v0;
	v9 =	vld [tilespmem:s11+$0x10C00]  }
0x1f6: {  	v10 =	vmul.f32 v4, v1  }
.Ltmp5:
0x1f7: {  	v5 =	vadd.f32 v6, v5;
	v6 =	vmul.f32 v4, v2;
	(pc) =	sbr.rel @p0 .LBB2_4-.Ltmp5, $4  }
0x1f8: {  	s25 =	sshra.s32 s12, $0x2;
	v8 =	vadd.f32 v8, v10;
	v10 =	vmul.f32 v4, v3  }
0x1f9: {  	v4 =	vld [tilespmem:s25+$0xEC00];
	v5 =	vmax.f32 v5, $0.0e+00;
	v7 =	vadd.f32 v7, v6  }
0x1fa: {  	[tilespmem:s11+$0xF400] =	vst v5;
	v8 =	vmax.f32 v8, $0.0e+00;
	v6 =	vadd.f32 v9, v10  }
0x1fb: {  	s12 =	sadd.s32 $0x40, s12;
	v5 =	vld [tilespmem:s25+$0xF400];
	[tilespmem:s11+$0xFC00] =	vst v8;
	v7 =	vmax.f32 v7, $0.0e+00  }
0x1fc: {  	v8 =	vld [tilespmem:s25+$0xFC00];
	[tilespmem:s11+$0x10400] =	vst v7;
	v6 =	vmax.f32 v6, $0.0e+00  }
0x1fd: {  	v7 =	vld [tilespmem:s25+$0x10400];
	[tilespmem:s11+$0x10C00] =	vst v6  }
0x1fe: {  	v62 =	vmul.f32 v4, v0;
	v9 =	vld [tilespmem:s25+$0x10C00]  }
0x1ff: {  	v10 =	vmul.f32 v4, v1  }
0x200: {  	v63 =	vmul.f32 v4, v2;
	v5 =	vadd.f32 v62, v5  }
0x201: {  	v4 =	vmul.f32 v4, v3;
	v8 =	vadd.f32 v8, v10  }
0x202: {  	v5 =	vmax.f32 v5, $0.0e+00;
	v6 =	vadd.f32 v7, v63  }
0x203: {  	[tilespmem:s25+$0xF400] =	vst v5;
	v5 =	vmax.f32 v8, $0.0e+00;
	v4 =	vadd.f32 v9, v4  }
0x204: {  	[tilespmem:s25+$0xFC00] =	vst v5;
	v5 =	vmax.f32 v6, $0.0e+00  }
0x205: {  	[tilespmem:s25+$0x10400] =	vst v5;
	v4 =	vmax.f32 v4, $0.0e+00  }
0x206: {  	[tilespmem:s25+$0x10C00] =	vst v4;
	s25 =	simm.s32 $0xF400  }
0x207: {  	[spmem:s6] =	stream.indirect.scatter.add.f32 [tilespmem:s25], [sflag:$0x2], $0x1, s21, s28, $0xb8;
	[tilespmem:$0x11600] =	vst v63  }
0x208: {  	s12 =	simm.s32 $0xFC00  }
0x209: {  	[spmem:s8] =	stream.indirect.scatter.add.f32 [tilespmem:s12], [sflag:$0x2], $0x1, s21, s28, $0xb8;
	[tilespmem:$0x11600] =	vst v63  }
0x20a: {  	s25 =	simm.s32 $0x10400  }
0x20b: {  	[spmem:s9] =	stream.indirect.scatter.add.f32 [tilespmem:s25], [sflag:$0x2], $0x1, s21, s28, $0xb8;
	[tilespmem:$0x11600] =	vst v63  }
0x20c: {  	s12 =	simm.s32 $0x10C00  }
0x20d: {  	[spmem:s10] =	stream.indirect.scatter.add.f32 [tilespmem:s12], [sflag:$0x2], $0x1, s21, s28, $0xb8;
	[tilespmem:$0x11600] =	vst v63  }
0x20e: {  	s25 =	simm.s32 $0xF480;
	s12 =	simm.s32 $0xE480  }
0x20f: {  	[spmem:s6] =	stream.indirect.scatter.add.f32 [tilespmem:s25], [sflag:$0x2], $0x1, s12, s28, $0xb8;
	[tilespmem:$0x11600] =	vst v63  }
0x210: {  	s25 =	simm.s32 $0xFC80  }
0x211: {  	[spmem:s8] =	stream.indirect.scatter.add.f32 [tilespmem:s25], [sflag:$0x2], $0x1, s12, s28, $0xb8;
	[tilespmem:$0x11600] =	vst v63  }
0x212: {  	s25 =	simm.s32 $0x10480  }
0x213: {  	[spmem:s9] =	stream.indirect.scatter.add.f32 [tilespmem:s25], [sflag:$0x2], $0x1, s12, s28, $0xb8;
	[tilespmem:$0x11600] =	vst v63  }
0x214: {  	s25 =	simm.s32 $0x10C80  }
0x215: {  	[spmem:s10] =	stream.indirect.scatter.add.f32 [tilespmem:s25], [sflag:$0x2], $0x1, s12, s28, $0xb8;
	[tilespmem:$0x11600] =	vst v63  }
0x216: {  	s25 =	simm.s32 $0xF500;
	s12 =	simm.s32 $0xE500  }
0x217: {  	[spmem:s6] =	stream.indirect.scatter.add.f32 [tilespmem:s25], [sflag:$0x2], $0x1, s12, s28, $0xb8;
	[tilespmem:$0x11600] =	vst v63  }
0x218: {  	s25 =	simm.s32 $0xFD00  }
0x219: {  	[spmem:s8] =	stream.indirect.scatter.add.f32 [tilespmem:s25], [sflag:$0x2], $0x1, s12, s28, $0xb8;
	[tilespmem:$0x11600] =	vst v63  }
0x21a: {  	s25 =	simm.s32 $0x10500  }
0x21b: {  	[spmem:s9] =	stream.indirect.scatter.add.f32 [tilespmem:s25], [sflag:$0x2], $0x1, s12, s28, $0xb8;
	[tilespmem:$0x11600] =	vst v63  }
0x21c: {  	s25 =	simm.s32 $0x10D00  }
0x21d: {  	[spmem:s10] =	stream.indirect.scatter.add.f32 [tilespmem:s25], [sflag:$0x2], $0x1, s12, s28, $0xb8;
	[tilespmem:$0x11600] =	vst v63  }
0x21e: {  	s25 =	simm.s32 $0xF580;
	s12 =	simm.s32 $0xE580  }
0x21f: {  	[spmem:s6] =	stream.indirect.scatter.add.f32 [tilespmem:s25], [sflag:$0x2], $0x1, s12, s28, $0xb8;
	[tilespmem:$0x11600] =	vst v63  }
0x220: {  	s25 =	simm.s32 $0xFD80  }
0x221: {  	[spmem:s8] =	stream.indirect.scatter.add.f32 [tilespmem:s25], [sflag:$0x2], $0x1, s12, s28, $0xb8;
	[tilespmem:$0x11600] =	vst v63  }
0x222: {  	s25 =	simm.s32 $0x10580  }
0x223: {  	[spmem:s9] =	stream.indirect.scatter.add.f32 [tilespmem:s25], [sflag:$0x2], $0x1, s12, s28, $0xb8;
	[tilespmem:$0x11600] =	vst v63  }
0x224: {  	s25 =	simm.s32 $0x10D80  }
0x225: {  	[spmem:s10] =	stream.indirect.scatter.add.f32 [tilespmem:s25], [sflag:$0x2], $0x1, s12, s28, $0xb8;
	[tilespmem:$0x11600] =	vst v63  }
0x226: {  	s12 =	simm.s32 $0xF600  }
0x227: {  	[spmem:s6] =	stream.indirect.scatter.add.f32 [tilespmem:s12], [sflag:$0x2], $0x1, s15, s28, $0xb8;
	[tilespmem:$0x11600] =	vst v63  }
0x228: {  	s25 =	simm.s32 $0xFE00  }
0x229: {  	[spmem:s8] =	stream.indirect.scatter.add.f32 [tilespmem:s25], [sflag:$0x2], $0x1, s15, s28, $0xb8;
	[tilespmem:$0x11600] =	vst v63  }
0x22a: {  	s12 =	simm.s32 $0x10600  }
0x22b: {  	[spmem:s9] =	stream.indirect.scatter.add.f32 [tilespmem:s12], [sflag:$0x2], $0x1, s15, s28, $0xb8;
	[tilespmem:$0x11600] =	vst v63  }
0x22c: {  	s25 =	simm.s32 $0x10E00  }
0x22d: {  	[spmem:s10] =	stream.indirect.scatter.add.f32 [tilespmem:s25], [sflag:$0x2], $0x1, s15, s28, $0xb8;
	[tilespmem:$0x11600] =	vst v63  }
0x22e: {  	s12 =	simm.s32 $0xF680  }
0x22f: {  	[spmem:s6] =	stream.indirect.scatter.add.f32 [tilespmem:s12], [sflag:$0x2], $0x1, s24, s28, $0xb8;
	[tilespmem:$0x11600] =	vst v63  }
0x230: {  	s25 =	simm.s32 $0xFE80  }
0x231: {  	[spmem:s8] =	stream.indirect.scatter.add.f32 [tilespmem:s25], [sflag:$0x2], $0x1, s24, s28, $0xb8;
	[tilespmem:$0x11600] =	vst v63  }
0x232: {  	s12 =	simm.s32 $0x10680  }
0x233: {  	[spmem:s9] =	stream.indirect.scatter.add.f32 [tilespmem:s12], [sflag:$0x2], $0x1, s24, s28, $0xb8;
	[tilespmem:$0x11600] =	vst v63  }
0x234: {  	s25 =	simm.s32 $0x10E80  }
0x235: {  	[spmem:s10] =	stream.indirect.scatter.add.f32 [tilespmem:s25], [sflag:$0x2], $0x1, s24, s28, $0xb8;
	[tilespmem:$0x11600] =	vst v63  }
0x236: {  	s12 =	simm.s32 $0xF700  }
0x237: {  	[spmem:s6] =	stream.indirect.scatter.add.f32 [tilespmem:s12], [sflag:$0x2], $0x1, s18, s28, $0xb8;
	[tilespmem:$0x11600] =	vst v63  }
0x238: {  	s25 =	simm.s32 $0xFF00  }
0x239: {  	[spmem:s8] =	stream.indirect.scatter.add.f32 [tilespmem:s25], [sflag:$0x2], $0x1, s18, s28, $0xb8;
	[tilespmem:$0x11600] =	vst v63  }
0x23a: {  	s12 =	simm.s32 $0x10700  }
0x23b: {  	[spmem:s9] =	stream.indirect.scatter.add.f32 [tilespmem:s12], [sflag:$0x2], $0x1, s18, s28, $0xb8;
	[tilespmem:$0x11600] =	vst v63  }
0x23c: {  	s25 =	simm.s32 $0x10F00  }
0x23d: {  	[spmem:s10] =	stream.indirect.scatter.add.f32 [tilespmem:s25], [sflag:$0x2], $0x1, s18, s28, $0xb8;
	[tilespmem:$0x11600] =	vst v63  }
0x23e: {  	s12 =	simm.s32 $0xF780  }
0x23f: {  	[spmem:s6] =	stream.indirect.scatter.add.f32 [tilespmem:s12], [sflag:$0x2], $0x1, s31, s28, $0xb8;
	[tilespmem:$0x11600] =	vst v63  }
0x240: {  	s25 =	simm.s32 $0xFF80  }
0x241: {  	[spmem:s8] =	stream.indirect.scatter.add.f32 [tilespmem:s25], [sflag:$0x2], $0x1, s31, s28, $0xb8;
	[tilespmem:$0x11600] =	vst v63  }
0x242: {  	s12 =	simm.s32 $0x10780  }
0x243: {  	[spmem:s9] =	stream.indirect.scatter.add.f32 [tilespmem:s12], [sflag:$0x2], $0x1, s31, s28, $0xb8;
	[tilespmem:$0x11600] =	vst v63  }
0x244: {  	s25 =	simm.s32 $0x10F80  }
0x245: {  	[spmem:s10] =	stream.indirect.scatter.add.f32 [tilespmem:s25], [sflag:$0x2], $0x1, s31, s28, $0xb8;
	[tilespmem:$0x11600] =	vst v63  }
0x246: {  	s12 =	simm.s32 $0xF800  }
0x247: {  	[spmem:s6] =	stream.indirect.scatter.add.f32 [tilespmem:s12], [sflag:$0x2], $0x1, s23, s28, $0xb8;
	[tilespmem:$0x11600] =	vst v63  }
0x248: {  	s25 =	simm.s32 $0x10000  }
0x249: {  	[spmem:s8] =	stream.indirect.scatter.add.f32 [tilespmem:s25], [sflag:$0x2], $0x1, s23, s28, $0xb8;
	[tilespmem:$0x11600] =	vst v63  }
0x24a: {  	s12 =	simm.s32 $0x10800  }
0x24b: {  	[spmem:s9] =	stream.indirect.scatter.add.f32 [tilespmem:s12], [sflag:$0x2], $0x1, s23, s28, $0xb8;
	[tilespmem:$0x11600] =	vst v63  }
0x24c: {  	s25 =	simm.s32 $0x11000  }
0x24d: {  	[spmem:s10] =	stream.indirect.scatter.add.f32 [tilespmem:s25], [sflag:$0x2], $0x1, s23, s28, $0xb8;
	[tilespmem:$0x11600] =	vst v63  }
0x24e: {  	s12 =	simm.s32 $0xF880  }
0x24f: {  	[spmem:s6] =	stream.indirect.scatter.add.f32 [tilespmem:s12], [sflag:$0x2], $0x1, s13, s28, $0xb8;
	[tilespmem:$0x11600] =	vst v63  }
0x250: {  	s25 =	simm.s32 $0x10080  }
0x251: {  	[spmem:s8] =	stream.indirect.scatter.add.f32 [tilespmem:s25], [sflag:$0x2], $0x1, s13, s28, $0xb8;
	[tilespmem:$0x11600] =	vst v63  }
0x252: {  	s12 =	simm.s32 $0x10880  }
0x253: {  	[spmem:s9] =	stream.indirect.scatter.add.f32 [tilespmem:s12], [sflag:$0x2], $0x1, s13, s28, $0xb8;
	[tilespmem:$0x11600] =	vst v63  }
0x254: {  	s25 =	simm.s32 $0x11080  }
0x255: {  	[spmem:s10] =	stream.indirect.scatter.add.f32 [tilespmem:s25], [sflag:$0x2], $0x1, s13, s28, $0xb8;
	[tilespmem:$0x11600] =	vst v63  }
0x256: {  	s12 =	simm.s32 $0xF900  }
0x257: {  	[spmem:s6] =	stream.indirect.scatter.add.f32 [tilespmem:s12], [sflag:$0x2], $0x1, s17, s28, $0xb8;
	[tilespmem:$0x11600] =	vst v63  }
0x258: {  	s25 =	simm.s32 $0x10100  }
0x259: {  	[spmem:s8] =	stream.indirect.scatter.add.f32 [tilespmem:s25], [sflag:$0x2], $0x1, s17, s28, $0xb8;
	[tilespmem:$0x11600] =	vst v63  }
0x25a: {  	s12 =	simm.s32 $0x10900  }
0x25b: {  	[spmem:s9] =	stream.indirect.scatter.add.f32 [tilespmem:s12], [sflag:$0x2], $0x1, s17, s28, $0xb8;
	[tilespmem:$0x11600] =	vst v63  }
0x25c: {  	s25 =	simm.s32 $0x11100  }
0x25d: {  	[spmem:s10] =	stream.indirect.scatter.add.f32 [tilespmem:s25], [sflag:$0x2], $0x1, s17, s28, $0xb8;
	[tilespmem:$0x11600] =	vst v63  }
0x25e: {  	s12 =	simm.s32 $0xF980  }
0x25f: {  	[spmem:s6] =	stream.indirect.scatter.add.f32 [tilespmem:s12], [sflag:$0x2], $0x1, s0, s28, $0xb8;
	[tilespmem:$0x11600] =	vst v63  }
0x260: {  	s25 =	simm.s32 $0x10180  }
0x261: {  	[spmem:s8] =	stream.indirect.scatter.add.f32 [tilespmem:s25], [sflag:$0x2], $0x1, s0, s28, $0xb8;
	[tilespmem:$0x11600] =	vst v63  }
0x262: {  	s12 =	simm.s32 $0x10980  }
0x263: {  	[spmem:s9] =	stream.indirect.scatter.add.f32 [tilespmem:s12], [sflag:$0x2], $0x1, s0, s28, $0xb8;
	[tilespmem:$0x11600] =	vst v63  }
0x264: {  	s25 =	simm.s32 $0x11180  }
0x265: {  	[spmem:s10] =	stream.indirect.scatter.add.f32 [tilespmem:s25], [sflag:$0x2], $0x1, s0, s28, $0xb8;
	[tilespmem:$0x11600] =	vst v63  }
0x266: {  	s12 =	simm.s32 $0xFA00  }
0x267: {  	[spmem:s6] =	stream.indirect.scatter.add.f32 [tilespmem:s12], [sflag:$0x2], $0x1, s7, s28, $0xb8;
	[tilespmem:$0x11600] =	vst v63  }
0x268: {  	s25 =	simm.s32 $0x10200  }
0x269: {  	[spmem:s8] =	stream.indirect.scatter.add.f32 [tilespmem:s25], [sflag:$0x2], $0x1, s7, s28, $0xb8;
	[tilespmem:$0x11600] =	vst v63  }
0x26a: {  	s12 =	simm.s32 $0x10A00  }
0x26b: {  	[spmem:s9] =	stream.indirect.scatter.add.f32 [tilespmem:s12], [sflag:$0x2], $0x1, s7, s28, $0xb8;
	[tilespmem:$0x11600] =	vst v63  }
0x26c: {  	s25 =	simm.s32 $0x11200  }
0x26d: {  	[spmem:s10] =	stream.indirect.scatter.add.f32 [tilespmem:s25], [sflag:$0x2], $0x1, s7, s28, $0xb8;
	[tilespmem:$0x11600] =	vst v63  }
0x26e: {  	s12 =	simm.s32 $0xFA80  }
0x26f: {  	[spmem:s6] =	stream.indirect.scatter.add.f32 [tilespmem:s12], [sflag:$0x2], $0x1, s26, s28, $0xb8;
	[tilespmem:$0x11600] =	vst v63  }
0x270: {  	s25 =	simm.s32 $0x10280  }
0x271: {  	[spmem:s8] =	stream.indirect.scatter.add.f32 [tilespmem:s25], [sflag:$0x2], $0x1, s26, s28, $0xb8;
	[tilespmem:$0x11600] =	vst v63  }
0x272: {  	s12 =	simm.s32 $0x10A80  }
0x273: {  	[spmem:s9] =	stream.indirect.scatter.add.f32 [tilespmem:s12], [sflag:$0x2], $0x1, s26, s28, $0xb8;
	[tilespmem:$0x11600] =	vst v63  }
0x274: {  	s25 =	simm.s32 $0x11280  }
0x275: {  	[spmem:s10] =	stream.indirect.scatter.add.f32 [tilespmem:s25], [sflag:$0x2], $0x1, s26, s28, $0xb8;
	[tilespmem:$0x11600] =	vst v63  }
0x276: {  	s12 =	simm.s32 $0xFB00  }
0x277: {  	[spmem:s6] =	stream.indirect.scatter.add.f32 [tilespmem:s12], [sflag:$0x2], $0x1, s22, s28, $0xb8;
	[tilespmem:$0x11600] =	vst v63  }
0x278: {  	s25 =	simm.s32 $0x10300  }
0x279: {  	[spmem:s8] =	stream.indirect.scatter.add.f32 [tilespmem:s25], [sflag:$0x2], $0x1, s22, s28, $0xb8;
	[tilespmem:$0x11600] =	vst v63  }
0x27a: {  	s12 =	simm.s32 $0x10B00  }
0x27b: {  	[spmem:s9] =	stream.indirect.scatter.add.f32 [tilespmem:s12], [sflag:$0x2], $0x1, s22, s28, $0xb8;
	[tilespmem:$0x11600] =	vst v63  }
0x27c: {  	s25 =	simm.s32 $0x11300  }
0x27d: {  	[spmem:s10] =	stream.indirect.scatter.add.f32 [tilespmem:s25], [sflag:$0x2], $0x1, s22, s28, $0xb8;
	[tilespmem:$0x11600] =	vst v63  }
0x27e: {  	s12 =	simm.s32 $0xFB80  }
0x27f: {  	[spmem:s6] =	stream.indirect.scatter.add.f32 [tilespmem:s12], [sflag:$0x2], $0x1, s30, s28, $0xb8;
	[tilespmem:$0x11600] =	vst v63  }
0x280: {  	s25 =	simm.s32 $0x10380  }
0x281: {  	[spmem:s8] =	stream.indirect.scatter.add.f32 [tilespmem:s25], [sflag:$0x2], $0x1, s30, s28, $0xb8;
	[tilespmem:$0x11600] =	vst v63  }
0x282: {  	s12 =	simm.s32 $0x10B80  }
0x283: {  	[spmem:s9] =	stream.indirect.scatter.add.f32 [tilespmem:s12], [sflag:$0x2], $0x1, s30, s28, $0xb8;
	[tilespmem:$0x11600] =	vst v63  }
0x284: {  	s25 =	simm.s32 $0x11380  }
0x285: {  	[spmem:s10] =	stream.indirect.scatter.add.f32 [tilespmem:s25], [sflag:$0x2], $0x1, s30, s28, $0xb8;
	[tilespmem:$0x11600] =	vst v63  }
0x286: {  	_ =	swait.ge [sflag:s29], $0x80  }
0x287: {  	[sflag:s29] =	ssyncset.done $0x0  }
0x288: {  	[sflag:s29] =	ssyncadd.s32 $0xFFFFFF80  }
0x289: {  	_ =	swait.ge [sflag:s29], $0x80  }
0x28a: {  	[sflag:s29] =	ssyncset.done $0x0  }
0x28b: {  	[sflag:s29] =	ssyncadd.s32 $0xFFFFFF80  }
0x28c: {  	_ =	swait.ge [sflag:s29], $0x80  }
0x28d: {  	[sflag:s29] =	ssyncset.done $0x0  }
0x28e: {  	[sflag:s29] =	ssyncadd.s32 $0xFFFFFF80  }
0x28f: {  	_ =	swait.ge [sflag:s29], $0x80  }
0x290: {  	[sflag:s29] =	ssyncset.done $0x0  }
0x291: {  	[sflag:s29] =	ssyncadd.s32 $0xFFFFFF80  }
0x292: {  	_ =	swait.ge [sflag:s29], $0x80  }
0x293: {  	[sflag:s29] =	ssyncset.done $0x0  }
0x294: {  	[sflag:s29] =	ssyncadd.s32 $0xFFFFFF80  }
0x295: {  	_ =	swait.ge [sflag:s29], $0x80  }
0x296: {  	[sflag:s29] =	ssyncset.done $0x0  }
0x297: {  	[sflag:s29] =	ssyncadd.s32 $0xFFFFFF80  }
0x298: {  	_ =	swait.ge [sflag:s29], $0x80  }
0x299: {  	[sflag:s29] =	ssyncset.done $0x0  }
0x29a: {  	[sflag:s29] =	ssyncadd.s32 $0xFFFFFF80  }
0x29b: {  	_ =	swait.ge [sflag:s29], $0x80  }
0x29c: {  	[sflag:s29] =	ssyncset.done $0x0  }
0x29d: {  	[sflag:s29] =	ssyncadd.s32 $0xFFFFFF80  }
0x29e: {  	_ =	swait.ge [sflag:s29], $0x80  }
0x29f: {  	[sflag:s29] =	ssyncset.done $0x0  }
0x2a0: {  	[sflag:s29] =	ssyncadd.s32 $0xFFFFFF80  }
0x2a1: {  	_ =	swait.ge [sflag:s29], $0x80  }
0x2a2: {  	[sflag:s29] =	ssyncset.done $0x0  }
0x2a3: {  	[sflag:s29] =	ssyncadd.s32 $0xFFFFFF80  }
0x2a4: {  	_ =	swait.ge [sflag:s29], $0x80  }
0x2a5: {  	[sflag:s29] =	ssyncset.done $0x0  }
0x2a6: {  	[sflag:s29] =	ssyncadd.s32 $0xFFFFFF80  }
0x2a7: {  	_ =	swait.ge [sflag:s29], $0x80  }
0x2a8: {  	[sflag:s29] =	ssyncset.done $0x0  }
0x2a9: {  	[sflag:s29] =	ssyncadd.s32 $0xFFFFFF80  }
0x2aa: {  	_ =	swait.ge [sflag:s29], $0x80  }
0x2ab: {  	[sflag:s29] =	ssyncset.done $0x0  }
0x2ac: {  	[sflag:s29] =	ssyncadd.s32 $0xFFFFFF80  }
0x2ad: {  	_ =	swait.ge [sflag:s29], $0x80  }
0x2ae: {  	[sflag:s29] =	ssyncset.done $0x0  }
0x2af: {  	[sflag:s29] =	ssyncadd.s32 $0xFFFFFF80  }
0x2b0: {  	_ =	swait.ge [sflag:s29], $0x80  }
0x2b1: {  	[sflag:s29] =	ssyncset.done $0x0  }
0x2b2: {  	[sflag:s29] =	ssyncadd.s32 $0xFFFFFF80  }
0x2b3: {  	_ =	swait.ge [sflag:s29], $0x80  }
0x2b4: {  	[sflag:s29] =	ssyncset.done $0x0  }
0x2b5: {  	[sflag:s29] =	ssyncadd.s32 $0xFFFFFF80  }
0x2b6: {  	_ =	swait.ge [sflag:s29], $0x80  }
0x2b7: {  	[sflag:s29] =	ssyncset.done $0x0  }
0x2b8: {  	[sflag:s29] =	ssyncadd.s32 $0xFFFFFF80  }
0x2b9: {  	_ =	swait.ge [sflag:s29], $0x80  }
0x2ba: {  	[sflag:s29] =	ssyncset.done $0x0  }
0x2bb: {  	[sflag:s29] =	ssyncadd.s32 $0xFFFFFF80  }
0x2bc: {  	_ =	swait.ge [sflag:s29], $0x80  }
0x2bd: {  	[sflag:s29] =	ssyncset.done $0x0  }
0x2be: {  	[sflag:s29] =	ssyncadd.s32 $0xFFFFFF80  }
0x2bf: {  	_ =	swait.ge [sflag:s29], $0x80  }
0x2c0: {  	[sflag:s29] =	ssyncset.done $0x0  }
0x2c1: {  	[sflag:s29] =	ssyncadd.s32 $0xFFFFFF80  }
0x2c2: {  	_ =	swait.ge [sflag:s29], $0x80  }
0x2c3: {  	[sflag:s29] =	ssyncset.done $0x0  }
0x2c4: {  	[sflag:s29] =	ssyncadd.s32 $0xFFFFFF80  }
0x2c5: {  	_ =	swait.ge [sflag:s29], $0x80  }
0x2c6: {  	[sflag:s29] =	ssyncset.done $0x0  }
0x2c7: {  	[sflag:s29] =	ssyncadd.s32 $0xFFFFFF80  }
0x2c8: {  	_ =	swait.ge [sflag:s29], $0x80  }
0x2c9: {  	[sflag:s29] =	ssyncset.done $0x0  }
0x2ca: {  	[sflag:s29] =	ssyncadd.s32 $0xFFFFFF80  }
0x2cb: {  	_ =	swait.ge [sflag:s29], $0x80  }
0x2cc: {  	[sflag:s29] =	ssyncset.done $0x0  }
0x2cd: {  	[sflag:s29] =	ssyncadd.s32 $0xFFFFFF80  }
0x2ce: {  	_ =	swait.ge [sflag:s29], $0x80  }
0x2cf: {  	[sflag:s29] =	ssyncset.done $0x0  }
0x2d0: {  	[sflag:s29] =	ssyncadd.s32 $0xFFFFFF80  }
0x2d1: {  	_ =	swait.ge [sflag:s29], $0x80  }
0x2d2: {  	[sflag:s29] =	ssyncset.done $0x0  }
0x2d3: {  	[sflag:s29] =	ssyncadd.s32 $0xFFFFFF80  }
0x2d4: {  	_ =	swait.ge [sflag:s29], $0x80  }
0x2d5: {  	[sflag:s29] =	ssyncset.done $0x0  }
0x2d6: {  	[sflag:s29] =	ssyncadd.s32 $0xFFFFFF80  }
0x2d7: {  	_ =	swait.ge [sflag:s29], $0x80  }
0x2d8: {  	[sflag:s29] =	ssyncset.done $0x0  }
0x2d9: {  	[sflag:s29] =	ssyncadd.s32 $0xFFFFFF80  }
0x2da: {  	_ =	swait.ge [sflag:s29], $0x80  }
0x2db: {  	[sflag:s29] =	ssyncset.done $0x0  }
0x2dc: {  	[sflag:s29] =	ssyncadd.s32 $0xFFFFFF80  }
0x2dd: {  	_ =	swait.ge [sflag:s29], $0x80  }
0x2de: {  	[sflag:s29] =	ssyncset.done $0x0  }
0x2df: {  	[sflag:s29] =	ssyncadd.s32 $0xFFFFFF80  }
0x2e0: {  	_ =	swait.ge [sflag:s29], $0x80  }
0x2e1: {  	[sflag:s29] =	ssyncset.done $0x0  }
0x2e2: {  	[sflag:s29] =	ssyncadd.s32 $0xFFFFFF80  }
0x2e3: {  	_ =	swait.ge [sflag:s29], $0x80  }
0x2e4: {  	[sflag:s29] =	ssyncset.done $0x0  }
0x2e5: {  	[sflag:s29] =	ssyncadd.s32 $0xFFFFFF80  }
0x2e6: {  	_ =	swait.ge [sflag:s29], $0x80  }
0x2e7: {  	[sflag:s29] =	ssyncset.done $0x0  }
0x2e8: {  	[sflag:s29] =	ssyncadd.s32 $0xFFFFFF80  }
0x2e9: {  	_ =	swait.ge [sflag:s29], $0x80  }
0x2ea: {  	[sflag:s29] =	ssyncset.done $0x0  }
0x2eb: {  	[sflag:s29] =	ssyncadd.s32 $0xFFFFFF80  }
0x2ec: {  	_ =	swait.ge [sflag:s29], $0x80  }
0x2ed: {  	[sflag:s29] =	ssyncset.done $0x0  }
0x2ee: {  	[sflag:s29] =	ssyncadd.s32 $0xFFFFFF80  }
0x2ef: {  	_ =	swait.ge [sflag:s29], $0x80  }
0x2f0: {  	[sflag:s29] =	ssyncset.done $0x0  }
0x2f1: {  	[sflag:s29] =	ssyncadd.s32 $0xFFFFFF80  }
0x2f2: {  	_ =	swait.ge [sflag:s29], $0x80  }
0x2f3: {  	[sflag:s29] =	ssyncset.done $0x0  }
0x2f4: {  	[sflag:s29] =	ssyncadd.s32 $0xFFFFFF80  }
0x2f5: {  	_ =	swait.ge [sflag:s29], $0x80  }
0x2f6: {  	[sflag:s29] =	ssyncset.done $0x0  }
0x2f7: {  	[sflag:s29] =	ssyncadd.s32 $0xFFFFFF80  }
0x2f8: {  	_ =	swait.ge [sflag:s29], $0x80  }
0x2f9: {  	[sflag:s29] =	ssyncset.done $0x0  }
0x2fa: {  	[sflag:s29] =	ssyncadd.s32 $0xFFFFFF80  }
0x2fb: {  	_ =	swait.ge [sflag:s29], $0x80  }
0x2fc: {  	[sflag:s29] =	ssyncset.done $0x0  }
0x2fd: {  	[sflag:s29] =	ssyncadd.s32 $0xFFFFFF80  }
0x2fe: {  	_ =	swait.ge [sflag:s29], $0x80  }
0x2ff: {  	[sflag:s29] =	ssyncset.done $0x0  }
0x300: {  	[sflag:s29] =	ssyncadd.s32 $0xFFFFFF80  }
0x301: {  	_ =	swait.ge [sflag:s29], $0x80  }
0x302: {  	[sflag:s29] =	ssyncset.done $0x0  }
0x303: {  	[sflag:s29] =	ssyncadd.s32 $0xFFFFFF80  }
0x304: {  	_ =	swait.ge [sflag:s29], $0x80  }
0x305: {  	[sflag:s29] =	ssyncset.done $0x0  }
0x306: {  	[sflag:s29] =	ssyncadd.s32 $0xFFFFFF80  }
0x307: {  	_ =	swait.ge [sflag:s29], $0x80  }
0x308: {  	[sflag:s29] =	ssyncset.done $0x0  }
0x309: {  	[sflag:s29] =	ssyncadd.s32 $0xFFFFFF80  }
0x30a: {  	_ =	swait.ge [sflag:s29], $0x80  }
0x30b: {  	[sflag:s29] =	ssyncset.done $0x0  }
0x30c: {  	[sflag:s29] =	ssyncadd.s32 $0xFFFFFF80  }
0x30d: {  	_ =	swait.ge [sflag:s29], $0x80  }
0x30e: {  	[sflag:s29] =	ssyncset.done $0x0  }
0x30f: {  	[sflag:s29] =	ssyncadd.s32 $0xFFFFFF80  }
0x310: {  	_ =	swait.ge [sflag:s29], $0x80  }
0x311: {  	[sflag:s29] =	ssyncset.done $0x0  }
0x312: {  	[sflag:s29] =	ssyncadd.s32 $0xFFFFFF80  }
0x313: {  	_ =	swait.ge [sflag:s29], $0x80  }
0x314: {  	[sflag:s29] =	ssyncset.done $0x0  }
0x315: {  	[sflag:s29] =	ssyncadd.s32 $0xFFFFFF80  }
0x316: {  	_ =	swait.ge [sflag:s29], $0x80  }
0x317: {  	[sflag:s29] =	ssyncset.done $0x0  }
0x318: {  	[sflag:s29] =	ssyncadd.s32 $0xFFFFFF80  }
0x319: {  	_ =	swait.ge [sflag:s29], $0x80  }
0x31a: {  	[sflag:s29] =	ssyncset.done $0x0  }
0x31b: {  	[sflag:s29] =	ssyncadd.s32 $0xFFFFFF80  }
0x31c: {  	_ =	swait.ge [sflag:s29], $0x80  }
0x31d: {  	[sflag:s29] =	ssyncset.done $0x0  }
0x31e: {  	[sflag:s29] =	ssyncadd.s32 $0xFFFFFF80  }
0x31f: {  	_ =	swait.ge [sflag:s29], $0x80  }
0x320: {  	[sflag:s29] =	ssyncset.done $0x0  }
0x321: {  	[sflag:s29] =	ssyncadd.s32 $0xFFFFFF80  }
0x322: {  	_ =	swait.ge [sflag:s29], $0x80  }
0x323: {  	[sflag:s29] =	ssyncset.done $0x0  }
0x324: {  	[sflag:s29] =	ssyncadd.s32 $0xFFFFFF80  }
0x325: {  	_ =	swait.ge [sflag:s29], $0x80  }
0x326: {  	[sflag:s29] =	ssyncset.done $0x0  }
0x327: {  	[sflag:s29] =	ssyncadd.s32 $0xFFFFFF80  }
0x328: {  	_ =	swait.ge [sflag:s29], $0x80  }
0x329: {  	[sflag:s29] =	ssyncset.done $0x0  }
0x32a: {  	[sflag:s29] =	ssyncadd.s32 $0xFFFFFF80  }
0x32b: {  	_ =	swait.ge [sflag:s29], $0x80  }
0x32c: {  	[sflag:s29] =	ssyncset.done $0x0  }
0x32d: {  	[sflag:s29] =	ssyncadd.s32 $0xFFFFFF80  }
0x32e: {  	_ =	swait.ge [sflag:s29], $0x80  }
0x32f: {  	[sflag:s29] =	ssyncset.done $0x0  }
0x330: {  	[sflag:s29] =	ssyncadd.s32 $0xFFFFFF80  }
0x331: {  	_ =	swait.ge [sflag:s29], $0x80  }
0x332: {  	[sflag:s29] =	ssyncset.done $0x0  }
0x333: {  	[sflag:s29] =	ssyncadd.s32 $0xFFFFFF80  }
0x334: {  	_ =	swait.ge [sflag:s29], $0x80  }
0x335: {  	[sflag:s29] =	ssyncset.done $0x0  }
0x336: {  	[sflag:s29] =	ssyncadd.s32 $0xFFFFFF80  }
0x337: {  	_ =	swait.ge [sflag:s29], $0x80  }
0x338: {  	[sflag:s29] =	ssyncset.done $0x0  }
0x339: {  	[sflag:s29] =	ssyncadd.s32 $0xFFFFFF80  }
0x33a: {  	_ =	swait.ge [sflag:s29], $0x80  }
0x33b: {  	[sflag:s29] =	ssyncset.done $0x0  }
0x33c: {  	[sflag:s29] =	ssyncadd.s32 $0xFFFFFF80  }
0x33d: {  	_ =	swait.ge [sflag:s29], $0x80  }
0x33e: {  	[sflag:s29] =	ssyncset.done $0x0  }
0x33f: {  	[sflag:s29] =	ssyncadd.s32 $0xFFFFFF80  }
0x340: {  	_ =	swait.ge [sflag:s29], $0x80  }
.Ltmp6:
0x341: {  	[sflag:s29] =	ssyncset.done $0x0;
	(pc) =	sbr.rel .LBB2_6-.Ltmp6, $4  }
0x342: {  	[sflag:s29] =	ssyncadd.s32 $0xFFFFFF80  }
0x343: {  	_ =	swait.ge [sflag:s29], $0x80  }
0x344: {  	[sflag:s29] =	ssyncset.done $0x0  }
0x345: {  	s12 =	simm.s32 $0xC380;
	s25 =	smov.u32 s3;
	[sflag:s29] =	ssyncadd.s32 $0xFFFFFF80  }
.LBB2_8:
0x346: {  	_ =	sfence.sel $0x180000  }
0x347: {  	[bflag:$0x0] =	sbarrier.arrive $0xFFFF  }
0x348: {  	_ =	strace $0x90000047  }
0x349: {  	s0 =	stileid.u32;
	[bflag:$0x2] =	sbarrier.arrive $0xFFFF  }
0x34a: {  	p0 =	sne.s32 s0, $0x0;
	s0 =	rddreg [dreg:$0xb]  }
0x34b: {  	s0 =	sadd.s32 @!p0 $0x100000, s0  }
0x34c: {  	[sflag:s0] =	ssyncadd.tile.s32 @!p0 $0x1;
	_ =	shalt  }
.Lfunc_end2:
_tile_overlayer_lowered:
.L_overlay_start_2:
0x34d: {  	(tag) =	ssettag $0x2  }
0x34e: {  	s0 =	rddreg [dreg:$0x0];
	s2 =	stileid.u32  }
0x34f: {  	s1 =	rddreg [dreg:$0x1];
	p0 =	sne.s32 s2, $0x0  }
0x350: {  	s3 =	rddreg [dreg:$0x2];
	[bflag:$0x3] =	sbarrier.arrive $0xFFFF;
	s2 =	simm.s32 @!p0 $0x1C03  }
0x351: {  	[timem:s3], [sflag:s2] =	dma.local @!p0 [hbm:s0], s1  }
0x352: {  	s0 =	simm.s32 @!p0 $0x3  }
0x353: {  	_ =	swait.ge @!p0 [sflag:s0], s1  }
0x354: {  	s1 =	ssub.s32 @!p0 $0x0, s1;
	[sflag:s0] =	ssyncset.done @!p0 $0x0  }
0x355: {  	[sflag:s0] =	ssyncadd.s32 @!p0 s1  }
0x356: {  	[bflag:$0x3] =	sbarrier.arrive $0xFFFF  }
0x357: {  	_ =	shalt  }

</sc_bundles>
